<compile_context>
chip_gen: v7x
topology: tpu7x:2x2x1
jax: 0.10.2.dev20260603
libtpu: 0.0.44.dev20260713+nightly
codegen_flags: <defaults>
</compile_context>

<pallas_src>
import functools

import numpy as np
import jax
import jax.numpy as jnp
from jax import lax
from jax.experimental import pallas as pl
from jax.experimental.pallas import tpu as pltpu
from jax.experimental.pallas import tpu_sc as plsc

_B, _C, _T = 128, 128, 2048
_NL = 527


def _mix_plan():
    rs = np.random.RandomState(seed=1234)
    rs.uniform()
    rs.uniform()
    lam = rs.beta(0.3, 0.3)
    perm = rs.permutation(_B)
    src, dst, flag = [], [], []
    visited = np.zeros(_B, bool)
    for s in range(_B):
        if visited[s]:
            continue
        src.append(s)
        dst.append(s)
        flag.append(0)
        e = s
        while True:
            visited[e] = True
            src.append(int(perm[e]))
            dst.append(int(e))
            flag.append(1)
            if perm[e] == s:
                break
            e = int(perm[e])
    return (
        float(lam),
        perm.astype(np.int32),
        np.asarray(src, np.int32),
        np.asarray(dst, np.int32),
        np.asarray(flag, np.int32),
    )


_LAM, _PERM, _SRC, _DST, _FLAG = _mix_plan()
_G = len(_SRC)



def _x_body(src_ref, dst_ref, flag_ref, x_ref, ox_ref, xs_ref):
    g = pl.program_id(0)
    xv = x_ref[...]

    @pl.when(flag_ref[g] == 1)
    def _():
        ox_ref[...] = (1.0 - _LAM) * xs_ref[...] + _LAM * xv

    xs_ref[...] = xv


def _x_call(x):
    grid_spec = pltpu.PrefetchScalarGridSpec(
        num_scalar_prefetch=3,
        grid=(_G,),
        in_specs=[
            pl.BlockSpec((1, _C, _T), lambda g, src, dst, flag: (src[g], 0, 0)),
        ],
        out_specs=[
            pl.BlockSpec((1, _C, _T), lambda g, src, dst, flag: (dst[g], 0, 0)),
        ],
        scratch_shapes=[
            pltpu.VMEM((1, _C, _T), jnp.float32),
        ],
    )
    (ox,) = pl.pallas_call(
        _x_body,
        grid_spec=grid_spec,
        out_shape=[jax.ShapeDtypeStruct((_B, _C, _T), jnp.float32)],
    )(jnp.asarray(_SRC), jnp.asarray(_DST), jnp.asarray(_FLAG), x)
    return ox



_NC, _NS = 2, 16
_NW = _NC * _NS
_RPW = _B // _NW
_NLP = 640


@functools.partial(
    pl.kernel,
    out_type=jax.ShapeDtypeStruct((_B, _NLP), jnp.float32),
    mesh=plsc.VectorSubcoreMesh(core_axis_name="c", subcore_axis_name="s"),
    scratch_types=[
        pltpu.VMEM((_RPW, _NLP), jnp.float32),
        pltpu.VMEM((_RPW, _NLP), jnp.float32),
        pltpu.VMEM((_RPW,), jnp.int32),
        pltpu.SemaphoreType.DMA,
    ],
)
def _y_kernel(y_hbm, psrc_hbm, oy_hbm, own_v, par_v, idx_v, sem):
    wid = lax.axis_index("s") * _NC + lax.axis_index("c")
    pltpu.sync_copy(psrc_hbm.at[wid], idx_v)
    gather = pltpu.async_copy(y_hbm.at[idx_v], par_v, sem)
    pltpu.sync_copy(y_hbm.at[pl.ds(wid * _RPW, _RPW)], own_v)
    gather.wait()
    for r in range(_RPW):
        for k in range(_NLP // 16):
            sl = pl.ds(16 * k, 16)
            own_v[r, sl] = (1.0 - _LAM) * own_v[r, sl] + _LAM * par_v[r, sl]
    pltpu.sync_copy(own_v, oy_hbm.at[pl.ds(wid * _RPW, _RPW)])


def kernel(x, y):
    ox = _x_call(x)
    y_pad = jnp.pad(y, ((0, 0), (0, _NLP - _NL)))
    oy_pad = _y_kernel(y_pad, jnp.asarray(_PERM.reshape(_NW, _RPW)))
    return (ox, oy_pad[:, :_NL])

# --- scband reference (transcript-rebuilt; emitter-appended) ---
"""Pipeline reference for scband-mixup-audio-63058709839979 (READ-ONLY COPY).

The authoritative reference and input builder live on the scoring server;
editing this copy changes nothing except your own understanding.
"""

import jax, jax.numpy as jnp
import numpy as np

N_LABELS = 527
SPEC_MIX_PROB = 0.5
PROB = 1.0
ALPHA = 0.3
SEED = 1234
B, C, T = 128, 128, 2048


def _draw_constants(batch_size, channels):
    rs = np.random.RandomState(seed=SEED)
    do_mix = rs.uniform() <= PROB
    do_spec = rs.uniform() <= SPEC_MIX_PROB
    if not do_mix:
        return ("none", None, None, None)
    if do_spec:
        lam = rs.beta(ALPHA, ALPHA)
        perm = rs.permutation(batch_size)
        lam_channels = int(round(channels * lam))
        lam_eff = lam_channels / float(channels)
        mask = np.zeros((batch_size, channels), dtype=bool)
        for b in range(batch_size):
            ch = sorted(rs.choice(channels, lam_channels, replace=False))
            mask[b, np.asarray(ch, dtype=np.int64)] = True
        return ("spec", lam_eff, perm, mask)
    else:
        lam = rs.beta(ALPHA, ALPHA)
        perm = rs.permutation(batch_size)
        return ("mixup", lam, perm, None)


def setup_inputs(seed: int = 0) -> dict:
    key = jax.random.key(seed)
    k1, k2 = jax.random.split(key)
    x = jax.random.normal(k1, (B, C, T), dtype=jnp.float32)
    y = jax.random.uniform(k2, (B, N_LABELS), dtype=jnp.float32)
    return {"x": x, "y": y}


def reference(x, y):
    batch_size = x.shape[0]
    channels = x.shape[1]
    mode, lam, perm, mask = _draw_constants(batch_size, channels)
    if mode == "none":
        return (x, y)
    perm = jnp.asarray(perm)
    x_p = x[perm]
    y_p = y[perm]
    if mode == "spec":
        # scatter-overwrite of selected channel rows per batch element
        m = jnp.asarray(mask)
        x = jnp.where(m[:, :, None], x_p, x)
        y = (1.0 - lam) * y + lam * y_p
    else:
        x = (1.0 - lam) * x + lam * x_p
        y = (1.0 - lam) * y + lam * y_p
    return (x, y)

if __name__ == "__main__":
    import jax
    _d = setup_inputs()
    print(jax.jit(kernel)(*tuple(_d.values())))

</pallas_src>

<mosaic_0001>
#map = affine_map<(d0, d1) -> (0, 0)>
module attributes {stable_mosaic.version = 14 : i64} {
  func.func @_y_kernel(%arg0: i32, %arg1: i32, %arg2: memref<128x640xf32, #tpu.memory_space<hbm>>, %arg3: memref<32x4xi32, #tpu.memory_space<hbm>>, %arg4: memref<128x640xf32, #tpu.memory_space<hbm>>, %arg5: memref<4x640xf32, #tpu.memory_space<vmem>>, %arg6: memref<4x640xf32, #tpu.memory_space<vmem>>, %arg7: memref<4xi32, #tpu.memory_space<vmem>>, %arg8: memref<!tpu.dma_semaphore, #tpu.memory_space<semaphore_mem>>) attributes {dimension_semantics = [#tpu.dimension_semantics<core_parallel>, #tpu.dimension_semantics<subcore_parallel>], iteration_bounds = array<i64: 2, 16>, scalar_prefetch = 0 : i64, scratch_operands = 4 : i64, tpu.core_type = #tpu.core_type<sc_vector_subcore>, window_params = [{transform_indices = #map}, {transform_indices = #map}, {transform_indices = #map}]} {
    %mul3A = arith.constant 2 : i32
    %mul3A_0 = arith.muli %arg1, %mul3A : i32
    %add3A = arith.addi %mul3A_0, %arg0 : i32
    "tpu.region"() ({
      %run_scoped3A = tpu.sem_alloc : memref<!tpu.dma_semaphore, #tpu.memory_space<semaphore_mem>>
      %dma_start3A_3687 = arith.constant 0 : i32
      %dma_start3A_3688 = tpu.memref_slice %arg3[%add3A, %dma_start3A_3687] : memref<32x4xi32, #tpu.memory_space<hbm>> -> memref<1x4xi32, #tpu.memory_space<hbm>>
      %dma_start3A_3689 = tpu.memref_squeeze %dma_start3A_3688 : memref<1x4xi32, #tpu.memory_space<hbm>> -> memref<4xi32, #tpu.memory_space<hbm>>
      %dma_start3A_3690 = arith.constant 0 : i32
      %dma_start3A_3691 = tpu.memref_slice %arg3[%add3A, %dma_start3A_3690] : memref<32x4xi32, #tpu.memory_space<hbm>> -> memref<1x4xi32, #tpu.memory_space<hbm>>
      %dma_start3A_3692 = tpu.memref_squeeze %dma_start3A_3691 : memref<1x4xi32, #tpu.memory_space<hbm>> -> memref<4xi32, #tpu.memory_space<hbm>>
      tpu.enqueue_dma source(%dma_start3A_3692 : memref<4xi32, #tpu.memory_space<hbm>>) target(%arg7 : memref<4xi32, #tpu.memory_space<vmem>>) target_semaphore(%run_scoped3A : memref<!tpu.dma_semaphore, #tpu.memory_space<semaphore_mem>>)
      %dma_wait3A_3693 = arith.constant 0 : i32
      %dma_wait3A_3694 = tpu.memref_slice %arg3[%add3A, %dma_wait3A_3693] : memref<32x4xi32, #tpu.memory_space<hbm>> -> memref<1x4xi32, #tpu.memory_space<hbm>>
      %dma_wait3A_3695 = tpu.memref_squeeze %dma_wait3A_3694 : memref<1x4xi32, #tpu.memory_space<hbm>> -> memref<4xi32, #tpu.memory_space<hbm>>
      %dma_wait3A_3696 = arith.constant 0 : i32
      %dma_wait3A_3697 = tpu.memref_slice %arg3[%add3A, %dma_wait3A_3696] : memref<32x4xi32, #tpu.memory_space<hbm>> -> memref<1x4xi32, #tpu.memory_space<hbm>>
      %dma_wait3A_3698 = tpu.memref_squeeze %dma_wait3A_3697 : memref<1x4xi32, #tpu.memory_space<hbm>> -> memref<4xi32, #tpu.memory_space<hbm>>
      tpu.wait_dma2 semaphore(%run_scoped3A : memref<!tpu.dma_semaphore, #tpu.memory_space<semaphore_mem>>) src(%dma_wait3A_3698 : memref<4xi32, #tpu.memory_space<hbm>>) dst(%arg7 : memref<4xi32, #tpu.memory_space<vmem>>)
      tpu.yield
    }) : () -> ()
    %dma_start3A = arith.constant 0 : i32
    %dma_start3A_1 = arith.constant 0 : i32
    %dma_start3A_2 = tpu.memref_slice %arg2[%dma_start3A, %dma_start3A_1] : memref<128x640xf32, #tpu.memory_space<hbm>> -> memref<128x640xf32, #tpu.memory_space<hbm>>
    tpu.enqueue_indirect_dma source(%dma_start3A_2 : memref<128x640xf32, #tpu.memory_space<hbm>>) target(%arg6 : memref<4x640xf32, #tpu.memory_space<vmem>>) offsets(%arg7 : memref<4xi32, #tpu.memory_space<vmem>>) semaphore(%arg8 : memref<!tpu.dma_semaphore, #tpu.memory_space<semaphore_mem>>)
    %mul3A_3 = arith.constant 4 : i32
    %mul3A_4 = arith.muli %add3A, %mul3A_3 : i32
    "tpu.region"() ({
      %run_scoped3A = tpu.sem_alloc : memref<!tpu.dma_semaphore, #tpu.memory_space<semaphore_mem>>
      %dma_start3A_3687 = arith.constant 0 : i32
      %dma_start3A_3688 = tpu.memref_slice %arg2[%mul3A_4, %dma_start3A_3687] : memref<128x640xf32, #tpu.memory_space<hbm>> -> memref<4x640xf32, #tpu.memory_space<hbm>>
      %dma_start3A_3689 = arith.constant 0 : i32
      %dma_start3A_3690 = tpu.memref_slice %arg2[%mul3A_4, %dma_start3A_3689] : memref<128x640xf32, #tpu.memory_space<hbm>> -> memref<4x640xf32, #tpu.memory_space<hbm>>
      tpu.enqueue_dma source(%dma_start3A_3690 : memref<4x640xf32, #tpu.memory_space<hbm>>) target(%arg5 : memref<4x640xf32, #tpu.memory_space<vmem>>) target_semaphore(%run_scoped3A : memref<!tpu.dma_semaphore, #tpu.memory_space<semaphore_mem>>)
      %dma_wait3A_3691 = arith.constant 0 : i32
      %dma_wait3A_3692 = tpu.memref_slice %arg2[%mul3A_4, %dma_wait3A_3691] : memref<128x640xf32, #tpu.memory_space<hbm>> -> memref<4x640xf32, #tpu.memory_space<hbm>>
      %dma_wait3A_3693 = arith.constant 0 : i32
      %dma_wait3A_3694 = tpu.memref_slice %arg2[%mul3A_4, %dma_wait3A_3693] : memref<128x640xf32, #tpu.memory_space<hbm>> -> memref<4x640xf32, #tpu.memory_space<hbm>>
      tpu.wait_dma2 semaphore(%run_scoped3A : memref<!tpu.dma_semaphore, #tpu.memory_space<semaphore_mem>>) src(%dma_wait3A_3694 : memref<4x640xf32, #tpu.memory_space<hbm>>) dst(%arg5 : memref<4x640xf32, #tpu.memory_space<vmem>>)
      tpu.yield
    }) : () -> ()
    %dma_wait3A = arith.constant 0 : i32
    %dma_wait3A_5 = arith.constant 0 : i32
    %dma_wait3A_6 = tpu.memref_slice %arg2[%dma_wait3A, %dma_wait3A_5] : memref<128x640xf32, #tpu.memory_space<hbm>> -> memref<128x640xf32, #tpu.memory_space<hbm>>
    tpu.wait_indirect_dma semaphore(%arg8 : memref<!tpu.dma_semaphore, #tpu.memory_space<semaphore_mem>>) src(%dma_wait3A_6 : memref<128x640xf32, #tpu.memory_space<hbm>>) dst(%arg6 : memref<4x640xf32, #tpu.memory_space<vmem>>)
    %get3A = arith.constant 0 : i32
    %get3A_7 = arith.index_cast %get3A : i32 to index
    %get3A_8 = arith.constant 0 : index
    %get3A_9 = tpu.vector_load %arg5[%get3A_7, %get3A_8] {strides = array<i32>} : memref<4x640xf32, #tpu.memory_space<vmem>>, vector<1x16xf32>,
    %get3A_10 = vector.shape_cast %get3A_9 : vector<1x16xf32> to vector<16xf32>
    %mul3A_11 = arith.constant 0.875280559 : f32
    %mul3A_12 = vector.broadcast %mul3A_11 : f32 to vector<16xf32>
    %mul3A_13 = arith.mulf %mul3A_12, %get3A_10 : vector<16xf32>
    %get3A_14 = arith.constant 0 : i32
    %get3A_15 = arith.index_cast %get3A_14 : i32 to index
    %get3A_16 = arith.constant 0 : index
    %get3A_17 = tpu.vector_load %arg6[%get3A_15, %get3A_16] {strides = array<i32>} : memref<4x640xf32, #tpu.memory_space<vmem>>, vector<1x16xf32>,
    %get3A_18 = vector.shape_cast %get3A_17 : vector<1x16xf32> to vector<16xf32>
    %mul3A_19 = arith.constant 0.124719448 : f32
    %mul3A_20 = vector.broadcast %mul3A_19 : f32 to vector<16xf32>
    %mul3A_21 = arith.mulf %mul3A_20, %get3A_18 : vector<16xf32>
    %add3A_22 = arith.addf %mul3A_13, %mul3A_21 : vector<16xf32>
    %swap3A = arith.constant 0 : i32
    %swap3A_23 = arith.index_cast %swap3A : i32 to index
    %swap3A_24 = arith.constant 0 : index
    %swap3A_25 = tpu.vector_load %arg5[%swap3A_23, %swap3A_24] {strides = array<i32>} : memref<4x640xf32, #tpu.memory_space<vmem>>, vector<1x16xf32>,
    %swap3A_26 = vector.shape_cast %swap3A_25 : vector<1x16xf32> to vector<16xf32>
    %swap3A_27 = vector.shape_cast %add3A_22 : vector<16xf32> to vector<1x16xf32>
    tpu.vector_store %arg5[%swap3A_23, %swap3A_24], %swap3A_27 {strides = array<i32>} : memref<4x640xf32, #tpu.memory_space<vmem>>, vector<1x16xf32>,
    %get3A_28 = arith.constant 0 : i32
    %get3A_29 = arith.index_cast %get3A_28 : i32 to index
    %get3A_30 = arith.constant 16 : index
    %get3A_31 = tpu.vector_load %arg5[%get3A_29, %get3A_30] {strides = array<i32>} : memref<4x640xf32, #tpu.memory_space<vmem>>, vector<1x16xf32>,
    %get3A_32 = vector.shape_cast %get3A_31 : vector<1x16xf32> to vector<16xf32>
    %mul3A_33 = arith.constant 0.875280559 : f32
    %mul3A_34 = vector.broadcast %mul3A_33 : f32 to vector<16xf32>
    %mul3A_35 = arith.mulf %mul3A_34, %get3A_32 : vector<16xf32>
    %get3A_36 = arith.constant 0 : i32
    %get3A_37 = arith.index_cast %get3A_36 : i32 to index
    %get3A_38 = arith.constant 16 : index
    %get3A_39 = tpu.vector_load %arg6[%get3A_37, %get3A_38] {strides = array<i32>} : memref<4x640xf32, #tpu.memory_space<vmem>>, vector<1x16xf32>,
    %get3A_40 = vector.shape_cast %get3A_39 : vector<1x16xf32> to vector<16xf32>
    %mul3A_41 = arith.constant 0.124719448 : f32
    %mul3A_42 = vector.broadcast %mul3A_41 : f32 to vector<16xf32>
    %mul3A_43 = arith.mulf %mul3A_42, %get3A_40 : vector<16xf32>
    %add3A_44 = arith.addf %mul3A_35, %mul3A_43 : vector<16xf32>
    %swap3A_45 = arith.constant 0 : i32
    %swap3A_46 = arith.index_cast %swap3A_45 : i32 to index
    %swap3A_47 = arith.constant 16 : index
    %swap3A_48 = tpu.vector_load %arg5[%swap3A_46, %swap3A_47] {strides = array<i32>} : memref<4x640xf32, #tpu.memory_space<vmem>>, vector<1x16xf32>,
    %swap3A_49 = vector.shape_cast %swap3A_48 : vector<1x16xf32> to vector<16xf32>
    %swap3A_50 = vector.shape_cast %add3A_44 : vector<16xf32> to vector<1x16xf32>
    tpu.vector_store %arg5[%swap3A_46, %swap3A_47], %swap3A_50 {strides = array<i32>} : memref<4x640xf32, #tpu.memory_space<vmem>>, vector<1x16xf32>,
    %get3A_51 = arith.constant 0 : i32
    %get3A_52 = arith.index_cast %get3A_51 : i32 to index
    %get3A_53 = arith.constant 32 : index
    %get3A_54 = tpu.vector_load %arg5[%get3A_52, %get3A_53] {strides = array<i32>} : memref<4x640xf32, #tpu.memory_space<vmem>>, vector<1x16xf32>,
    %get3A_55 = vector.shape_cast %get3A_54 : vector<1x16xf32> to vector<16xf32>
    %mul3A_56 = arith.constant 0.875280559 : f32
    %mul3A_57 = vector.broadcast %mul3A_56 : f32 to vector<16xf32>
    %mul3A_58 = arith.mulf %mul3A_57, %get3A_55 : vector<16xf32>
    %get3A_59 = arith.constant 0 : i32
    %get3A_60 = arith.index_cast %get3A_59 : i32 to index
    %get3A_61 = arith.constant 32 : index
    %get3A_62 = tpu.vector_load %arg6[%get3A_60, %get3A_61] {strides = array<i32>} : memref<4x640xf32, #tpu.memory_space<vmem>>, vector<1x16xf32>,
    %get3A_63 = vector.shape_cast %get3A_62 : vector<1x16xf32> to vector<16xf32>
    %mul3A_64 = arith.constant 0.124719448 : f32
    %mul3A_65 = vector.broadcast %mul3A_64 : f32 to vector<16xf32>
    %mul3A_66 = arith.mulf %mul3A_65, %get3A_63 : vector<16xf32>
    %add3A_67 = arith.addf %mul3A_58, %mul3A_66 : vector<16xf32>
    %swap3A_68 = arith.constant 0 : i32
    %swap3A_69 = arith.index_cast %swap3A_68 : i32 to index
    %swap3A_70 = arith.constant 32 : index
    %swap3A_71 = tpu.vector_load %arg5[%swap3A_69, %swap3A_70] {strides = array<i32>} : memref<4x640xf32, #tpu.memory_space<vmem>>, vector<1x16xf32>,
    %swap3A_72 = vector.shape_cast %swap3A_71 : vector<1x16xf32> to vector<16xf32>
    %swap3A_73 = vector.shape_cast %add3A_67 : vector<16xf32> to vector<1x16xf32>
    tpu.vector_store %arg5[%swap3A_69, %swap3A_70], %swap3A_73 {strides = array<i32>} : memref<4x640xf32, #tpu.memory_space<vmem>>, vector<1x16xf32>,
    %get3A_74 = arith.constant 0 : i32
    %get3A_75 = arith.index_cast %get3A_74 : i32 to index
    %get3A_76 = arith.constant 48 : index
    %get3A_77 = tpu.vector_load %arg5[%get3A_75, %get3A_76] {strides = array<i32>} : memref<4x640xf32, #tpu.memory_space<vmem>>, vector<1x16xf32>,
    %get3A_78 = vector.shape_cast %get3A_77 : vector<1x16xf32> to vector<16xf32>
    %mul3A_79 = arith.constant 0.875280559 : f32
    %mul3A_80 = vector.broadcast %mul3A_79 : f32 to vector<16xf32>
    %mul3A_81 = arith.mulf %mul3A_80, %get3A_78 : vector<16xf32>
    %get3A_82 = arith.constant 0 : i32
    %get3A_83 = arith.index_cast %get3A_82 : i32 to index
    %get3A_84 = arith.constant 48 : index
    %get3A_85 = tpu.vector_load %arg6[%get3A_83, %get3A_84] {strides = array<i32>} : memref<4x640xf32, #tpu.memory_space<vmem>>, vector<1x16xf32>,
    %get3A_86 = vector.shape_cast %get3A_85 : vector<1x16xf32> to vector<16xf32>
    %mul3A_87 = arith.constant 0.124719448 : f32
    %mul3A_88 = vector.broadcast %mul3A_87 : f32 to vector<16xf32>
    %mul3A_89 = arith.mulf %mul3A_88, %get3A_86 : vector<16xf32>
    %add3A_90 = arith.addf %mul3A_81, %mul3A_89 : vector<16xf32>
    %swap3A_91 = arith.constant 0 : i32
    %swap3A_92 = arith.index_cast %swap3A_91 : i32 to index
    %swap3A_93 = arith.constant 48 : index
    %swap3A_94 = tpu.vector_load %arg5[%swap3A_92, %swap3A_93] {strides = array<i32>} : memref<4x640xf32, #tpu.memory_space<vmem>>, vector<1x16xf32>,
    %swap3A_95 = vector.shape_cast %swap3A_94 : vector<1x16xf32> to vector<16xf32>
    %swap3A_96 = vector.shape_cast %add3A_90 : vector<16xf32> to vector<1x16xf32>
    tpu.vector_store %arg5[%swap3A_92, %swap3A_93], %swap3A_96 {strides = array<i32>} : memref<4x640xf32, #tpu.memory_space<vmem>>, vector<1x16xf32>,
    %get3A_97 = arith.constant 0 : i32
    %get3A_98 = arith.index_cast %get3A_97 : i32 to index
    %get3A_99 = arith.constant 64 : index
    %get3A_100 = tpu.vector_load %arg5[%get3A_98, %get3A_99] {strides = array<i32>} : memref<4x640xf32, #tpu.memory_space<vmem>>, vector<1x16xf32>,
    %get3A_101 = vector.shape_cast %get3A_100 : vector<1x16xf32> to vector<16xf32>
    %mul3A_102 = arith.constant 0.875280559 : f32
    %mul3A_103 = vector.broadcast %mul3A_102 : f32 to vector<16xf32>
    %mul3A_104 = arith.mulf %mul3A_103, %get3A_101 : vector<16xf32>
    %get3A_105 = arith.constant 0 : i32
    %get3A_106 = arith.index_cast %get3A_105 : i32 to index
    %get3A_107 = arith.constant 64 : index
    %get3A_108 = tpu.vector_load %arg6[%get3A_106, %get3A_107] {strides = array<i32>} : memref<4x640xf32, #tpu.memory_space<vmem>>, vector<1x16xf32>,
    %get3A_109 = vector.shape_cast %get3A_108 : vector<1x16xf32> to vector<16xf32>
    %mul3A_110 = arith.constant 0.124719448 : f32
    %mul3A_111 = vector.broadcast %mul3A_110 : f32 to vector<16xf32>
    %mul3A_112 = arith.mulf %mul3A_111, %get3A_109 : vector<16xf32>
    %add3A_113 = arith.addf %mul3A_104, %mul3A_112 : vector<16xf32>
    %swap3A_114 = arith.constant 0 : i32
    %swap3A_115 = arith.index_cast %swap3A_114 : i32 to index
    %swap3A_116 = arith.constant 64 : index
    %swap3A_117 = tpu.vector_load %arg5[%swap3A_115, %swap3A_116] {strides = array<i32>} : memref<4x640xf32, #tpu.memory_space<vmem>>, vector<1x16xf32>,
    %swap3A_118 = vector.shape_cast %swap3A_117 : vector<1x16xf32> to vector<16xf32>
    %swap3A_119 = vector.shape_cast %add3A_113 : vector<16xf32> to vector<1x16xf32>
    tpu.vector_store %arg5[%swap3A_115, %swap3A_116], %swap3A_119 {strides = array<i32>} : memref<4x640xf32, #tpu.memory_space<vmem>>, vector<1x16xf32>,
    %get3A_120 = arith.constant 0 : i32
    %get3A_121 = arith.index_cast %get3A_120 : i32 to index
    %get3A_122 = arith.constant 80 : index
    %get3A_123 = tpu.vector_load %arg5[%get3A_121, %get3A_122] {strides = array<i32>} : memref<4x640xf32, #tpu.memory_space<vmem>>, vector<1x16xf32>,
    %get3A_124 = vector.shape_cast %get3A_123 : vector<1x16xf32> to vector<16xf32>
    %mul3A_125 = arith.constant 0.875280559 : f32
    %mul3A_126 = vector.broadcast %mul3A_125 : f32 to vector<16xf32>
    %mul3A_127 = arith.mulf %mul3A_126, %get3A_124 : vector<16xf32>
    %get3A_128 = arith.constant 0 : i32
    %get3A_129 = arith.index_cast %get3A_128 : i32 to index
    %get3A_130 = arith.constant 80 : index
    %get3A_131 = tpu.vector_load %arg6[%get3A_129, %get3A_130] {strides = array<i32>} : memref<4x640xf32, #tpu.memory_space<vmem>>, vector<1x16xf32>,
    %get3A_132 = vector.shape_cast %get3A_131 : vector<1x16xf32> to vector<16xf32>
    %mul3A_133 = arith.constant 0.124719448 : f32
    %mul3A_134 = vector.broadcast %mul3A_133 : f32 to vector<16xf32>
    %mul3A_135 = arith.mulf %mul3A_134, %get3A_132 : vector<16xf32>
    %add3A_136 = arith.addf %mul3A_127, %mul3A_135 : vector<16xf32>
    %swap3A_137 = arith.constant 0 : i32
    %swap3A_138 = arith.index_cast %swap3A_137 : i32 to index
    %swap3A_139 = arith.constant 80 : index
    %swap3A_140 = tpu.vector_load %arg5[%swap3A_138, %swap3A_139] {strides = array<i32>} : memref<4x640xf32, #tpu.memory_space<vmem>>, vector<1x16xf32>,
    %swap3A_141 = vector.shape_cast %swap3A_140 : vector<1x16xf32> to vector<16xf32>
    %swap3A_142 = vector.shape_cast %add3A_136 : vector<16xf32> to vector<1x16xf32>
    tpu.vector_store %arg5[%swap3A_138, %swap3A_139], %swap3A_142 {strides = array<i32>} : memref<4x640xf32, #tpu.memory_space<vmem>>, vector<1x16xf32>,
    %get3A_143 = arith.constant 0 : i32
    %get3A_144 = arith.index_cast %get3A_143 : i32 to index
    %get3A_145 = arith.constant 96 : index
    %get3A_146 = tpu.vector_load %arg5[%get3A_144, %get3A_145] {strides = array<i32>} : memref<4x640xf32, #tpu.memory_space<vmem>>, vector<1x16xf32>,
    %get3A_147 = vector.shape_cast %get3A_146 : vector<1x16xf32> to vector<16xf32>
    %mul3A_148 = arith.constant 0.875280559 : f32
    %mul3A_149 = vector.broadcast %mul3A_148 : f32 to vector<16xf32>
    %mul3A_150 = arith.mulf %mul3A_149, %get3A_147 : vector<16xf32>
    %get3A_151 = arith.constant 0 : i32
    %get3A_152 = arith.index_cast %get3A_151 : i32 to index
    %get3A_153 = arith.constant 96 : index
    %get3A_154 = tpu.vector_load %arg6[%get3A_152, %get3A_153] {strides = array<i32>} : memref<4x640xf32, #tpu.memory_space<vmem>>, vector<1x16xf32>,
    %get3A_155 = vector.shape_cast %get3A_154 : vector<1x16xf32> to vector<16xf32>
    %mul3A_156 = arith.constant 0.124719448 : f32
    %mul3A_157 = vector.broadcast %mul3A_156 : f32 to vector<16xf32>
    %mul3A_158 = arith.mulf %mul3A_157, %get3A_155 : vector<16xf32>
    %add3A_159 = arith.addf %mul3A_150, %mul3A_158 : vector<16xf32>
    %swap3A_160 = arith.constant 0 : i32
    %swap3A_161 = arith.index_cast %swap3A_160 : i32 to index
    %swap3A_162 = arith.constant 96 : index
    %swap3A_163 = tpu.vector_load %arg5[%swap3A_161, %swap3A_162] {strides = array<i32>} : memref<4x640xf32, #tpu.memory_space<vmem>>, vector<1x16xf32>,
    %swap3A_164 = vector.shape_cast %swap3A_163 : vector<1x16xf32> to vector<16xf32>
    %swap3A_165 = vector.shape_cast %add3A_159 : vector<16xf32> to vector<1x16xf32>
    tpu.vector_store %arg5[%swap3A_161, %swap3A_162], %swap3A_165 {strides = array<i32>} : memref<4x640xf32, #tpu.memory_space<vmem>>, vector<1x16xf32>,
    %get3A_166 = arith.constant 0 : i32
    %get3A_167 = arith.index_cast %get3A_166 : i32 to index
    %get3A_168 = arith.constant 112 : index
    %get3A_169 = tpu.vector_load %arg5[%get3A_167, %get3A_168] {strides = array<i32>} : memref<4x640xf32, #tpu.memory_space<vmem>>, vector<1x16xf32>,
    %get3A_170 = vector.shape_cast %get3A_169 : vector<1x16xf32> to vector<16xf32>
    %mul3A_171 = arith.constant 0.875280559 : f32
    %mul3A_172 = vector.broadcast %mul3A_171 : f32 to vector<16xf32>
    %mul3A_173 = arith.mulf %mul3A_172, %get3A_170 : vector<16xf32>
    %get3A_174 = arith.constant 0 : i32
    %get3A_175 = arith.index_cast %get3A_174 : i32 to index
    %get3A_176 = arith.constant 112 : index
    %get3A_177 = tpu.vector_load %arg6[%get3A_175, %get3A_176] {strides = array<i32>} : memref<4x640xf32, #tpu.memory_space<vmem>>, vector<1x16xf32>,
    %get3A_178 = vector.shape_cast %get3A_177 : vector<1x16xf32> to vector<16xf32>
    %mul3A_179 = arith.constant 0.124719448 : f32
    %mul3A_180 = vector.broadcast %mul3A_179 : f32 to vector<16xf32>
    %mul3A_181 = arith.mulf %mul3A_180, %get3A_178 : vector<16xf32>
    %add3A_182 = arith.addf %mul3A_173, %mul3A_181 : vector<16xf32>
    %swap3A_183 = arith.constant 0 : i32
    %swap3A_184 = arith.index_cast %swap3A_183 : i32 to index
    %swap3A_185 = arith.constant 112 : index
    %swap3A_186 = tpu.vector_load %arg5[%swap3A_184, %swap3A_185] {strides = array<i32>} : memref<4x640xf32, #tpu.memory_space<vmem>>, vector<1x16xf32>,
    %swap3A_187 = vector.shape_cast %swap3A_186 : vector<1x16xf32> to vector<16xf32>
    %swap3A_188 = vector.shape_cast %add3A_182 : vector<16xf32> to vector<1x16xf32>
    tpu.vector_store %arg5[%swap3A_184, %swap3A_185], %swap3A_188 {strides = array<i32>} : memref<4x640xf32, #tpu.memory_space<vmem>>, vector<1x16xf32>,
    %get3A_189 = arith.constant 0 : i32
    %get3A_190 = arith.index_cast %get3A_189 : i32 to index
    %get3A_191 = arith.constant 128 : index
    %get3A_192 = tpu.vector_load %arg5[%get3A_190, %get3A_191] {strides = array<i32>} : memref<4x640xf32, #tpu.memory_space<vmem>>, vector<1x16xf32>,
    %get3A_193 = vector.shape_cast %get3A_192 : vector<1x16xf32> to vector<16xf32>
    %mul3A_194 = arith.constant 0.875280559 : f32
    %mul3A_195 = vector.broadcast %mul3A_194 : f32 to vector<16xf32>
    %mul3A_196 = arith.mulf %mul3A_195, %get3A_193 : vector<16xf32>
    %get3A_197 = arith.constant 0 : i32
    %get3A_198 = arith.index_cast %get3A_197 : i32 to index
    %get3A_199 = arith.constant 128 : index
    %get3A_200 = tpu.vector_load %arg6[%get3A_198, %get3A_199] {strides = array<i32>} : memref<4x640xf32, #tpu.memory_space<vmem>>, vector<1x16xf32>,
    %get3A_201 = vector.shape_cast %get3A_200 : vector<1x16xf32> to vector<16xf32>
    %mul3A_202 = arith.constant 0.124719448 : f32
    %mul3A_203 = vector.broadcast %mul3A_202 : f32 to vector<16xf32>
    %mul3A_204 = arith.mulf %mul3A_203, %get3A_201 : vector<16xf32>
    %add3A_205 = arith.addf %mul3A_196, %mul3A_204 : vector<16xf32>
    %swap3A_206 = arith.constant 0 : i32
    %swap3A_207 = arith.index_cast %swap3A_206 : i32 to index
    %swap3A_208 = arith.constant 128 : index
    %swap3A_209 = tpu.vector_load %arg5[%swap3A_207, %swap3A_208] {strides = array<i32>} : memref<4x640xf32, #tpu.memory_space<vmem>>, vector<1x16xf32>,
    %swap3A_210 = vector.shape_cast %swap3A_209 : vector<1x16xf32> to vector<16xf32>
    %swap3A_211 = vector.shape_cast %add3A_205 : vector<16xf32> to vector<1x16xf32>
    tpu.vector_store %arg5[%swap3A_207, %swap3A_208], %swap3A_211 {strides = array<i32>} : memref<4x640xf32, #tpu.memory_space<vmem>>, vector<1x16xf32>,
    %get3A_212 = arith.constant 0 : i32
    %get3A_213 = arith.index_cast %get3A_212 : i32 to index
    %get3A_214 = arith.constant 144 : index
    %get3A_215 = tpu.vector_load %arg5[%get3A_213, %get3A_214] {strides = array<i32>} : memref<4x640xf32, #tpu.memory_space<vmem>>, vector<1x16xf32>,
    %get3A_216 = vector.shape_cast %get3A_215 : vector<1x16xf32> to vector<16xf32>
    %mul3A_217 = arith.constant 0.875280559 : f32
    %mul3A_218 = vector.broadcast %mul3A_217 : f32 to vector<16xf32>
    %mul3A_219 = arith.mulf %mul3A_218, %get3A_216 : vector<16xf32>
    %get3A_220 = arith.constant 0 : i32
    %get3A_221 = arith.index_cast %get3A_220 : i32 to index
    %get3A_222 = arith.constant 144 : index
    %get3A_223 = tpu.vector_load %arg6[%get3A_221, %get3A_222] {strides = array<i32>} : memref<4x640xf32, #tpu.memory_space<vmem>>, vector<1x16xf32>,
    %get3A_224 = vector.shape_cast %get3A_223 : vector<1x16xf32> to vector<16xf32>
    %mul3A_225 = arith.constant 0.124719448 : f32
    %mul3A_226 = vector.broadcast %mul3A_225 : f32 to vector<16xf32>
    %mul3A_227 = arith.mulf %mul3A_226, %get3A_224 : vector<16xf32>
    %add3A_228 = arith.addf %mul3A_219, %mul3A_227 : vector<16xf32>
    %swap3A_229 = arith.constant 0 : i32
    %swap3A_230 = arith.index_cast %swap3A_229 : i32 to index
    %swap3A_231 = arith.constant 144 : index
    %swap3A_232 = tpu.vector_load %arg5[%swap3A_230, %swap3A_231] {strides = array<i32>} : memref<4x640xf32, #tpu.memory_space<vmem>>, vector<1x16xf32>,
    %swap3A_233 = vector.shape_cast %swap3A_232 : vector<1x16xf32> to vector<16xf32>
    %swap3A_234 = vector.shape_cast %add3A_228 : vector<16xf32> to vector<1x16xf32>
    tpu.vector_store %arg5[%swap3A_230, %swap3A_231], %swap3A_234 {strides = array<i32>} : memref<4x640xf32, #tpu.memory_space<vmem>>, vector<1x16xf32>,
    %get3A_235 = arith.constant 0 : i32
    %get3A_236 = arith.index_cast %get3A_235 : i32 to index
    %get3A_237 = arith.constant 160 : index
    %get3A_238 = tpu.vector_load %arg5[%get3A_236, %get3A_237] {strides = array<i32>} : memref<4x640xf32, #tpu.memory_space<vmem>>, vector<1x16xf32>,
    %get3A_239 = vector.shape_cast %get3A_238 : vector<1x16xf32> to vector<16xf32>
    %mul3A_240 = arith.constant 0.875280559 : f32
    %mul3A_241 = vector.broadcast %mul3A_240 : f32 to vector<16xf32>
    %mul3A_242 = arith.mulf %mul3A_241, %get3A_239 : vector<16xf32>
    %get3A_243 = arith.constant 0 : i32
    %get3A_244 = arith.index_cast %get3A_243 : i32 to index
    %get3A_245 = arith.constant 160 : index
    %get3A_246 = tpu.vector_load %arg6[%get3A_244, %get3A_245] {strides = array<i32>} : memref<4x640xf32, #tpu.memory_space<vmem>>, vector<1x16xf32>,
    %get3A_247 = vector.shape_cast %get3A_246 : vector<1x16xf32> to vector<16xf32>
    %mul3A_248 = arith.constant 0.124719448 : f32
    %mul3A_249 = vector.broadcast %mul3A_248 : f32 to vector<16xf32>
    %mul3A_250 = arith.mulf %mul3A_249, %get3A_247 : vector<16xf32>
    %add3A_251 = arith.addf %mul3A_242, %mul3A_250 : vector<16xf32>
    %swap3A_252 = arith.constant 0 : i32
    %swap3A_253 = arith.index_cast %swap3A_252 : i32 to index
    %swap3A_254 = arith.constant 160 : index
    %swap3A_255 = tpu.vector_load %arg5[%swap3A_253, %swap3A_254] {strides = array<i32>} : memref<4x640xf32, #tpu.memory_space<vmem>>, vector<1x16xf32>,
    %swap3A_256 = vector.shape_cast %swap3A_255 : vector<1x16xf32> to vector<16xf32>
    %swap3A_257 = vector.shape_cast %add3A_251 : vector<16xf32> to vector<1x16xf32>
    tpu.vector_store %arg5[%swap3A_253, %swap3A_254], %swap3A_257 {strides = array<i32>} : memref<4x640xf32, #tpu.memory_space<vmem>>, vector<1x16xf32>,
    %get3A_258 = arith.constant 0 : i32
    %get3A_259 = arith.index_cast %get3A_258 : i32 to index
    %get3A_260 = arith.constant 176 : index
    %get3A_261 = tpu.vector_load %arg5[%get3A_259, %get3A_260] {strides = array<i32>} : memref<4x640xf32, #tpu.memory_space<vmem>>, vector<1x16xf32>,
    %get3A_262 = vector.shape_cast %get3A_261 : vector<1x16xf32> to vector<16xf32>
    %mul3A_263 = arith.constant 0.875280559 : f32
    %mul3A_264 = vector.broadcast %mul3A_263 : f32 to vector<16xf32>
    %mul3A_265 = arith.mulf %mul3A_264, %get3A_262 : vector<16xf32>
    %get3A_266 = arith.constant 0 : i32
    %get3A_267 = arith.index_cast %get3A_266 : i32 to index
    %get3A_268 = arith.constant 176 : index
    %get3A_269 = tpu.vector_load %arg6[%get3A_267, %get3A_268] {strides = array<i32>} : memref<4x640xf32, #tpu.memory_space<vmem>>, vector<1x16xf32>,
    %get3A_270 = vector.shape_cast %get3A_269 : vector<1x16xf32> to vector<16xf32>
    %mul3A_271 = arith.constant 0.124719448 : f32
    %mul3A_272 = vector.broadcast %mul3A_271 : f32 to vector<16xf32>
    %mul3A_273 = arith.mulf %mul3A_272, %get3A_270 : vector<16xf32>
    %add3A_274 = arith.addf %mul3A_265, %mul3A_273 : vector<16xf32>
    %swap3A_275 = arith.constant 0 : i32
    %swap3A_276 = arith.index_cast %swap3A_275 : i32 to index
    %swap3A_277 = arith.constant 176 : index
    %swap3A_278 = tpu.vector_load %arg5[%swap3A_276, %swap3A_277] {strides = array<i32>} : memref<4x640xf32, #tpu.memory_space<vmem>>, vector<1x16xf32>,
    %swap3A_279 = vector.shape_cast %swap3A_278 : vector<1x16xf32> to vector<16xf32>
    %swap3A_280 = vector.shape_cast %add3A_274 : vector<16xf32> to vector<1x16xf32>
    tpu.vector_store %arg5[%swap3A_276, %swap3A_277], %swap3A_280 {strides = array<i32>} : memref<4x640xf32, #tpu.memory_space<vmem>>, vector<1x16xf32>,
    %get3A_281 = arith.constant 0 : i32
    %get3A_282 = arith.index_cast %get3A_281 : i32 to index
    %get3A_283 = arith.constant 192 : index
    %get3A_284 = tpu.vector_load %arg5[%get3A_282, %get3A_283] {strides = array<i32>} : memref<4x640xf32, #tpu.memory_space<vmem>>, vector<1x16xf32>,
    %get3A_285 = vector.shape_cast %get3A_284 : vector<1x16xf32> to vector<16xf32>
    %mul3A_286 = arith.constant 0.875280559 : f32
    %mul3A_287 = vector.broadcast %mul3A_286 : f32 to vector<16xf32>
    %mul3A_288 = arith.mulf %mul3A_287, %get3A_285 : vector<16xf32>
    %get3A_289 = arith.constant 0 : i32
    %get3A_290 = arith.index_cast %get3A_289 : i32 to index
    %get3A_291 = arith.constant 192 : index
    %get3A_292 = tpu.vector_load %arg6[%get3A_290, %get3A_291] {strides = array<i32>} : memref<4x640xf32, #tpu.memory_space<vmem>>, vector<1x16xf32>,
    %get3A_293 = vector.shape_cast %get3A_292 : vector<1x16xf32> to vector<16xf32>
    %mul3A_294 = arith.constant 0.124719448 : f32
    %mul3A_295 = vector.broadcast %mul3A_294 : f32 to vector<16xf32>
    %mul3A_296 = arith.mulf %mul3A_295, %get3A_293 : vector<16xf32>
    %add3A_297 = arith.addf %mul3A_288, %mul3A_296 : vector<16xf32>
    %swap3A_298 = arith.constant 0 : i32
    %swap3A_299 = arith.index_cast %swap3A_298 : i32 to index
    %swap3A_300 = arith.constant 192 : index
    %swap3A_301 = tpu.vector_load %arg5[%swap3A_299, %swap3A_300] {strides = array<i32>} : memref<4x640xf32, #tpu.memory_space<vmem>>, vector<1x16xf32>,
    %swap3A_302 = vector.shape_cast %swap3A_301 : vector<1x16xf32> to vector<16xf32>
    %swap3A_303 = vector.shape_cast %add3A_297 : vector<16xf32> to vector<1x16xf32>
    tpu.vector_store %arg5[%swap3A_299, %swap3A_300], %swap3A_303 {strides = array<i32>} : memref<4x640xf32, #tpu.memory_space<vmem>>, vector<1x16xf32>,
    %get3A_304 = arith.constant 0 : i32
    %get3A_305 = arith.index_cast %get3A_304 : i32 to index
    %get3A_306 = arith.constant 208 : index
    %get3A_307 = tpu.vector_load %arg5[%get3A_305, %get3A_306] {strides = array<i32>} : memref<4x640xf32, #tpu.memory_space<vmem>>, vector<1x16xf32>,
    %get3A_308 = vector.shape_cast %get3A_307 : vector<1x16xf32> to vector<16xf32>
    %mul3A_309 = arith.constant 0.875280559 : f32
    %mul3A_310 = vector.broadcast %mul3A_309 : f32 to vector<16xf32>
    %mul3A_311 = arith.mulf %mul3A_310, %get3A_308 : vector<16xf32>
    %get3A_312 = arith.constant 0 : i32
    %get3A_313 = arith.index_cast %get3A_312 : i32 to index
    %get3A_314 = arith.constant 208 : index
    %get3A_315 = tpu.vector_load %arg6[%get3A_313, %get3A_314] {strides = array<i32>} : memref<4x640xf32, #tpu.memory_space<vmem>>, vector<1x16xf32>,
    %get3A_316 = vector.shape_cast %get3A_315 : vector<1x16xf32> to vector<16xf32>
    %mul3A_317 = arith.constant 0.124719448 : f32
    %mul3A_318 = vector.broadcast %mul3A_317 : f32 to vector<16xf32>
    %mul3A_319 = arith.mulf %mul3A_318, %get3A_316 : vector<16xf32>
    %add3A_320 = arith.addf %mul3A_311, %mul3A_319 : vector<16xf32>
    %swap3A_321 = arith.constant 0 : i32
    %swap3A_322 = arith.index_cast %swap3A_321 : i32 to index
    %swap3A_323 = arith.constant 208 : index
    %swap3A_324 = tpu.vector_load %arg5[%swap3A_322, %swap3A_323] {strides = array<i32>} : memref<4x640xf32, #tpu.memory_space<vmem>>, vector<1x16xf32>,
    %swap3A_325 = vector.shape_cast %swap3A_324 : vector<1x16xf32> to vector<16xf32>
    %swap3A_326 = vector.shape_cast %add3A_320 : vector<16xf32> to vector<1x16xf32>
    tpu.vector_store %arg5[%swap3A_322, %swap3A_323], %swap3A_326 {strides = array<i32>} : memref<4x640xf32, #tpu.memory_space<vmem>>, vector<1x16xf32>,
    %get3A_327 = arith.constant 0 : i32
    %get3A_328 = arith.index_cast %get3A_327 : i32 to index
    %get3A_329 = arith.constant 224 : index
    %get3A_330 = tpu.vector_load %arg5[%get3A_328, %get3A_329] {strides = array<i32>} : memref<4x640xf32, #tpu.memory_space<vmem>>, vector<1x16xf32>,
    %get3A_331 = vector.shape_cast %get3A_330 : vector<1x16xf32> to vector<16xf32>
    %mul3A_332 = arith.constant 0.875280559 : f32
    %mul3A_333 = vector.broadcast %mul3A_332 : f32 to vector<16xf32>
    %mul3A_334 = arith.mulf %mul3A_333, %get3A_331 : vector<16xf32>
    %get3A_335 = arith.constant 0 : i32
    %get3A_336 = arith.index_cast %get3A_335 : i32 to index
    %get3A_337 = arith.constant 224 : index
    %get3A_338 = tpu.vector_load %arg6[%get3A_336, %get3A_337] {strides = array<i32>} : memref<4x640xf32, #tpu.memory_space<vmem>>, vector<1x16xf32>,
    %get3A_339 = vector.shape_cast %get3A_338 : vector<1x16xf32> to vector<16xf32>
    %mul3A_340 = arith.constant 0.124719448 : f32
    %mul3A_341 = vector.broadcast %mul3A_340 : f32 to vector<16xf32>
    %mul3A_342 = arith.mulf %mul3A_341, %get3A_339 : vector<16xf32>
    %add3A_343 = arith.addf %mul3A_334, %mul3A_342 : vector<16xf32>
    %swap3A_344 = arith.constant 0 : i32
    %swap3A_345 = arith.index_cast %swap3A_344 : i32 to index
    %swap3A_346 = arith.constant 224 : index
    %swap3A_347 = tpu.vector_load %arg5[%swap3A_345, %swap3A_346] {strides = array<i32>} : memref<4x640xf32, #tpu.memory_space<vmem>>, vector<1x16xf32>,
    %swap3A_348 = vector.shape_cast %swap3A_347 : vector<1x16xf32> to vector<16xf32>
    %swap3A_349 = vector.shape_cast %add3A_343 : vector<16xf32> to vector<1x16xf32>
    tpu.vector_store %arg5[%swap3A_345, %swap3A_346], %swap3A_349 {strides = array<i32>} : memref<4x640xf32, #tpu.memory_space<vmem>>, vector<1x16xf32>,
    %get3A_350 = arith.constant 0 : i32
    %get3A_351 = arith.index_cast %get3A_350 : i32 to index
    %get3A_352 = arith.constant 240 : index
    %get3A_353 = tpu.vector_load %arg5[%get3A_351, %get3A_352] {strides = array<i32>} : memref<4x640xf32, #tpu.memory_space<vmem>>, vector<1x16xf32>,
    %get3A_354 = vector.shape_cast %get3A_353 : vector<1x16xf32> to vector<16xf32>
    %mul3A_355 = arith.constant 0.875280559 : f32
    %mul3A_356 = vector.broadcast %mul3A_355 : f32 to vector<16xf32>
    %mul3A_357 = arith.mulf %mul3A_356, %get3A_354 : vector<16xf32>
    %get3A_358 = arith.constant 0 : i32
    %get3A_359 = arith.index_cast %get3A_358 : i32 to index
    %get3A_360 = arith.constant 240 : index
    %get3A_361 = tpu.vector_load %arg6[%get3A_359, %get3A_360] {strides = array<i32>} : memref<4x640xf32, #tpu.memory_space<vmem>>, vector<1x16xf32>,
    %get3A_362 = vector.shape_cast %get3A_361 : vector<1x16xf32> to vector<16xf32>
    %mul3A_363 = arith.constant 0.124719448 : f32
    %mul3A_364 = vector.broadcast %mul3A_363 : f32 to vector<16xf32>
    %mul3A_365 = arith.mulf %mul3A_364, %get3A_362 : vector<16xf32>
    %add3A_366 = arith.addf %mul3A_357, %mul3A_365 : vector<16xf32>
    %swap3A_367 = arith.constant 0 : i32
    %swap3A_368 = arith.index_cast %swap3A_367 : i32 to index
    %swap3A_369 = arith.constant 240 : index
    %swap3A_370 = tpu.vector_load %arg5[%swap3A_368, %swap3A_369] {strides = array<i32>} : memref<4x640xf32, #tpu.memory_space<vmem>>, vector<1x16xf32>,
    %swap3A_371 = vector.shape_cast %swap3A_370 : vector<1x16xf32> to vector<16xf32>
    %swap3A_372 = vector.shape_cast %add3A_366 : vector<16xf32> to vector<1x16xf32>
    tpu.vector_store %arg5[%swap3A_368, %swap3A_369], %swap3A_372 {strides = array<i32>} : memref<4x640xf32, #tpu.memory_space<vmem>>, vector<1x16xf32>,
    %get3A_373 = arith.constant 0 : i32
    %get3A_374 = arith.index_cast %get3A_373 : i32 to index
    %get3A_375 = arith.constant 256 : index
    %get3A_376 = tpu.vector_load %arg5[%get3A_374, %get3A_375] {strides = array<i32>} : memref<4x640xf32, #tpu.memory_space<vmem>>, vector<1x16xf32>,
    %get3A_377 = vector.shape_cast %get3A_376 : vector<1x16xf32> to vector<16xf32>
    %mul3A_378 = arith.constant 0.875280559 : f32
    %mul3A_379 = vector.broadcast %mul3A_378 : f32 to vector<16xf32>
    %mul3A_380 = arith.mulf %mul3A_379, %get3A_377 : vector<16xf32>
    %get3A_381 = arith.constant 0 : i32
    %get3A_382 = arith.index_cast %get3A_381 : i32 to index
    %get3A_383 = arith.constant 256 : index
    %get3A_384 = tpu.vector_load %arg6[%get3A_382, %get3A_383] {strides = array<i32>} : memref<4x640xf32, #tpu.memory_space<vmem>>, vector<1x16xf32>,
    %get3A_385 = vector.shape_cast %get3A_384 : vector<1x16xf32> to vector<16xf32>
    %mul3A_386 = arith.constant 0.124719448 : f32
    %mul3A_387 = vector.broadcast %mul3A_386 : f32 to vector<16xf32>
    %mul3A_388 = arith.mulf %mul3A_387, %get3A_385 : vector<16xf32>
    %add3A_389 = arith.addf %mul3A_380, %mul3A_388 : vector<16xf32>
    %swap3A_390 = arith.constant 0 : i32
    %swap3A_391 = arith.index_cast %swap3A_390 : i32 to index
    %swap3A_392 = arith.constant 256 : index
    %swap3A_393 = tpu.vector_load %arg5[%swap3A_391, %swap3A_392] {strides = array<i32>} : memref<4x640xf32, #tpu.memory_space<vmem>>, vector<1x16xf32>,
    %swap3A_394 = vector.shape_cast %swap3A_393 : vector<1x16xf32> to vector<16xf32>
    %swap3A_395 = vector.shape_cast %add3A_389 : vector<16xf32> to vector<1x16xf32>
    tpu.vector_store %arg5[%swap3A_391, %swap3A_392], %swap3A_395 {strides = array<i32>} : memref<4x640xf32, #tpu.memory_space<vmem>>, vector<1x16xf32>,
    %get3A_396 = arith.constant 0 : i32
    %get3A_397 = arith.index_cast %get3A_396 : i32 to index
    %get3A_398 = arith.constant 272 : index
    %get3A_399 = tpu.vector_load %arg5[%get3A_397, %get3A_398] {strides = array<i32>} : memref<4x640xf32, #tpu.memory_space<vmem>>, vector<1x16xf32>,
    %get3A_400 = vector.shape_cast %get3A_399 : vector<1x16xf32> to vector<16xf32>
    %mul3A_401 = arith.constant 0.875280559 : f32
    %mul3A_402 = vector.broadcast %mul3A_401 : f32 to vector<16xf32>
    %mul3A_403 = arith.mulf %mul3A_402, %get3A_400 : vector<16xf32>
    %get3A_404 = arith.constant 0 : i32
    %get3A_405 = arith.index_cast %get3A_404 : i32 to index
    %get3A_406 = arith.constant 272 : index
    %get3A_407 = tpu.vector_load %arg6[%get3A_405, %get3A_406] {strides = array<i32>} : memref<4x640xf32, #tpu.memory_space<vmem>>, vector<1x16xf32>,
    %get3A_408 = vector.shape_cast %get3A_407 : vector<1x16xf32> to vector<16xf32>
    %mul3A_409 = arith.constant 0.124719448 : f32
    %mul3A_410 = vector.broadcast %mul3A_409 : f32 to vector<16xf32>
    %mul3A_411 = arith.mulf %mul3A_410, %get3A_408 : vector<16xf32>
    %add3A_412 = arith.addf %mul3A_403, %mul3A_411 : vector<16xf32>
    %swap3A_413 = arith.constant 0 : i32
    %swap3A_414 = arith.index_cast %swap3A_413 : i32 to index
    %swap3A_415 = arith.constant 272 : index
    %swap3A_416 = tpu.vector_load %arg5[%swap3A_414, %swap3A_415] {strides = array<i32>} : memref<4x640xf32, #tpu.memory_space<vmem>>, vector<1x16xf32>,
    %swap3A_417 = vector.shape_cast %swap3A_416 : vector<1x16xf32> to vector<16xf32>
    %swap3A_418 = vector.shape_cast %add3A_412 : vector<16xf32> to vector<1x16xf32>
    tpu.vector_store %arg5[%swap3A_414, %swap3A_415], %swap3A_418 {strides = array<i32>} : memref<4x640xf32, #tpu.memory_space<vmem>>, vector<1x16xf32>,
    %get3A_419 = arith.constant 0 : i32
    %get3A_420 = arith.index_cast %get3A_419 : i32 to index
    %get3A_421 = arith.constant 288 : index
    %get3A_422 = tpu.vector_load %arg5[%get3A_420, %get3A_421] {strides = array<i32>} : memref<4x640xf32, #tpu.memory_space<vmem>>, vector<1x16xf32>,
    %get3A_423 = vector.shape_cast %get3A_422 : vector<1x16xf32> to vector<16xf32>
    %mul3A_424 = arith.constant 0.875280559 : f32
    %mul3A_425 = vector.broadcast %mul3A_424 : f32 to vector<16xf32>
    %mul3A_426 = arith.mulf %mul3A_425, %get3A_423 : vector<16xf32>
    %get3A_427 = arith.constant 0 : i32
    %get3A_428 = arith.index_cast %get3A_427 : i32 to index
    %get3A_429 = arith.constant 288 : index
    %get3A_430 = tpu.vector_load %arg6[%get3A_428, %get3A_429] {strides = array<i32>} : memref<4x640xf32, #tpu.memory_space<vmem>>, vector<1x16xf32>,
    %get3A_431 = vector.shape_cast %get3A_430 : vector<1x16xf32> to vector<16xf32>
    %mul3A_432 = arith.constant 0.124719448 : f32
    %mul3A_433 = vector.broadcast %mul3A_432 : f32 to vector<16xf32>
    %mul3A_434 = arith.mulf %mul3A_433, %get3A_431 : vector<16xf32>
    %add3A_435 = arith.addf %mul3A_426, %mul3A_434 : vector<16xf32>
    %swap3A_436 = arith.constant 0 : i32
    %swap3A_437 = arith.index_cast %swap3A_436 : i32 to index
    %swap3A_438 = arith.constant 288 : index
    %swap3A_439 = tpu.vector_load %arg5[%swap3A_437, %swap3A_438] {strides = array<i32>} : memref<4x640xf32, #tpu.memory_space<vmem>>, vector<1x16xf32>,
    %swap3A_440 = vector.shape_cast %swap3A_439 : vector<1x16xf32> to vector<16xf32>
    %swap3A_441 = vector.shape_cast %add3A_435 : vector<16xf32> to vector<1x16xf32>
    tpu.vector_store %arg5[%swap3A_437, %swap3A_438], %swap3A_441 {strides = array<i32>} : memref<4x640xf32, #tpu.memory_space<vmem>>, vector<1x16xf32>,
    %get3A_442 = arith.constant 0 : i32
    %get3A_443 = arith.index_cast %get3A_442 : i32 to index
    %get3A_444 = arith.constant 304 : index
    %get3A_445 = tpu.vector_load %arg5[%get3A_443, %get3A_444] {strides = array<i32>} : memref<4x640xf32, #tpu.memory_space<vmem>>, vector<1x16xf32>,
    %get3A_446 = vector.shape_cast %get3A_445 : vector<1x16xf32> to vector<16xf32>
    %mul3A_447 = arith.constant 0.875280559 : f32
    %mul3A_448 = vector.broadcast %mul3A_447 : f32 to vector<16xf32>
    %mul3A_449 = arith.mulf %mul3A_448, %get3A_446 : vector<16xf32>
    %get3A_450 = arith.constant 0 : i32
    %get3A_451 = arith.index_cast %get3A_450 : i32 to index
    %get3A_452 = arith.constant 304 : index
    %get3A_453 = tpu.vector_load %arg6[%get3A_451, %get3A_452] {strides = array<i32>} : memref<4x640xf32, #tpu.memory_space<vmem>>, vector<1x16xf32>,
    %get3A_454 = vector.shape_cast %get3A_453 : vector<1x16xf32> to vector<16xf32>
    %mul3A_455 = arith.constant 0.124719448 : f32
    %mul3A_456 = vector.broadcast %mul3A_455 : f32 to vector<16xf32>
    %mul3A_457 = arith.mulf %mul3A_456, %get3A_454 : vector<16xf32>
    %add3A_458 = arith.addf %mul3A_449, %mul3A_457 : vector<16xf32>
    %swap3A_459 = arith.constant 0 : i32
    %swap3A_460 = arith.index_cast %swap3A_459 : i32 to index
    %swap3A_461 = arith.constant 304 : index
    %swap3A_462 = tpu.vector_load %arg5[%swap3A_460, %swap3A_461] {strides = array<i32>} : memref<4x640xf32, #tpu.memory_space<vmem>>, vector<1x16xf32>,
    %swap3A_463 = vector.shape_cast %swap3A_462 : vector<1x16xf32> to vector<16xf32>
    %swap3A_464 = vector.shape_cast %add3A_458 : vector<16xf32> to vector<1x16xf32>
    tpu.vector_store %arg5[%swap3A_460, %swap3A_461], %swap3A_464 {strides = array<i32>} : memref<4x640xf32, #tpu.memory_space<vmem>>, vector<1x16xf32>,
    %get3A_465 = arith.constant 0 : i32
    %get3A_466 = arith.index_cast %get3A_465 : i32 to index
    %get3A_467 = arith.constant 320 : index
    %get3A_468 = tpu.vector_load %arg5[%get3A_466, %get3A_467] {strides = array<i32>} : memref<4x640xf32, #tpu.memory_space<vmem>>, vector<1x16xf32>,
    %get3A_469 = vector.shape_cast %get3A_468 : vector<1x16xf32> to vector<16xf32>
    %mul3A_470 = arith.constant 0.875280559 : f32
    %mul3A_471 = vector.broadcast %mul3A_470 : f32 to vector<16xf32>
    %mul3A_472 = arith.mulf %mul3A_471, %get3A_469 : vector<16xf32>
    %get3A_473 = arith.constant 0 : i32
    %get3A_474 = arith.index_cast %get3A_473 : i32 to index
    %get3A_475 = arith.constant 320 : index
    %get3A_476 = tpu.vector_load %arg6[%get3A_474, %get3A_475] {strides = array<i32>} : memref<4x640xf32, #tpu.memory_space<vmem>>, vector<1x16xf32>,
    %get3A_477 = vector.shape_cast %get3A_476 : vector<1x16xf32> to vector<16xf32>
    %mul3A_478 = arith.constant 0.124719448 : f32
    %mul3A_479 = vector.broadcast %mul3A_478 : f32 to vector<16xf32>
    %mul3A_480 = arith.mulf %mul3A_479, %get3A_477 : vector<16xf32>
    %add3A_481 = arith.addf %mul3A_472, %mul3A_480 : vector<16xf32>
    %swap3A_482 = arith.constant 0 : i32
    %swap3A_483 = arith.index_cast %swap3A_482 : i32 to index
    %swap3A_484 = arith.constant 320 : index
    %swap3A_485 = tpu.vector_load %arg5[%swap3A_483, %swap3A_484] {strides = array<i32>} : memref<4x640xf32, #tpu.memory_space<vmem>>, vector<1x16xf32>,
    %swap3A_486 = vector.shape_cast %swap3A_485 : vector<1x16xf32> to vector<16xf32>
    %swap3A_487 = vector.shape_cast %add3A_481 : vector<16xf32> to vector<1x16xf32>
    tpu.vector_store %arg5[%swap3A_483, %swap3A_484], %swap3A_487 {strides = array<i32>} : memref<4x640xf32, #tpu.memory_space<vmem>>, vector<1x16xf32>,
    %get3A_488 = arith.constant 0 : i32
    %get3A_489 = arith.index_cast %get3A_488 : i32 to index
    %get3A_490 = arith.constant 336 : index
    %get3A_491 = tpu.vector_load %arg5[%get3A_489, %get3A_490] {strides = array<i32>} : memref<4x640xf32, #tpu.memory_space<vmem>>, vector<1x16xf32>,
    %get3A_492 = vector.shape_cast %get3A_491 : vector<1x16xf32> to vector<16xf32>
    %mul3A_493 = arith.constant 0.875280559 : f32
    %mul3A_494 = vector.broadcast %mul3A_493 : f32 to vector<16xf32>
    %mul3A_495 = arith.mulf %mul3A_494, %get3A_492 : vector<16xf32>
    %get3A_496 = arith.constant 0 : i32
    %get3A_497 = arith.index_cast %get3A_496 : i32 to index
    %get3A_498 = arith.constant 336 : index
    %get3A_499 = tpu.vector_load %arg6[%get3A_497, %get3A_498] {strides = array<i32>} : memref<4x640xf32, #tpu.memory_space<vmem>>, vector<1x16xf32>,
    %get3A_500 = vector.shape_cast %get3A_499 : vector<1x16xf32> to vector<16xf32>
    %mul3A_501 = arith.constant 0.124719448 : f32
    %mul3A_502 = vector.broadcast %mul3A_501 : f32 to vector<16xf32>
    %mul3A_503 = arith.mulf %mul3A_502, %get3A_500 : vector<16xf32>
    %add3A_504 = arith.addf %mul3A_495, %mul3A_503 : vector<16xf32>
    %swap3A_505 = arith.constant 0 : i32
    %swap3A_506 = arith.index_cast %swap3A_505 : i32 to index
    %swap3A_507 = arith.constant 336 : index
    %swap3A_508 = tpu.vector_load %arg5[%swap3A_506, %swap3A_507] {strides = array<i32>} : memref<4x640xf32, #tpu.memory_space<vmem>>, vector<1x16xf32>,
    %swap3A_509 = vector.shape_cast %swap3A_508 : vector<1x16xf32> to vector<16xf32>
    %swap3A_510 = vector.shape_cast %add3A_504 : vector<16xf32> to vector<1x16xf32>
    tpu.vector_store %arg5[%swap3A_506, %swap3A_507], %swap3A_510 {strides = array<i32>} : memref<4x640xf32, #tpu.memory_space<vmem>>, vector<1x16xf32>,
    %get3A_511 = arith.constant 0 : i32
    %get3A_512 = arith.index_cast %get3A_511 : i32 to index
    %get3A_513 = arith.constant 352 : index
    %get3A_514 = tpu.vector_load %arg5[%get3A_512, %get3A_513] {strides = array<i32>} : memref<4x640xf32, #tpu.memory_space<vmem>>, vector<1x16xf32>,
    %get3A_515 = vector.shape_cast %get3A_514 : vector<1x16xf32> to vector<16xf32>
    %mul3A_516 = arith.constant 0.875280559 : f32
    %mul3A_517 = vector.broadcast %mul3A_516 : f32 to vector<16xf32>
    %mul3A_518 = arith.mulf %mul3A_517, %get3A_515 : vector<16xf32>
    %get3A_519 = arith.constant 0 : i32
    %get3A_520 = arith.index_cast %get3A_519 : i32 to index
    %get3A_521 = arith.constant 352 : index
    %get3A_522 = tpu.vector_load %arg6[%get3A_520, %get3A_521] {strides = array<i32>} : memref<4x640xf32, #tpu.memory_space<vmem>>, vector<1x16xf32>,
    %get3A_523 = vector.shape_cast %get3A_522 : vector<1x16xf32> to vector<16xf32>
    %mul3A_524 = arith.constant 0.124719448 : f32
    %mul3A_525 = vector.broadcast %mul3A_524 : f32 to vector<16xf32>
    %mul3A_526 = arith.mulf %mul3A_525, %get3A_523 : vector<16xf32>
    %add3A_527 = arith.addf %mul3A_518, %mul3A_526 : vector<16xf32>
    %swap3A_528 = arith.constant 0 : i32
    %swap3A_529 = arith.index_cast %swap3A_528 : i32 to index
    %swap3A_530 = arith.constant 352 : index
    %swap3A_531 = tpu.vector_load %arg5[%swap3A_529, %swap3A_530] {strides = array<i32>} : memref<4x640xf32, #tpu.memory_space<vmem>>, vector<1x16xf32>,
    %swap3A_532 = vector.shape_cast %swap3A_531 : vector<1x16xf32> to vector<16xf32>
    %swap3A_533 = vector.shape_cast %add3A_527 : vector<16xf32> to vector<1x16xf32>
    tpu.vector_store %arg5[%swap3A_529, %swap3A_530], %swap3A_533 {strides = array<i32>} : memref<4x640xf32, #tpu.memory_space<vmem>>, vector<1x16xf32>,
    %get3A_534 = arith.constant 0 : i32
    %get3A_535 = arith.index_cast %get3A_534 : i32 to index
    %get3A_536 = arith.constant 368 : index
    %get3A_537 = tpu.vector_load %arg5[%get3A_535, %get3A_536] {strides = array<i32>} : memref<4x640xf32, #tpu.memory_space<vmem>>, vector<1x16xf32>,
    %get3A_538 = vector.shape_cast %get3A_537 : vector<1x16xf32> to vector<16xf32>
    %mul3A_539 = arith.constant 0.875280559 : f32
    %mul3A_540 = vector.broadcast %mul3A_539 : f32 to vector<16xf32>
    %mul3A_541 = arith.mulf %mul3A_540, %get3A_538 : vector<16xf32>
    %get3A_542 = arith.constant 0 : i32
    %get3A_543 = arith.index_cast %get3A_542 : i32 to index
    %get3A_544 = arith.constant 368 : index
    %get3A_545 = tpu.vector_load %arg6[%get3A_543, %get3A_544] {strides = array<i32>} : memref<4x640xf32, #tpu.memory_space<vmem>>, vector<1x16xf32>,
    %get3A_546 = vector.shape_cast %get3A_545 : vector<1x16xf32> to vector<16xf32>
    %mul3A_547 = arith.constant 0.124719448 : f32
    %mul3A_548 = vector.broadcast %mul3A_547 : f32 to vector<16xf32>
    %mul3A_549 = arith.mulf %mul3A_548, %get3A_546 : vector<16xf32>
    %add3A_550 = arith.addf %mul3A_541, %mul3A_549 : vector<16xf32>
    %swap3A_551 = arith.constant 0 : i32
    %swap3A_552 = arith.index_cast %swap3A_551 : i32 to index
    %swap3A_553 = arith.constant 368 : index
    %swap3A_554 = tpu.vector_load %arg5[%swap3A_552, %swap3A_553] {strides = array<i32>} : memref<4x640xf32, #tpu.memory_space<vmem>>, vector<1x16xf32>,
    %swap3A_555 = vector.shape_cast %swap3A_554 : vector<1x16xf32> to vector<16xf32>
    %swap3A_556 = vector.shape_cast %add3A_550 : vector<16xf32> to vector<1x16xf32>
    tpu.vector_store %arg5[%swap3A_552, %swap3A_553], %swap3A_556 {strides = array<i32>} : memref<4x640xf32, #tpu.memory_space<vmem>>, vector<1x16xf32>,
    %get3A_557 = arith.constant 0 : i32
    %get3A_558 = arith.index_cast %get3A_557 : i32 to index
    %get3A_559 = arith.constant 384 : index
    %get3A_560 = tpu.vector_load %arg5[%get3A_558, %get3A_559] {strides = array<i32>} : memref<4x640xf32, #tpu.memory_space<vmem>>, vector<1x16xf32>,
    %get3A_561 = vector.shape_cast %get3A_560 : vector<1x16xf32> to vector<16xf32>
    %mul3A_562 = arith.constant 0.875280559 : f32
    %mul3A_563 = vector.broadcast %mul3A_562 : f32 to vector<16xf32>
    %mul3A_564 = arith.mulf %mul3A_563, %get3A_561 : vector<16xf32>
    %get3A_565 = arith.constant 0 : i32
    %get3A_566 = arith.index_cast %get3A_565 : i32 to index
    %get3A_567 = arith.constant 384 : index
    %get3A_568 = tpu.vector_load %arg6[%get3A_566, %get3A_567] {strides = array<i32>} : memref<4x640xf32, #tpu.memory_space<vmem>>, vector<1x16xf32>,
    %get3A_569 = vector.shape_cast %get3A_568 : vector<1x16xf32> to vector<16xf32>
    %mul3A_570 = arith.constant 0.124719448 : f32
    %mul3A_571 = vector.broadcast %mul3A_570 : f32 to vector<16xf32>
    %mul3A_572 = arith.mulf %mul3A_571, %get3A_569 : vector<16xf32>
    %add3A_573 = arith.addf %mul3A_564, %mul3A_572 : vector<16xf32>
    %swap3A_574 = arith.constant 0 : i32
    %swap3A_575 = arith.index_cast %swap3A_574 : i32 to index
    %swap3A_576 = arith.constant 384 : index
    %swap3A_577 = tpu.vector_load %arg5[%swap3A_575, %swap3A_576] {strides = array<i32>} : memref<4x640xf32, #tpu.memory_space<vmem>>, vector<1x16xf32>,
    %swap3A_578 = vector.shape_cast %swap3A_577 : vector<1x16xf32> to vector<16xf32>
    %swap3A_579 = vector.shape_cast %add3A_573 : vector<16xf32> to vector<1x16xf32>
    tpu.vector_store %arg5[%swap3A_575, %swap3A_576], %swap3A_579 {strides = array<i32>} : memref<4x640xf32, #tpu.memory_space<vmem>>, vector<1x16xf32>,
    %get3A_580 = arith.constant 0 : i32
    %get3A_581 = arith.index_cast %get3A_580 : i32 to index
    %get3A_582 = arith.constant 400 : index
    %get3A_583 = tpu.vector_load %arg5[%get3A_581, %get3A_582] {strides = array<i32>} : memref<4x640xf32, #tpu.memory_space<vmem>>, vector<1x16xf32>,
    %get3A_584 = vector.shape_cast %get3A_583 : vector<1x16xf32> to vector<16xf32>
    %mul3A_585 = arith.constant 0.875280559 : f32
    %mul3A_586 = vector.broadcast %mul3A_585 : f32 to vector<16xf32>
    %mul3A_587 = arith.mulf %mul3A_586, %get3A_584 : vector<16xf32>
    %get3A_588 = arith.constant 0 : i32
    %get3A_589 = arith.index_cast %get3A_588 : i32 to index
    %get3A_590 = arith.constant 400 : index
    %get3A_591 = tpu.vector_load %arg6[%get3A_589, %get3A_590] {strides = array<i32>} : memref<4x640xf32, #tpu.memory_space<vmem>>, vector<1x16xf32>,
    %get3A_592 = vector.shape_cast %get3A_591 : vector<1x16xf32> to vector<16xf32>
    %mul3A_593 = arith.constant 0.124719448 : f32
    %mul3A_594 = vector.broadcast %mul3A_593 : f32 to vector<16xf32>
    %mul3A_595 = arith.mulf %mul3A_594, %get3A_592 : vector<16xf32>
    %add3A_596 = arith.addf %mul3A_587, %mul3A_595 : vector<16xf32>
    %swap3A_597 = arith.constant 0 : i32
    %swap3A_598 = arith.index_cast %swap3A_597 : i32 to index
    %swap3A_599 = arith.constant 400 : index
    %swap3A_600 = tpu.vector_load %arg5[%swap3A_598, %swap3A_599] {strides = array<i32>} : memref<4x640xf32, #tpu.memory_space<vmem>>, vector<1x16xf32>,
    %swap3A_601 = vector.shape_cast %swap3A_600 : vector<1x16xf32> to vector<16xf32>
    %swap3A_602 = vector.shape_cast %add3A_596 : vector<16xf32> to vector<1x16xf32>
    tpu.vector_store %arg5[%swap3A_598, %swap3A_599], %swap3A_602 {strides = array<i32>} : memref<4x640xf32, #tpu.memory_space<vmem>>, vector<1x16xf32>,
    %get3A_603 = arith.constant 0 : i32
    %get3A_604 = arith.index_cast %get3A_603 : i32 to index
    %get3A_605 = arith.constant 416 : index
    %get3A_606 = tpu.vector_load %arg5[%get3A_604, %get3A_605] {strides = array<i32>} : memref<4x640xf32, #tpu.memory_space<vmem>>, vector<1x16xf32>,
    %get3A_607 = vector.shape_cast %get3A_606 : vector<1x16xf32> to vector<16xf32>
    %mul3A_608 = arith.constant 0.875280559 : f32
    %mul3A_609 = vector.broadcast %mul3A_608 : f32 to vector<16xf32>
    %mul3A_610 = arith.mulf %mul3A_609, %get3A_607 : vector<16xf32>
    %get3A_611 = arith.constant 0 : i32
    %get3A_612 = arith.index_cast %get3A_611 : i32 to index
    %get3A_613 = arith.constant 416 : index
    %get3A_614 = tpu.vector_load %arg6[%get3A_612, %get3A_613] {strides = array<i32>} : memref<4x640xf32, #tpu.memory_space<vmem>>, vector<1x16xf32>,
    %get3A_615 = vector.shape_cast %get3A_614 : vector<1x16xf32> to vector<16xf32>
    %mul3A_616 = arith.constant 0.124719448 : f32
    %mul3A_617 = vector.broadcast %mul3A_616 : f32 to vector<16xf32>
    %mul3A_618 = arith.mulf %mul3A_617, %get3A_615 : vector<16xf32>
    %add3A_619 = arith.addf %mul3A_610, %mul3A_618 : vector<16xf32>
    %swap3A_620 = arith.constant 0 : i32
    %swap3A_621 = arith.index_cast %swap3A_620 : i32 to index
    %swap3A_622 = arith.constant 416 : index
    %swap3A_623 = tpu.vector_load %arg5[%swap3A_621, %swap3A_622] {strides = array<i32>} : memref<4x640xf32, #tpu.memory_space<vmem>>, vector<1x16xf32>,
    %swap3A_624 = vector.shape_cast %swap3A_623 : vector<1x16xf32> to vector<16xf32>
    %swap3A_625 = vector.shape_cast %add3A_619 : vector<16xf32> to vector<1x16xf32>
    tpu.vector_store %arg5[%swap3A_621, %swap3A_622], %swap3A_625 {strides = array<i32>} : memref<4x640xf32, #tpu.memory_space<vmem>>, vector<1x16xf32>,
    %get3A_626 = arith.constant 0 : i32
    %get3A_627 = arith.index_cast %get3A_626 : i32 to index
    %get3A_628 = arith.constant 432 : index
    %get3A_629 = tpu.vector_load %arg5[%get3A_627, %get3A_628] {strides = array<i32>} : memref<4x640xf32, #tpu.memory_space<vmem>>, vector<1x16xf32>,
    %get3A_630 = vector.shape_cast %get3A_629 : vector<1x16xf32> to vector<16xf32>
    %mul3A_631 = arith.constant 0.875280559 : f32
    %mul3A_632 = vector.broadcast %mul3A_631 : f32 to vector<16xf32>
    %mul3A_633 = arith.mulf %mul3A_632, %get3A_630 : vector<16xf32>
    %get3A_634 = arith.constant 0 : i32
    %get3A_635 = arith.index_cast %get3A_634 : i32 to index
    %get3A_636 = arith.constant 432 : index
    %get3A_637 = tpu.vector_load %arg6[%get3A_635, %get3A_636] {strides = array<i32>} : memref<4x640xf32, #tpu.memory_space<vmem>>, vector<1x16xf32>,
    %get3A_638 = vector.shape_cast %get3A_637 : vector<1x16xf32> to vector<16xf32>
    %mul3A_639 = arith.constant 0.124719448 : f32
    %mul3A_640 = vector.broadcast %mul3A_639 : f32 to vector<16xf32>
    %mul3A_641 = arith.mulf %mul3A_640, %get3A_638 : vector<16xf32>
    %add3A_642 = arith.addf %mul3A_633, %mul3A_641 : vector<16xf32>
    %swap3A_643 = arith.constant 0 : i32
    %swap3A_644 = arith.index_cast %swap3A_643 : i32 to index
    %swap3A_645 = arith.constant 432 : index
    %swap3A_646 = tpu.vector_load %arg5[%swap3A_644, %swap3A_645] {strides = array<i32>} : memref<4x640xf32, #tpu.memory_space<vmem>>, vector<1x16xf32>,
    %swap3A_647 = vector.shape_cast %swap3A_646 : vector<1x16xf32> to vector<16xf32>
    %swap3A_648 = vector.shape_cast %add3A_642 : vector<16xf32> to vector<1x16xf32>
    tpu.vector_store %arg5[%swap3A_644, %swap3A_645], %swap3A_648 {strides = array<i32>} : memref<4x640xf32, #tpu.memory_space<vmem>>, vector<1x16xf32>,
    %get3A_649 = arith.constant 0 : i32
    %get3A_650 = arith.index_cast %get3A_649 : i32 to index
    %get3A_651 = arith.constant 448 : index
    %get3A_652 = tpu.vector_load %arg5[%get3A_650, %get3A_651] {strides = array<i32>} : memref<4x640xf32, #tpu.memory_space<vmem>>, vector<1x16xf32>,
    %get3A_653 = vector.shape_cast %get3A_652 : vector<1x16xf32> to vector<16xf32>
    %mul3A_654 = arith.constant 0.875280559 : f32
    %mul3A_655 = vector.broadcast %mul3A_654 : f32 to vector<16xf32>
    %mul3A_656 = arith.mulf %mul3A_655, %get3A_653 : vector<16xf32>
    %get3A_657 = arith.constant 0 : i32
    %get3A_658 = arith.index_cast %get3A_657 : i32 to index
    %get3A_659 = arith.constant 448 : index
    %get3A_660 = tpu.vector_load %arg6[%get3A_658, %get3A_659] {strides = array<i32>} : memref<4x640xf32, #tpu.memory_space<vmem>>, vector<1x16xf32>,
    %get3A_661 = vector.shape_cast %get3A_660 : vector<1x16xf32> to vector<16xf32>
    %mul3A_662 = arith.constant 0.124719448 : f32
    %mul3A_663 = vector.broadcast %mul3A_662 : f32 to vector<16xf32>
    %mul3A_664 = arith.mulf %mul3A_663, %get3A_661 : vector<16xf32>
    %add3A_665 = arith.addf %mul3A_656, %mul3A_664 : vector<16xf32>
    %swap3A_666 = arith.constant 0 : i32
    %swap3A_667 = arith.index_cast %swap3A_666 : i32 to index
    %swap3A_668 = arith.constant 448 : index
    %swap3A_669 = tpu.vector_load %arg5[%swap3A_667, %swap3A_668] {strides = array<i32>} : memref<4x640xf32, #tpu.memory_space<vmem>>, vector<1x16xf32>,
    %swap3A_670 = vector.shape_cast %swap3A_669 : vector<1x16xf32> to vector<16xf32>
    %swap3A_671 = vector.shape_cast %add3A_665 : vector<16xf32> to vector<1x16xf32>
    tpu.vector_store %arg5[%swap3A_667, %swap3A_668], %swap3A_671 {strides = array<i32>} : memref<4x640xf32, #tpu.memory_space<vmem>>, vector<1x16xf32>,
    %get3A_672 = arith.constant 0 : i32
    %get3A_673 = arith.index_cast %get3A_672 : i32 to index
    %get3A_674 = arith.constant 464 : index
    %get3A_675 = tpu.vector_load %arg5[%get3A_673, %get3A_674] {strides = array<i32>} : memref<4x640xf32, #tpu.memory_space<vmem>>, vector<1x16xf32>,
    %get3A_676 = vector.shape_cast %get3A_675 : vector<1x16xf32> to vector<16xf32>
    %mul3A_677 = arith.constant 0.875280559 : f32
    %mul3A_678 = vector.broadcast %mul3A_677 : f32 to vector<16xf32>
    %mul3A_679 = arith.mulf %mul3A_678, %get3A_676 : vector<16xf32>
    %get3A_680 = arith.constant 0 : i32
    %get3A_681 = arith.index_cast %get3A_680 : i32 to index
    %get3A_682 = arith.constant 464 : index
    %get3A_683 = tpu.vector_load %arg6[%get3A_681, %get3A_682] {strides = array<i32>} : memref<4x640xf32, #tpu.memory_space<vmem>>, vector<1x16xf32>,
    %get3A_684 = vector.shape_cast %get3A_683 : vector<1x16xf32> to vector<16xf32>
    %mul3A_685 = arith.constant 0.124719448 : f32
    %mul3A_686 = vector.broadcast %mul3A_685 : f32 to vector<16xf32>
    %mul3A_687 = arith.mulf %mul3A_686, %get3A_684 : vector<16xf32>
    %add3A_688 = arith.addf %mul3A_679, %mul3A_687 : vector<16xf32>
    %swap3A_689 = arith.constant 0 : i32
    %swap3A_690 = arith.index_cast %swap3A_689 : i32 to index
    %swap3A_691 = arith.constant 464 : index
    %swap3A_692 = tpu.vector_load %arg5[%swap3A_690, %swap3A_691] {strides = array<i32>} : memref<4x640xf32, #tpu.memory_space<vmem>>, vector<1x16xf32>,
    %swap3A_693 = vector.shape_cast %swap3A_692 : vector<1x16xf32> to vector<16xf32>
    %swap3A_694 = vector.shape_cast %add3A_688 : vector<16xf32> to vector<1x16xf32>
    tpu.vector_store %arg5[%swap3A_690, %swap3A_691], %swap3A_694 {strides = array<i32>} : memref<4x640xf32, #tpu.memory_space<vmem>>, vector<1x16xf32>,
    %get3A_695 = arith.constant 0 : i32
    %get3A_696 = arith.index_cast %get3A_695 : i32 to index
    %get3A_697 = arith.constant 480 : index
    %get3A_698 = tpu.vector_load %arg5[%get3A_696, %get3A_697] {strides = array<i32>} : memref<4x640xf32, #tpu.memory_space<vmem>>, vector<1x16xf32>,
    %get3A_699 = vector.shape_cast %get3A_698 : vector<1x16xf32> to vector<16xf32>
    %mul3A_700 = arith.constant 0.875280559 : f32
    %mul3A_701 = vector.broadcast %mul3A_700 : f32 to vector<16xf32>
    %mul3A_702 = arith.mulf %mul3A_701, %get3A_699 : vector<16xf32>
    %get3A_703 = arith.constant 0 : i32
    %get3A_704 = arith.index_cast %get3A_703 : i32 to index
    %get3A_705 = arith.constant 480 : index
    %get3A_706 = tpu.vector_load %arg6[%get3A_704, %get3A_705] {strides = array<i32>} : memref<4x640xf32, #tpu.memory_space<vmem>>, vector<1x16xf32>,
    %get3A_707 = vector.shape_cast %get3A_706 : vector<1x16xf32> to vector<16xf32>
    %mul3A_708 = arith.constant 0.124719448 : f32
    %mul3A_709 = vector.broadcast %mul3A_708 : f32 to vector<16xf32>
    %mul3A_710 = arith.mulf %mul3A_709, %get3A_707 : vector<16xf32>
    %add3A_711 = arith.addf %mul3A_702, %mul3A_710 : vector<16xf32>
    %swap3A_712 = arith.constant 0 : i32
    %swap3A_713 = arith.index_cast %swap3A_712 : i32 to index
    %swap3A_714 = arith.constant 480 : index
    %swap3A_715 = tpu.vector_load %arg5[%swap3A_713, %swap3A_714] {strides = array<i32>} : memref<4x640xf32, #tpu.memory_space<vmem>>, vector<1x16xf32>,
    %swap3A_716 = vector.shape_cast %swap3A_715 : vector<1x16xf32> to vector<16xf32>
    %swap3A_717 = vector.shape_cast %add3A_711 : vector<16xf32> to vector<1x16xf32>
    tpu.vector_store %arg5[%swap3A_713, %swap3A_714], %swap3A_717 {strides = array<i32>} : memref<4x640xf32, #tpu.memory_space<vmem>>, vector<1x16xf32>,
    %get3A_718 = arith.constant 0 : i32
    %get3A_719 = arith.index_cast %get3A_718 : i32 to index
    %get3A_720 = arith.constant 496 : index
    %get3A_721 = tpu.vector_load %arg5[%get3A_719, %get3A_720] {strides = array<i32>} : memref<4x640xf32, #tpu.memory_space<vmem>>, vector<1x16xf32>,
    %get3A_722 = vector.shape_cast %get3A_721 : vector<1x16xf32> to vector<16xf32>
    %mul3A_723 = arith.constant 0.875280559 : f32
    %mul3A_724 = vector.broadcast %mul3A_723 : f32 to vector<16xf32>
    %mul3A_725 = arith.mulf %mul3A_724, %get3A_722 : vector<16xf32>
    %get3A_726 = arith.constant 0 : i32
    %get3A_727 = arith.index_cast %get3A_726 : i32 to index
    %get3A_728 = arith.constant 496 : index
    %get3A_729 = tpu.vector_load %arg6[%get3A_727, %get3A_728] {strides = array<i32>} : memref<4x640xf32, #tpu.memory_space<vmem>>, vector<1x16xf32>,
    %get3A_730 = vector.shape_cast %get3A_729 : vector<1x16xf32> to vector<16xf32>
    %mul3A_731 = arith.constant 0.124719448 : f32
    %mul3A_732 = vector.broadcast %mul3A_731 : f32 to vector<16xf32>
    %mul3A_733 = arith.mulf %mul3A_732, %get3A_730 : vector<16xf32>
    %add3A_734 = arith.addf %mul3A_725, %mul3A_733 : vector<16xf32>
    %swap3A_735 = arith.constant 0 : i32
    %swap3A_736 = arith.index_cast %swap3A_735 : i32 to index
    %swap3A_737 = arith.constant 496 : index
    %swap3A_738 = tpu.vector_load %arg5[%swap3A_736, %swap3A_737] {strides = array<i32>} : memref<4x640xf32, #tpu.memory_space<vmem>>, vector<1x16xf32>,
    %swap3A_739 = vector.shape_cast %swap3A_738 : vector<1x16xf32> to vector<16xf32>
    %swap3A_740 = vector.shape_cast %add3A_734 : vector<16xf32> to vector<1x16xf32>
    tpu.vector_store %arg5[%swap3A_736, %swap3A_737], %swap3A_740 {strides = array<i32>} : memref<4x640xf32, #tpu.memory_space<vmem>>, vector<1x16xf32>,
    %get3A_741 = arith.constant 0 : i32
    %get3A_742 = arith.index_cast %get3A_741 : i32 to index
    %get3A_743 = arith.constant 512 : index
    %get3A_744 = tpu.vector_load %arg5[%get3A_742, %get3A_743] {strides = array<i32>} : memref<4x640xf32, #tpu.memory_space<vmem>>, vector<1x16xf32>,
    %get3A_745 = vector.shape_cast %get3A_744 : vector<1x16xf32> to vector<16xf32>
    %mul3A_746 = arith.constant 0.875280559 : f32
    %mul3A_747 = vector.broadcast %mul3A_746 : f32 to vector<16xf32>
    %mul3A_748 = arith.mulf %mul3A_747, %get3A_745 : vector<16xf32>
    %get3A_749 = arith.constant 0 : i32
    %get3A_750 = arith.index_cast %get3A_749 : i32 to index
    %get3A_751 = arith.constant 512 : index
    %get3A_752 = tpu.vector_load %arg6[%get3A_750, %get3A_751] {strides = array<i32>} : memref<4x640xf32, #tpu.memory_space<vmem>>, vector<1x16xf32>,
    %get3A_753 = vector.shape_cast %get3A_752 : vector<1x16xf32> to vector<16xf32>
    %mul3A_754 = arith.constant 0.124719448 : f32
    %mul3A_755 = vector.broadcast %mul3A_754 : f32 to vector<16xf32>
    %mul3A_756 = arith.mulf %mul3A_755, %get3A_753 : vector<16xf32>
    %add3A_757 = arith.addf %mul3A_748, %mul3A_756 : vector<16xf32>
    %swap3A_758 = arith.constant 0 : i32
    %swap3A_759 = arith.index_cast %swap3A_758 : i32 to index
    %swap3A_760 = arith.constant 512 : index
    %swap3A_761 = tpu.vector_load %arg5[%swap3A_759, %swap3A_760] {strides = array<i32>} : memref<4x640xf32, #tpu.memory_space<vmem>>, vector<1x16xf32>,
    %swap3A_762 = vector.shape_cast %swap3A_761 : vector<1x16xf32> to vector<16xf32>
    %swap3A_763 = vector.shape_cast %add3A_757 : vector<16xf32> to vector<1x16xf32>
    tpu.vector_store %arg5[%swap3A_759, %swap3A_760], %swap3A_763 {strides = array<i32>} : memref<4x640xf32, #tpu.memory_space<vmem>>, vector<1x16xf32>,
    %get3A_764 = arith.constant 0 : i32
    %get3A_765 = arith.index_cast %get3A_764 : i32 to index
    %get3A_766 = arith.constant 528 : index
    %get3A_767 = tpu.vector_load %arg5[%get3A_765, %get3A_766] {strides = array<i32>} : memref<4x640xf32, #tpu.memory_space<vmem>>, vector<1x16xf32>,
    %get3A_768 = vector.shape_cast %get3A_767 : vector<1x16xf32> to vector<16xf32>
    %mul3A_769 = arith.constant 0.875280559 : f32
    %mul3A_770 = vector.broadcast %mul3A_769 : f32 to vector<16xf32>
    %mul3A_771 = arith.mulf %mul3A_770, %get3A_768 : vector<16xf32>
    %get3A_772 = arith.constant 0 : i32
    %get3A_773 = arith.index_cast %get3A_772 : i32 to index
    %get3A_774 = arith.constant 528 : index
    %get3A_775 = tpu.vector_load %arg6[%get3A_773, %get3A_774] {strides = array<i32>} : memref<4x640xf32, #tpu.memory_space<vmem>>, vector<1x16xf32>,
    %get3A_776 = vector.shape_cast %get3A_775 : vector<1x16xf32> to vector<16xf32>
    %mul3A_777 = arith.constant 0.124719448 : f32
    %mul3A_778 = vector.broadcast %mul3A_777 : f32 to vector<16xf32>
    %mul3A_779 = arith.mulf %mul3A_778, %get3A_776 : vector<16xf32>
    %add3A_780 = arith.addf %mul3A_771, %mul3A_779 : vector<16xf32>
    %swap3A_781 = arith.constant 0 : i32
    %swap3A_782 = arith.index_cast %swap3A_781 : i32 to index
    %swap3A_783 = arith.constant 528 : index
    %swap3A_784 = tpu.vector_load %arg5[%swap3A_782, %swap3A_783] {strides = array<i32>} : memref<4x640xf32, #tpu.memory_space<vmem>>, vector<1x16xf32>,
    %swap3A_785 = vector.shape_cast %swap3A_784 : vector<1x16xf32> to vector<16xf32>
    %swap3A_786 = vector.shape_cast %add3A_780 : vector<16xf32> to vector<1x16xf32>
    tpu.vector_store %arg5[%swap3A_782, %swap3A_783], %swap3A_786 {strides = array<i32>} : memref<4x640xf32, #tpu.memory_space<vmem>>, vector<1x16xf32>,
    %get3A_787 = arith.constant 0 : i32
    %get3A_788 = arith.index_cast %get3A_787 : i32 to index
    %get3A_789 = arith.constant 544 : index
    %get3A_790 = tpu.vector_load %arg5[%get3A_788, %get3A_789] {strides = array<i32>} : memref<4x640xf32, #tpu.memory_space<vmem>>, vector<1x16xf32>,
    %get3A_791 = vector.shape_cast %get3A_790 : vector<1x16xf32> to vector<16xf32>
    %mul3A_792 = arith.constant 0.875280559 : f32
    %mul3A_793 = vector.broadcast %mul3A_792 : f32 to vector<16xf32>
    %mul3A_794 = arith.mulf %mul3A_793, %get3A_791 : vector<16xf32>
    %get3A_795 = arith.constant 0 : i32
    %get3A_796 = arith.index_cast %get3A_795 : i32 to index
    %get3A_797 = arith.constant 544 : index
    %get3A_798 = tpu.vector_load %arg6[%get3A_796, %get3A_797] {strides = array<i32>} : memref<4x640xf32, #tpu.memory_space<vmem>>, vector<1x16xf32>,
    %get3A_799 = vector.shape_cast %get3A_798 : vector<1x16xf32> to vector<16xf32>
    %mul3A_800 = arith.constant 0.124719448 : f32
    %mul3A_801 = vector.broadcast %mul3A_800 : f32 to vector<16xf32>
    %mul3A_802 = arith.mulf %mul3A_801, %get3A_799 : vector<16xf32>
    %add3A_803 = arith.addf %mul3A_794, %mul3A_802 : vector<16xf32>
    %swap3A_804 = arith.constant 0 : i32
    %swap3A_805 = arith.index_cast %swap3A_804 : i32 to index
    %swap3A_806 = arith.constant 544 : index
    %swap3A_807 = tpu.vector_load %arg5[%swap3A_805, %swap3A_806] {strides = array<i32>} : memref<4x640xf32, #tpu.memory_space<vmem>>, vector<1x16xf32>,
    %swap3A_808 = vector.shape_cast %swap3A_807 : vector<1x16xf32> to vector<16xf32>
    %swap3A_809 = vector.shape_cast %add3A_803 : vector<16xf32> to vector<1x16xf32>
    tpu.vector_store %arg5[%swap3A_805, %swap3A_806], %swap3A_809 {strides = array<i32>} : memref<4x640xf32, #tpu.memory_space<vmem>>, vector<1x16xf32>,
    %get3A_810 = arith.constant 0 : i32
    %get3A_811 = arith.index_cast %get3A_810 : i32 to index
    %get3A_812 = arith.constant 560 : index
    %get3A_813 = tpu.vector_load %arg5[%get3A_811, %get3A_812] {strides = array<i32>} : memref<4x640xf32, #tpu.memory_space<vmem>>, vector<1x16xf32>,
    %get3A_814 = vector.shape_cast %get3A_813 : vector<1x16xf32> to vector<16xf32>
    %mul3A_815 = arith.constant 0.875280559 : f32
    %mul3A_816 = vector.broadcast %mul3A_815 : f32 to vector<16xf32>
    %mul3A_817 = arith.mulf %mul3A_816, %get3A_814 : vector<16xf32>
    %get3A_818 = arith.constant 0 : i32
    %get3A_819 = arith.index_cast %get3A_818 : i32 to index
    %get3A_820 = arith.constant 560 : index
    %get3A_821 = tpu.vector_load %arg6[%get3A_819, %get3A_820] {strides = array<i32>} : memref<4x640xf32, #tpu.memory_space<vmem>>, vector<1x16xf32>,
    %get3A_822 = vector.shape_cast %get3A_821 : vector<1x16xf32> to vector<16xf32>
    %mul3A_823 = arith.constant 0.124719448 : f32
    %mul3A_824 = vector.broadcast %mul3A_823 : f32 to vector<16xf32>
    %mul3A_825 = arith.mulf %mul3A_824, %get3A_822 : vector<16xf32>
    %add3A_826 = arith.addf %mul3A_817, %mul3A_825 : vector<16xf32>
    %swap3A_827 = arith.constant 0 : i32
    %swap3A_828 = arith.index_cast %swap3A_827 : i32 to index
    %swap3A_829 = arith.constant 560 : index
    %swap3A_830 = tpu.vector_load %arg5[%swap3A_828, %swap3A_829] {strides = array<i32>} : memref<4x640xf32, #tpu.memory_space<vmem>>, vector<1x16xf32>,
    %swap3A_831 = vector.shape_cast %swap3A_830 : vector<1x16xf32> to vector<16xf32>
    %swap3A_832 = vector.shape_cast %add3A_826 : vector<16xf32> to vector<1x16xf32>
    tpu.vector_store %arg5[%swap3A_828, %swap3A_829], %swap3A_832 {strides = array<i32>} : memref<4x640xf32, #tpu.memory_space<vmem>>, vector<1x16xf32>,
    %get3A_833 = arith.constant 0 : i32
    %get3A_834 = arith.index_cast %get3A_833 : i32 to index
    %get3A_835 = arith.constant 576 : index
    %get3A_836 = tpu.vector_load %arg5[%get3A_834, %get3A_835] {strides = array<i32>} : memref<4x640xf32, #tpu.memory_space<vmem>>, vector<1x16xf32>,
    %get3A_837 = vector.shape_cast %get3A_836 : vector<1x16xf32> to vector<16xf32>
    %mul3A_838 = arith.constant 0.875280559 : f32
    %mul3A_839 = vector.broadcast %mul3A_838 : f32 to vector<16xf32>
    %mul3A_840 = arith.mulf %mul3A_839, %get3A_837 : vector<16xf32>
    %get3A_841 = arith.constant 0 : i32
    %get3A_842 = arith.index_cast %get3A_841 : i32 to index
    %get3A_843 = arith.constant 576 : index
    %get3A_844 = tpu.vector_load %arg6[%get3A_842, %get3A_843] {strides = array<i32>} : memref<4x640xf32, #tpu.memory_space<vmem>>, vector<1x16xf32>,
    %get3A_845 = vector.shape_cast %get3A_844 : vector<1x16xf32> to vector<16xf32>
    %mul3A_846 = arith.constant 0.124719448 : f32
    %mul3A_847 = vector.broadcast %mul3A_846 : f32 to vector<16xf32>
    %mul3A_848 = arith.mulf %mul3A_847, %get3A_845 : vector<16xf32>
    %add3A_849 = arith.addf %mul3A_840, %mul3A_848 : vector<16xf32>
    %swap3A_850 = arith.constant 0 : i32
    %swap3A_851 = arith.index_cast %swap3A_850 : i32 to index
    %swap3A_852 = arith.constant 576 : index
    %swap3A_853 = tpu.vector_load %arg5[%swap3A_851, %swap3A_852] {strides = array<i32>} : memref<4x640xf32, #tpu.memory_space<vmem>>, vector<1x16xf32>,
    %swap3A_854 = vector.shape_cast %swap3A_853 : vector<1x16xf32> to vector<16xf32>
    %swap3A_855 = vector.shape_cast %add3A_849 : vector<16xf32> to vector<1x16xf32>
    tpu.vector_store %arg5[%swap3A_851, %swap3A_852], %swap3A_855 {strides = array<i32>} : memref<4x640xf32, #tpu.memory_space<vmem>>, vector<1x16xf32>,
    %get3A_856 = arith.constant 0 : i32
    %get3A_857 = arith.index_cast %get3A_856 : i32 to index
    %get3A_858 = arith.constant 592 : index
    %get3A_859 = tpu.vector_load %arg5[%get3A_857, %get3A_858] {strides = array<i32>} : memref<4x640xf32, #tpu.memory_space<vmem>>, vector<1x16xf32>,
    %get3A_860 = vector.shape_cast %get3A_859 : vector<1x16xf32> to vector<16xf32>
    %mul3A_861 = arith.constant 0.875280559 : f32
    %mul3A_862 = vector.broadcast %mul3A_861 : f32 to vector<16xf32>
    %mul3A_863 = arith.mulf %mul3A_862, %get3A_860 : vector<16xf32>
    %get3A_864 = arith.constant 0 : i32
    %get3A_865 = arith.index_cast %get3A_864 : i32 to index
    %get3A_866 = arith.constant 592 : index
    %get3A_867 = tpu.vector_load %arg6[%get3A_865, %get3A_866] {strides = array<i32>} : memref<4x640xf32, #tpu.memory_space<vmem>>, vector<1x16xf32>,
    %get3A_868 = vector.shape_cast %get3A_867 : vector<1x16xf32> to vector<16xf32>
    %mul3A_869 = arith.constant 0.124719448 : f32
    %mul3A_870 = vector.broadcast %mul3A_869 : f32 to vector<16xf32>
    %mul3A_871 = arith.mulf %mul3A_870, %get3A_868 : vector<16xf32>
    %add3A_872 = arith.addf %mul3A_863, %mul3A_871 : vector<16xf32>
    %swap3A_873 = arith.constant 0 : i32
    %swap3A_874 = arith.index_cast %swap3A_873 : i32 to index
    %swap3A_875 = arith.constant 592 : index
    %swap3A_876 = tpu.vector_load %arg5[%swap3A_874, %swap3A_875] {strides = array<i32>} : memref<4x640xf32, #tpu.memory_space<vmem>>, vector<1x16xf32>,
    %swap3A_877 = vector.shape_cast %swap3A_876 : vector<1x16xf32> to vector<16xf32>
    %swap3A_878 = vector.shape_cast %add3A_872 : vector<16xf32> to vector<1x16xf32>
    tpu.vector_store %arg5[%swap3A_874, %swap3A_875], %swap3A_878 {strides = array<i32>} : memref<4x640xf32, #tpu.memory_space<vmem>>, vector<1x16xf32>,
    %get3A_879 = arith.constant 0 : i32
    %get3A_880 = arith.index_cast %get3A_879 : i32 to index
    %get3A_881 = arith.constant 608 : index
    %get3A_882 = tpu.vector_load %arg5[%get3A_880, %get3A_881] {strides = array<i32>} : memref<4x640xf32, #tpu.memory_space<vmem>>, vector<1x16xf32>,
    %get3A_883 = vector.shape_cast %get3A_882 : vector<1x16xf32> to vector<16xf32>
    %mul3A_884 = arith.constant 0.875280559 : f32
    %mul3A_885 = vector.broadcast %mul3A_884 : f32 to vector<16xf32>
    %mul3A_886 = arith.mulf %mul3A_885, %get3A_883 : vector<16xf32>
    %get3A_887 = arith.constant 0 : i32
    %get3A_888 = arith.index_cast %get3A_887 : i32 to index
    %get3A_889 = arith.constant 608 : index
    %get3A_890 = tpu.vector_load %arg6[%get3A_888, %get3A_889] {strides = array<i32>} : memref<4x640xf32, #tpu.memory_space<vmem>>, vector<1x16xf32>,
    %get3A_891 = vector.shape_cast %get3A_890 : vector<1x16xf32> to vector<16xf32>
    %mul3A_892 = arith.constant 0.124719448 : f32
    %mul3A_893 = vector.broadcast %mul3A_892 : f32 to vector<16xf32>
    %mul3A_894 = arith.mulf %mul3A_893, %get3A_891 : vector<16xf32>
    %add3A_895 = arith.addf %mul3A_886, %mul3A_894 : vector<16xf32>
    %swap3A_896 = arith.constant 0 : i32
    %swap3A_897 = arith.index_cast %swap3A_896 : i32 to index
    %swap3A_898 = arith.constant 608 : index
    %swap3A_899 = tpu.vector_load %arg5[%swap3A_897, %swap3A_898] {strides = array<i32>} : memref<4x640xf32, #tpu.memory_space<vmem>>, vector<1x16xf32>,
    %swap3A_900 = vector.shape_cast %swap3A_899 : vector<1x16xf32> to vector<16xf32>
    %swap3A_901 = vector.shape_cast %add3A_895 : vector<16xf32> to vector<1x16xf32>
    tpu.vector_store %arg5[%swap3A_897, %swap3A_898], %swap3A_901 {strides = array<i32>} : memref<4x640xf32, #tpu.memory_space<vmem>>, vector<1x16xf32>,
    %get3A_902 = arith.constant 0 : i32
    %get3A_903 = arith.index_cast %get3A_902 : i32 to index
    %get3A_904 = arith.constant 624 : index
    %get3A_905 = tpu.vector_load %arg5[%get3A_903, %get3A_904] {strides = array<i32>} : memref<4x640xf32, #tpu.memory_space<vmem>>, vector<1x16xf32>,
    %get3A_906 = vector.shape_cast %get3A_905 : vector<1x16xf32> to vector<16xf32>
    %mul3A_907 = arith.constant 0.875280559 : f32
    %mul3A_908 = vector.broadcast %mul3A_907 : f32 to vector<16xf32>
    %mul3A_909 = arith.mulf %mul3A_908, %get3A_906 : vector<16xf32>
    %get3A_910 = arith.constant 0 : i32
    %get3A_911 = arith.index_cast %get3A_910 : i32 to index
    %get3A_912 = arith.constant 624 : index
    %get3A_913 = tpu.vector_load %arg6[%get3A_911, %get3A_912] {strides = array<i32>} : memref<4x640xf32, #tpu.memory_space<vmem>>, vector<1x16xf32>,
    %get3A_914 = vector.shape_cast %get3A_913 : vector<1x16xf32> to vector<16xf32>
    %mul3A_915 = arith.constant 0.124719448 : f32
    %mul3A_916 = vector.broadcast %mul3A_915 : f32 to vector<16xf32>
    %mul3A_917 = arith.mulf %mul3A_916, %get3A_914 : vector<16xf32>
    %add3A_918 = arith.addf %mul3A_909, %mul3A_917 : vector<16xf32>
    %swap3A_919 = arith.constant 0 : i32
    %swap3A_920 = arith.index_cast %swap3A_919 : i32 to index
    %swap3A_921 = arith.constant 624 : index
    %swap3A_922 = tpu.vector_load %arg5[%swap3A_920, %swap3A_921] {strides = array<i32>} : memref<4x640xf32, #tpu.memory_space<vmem>>, vector<1x16xf32>,
    %swap3A_923 = vector.shape_cast %swap3A_922 : vector<1x16xf32> to vector<16xf32>
    %swap3A_924 = vector.shape_cast %add3A_918 : vector<16xf32> to vector<1x16xf32>
    tpu.vector_store %arg5[%swap3A_920, %swap3A_921], %swap3A_924 {strides = array<i32>} : memref<4x640xf32, #tpu.memory_space<vmem>>, vector<1x16xf32>,
    %get3A_925 = arith.constant 1 : i32
    %get3A_926 = arith.index_cast %get3A_925 : i32 to index
    %get3A_927 = arith.constant 0 : index
    %get3A_928 = tpu.vector_load %arg5[%get3A_926, %get3A_927] {strides = array<i32>} : memref<4x640xf32, #tpu.memory_space<vmem>>, vector<1x16xf32>,
    %get3A_929 = vector.shape_cast %get3A_928 : vector<1x16xf32> to vector<16xf32>
    %mul3A_930 = arith.constant 0.875280559 : f32
    %mul3A_931 = vector.broadcast %mul3A_930 : f32 to vector<16xf32>
    %mul3A_932 = arith.mulf %mul3A_931, %get3A_929 : vector<16xf32>
    %get3A_933 = arith.constant 1 : i32
    %get3A_934 = arith.index_cast %get3A_933 : i32 to index
    %get3A_935 = arith.constant 0 : index
    %get3A_936 = tpu.vector_load %arg6[%get3A_934, %get3A_935] {strides = array<i32>} : memref<4x640xf32, #tpu.memory_space<vmem>>, vector<1x16xf32>,
    %get3A_937 = vector.shape_cast %get3A_936 : vector<1x16xf32> to vector<16xf32>
    %mul3A_938 = arith.constant 0.124719448 : f32
    %mul3A_939 = vector.broadcast %mul3A_938 : f32 to vector<16xf32>
    %mul3A_940 = arith.mulf %mul3A_939, %get3A_937 : vector<16xf32>
    %add3A_941 = arith.addf %mul3A_932, %mul3A_940 : vector<16xf32>
    %swap3A_942 = arith.constant 1 : i32
    %swap3A_943 = arith.index_cast %swap3A_942 : i32 to index
    %swap3A_944 = arith.constant 0 : index
    %swap3A_945 = tpu.vector_load %arg5[%swap3A_943, %swap3A_944] {strides = array<i32>} : memref<4x640xf32, #tpu.memory_space<vmem>>, vector<1x16xf32>,
    %swap3A_946 = vector.shape_cast %swap3A_945 : vector<1x16xf32> to vector<16xf32>
    %swap3A_947 = vector.shape_cast %add3A_941 : vector<16xf32> to vector<1x16xf32>
    tpu.vector_store %arg5[%swap3A_943, %swap3A_944], %swap3A_947 {strides = array<i32>} : memref<4x640xf32, #tpu.memory_space<vmem>>, vector<1x16xf32>,
    %get3A_948 = arith.constant 1 : i32
    %get3A_949 = arith.index_cast %get3A_948 : i32 to index
    %get3A_950 = arith.constant 16 : index
    %get3A_951 = tpu.vector_load %arg5[%get3A_949, %get3A_950] {strides = array<i32>} : memref<4x640xf32, #tpu.memory_space<vmem>>, vector<1x16xf32>,
    %get3A_952 = vector.shape_cast %get3A_951 : vector<1x16xf32> to vector<16xf32>
    %mul3A_953 = arith.constant 0.875280559 : f32
    %mul3A_954 = vector.broadcast %mul3A_953 : f32 to vector<16xf32>
    %mul3A_955 = arith.mulf %mul3A_954, %get3A_952 : vector<16xf32>
    %get3A_956 = arith.constant 1 : i32
    %get3A_957 = arith.index_cast %get3A_956 : i32 to index
    %get3A_958 = arith.constant 16 : index
    %get3A_959 = tpu.vector_load %arg6[%get3A_957, %get3A_958] {strides = array<i32>} : memref<4x640xf32, #tpu.memory_space<vmem>>, vector<1x16xf32>,
    %get3A_960 = vector.shape_cast %get3A_959 : vector<1x16xf32> to vector<16xf32>
    %mul3A_961 = arith.constant 0.124719448 : f32
    %mul3A_962 = vector.broadcast %mul3A_961 : f32 to vector<16xf32>
    %mul3A_963 = arith.mulf %mul3A_962, %get3A_960 : vector<16xf32>
    %add3A_964 = arith.addf %mul3A_955, %mul3A_963 : vector<16xf32>
    %swap3A_965 = arith.constant 1 : i32
    %swap3A_966 = arith.index_cast %swap3A_965 : i32 to index
    %swap3A_967 = arith.constant 16 : index
    %swap3A_968 = tpu.vector_load %arg5[%swap3A_966, %swap3A_967] {strides = array<i32>} : memref<4x640xf32, #tpu.memory_space<vmem>>, vector<1x16xf32>,
    %swap3A_969 = vector.shape_cast %swap3A_968 : vector<1x16xf32> to vector<16xf32>
    %swap3A_970 = vector.shape_cast %add3A_964 : vector<16xf32> to vector<1x16xf32>
    tpu.vector_store %arg5[%swap3A_966, %swap3A_967], %swap3A_970 {strides = array<i32>} : memref<4x640xf32, #tpu.memory_space<vmem>>, vector<1x16xf32>,
    %get3A_971 = arith.constant 1 : i32
    %get3A_972 = arith.index_cast %get3A_971 : i32 to index
    %get3A_973 = arith.constant 32 : index
    %get3A_974 = tpu.vector_load %arg5[%get3A_972, %get3A_973] {strides = array<i32>} : memref<4x640xf32, #tpu.memory_space<vmem>>, vector<1x16xf32>,
    %get3A_975 = vector.shape_cast %get3A_974 : vector<1x16xf32> to vector<16xf32>
    %mul3A_976 = arith.constant 0.875280559 : f32
    %mul3A_977 = vector.broadcast %mul3A_976 : f32 to vector<16xf32>
    %mul3A_978 = arith.mulf %mul3A_977, %get3A_975 : vector<16xf32>
    %get3A_979 = arith.constant 1 : i32
    %get3A_980 = arith.index_cast %get3A_979 : i32 to index
    %get3A_981 = arith.constant 32 : index
    %get3A_982 = tpu.vector_load %arg6[%get3A_980, %get3A_981] {strides = array<i32>} : memref<4x640xf32, #tpu.memory_space<vmem>>, vector<1x16xf32>,
    %get3A_983 = vector.shape_cast %get3A_982 : vector<1x16xf32> to vector<16xf32>
    %mul3A_984 = arith.constant 0.124719448 : f32
    %mul3A_985 = vector.broadcast %mul3A_984 : f32 to vector<16xf32>
    %mul3A_986 = arith.mulf %mul3A_985, %get3A_983 : vector<16xf32>
    %add3A_987 = arith.addf %mul3A_978, %mul3A_986 : vector<16xf32>
    %swap3A_988 = arith.constant 1 : i32
    %swap3A_989 = arith.index_cast %swap3A_988 : i32 to index
    %swap3A_990 = arith.constant 32 : index
    %swap3A_991 = tpu.vector_load %arg5[%swap3A_989, %swap3A_990] {strides = array<i32>} : memref<4x640xf32, #tpu.memory_space<vmem>>, vector<1x16xf32>,
    %swap3A_992 = vector.shape_cast %swap3A_991 : vector<1x16xf32> to vector<16xf32>
    %swap3A_993 = vector.shape_cast %add3A_987 : vector<16xf32> to vector<1x16xf32>
    tpu.vector_store %arg5[%swap3A_989, %swap3A_990], %swap3A_993 {strides = array<i32>} : memref<4x640xf32, #tpu.memory_space<vmem>>, vector<1x16xf32>,
    %get3A_994 = arith.constant 1 : i32
    %get3A_995 = arith.index_cast %get3A_994 : i32 to index
    %get3A_996 = arith.constant 48 : index
    %get3A_997 = tpu.vector_load %arg5[%get3A_995, %get3A_996] {strides = array<i32>} : memref<4x640xf32, #tpu.memory_space<vmem>>, vector<1x16xf32>,
    %get3A_998 = vector.shape_cast %get3A_997 : vector<1x16xf32> to vector<16xf32>
    %mul3A_999 = arith.constant 0.875280559 : f32
    %mul3A_1000 = vector.broadcast %mul3A_999 : f32 to vector<16xf32>
    %mul3A_1001 = arith.mulf %mul3A_1000, %get3A_998 : vector<16xf32>
    %get3A_1002 = arith.constant 1 : i32
    %get3A_1003 = arith.index_cast %get3A_1002 : i32 to index
    %get3A_1004 = arith.constant 48 : index
    %get3A_1005 = tpu.vector_load %arg6[%get3A_1003, %get3A_1004] {strides = array<i32>} : memref<4x640xf32, #tpu.memory_space<vmem>>, vector<1x16xf32>,
    %get3A_1006 = vector.shape_cast %get3A_1005 : vector<1x16xf32> to vector<16xf32>
    %mul3A_1007 = arith.constant 0.124719448 : f32
    %mul3A_1008 = vector.broadcast %mul3A_1007 : f32 to vector<16xf32>
    %mul3A_1009 = arith.mulf %mul3A_1008, %get3A_1006 : vector<16xf32>
    %add3A_1010 = arith.addf %mul3A_1001, %mul3A_1009 : vector<16xf32>
    %swap3A_1011 = arith.constant 1 : i32
    %swap3A_1012 = arith.index_cast %swap3A_1011 : i32 to index
    %swap3A_1013 = arith.constant 48 : index
    %swap3A_1014 = tpu.vector_load %arg5[%swap3A_1012, %swap3A_1013] {strides = array<i32>} : memref<4x640xf32, #tpu.memory_space<vmem>>, vector<1x16xf32>,
    %swap3A_1015 = vector.shape_cast %swap3A_1014 : vector<1x16xf32> to vector<16xf32>
    %swap3A_1016 = vector.shape_cast %add3A_1010 : vector<16xf32> to vector<1x16xf32>
    tpu.vector_store %arg5[%swap3A_1012, %swap3A_1013], %swap3A_1016 {strides = array<i32>} : memref<4x640xf32, #tpu.memory_space<vmem>>, vector<1x16xf32>,
    %get3A_1017 = arith.constant 1 : i32
    %get3A_1018 = arith.index_cast %get3A_1017 : i32 to index
    %get3A_1019 = arith.constant 64 : index
    %get3A_1020 = tpu.vector_load %arg5[%get3A_1018, %get3A_1019] {strides = array<i32>} : memref<4x640xf32, #tpu.memory_space<vmem>>, vector<1x16xf32>,
    %get3A_1021 = vector.shape_cast %get3A_1020 : vector<1x16xf32> to vector<16xf32>
    %mul3A_1022 = arith.constant 0.875280559 : f32
    %mul3A_1023 = vector.broadcast %mul3A_1022 : f32 to vector<16xf32>
    %mul3A_1024 = arith.mulf %mul3A_1023, %get3A_1021 : vector<16xf32>
    %get3A_1025 = arith.constant 1 : i32
    %get3A_1026 = arith.index_cast %get3A_1025 : i32 to index
    %get3A_1027 = arith.constant 64 : index
    %get3A_1028 = tpu.vector_load %arg6[%get3A_1026, %get3A_1027] {strides = array<i32>} : memref<4x640xf32, #tpu.memory_space<vmem>>, vector<1x16xf32>,
    %get3A_1029 = vector.shape_cast %get3A_1028 : vector<1x16xf32> to vector<16xf32>
    %mul3A_1030 = arith.constant 0.124719448 : f32
    %mul3A_1031 = vector.broadcast %mul3A_1030 : f32 to vector<16xf32>
    %mul3A_1032 = arith.mulf %mul3A_1031, %get3A_1029 : vector<16xf32>
    %add3A_1033 = arith.addf %mul3A_1024, %mul3A_1032 : vector<16xf32>
    %swap3A_1034 = arith.constant 1 : i32
    %swap3A_1035 = arith.index_cast %swap3A_1034 : i32 to index
    %swap3A_1036 = arith.constant 64 : index
    %swap3A_1037 = tpu.vector_load %arg5[%swap3A_1035, %swap3A_1036] {strides = array<i32>} : memref<4x640xf32, #tpu.memory_space<vmem>>, vector<1x16xf32>,
    %swap3A_1038 = vector.shape_cast %swap3A_1037 : vector<1x16xf32> to vector<16xf32>
    %swap3A_1039 = vector.shape_cast %add3A_1033 : vector<16xf32> to vector<1x16xf32>
    tpu.vector_store %arg5[%swap3A_1035, %swap3A_1036], %swap3A_1039 {strides = array<i32>} : memref<4x640xf32, #tpu.memory_space<vmem>>, vector<1x16xf32>,
    %get3A_1040 = arith.constant 1 : i32
    %get3A_1041 = arith.index_cast %get3A_1040 : i32 to index
    %get3A_1042 = arith.constant 80 : index
    %get3A_1043 = tpu.vector_load %arg5[%get3A_1041, %get3A_1042] {strides = array<i32>} : memref<4x640xf32, #tpu.memory_space<vmem>>, vector<1x16xf32>,
    %get3A_1044 = vector.shape_cast %get3A_1043 : vector<1x16xf32> to vector<16xf32>
    %mul3A_1045 = arith.constant 0.875280559 : f32
    %mul3A_1046 = vector.broadcast %mul3A_1045 : f32 to vector<16xf32>
    %mul3A_1047 = arith.mulf %mul3A_1046, %get3A_1044 : vector<16xf32>
    %get3A_1048 = arith.constant 1 : i32
    %get3A_1049 = arith.index_cast %get3A_1048 : i32 to index
    %get3A_1050 = arith.constant 80 : index
    %get3A_1051 = tpu.vector_load %arg6[%get3A_1049, %get3A_1050] {strides = array<i32>} : memref<4x640xf32, #tpu.memory_space<vmem>>, vector<1x16xf32>,
    %get3A_1052 = vector.shape_cast %get3A_1051 : vector<1x16xf32> to vector<16xf32>
    %mul3A_1053 = arith.constant 0.124719448 : f32
    %mul3A_1054 = vector.broadcast %mul3A_1053 : f32 to vector<16xf32>
    %mul3A_1055 = arith.mulf %mul3A_1054, %get3A_1052 : vector<16xf32>
    %add3A_1056 = arith.addf %mul3A_1047, %mul3A_1055 : vector<16xf32>
    %swap3A_1057 = arith.constant 1 : i32
    %swap3A_1058 = arith.index_cast %swap3A_1057 : i32 to index
    %swap3A_1059 = arith.constant 80 : index
    %swap3A_1060 = tpu.vector_load %arg5[%swap3A_1058, %swap3A_1059] {strides = array<i32>} : memref<4x640xf32, #tpu.memory_space<vmem>>, vector<1x16xf32>,
    %swap3A_1061 = vector.shape_cast %swap3A_1060 : vector<1x16xf32> to vector<16xf32>
    %swap3A_1062 = vector.shape_cast %add3A_1056 : vector<16xf32> to vector<1x16xf32>
    tpu.vector_store %arg5[%swap3A_1058, %swap3A_1059], %swap3A_1062 {strides = array<i32>} : memref<4x640xf32, #tpu.memory_space<vmem>>, vector<1x16xf32>,
    %get3A_1063 = arith.constant 1 : i32
    %get3A_1064 = arith.index_cast %get3A_1063 : i32 to index
    %get3A_1065 = arith.constant 96 : index
    %get3A_1066 = tpu.vector_load %arg5[%get3A_1064, %get3A_1065] {strides = array<i32>} : memref<4x640xf32, #tpu.memory_space<vmem>>, vector<1x16xf32>,
    %get3A_1067 = vector.shape_cast %get3A_1066 : vector<1x16xf32> to vector<16xf32>
    %mul3A_1068 = arith.constant 0.875280559 : f32
    %mul3A_1069 = vector.broadcast %mul3A_1068 : f32 to vector<16xf32>
    %mul3A_1070 = arith.mulf %mul3A_1069, %get3A_1067 : vector<16xf32>
    %get3A_1071 = arith.constant 1 : i32
    %get3A_1072 = arith.index_cast %get3A_1071 : i32 to index
    %get3A_1073 = arith.constant 96 : index
    %get3A_1074 = tpu.vector_load %arg6[%get3A_1072, %get3A_1073] {strides = array<i32>} : memref<4x640xf32, #tpu.memory_space<vmem>>, vector<1x16xf32>,
    %get3A_1075 = vector.shape_cast %get3A_1074 : vector<1x16xf32> to vector<16xf32>
    %mul3A_1076 = arith.constant 0.124719448 : f32
    %mul3A_1077 = vector.broadcast %mul3A_1076 : f32 to vector<16xf32>
    %mul3A_1078 = arith.mulf %mul3A_1077, %get3A_1075 : vector<16xf32>
    %add3A_1079 = arith.addf %mul3A_1070, %mul3A_1078 : vector<16xf32>
    %swap3A_1080 = arith.constant 1 : i32
    %swap3A_1081 = arith.index_cast %swap3A_1080 : i32 to index
    %swap3A_1082 = arith.constant 96 : index
    %swap3A_1083 = tpu.vector_load %arg5[%swap3A_1081, %swap3A_1082] {strides = array<i32>} : memref<4x640xf32, #tpu.memory_space<vmem>>, vector<1x16xf32>,
    %swap3A_1084 = vector.shape_cast %swap3A_1083 : vector<1x16xf32> to vector<16xf32>
    %swap3A_1085 = vector.shape_cast %add3A_1079 : vector<16xf32> to vector<1x16xf32>
    tpu.vector_store %arg5[%swap3A_1081, %swap3A_1082], %swap3A_1085 {strides = array<i32>} : memref<4x640xf32, #tpu.memory_space<vmem>>, vector<1x16xf32>,
    %get3A_1086 = arith.constant 1 : i32
    %get3A_1087 = arith.index_cast %get3A_1086 : i32 to index
    %get3A_1088 = arith.constant 112 : index
    %get3A_1089 = tpu.vector_load %arg5[%get3A_1087, %get3A_1088] {strides = array<i32>} : memref<4x640xf32, #tpu.memory_space<vmem>>, vector<1x16xf32>,
    %get3A_1090 = vector.shape_cast %get3A_1089 : vector<1x16xf32> to vector<16xf32>
    %mul3A_1091 = arith.constant 0.875280559 : f32
    %mul3A_1092 = vector.broadcast %mul3A_1091 : f32 to vector<16xf32>
    %mul3A_1093 = arith.mulf %mul3A_1092, %get3A_1090 : vector<16xf32>
    %get3A_1094 = arith.constant 1 : i32
    %get3A_1095 = arith.index_cast %get3A_1094 : i32 to index
    %get3A_1096 = arith.constant 112 : index
    %get3A_1097 = tpu.vector_load %arg6[%get3A_1095, %get3A_1096] {strides = array<i32>} : memref<4x640xf32, #tpu.memory_space<vmem>>, vector<1x16xf32>,
    %get3A_1098 = vector.shape_cast %get3A_1097 : vector<1x16xf32> to vector<16xf32>
    %mul3A_1099 = arith.constant 0.124719448 : f32
    %mul3A_1100 = vector.broadcast %mul3A_1099 : f32 to vector<16xf32>
    %mul3A_1101 = arith.mulf %mul3A_1100, %get3A_1098 : vector<16xf32>
    %add3A_1102 = arith.addf %mul3A_1093, %mul3A_1101 : vector<16xf32>
    %swap3A_1103 = arith.constant 1 : i32
    %swap3A_1104 = arith.index_cast %swap3A_1103 : i32 to index
    %swap3A_1105 = arith.constant 112 : index
    %swap3A_1106 = tpu.vector_load %arg5[%swap3A_1104, %swap3A_1105] {strides = array<i32>} : memref<4x640xf32, #tpu.memory_space<vmem>>, vector<1x16xf32>,
    %swap3A_1107 = vector.shape_cast %swap3A_1106 : vector<1x16xf32> to vector<16xf32>
    %swap3A_1108 = vector.shape_cast %add3A_1102 : vector<16xf32> to vector<1x16xf32>
    tpu.vector_store %arg5[%swap3A_1104, %swap3A_1105], %swap3A_1108 {strides = array<i32>} : memref<4x640xf32, #tpu.memory_space<vmem>>, vector<1x16xf32>,
    %get3A_1109 = arith.constant 1 : i32
    %get3A_1110 = arith.index_cast %get3A_1109 : i32 to index
    %get3A_1111 = arith.constant 128 : index
    %get3A_1112 = tpu.vector_load %arg5[%get3A_1110, %get3A_1111] {strides = array<i32>} : memref<4x640xf32, #tpu.memory_space<vmem>>, vector<1x16xf32>,
    %get3A_1113 = vector.shape_cast %get3A_1112 : vector<1x16xf32> to vector<16xf32>
    %mul3A_1114 = arith.constant 0.875280559 : f32
    %mul3A_1115 = vector.broadcast %mul3A_1114 : f32 to vector<16xf32>
    %mul3A_1116 = arith.mulf %mul3A_1115, %get3A_1113 : vector<16xf32>
    %get3A_1117 = arith.constant 1 : i32
    %get3A_1118 = arith.index_cast %get3A_1117 : i32 to index
    %get3A_1119 = arith.constant 128 : index
    %get3A_1120 = tpu.vector_load %arg6[%get3A_1118, %get3A_1119] {strides = array<i32>} : memref<4x640xf32, #tpu.memory_space<vmem>>, vector<1x16xf32>,
    %get3A_1121 = vector.shape_cast %get3A_1120 : vector<1x16xf32> to vector<16xf32>
    %mul3A_1122 = arith.constant 0.124719448 : f32
    %mul3A_1123 = vector.broadcast %mul3A_1122 : f32 to vector<16xf32>
    %mul3A_1124 = arith.mulf %mul3A_1123, %get3A_1121 : vector<16xf32>
    %add3A_1125 = arith.addf %mul3A_1116, %mul3A_1124 : vector<16xf32>
    %swap3A_1126 = arith.constant 1 : i32
    %swap3A_1127 = arith.index_cast %swap3A_1126 : i32 to index
    %swap3A_1128 = arith.constant 128 : index
    %swap3A_1129 = tpu.vector_load %arg5[%swap3A_1127, %swap3A_1128] {strides = array<i32>} : memref<4x640xf32, #tpu.memory_space<vmem>>, vector<1x16xf32>,
    %swap3A_1130 = vector.shape_cast %swap3A_1129 : vector<1x16xf32> to vector<16xf32>
    %swap3A_1131 = vector.shape_cast %add3A_1125 : vector<16xf32> to vector<1x16xf32>
    tpu.vector_store %arg5[%swap3A_1127, %swap3A_1128], %swap3A_1131 {strides = array<i32>} : memref<4x640xf32, #tpu.memory_space<vmem>>, vector<1x16xf32>,
    %get3A_1132 = arith.constant 1 : i32
    %get3A_1133 = arith.index_cast %get3A_1132 : i32 to index
    %get3A_1134 = arith.constant 144 : index
    %get3A_1135 = tpu.vector_load %arg5[%get3A_1133, %get3A_1134] {strides = array<i32>} : memref<4x640xf32, #tpu.memory_space<vmem>>, vector<1x16xf32>,
    %get3A_1136 = vector.shape_cast %get3A_1135 : vector<1x16xf32> to vector<16xf32>
    %mul3A_1137 = arith.constant 0.875280559 : f32
    %mul3A_1138 = vector.broadcast %mul3A_1137 : f32 to vector<16xf32>
    %mul3A_1139 = arith.mulf %mul3A_1138, %get3A_1136 : vector<16xf32>
    %get3A_1140 = arith.constant 1 : i32
    %get3A_1141 = arith.index_cast %get3A_1140 : i32 to index
    %get3A_1142 = arith.constant 144 : index
    %get3A_1143 = tpu.vector_load %arg6[%get3A_1141, %get3A_1142] {strides = array<i32>} : memref<4x640xf32, #tpu.memory_space<vmem>>, vector<1x16xf32>,
    %get3A_1144 = vector.shape_cast %get3A_1143 : vector<1x16xf32> to vector<16xf32>
    %mul3A_1145 = arith.constant 0.124719448 : f32
    %mul3A_1146 = vector.broadcast %mul3A_1145 : f32 to vector<16xf32>
    %mul3A_1147 = arith.mulf %mul3A_1146, %get3A_1144 : vector<16xf32>
    %add3A_1148 = arith.addf %mul3A_1139, %mul3A_1147 : vector<16xf32>
    %swap3A_1149 = arith.constant 1 : i32
    %swap3A_1150 = arith.index_cast %swap3A_1149 : i32 to index
    %swap3A_1151 = arith.constant 144 : index
    %swap3A_1152 = tpu.vector_load %arg5[%swap3A_1150, %swap3A_1151] {strides = array<i32>} : memref<4x640xf32, #tpu.memory_space<vmem>>, vector<1x16xf32>,
    %swap3A_1153 = vector.shape_cast %swap3A_1152 : vector<1x16xf32> to vector<16xf32>
    %swap3A_1154 = vector.shape_cast %add3A_1148 : vector<16xf32> to vector<1x16xf32>
    tpu.vector_store %arg5[%swap3A_1150, %swap3A_1151], %swap3A_1154 {strides = array<i32>} : memref<4x640xf32, #tpu.memory_space<vmem>>, vector<1x16xf32>,
    %get3A_1155 = arith.constant 1 : i32
    %get3A_1156 = arith.index_cast %get3A_1155 : i32 to index
    %get3A_1157 = arith.constant 160 : index
    %get3A_1158 = tpu.vector_load %arg5[%get3A_1156, %get3A_1157] {strides = array<i32>} : memref<4x640xf32, #tpu.memory_space<vmem>>, vector<1x16xf32>,
    %get3A_1159 = vector.shape_cast %get3A_1158 : vector<1x16xf32> to vector<16xf32>
    %mul3A_1160 = arith.constant 0.875280559 : f32
    %mul3A_1161 = vector.broadcast %mul3A_1160 : f32 to vector<16xf32>
    %mul3A_1162 = arith.mulf %mul3A_1161, %get3A_1159 : vector<16xf32>
    %get3A_1163 = arith.constant 1 : i32
    %get3A_1164 = arith.index_cast %get3A_1163 : i32 to index
    %get3A_1165 = arith.constant 160 : index
    %get3A_1166 = tpu.vector_load %arg6[%get3A_1164, %get3A_1165] {strides = array<i32>} : memref<4x640xf32, #tpu.memory_space<vmem>>, vector<1x16xf32>,
    %get3A_1167 = vector.shape_cast %get3A_1166 : vector<1x16xf32> to vector<16xf32>
    %mul3A_1168 = arith.constant 0.124719448 : f32
    %mul3A_1169 = vector.broadcast %mul3A_1168 : f32 to vector<16xf32>
    %mul3A_1170 = arith.mulf %mul3A_1169, %get3A_1167 : vector<16xf32>
    %add3A_1171 = arith.addf %mul3A_1162, %mul3A_1170 : vector<16xf32>
    %swap3A_1172 = arith.constant 1 : i32
    %swap3A_1173 = arith.index_cast %swap3A_1172 : i32 to index
    %swap3A_1174 = arith.constant 160 : index
    %swap3A_1175 = tpu.vector_load %arg5[%swap3A_1173, %swap3A_1174] {strides = array<i32>} : memref<4x640xf32, #tpu.memory_space<vmem>>, vector<1x16xf32>,
    %swap3A_1176 = vector.shape_cast %swap3A_1175 : vector<1x16xf32> to vector<16xf32>
    %swap3A_1177 = vector.shape_cast %add3A_1171 : vector<16xf32> to vector<1x16xf32>
    tpu.vector_store %arg5[%swap3A_1173, %swap3A_1174], %swap3A_1177 {strides = array<i32>} : memref<4x640xf32, #tpu.memory_space<vmem>>, vector<1x16xf32>,
    %get3A_1178 = arith.constant 1 : i32
    %get3A_1179 = arith.index_cast %get3A_1178 : i32 to index
    %get3A_1180 = arith.constant 176 : index
    %get3A_1181 = tpu.vector_load %arg5[%get3A_1179, %get3A_1180] {strides = array<i32>} : memref<4x640xf32, #tpu.memory_space<vmem>>, vector<1x16xf32>,
    %get3A_1182 = vector.shape_cast %get3A_1181 : vector<1x16xf32> to vector<16xf32>
    %mul3A_1183 = arith.constant 0.875280559 : f32
    %mul3A_1184 = vector.broadcast %mul3A_1183 : f32 to vector<16xf32>
    %mul3A_1185 = arith.mulf %mul3A_1184, %get3A_1182 : vector<16xf32>
    %get3A_1186 = arith.constant 1 : i32
    %get3A_1187 = arith.index_cast %get3A_1186 : i32 to index
    %get3A_1188 = arith.constant 176 : index
    %get3A_1189 = tpu.vector_load %arg6[%get3A_1187, %get3A_1188] {strides = array<i32>} : memref<4x640xf32, #tpu.memory_space<vmem>>, vector<1x16xf32>,
    %get3A_1190 = vector.shape_cast %get3A_1189 : vector<1x16xf32> to vector<16xf32>
    %mul3A_1191 = arith.constant 0.124719448 : f32
    %mul3A_1192 = vector.broadcast %mul3A_1191 : f32 to vector<16xf32>
    %mul3A_1193 = arith.mulf %mul3A_1192, %get3A_1190 : vector<16xf32>
    %add3A_1194 = arith.addf %mul3A_1185, %mul3A_1193 : vector<16xf32>
    %swap3A_1195 = arith.constant 1 : i32
    %swap3A_1196 = arith.index_cast %swap3A_1195 : i32 to index
    %swap3A_1197 = arith.constant 176 : index
    %swap3A_1198 = tpu.vector_load %arg5[%swap3A_1196, %swap3A_1197] {strides = array<i32>} : memref<4x640xf32, #tpu.memory_space<vmem>>, vector<1x16xf32>,
    %swap3A_1199 = vector.shape_cast %swap3A_1198 : vector<1x16xf32> to vector<16xf32>
    %swap3A_1200 = vector.shape_cast %add3A_1194 : vector<16xf32> to vector<1x16xf32>
    tpu.vector_store %arg5[%swap3A_1196, %swap3A_1197], %swap3A_1200 {strides = array<i32>} : memref<4x640xf32, #tpu.memory_space<vmem>>, vector<1x16xf32>,
    %get3A_1201 = arith.constant 1 : i32
    %get3A_1202 = arith.index_cast %get3A_1201 : i32 to index
    %get3A_1203 = arith.constant 192 : index
    %get3A_1204 = tpu.vector_load %arg5[%get3A_1202, %get3A_1203] {strides = array<i32>} : memref<4x640xf32, #tpu.memory_space<vmem>>, vector<1x16xf32>,
    %get3A_1205 = vector.shape_cast %get3A_1204 : vector<1x16xf32> to vector<16xf32>
    %mul3A_1206 = arith.constant 0.875280559 : f32
    %mul3A_1207 = vector.broadcast %mul3A_1206 : f32 to vector<16xf32>
    %mul3A_1208 = arith.mulf %mul3A_1207, %get3A_1205 : vector<16xf32>
    %get3A_1209 = arith.constant 1 : i32
    %get3A_1210 = arith.index_cast %get3A_1209 : i32 to index
    %get3A_1211 = arith.constant 192 : index
    %get3A_1212 = tpu.vector_load %arg6[%get3A_1210, %get3A_1211] {strides = array<i32>} : memref<4x640xf32, #tpu.memory_space<vmem>>, vector<1x16xf32>,
    %get3A_1213 = vector.shape_cast %get3A_1212 : vector<1x16xf32> to vector<16xf32>
    %mul3A_1214 = arith.constant 0.124719448 : f32
    %mul3A_1215 = vector.broadcast %mul3A_1214 : f32 to vector<16xf32>
    %mul3A_1216 = arith.mulf %mul3A_1215, %get3A_1213 : vector<16xf32>
    %add3A_1217 = arith.addf %mul3A_1208, %mul3A_1216 : vector<16xf32>
    %swap3A_1218 = arith.constant 1 : i32
    %swap3A_1219 = arith.index_cast %swap3A_1218 : i32 to index
    %swap3A_1220 = arith.constant 192 : index
    %swap3A_1221 = tpu.vector_load %arg5[%swap3A_1219, %swap3A_1220] {strides = array<i32>} : memref<4x640xf32, #tpu.memory_space<vmem>>, vector<1x16xf32>,
    %swap3A_1222 = vector.shape_cast %swap3A_1221 : vector<1x16xf32> to vector<16xf32>
    %swap3A_1223 = vector.shape_cast %add3A_1217 : vector<16xf32> to vector<1x16xf32>
    tpu.vector_store %arg5[%swap3A_1219, %swap3A_1220], %swap3A_1223 {strides = array<i32>} : memref<4x640xf32, #tpu.memory_space<vmem>>, vector<1x16xf32>,
    %get3A_1224 = arith.constant 1 : i32
    %get3A_1225 = arith.index_cast %get3A_1224 : i32 to index
    %get3A_1226 = arith.constant 208 : index
    %get3A_1227 = tpu.vector_load %arg5[%get3A_1225, %get3A_1226] {strides = array<i32>} : memref<4x640xf32, #tpu.memory_space<vmem>>, vector<1x16xf32>,
    %get3A_1228 = vector.shape_cast %get3A_1227 : vector<1x16xf32> to vector<16xf32>
    %mul3A_1229 = arith.constant 0.875280559 : f32
    %mul3A_1230 = vector.broadcast %mul3A_1229 : f32 to vector<16xf32>
    %mul3A_1231 = arith.mulf %mul3A_1230, %get3A_1228 : vector<16xf32>
    %get3A_1232 = arith.constant 1 : i32
    %get3A_1233 = arith.index_cast %get3A_1232 : i32 to index
    %get3A_1234 = arith.constant 208 : index
    %get3A_1235 = tpu.vector_load %arg6[%get3A_1233, %get3A_1234] {strides = array<i32>} : memref<4x640xf32, #tpu.memory_space<vmem>>, vector<1x16xf32>,
    %get3A_1236 = vector.shape_cast %get3A_1235 : vector<1x16xf32> to vector<16xf32>
    %mul3A_1237 = arith.constant 0.124719448 : f32
    %mul3A_1238 = vector.broadcast %mul3A_1237 : f32 to vector<16xf32>
    %mul3A_1239 = arith.mulf %mul3A_1238, %get3A_1236 : vector<16xf32>
    %add3A_1240 = arith.addf %mul3A_1231, %mul3A_1239 : vector<16xf32>
    %swap3A_1241 = arith.constant 1 : i32
    %swap3A_1242 = arith.index_cast %swap3A_1241 : i32 to index
    %swap3A_1243 = arith.constant 208 : index
    %swap3A_1244 = tpu.vector_load %arg5[%swap3A_1242, %swap3A_1243] {strides = array<i32>} : memref<4x640xf32, #tpu.memory_space<vmem>>, vector<1x16xf32>,
    %swap3A_1245 = vector.shape_cast %swap3A_1244 : vector<1x16xf32> to vector<16xf32>
    %swap3A_1246 = vector.shape_cast %add3A_1240 : vector<16xf32> to vector<1x16xf32>
    tpu.vector_store %arg5[%swap3A_1242, %swap3A_1243], %swap3A_1246 {strides = array<i32>} : memref<4x640xf32, #tpu.memory_space<vmem>>, vector<1x16xf32>,
    %get3A_1247 = arith.constant 1 : i32
    %get3A_1248 = arith.index_cast %get3A_1247 : i32 to index
    %get3A_1249 = arith.constant 224 : index
    %get3A_1250 = tpu.vector_load %arg5[%get3A_1248, %get3A_1249] {strides = array<i32>} : memref<4x640xf32, #tpu.memory_space<vmem>>, vector<1x16xf32>,
    %get3A_1251 = vector.shape_cast %get3A_1250 : vector<1x16xf32> to vector<16xf32>
    %mul3A_1252 = arith.constant 0.875280559 : f32
    %mul3A_1253 = vector.broadcast %mul3A_1252 : f32 to vector<16xf32>
    %mul3A_1254 = arith.mulf %mul3A_1253, %get3A_1251 : vector<16xf32>
    %get3A_1255 = arith.constant 1 : i32
    %get3A_1256 = arith.index_cast %get3A_1255 : i32 to index
    %get3A_1257 = arith.constant 224 : index
    %get3A_1258 = tpu.vector_load %arg6[%get3A_1256, %get3A_1257] {strides = array<i32>} : memref<4x640xf32, #tpu.memory_space<vmem>>, vector<1x16xf32>,
    %get3A_1259 = vector.shape_cast %get3A_1258 : vector<1x16xf32> to vector<16xf32>
    %mul3A_1260 = arith.constant 0.124719448 : f32
    %mul3A_1261 = vector.broadcast %mul3A_1260 : f32 to vector<16xf32>
    %mul3A_1262 = arith.mulf %mul3A_1261, %get3A_1259 : vector<16xf32>
    %add3A_1263 = arith.addf %mul3A_1254, %mul3A_1262 : vector<16xf32>
    %swap3A_1264 = arith.constant 1 : i32
    %swap3A_1265 = arith.index_cast %swap3A_1264 : i32 to index
    %swap3A_1266 = arith.constant 224 : index
    %swap3A_1267 = tpu.vector_load %arg5[%swap3A_1265, %swap3A_1266] {strides = array<i32>} : memref<4x640xf32, #tpu.memory_space<vmem>>, vector<1x16xf32>,
    %swap3A_1268 = vector.shape_cast %swap3A_1267 : vector<1x16xf32> to vector<16xf32>
    %swap3A_1269 = vector.shape_cast %add3A_1263 : vector<16xf32> to vector<1x16xf32>
    tpu.vector_store %arg5[%swap3A_1265, %swap3A_1266], %swap3A_1269 {strides = array<i32>} : memref<4x640xf32, #tpu.memory_space<vmem>>, vector<1x16xf32>,
    %get3A_1270 = arith.constant 1 : i32
    %get3A_1271 = arith.index_cast %get3A_1270 : i32 to index
    %get3A_1272 = arith.constant 240 : index
    %get3A_1273 = tpu.vector_load %arg5[%get3A_1271, %get3A_1272] {strides = array<i32>} : memref<4x640xf32, #tpu.memory_space<vmem>>, vector<1x16xf32>,
    %get3A_1274 = vector.shape_cast %get3A_1273 : vector<1x16xf32> to vector<16xf32>
    %mul3A_1275 = arith.constant 0.875280559 : f32
    %mul3A_1276 = vector.broadcast %mul3A_1275 : f32 to vector<16xf32>
    %mul3A_1277 = arith.mulf %mul3A_1276, %get3A_1274 : vector<16xf32>
    %get3A_1278 = arith.constant 1 : i32
    %get3A_1279 = arith.index_cast %get3A_1278 : i32 to index
    %get3A_1280 = arith.constant 240 : index
    %get3A_1281 = tpu.vector_load %arg6[%get3A_1279, %get3A_1280] {strides = array<i32>} : memref<4x640xf32, #tpu.memory_space<vmem>>, vector<1x16xf32>,
    %get3A_1282 = vector.shape_cast %get3A_1281 : vector<1x16xf32> to vector<16xf32>
    %mul3A_1283 = arith.constant 0.124719448 : f32
    %mul3A_1284 = vector.broadcast %mul3A_1283 : f32 to vector<16xf32>
    %mul3A_1285 = arith.mulf %mul3A_1284, %get3A_1282 : vector<16xf32>
    %add3A_1286 = arith.addf %mul3A_1277, %mul3A_1285 : vector<16xf32>
    %swap3A_1287 = arith.constant 1 : i32
    %swap3A_1288 = arith.index_cast %swap3A_1287 : i32 to index
    %swap3A_1289 = arith.constant 240 : index
    %swap3A_1290 = tpu.vector_load %arg5[%swap3A_1288, %swap3A_1289] {strides = array<i32>} : memref<4x640xf32, #tpu.memory_space<vmem>>, vector<1x16xf32>,
    %swap3A_1291 = vector.shape_cast %swap3A_1290 : vector<1x16xf32> to vector<16xf32>
    %swap3A_1292 = vector.shape_cast %add3A_1286 : vector<16xf32> to vector<1x16xf32>
    tpu.vector_store %arg5[%swap3A_1288, %swap3A_1289], %swap3A_1292 {strides = array<i32>} : memref<4x640xf32, #tpu.memory_space<vmem>>, vector<1x16xf32>,
    %get3A_1293 = arith.constant 1 : i32
    %get3A_1294 = arith.index_cast %get3A_1293 : i32 to index
    %get3A_1295 = arith.constant 256 : index
    %get3A_1296 = tpu.vector_load %arg5[%get3A_1294, %get3A_1295] {strides = array<i32>} : memref<4x640xf32, #tpu.memory_space<vmem>>, vector<1x16xf32>,
    %get3A_1297 = vector.shape_cast %get3A_1296 : vector<1x16xf32> to vector<16xf32>
    %mul3A_1298 = arith.constant 0.875280559 : f32
    %mul3A_1299 = vector.broadcast %mul3A_1298 : f32 to vector<16xf32>
    %mul3A_1300 = arith.mulf %mul3A_1299, %get3A_1297 : vector<16xf32>
    %get3A_1301 = arith.constant 1 : i32
    %get3A_1302 = arith.index_cast %get3A_1301 : i32 to index
    %get3A_1303 = arith.constant 256 : index
    %get3A_1304 = tpu.vector_load %arg6[%get3A_1302, %get3A_1303] {strides = array<i32>} : memref<4x640xf32, #tpu.memory_space<vmem>>, vector<1x16xf32>,
    %get3A_1305 = vector.shape_cast %get3A_1304 : vector<1x16xf32> to vector<16xf32>
    %mul3A_1306 = arith.constant 0.124719448 : f32
    %mul3A_1307 = vector.broadcast %mul3A_1306 : f32 to vector<16xf32>
    %mul3A_1308 = arith.mulf %mul3A_1307, %get3A_1305 : vector<16xf32>
    %add3A_1309 = arith.addf %mul3A_1300, %mul3A_1308 : vector<16xf32>
    %swap3A_1310 = arith.constant 1 : i32
    %swap3A_1311 = arith.index_cast %swap3A_1310 : i32 to index
    %swap3A_1312 = arith.constant 256 : index
    %swap3A_1313 = tpu.vector_load %arg5[%swap3A_1311, %swap3A_1312] {strides = array<i32>} : memref<4x640xf32, #tpu.memory_space<vmem>>, vector<1x16xf32>,
    %swap3A_1314 = vector.shape_cast %swap3A_1313 : vector<1x16xf32> to vector<16xf32>
    %swap3A_1315 = vector.shape_cast %add3A_1309 : vector<16xf32> to vector<1x16xf32>
    tpu.vector_store %arg5[%swap3A_1311, %swap3A_1312], %swap3A_1315 {strides = array<i32>} : memref<4x640xf32, #tpu.memory_space<vmem>>, vector<1x16xf32>,
    %get3A_1316 = arith.constant 1 : i32
    %get3A_1317 = arith.index_cast %get3A_1316 : i32 to index
    %get3A_1318 = arith.constant 272 : index
    %get3A_1319 = tpu.vector_load %arg5[%get3A_1317, %get3A_1318] {strides = array<i32>} : memref<4x640xf32, #tpu.memory_space<vmem>>, vector<1x16xf32>,
    %get3A_1320 = vector.shape_cast %get3A_1319 : vector<1x16xf32> to vector<16xf32>
    %mul3A_1321 = arith.constant 0.875280559 : f32
    %mul3A_1322 = vector.broadcast %mul3A_1321 : f32 to vector<16xf32>
    %mul3A_1323 = arith.mulf %mul3A_1322, %get3A_1320 : vector<16xf32>
    %get3A_1324 = arith.constant 1 : i32
    %get3A_1325 = arith.index_cast %get3A_1324 : i32 to index
    %get3A_1326 = arith.constant 272 : index
    %get3A_1327 = tpu.vector_load %arg6[%get3A_1325, %get3A_1326] {strides = array<i32>} : memref<4x640xf32, #tpu.memory_space<vmem>>, vector<1x16xf32>,
    %get3A_1328 = vector.shape_cast %get3A_1327 : vector<1x16xf32> to vector<16xf32>
    %mul3A_1329 = arith.constant 0.124719448 : f32
    %mul3A_1330 = vector.broadcast %mul3A_1329 : f32 to vector<16xf32>
    %mul3A_1331 = arith.mulf %mul3A_1330, %get3A_1328 : vector<16xf32>
    %add3A_1332 = arith.addf %mul3A_1323, %mul3A_1331 : vector<16xf32>
    %swap3A_1333 = arith.constant 1 : i32
    %swap3A_1334 = arith.index_cast %swap3A_1333 : i32 to index
    %swap3A_1335 = arith.constant 272 : index
    %swap3A_1336 = tpu.vector_load %arg5[%swap3A_1334, %swap3A_1335] {strides = array<i32>} : memref<4x640xf32, #tpu.memory_space<vmem>>, vector<1x16xf32>,
    %swap3A_1337 = vector.shape_cast %swap3A_1336 : vector<1x16xf32> to vector<16xf32>
    %swap3A_1338 = vector.shape_cast %add3A_1332 : vector<16xf32> to vector<1x16xf32>
    tpu.vector_store %arg5[%swap3A_1334, %swap3A_1335], %swap3A_1338 {strides = array<i32>} : memref<4x640xf32, #tpu.memory_space<vmem>>, vector<1x16xf32>,
    %get3A_1339 = arith.constant 1 : i32
    %get3A_1340 = arith.index_cast %get3A_1339 : i32 to index
    %get3A_1341 = arith.constant 288 : index
    %get3A_1342 = tpu.vector_load %arg5[%get3A_1340, %get3A_1341] {strides = array<i32>} : memref<4x640xf32, #tpu.memory_space<vmem>>, vector<1x16xf32>,
    %get3A_1343 = vector.shape_cast %get3A_1342 : vector<1x16xf32> to vector<16xf32>
    %mul3A_1344 = arith.constant 0.875280559 : f32
    %mul3A_1345 = vector.broadcast %mul3A_1344 : f32 to vector<16xf32>
    %mul3A_1346 = arith.mulf %mul3A_1345, %get3A_1343 : vector<16xf32>
    %get3A_1347 = arith.constant 1 : i32
    %get3A_1348 = arith.index_cast %get3A_1347 : i32 to index
    %get3A_1349 = arith.constant 288 : index
    %get3A_1350 = tpu.vector_load %arg6[%get3A_1348, %get3A_1349] {strides = array<i32>} : memref<4x640xf32, #tpu.memory_space<vmem>>, vector<1x16xf32>,
    %get3A_1351 = vector.shape_cast %get3A_1350 : vector<1x16xf32> to vector<16xf32>
    %mul3A_1352 = arith.constant 0.124719448 : f32
    %mul3A_1353 = vector.broadcast %mul3A_1352 : f32 to vector<16xf32>
    %mul3A_1354 = arith.mulf %mul3A_1353, %get3A_1351 : vector<16xf32>
    %add3A_1355 = arith.addf %mul3A_1346, %mul3A_1354 : vector<16xf32>
    %swap3A_1356 = arith.constant 1 : i32
    %swap3A_1357 = arith.index_cast %swap3A_1356 : i32 to index
    %swap3A_1358 = arith.constant 288 : index
    %swap3A_1359 = tpu.vector_load %arg5[%swap3A_1357, %swap3A_1358] {strides = array<i32>} : memref<4x640xf32, #tpu.memory_space<vmem>>, vector<1x16xf32>,
    %swap3A_1360 = vector.shape_cast %swap3A_1359 : vector<1x16xf32> to vector<16xf32>
    %swap3A_1361 = vector.shape_cast %add3A_1355 : vector<16xf32> to vector<1x16xf32>
    tpu.vector_store %arg5[%swap3A_1357, %swap3A_1358], %swap3A_1361 {strides = array<i32>} : memref<4x640xf32, #tpu.memory_space<vmem>>, vector<1x16xf32>,
    %get3A_1362 = arith.constant 1 : i32
    %get3A_1363 = arith.index_cast %get3A_1362 : i32 to index
    %get3A_1364 = arith.constant 304 : index
    %get3A_1365 = tpu.vector_load %arg5[%get3A_1363, %get3A_1364] {strides = array<i32>} : memref<4x640xf32, #tpu.memory_space<vmem>>, vector<1x16xf32>,
    %get3A_1366 = vector.shape_cast %get3A_1365 : vector<1x16xf32> to vector<16xf32>
    %mul3A_1367 = arith.constant 0.875280559 : f32
    %mul3A_1368 = vector.broadcast %mul3A_1367 : f32 to vector<16xf32>
    %mul3A_1369 = arith.mulf %mul3A_1368, %get3A_1366 : vector<16xf32>
    %get3A_1370 = arith.constant 1 : i32
    %get3A_1371 = arith.index_cast %get3A_1370 : i32 to index
    %get3A_1372 = arith.constant 304 : index
    %get3A_1373 = tpu.vector_load %arg6[%get3A_1371, %get3A_1372] {strides = array<i32>} : memref<4x640xf32, #tpu.memory_space<vmem>>, vector<1x16xf32>,
    %get3A_1374 = vector.shape_cast %get3A_1373 : vector<1x16xf32> to vector<16xf32>
    %mul3A_1375 = arith.constant 0.124719448 : f32
    %mul3A_1376 = vector.broadcast %mul3A_1375 : f32 to vector<16xf32>
    %mul3A_1377 = arith.mulf %mul3A_1376, %get3A_1374 : vector<16xf32>
    %add3A_1378 = arith.addf %mul3A_1369, %mul3A_1377 : vector<16xf32>
    %swap3A_1379 = arith.constant 1 : i32
    %swap3A_1380 = arith.index_cast %swap3A_1379 : i32 to index
    %swap3A_1381 = arith.constant 304 : index
    %swap3A_1382 = tpu.vector_load %arg5[%swap3A_1380, %swap3A_1381] {strides = array<i32>} : memref<4x640xf32, #tpu.memory_space<vmem>>, vector<1x16xf32>,
    %swap3A_1383 = vector.shape_cast %swap3A_1382 : vector<1x16xf32> to vector<16xf32>
    %swap3A_1384 = vector.shape_cast %add3A_1378 : vector<16xf32> to vector<1x16xf32>
    tpu.vector_store %arg5[%swap3A_1380, %swap3A_1381], %swap3A_1384 {strides = array<i32>} : memref<4x640xf32, #tpu.memory_space<vmem>>, vector<1x16xf32>,
    %get3A_1385 = arith.constant 1 : i32
    %get3A_1386 = arith.index_cast %get3A_1385 : i32 to index
    %get3A_1387 = arith.constant 320 : index
    %get3A_1388 = tpu.vector_load %arg5[%get3A_1386, %get3A_1387] {strides = array<i32>} : memref<4x640xf32, #tpu.memory_space<vmem>>, vector<1x16xf32>,
    %get3A_1389 = vector.shape_cast %get3A_1388 : vector<1x16xf32> to vector<16xf32>
    %mul3A_1390 = arith.constant 0.875280559 : f32
    %mul3A_1391 = vector.broadcast %mul3A_1390 : f32 to vector<16xf32>
    %mul3A_1392 = arith.mulf %mul3A_1391, %get3A_1389 : vector<16xf32>
    %get3A_1393 = arith.constant 1 : i32
    %get3A_1394 = arith.index_cast %get3A_1393 : i32 to index
    %get3A_1395 = arith.constant 320 : index
    %get3A_1396 = tpu.vector_load %arg6[%get3A_1394, %get3A_1395] {strides = array<i32>} : memref<4x640xf32, #tpu.memory_space<vmem>>, vector<1x16xf32>,
    %get3A_1397 = vector.shape_cast %get3A_1396 : vector<1x16xf32> to vector<16xf32>
    %mul3A_1398 = arith.constant 0.124719448 : f32
    %mul3A_1399 = vector.broadcast %mul3A_1398 : f32 to vector<16xf32>
    %mul3A_1400 = arith.mulf %mul3A_1399, %get3A_1397 : vector<16xf32>
    %add3A_1401 = arith.addf %mul3A_1392, %mul3A_1400 : vector<16xf32>
    %swap3A_1402 = arith.constant 1 : i32
    %swap3A_1403 = arith.index_cast %swap3A_1402 : i32 to index
    %swap3A_1404 = arith.constant 320 : index
    %swap3A_1405 = tpu.vector_load %arg5[%swap3A_1403, %swap3A_1404] {strides = array<i32>} : memref<4x640xf32, #tpu.memory_space<vmem>>, vector<1x16xf32>,
    %swap3A_1406 = vector.shape_cast %swap3A_1405 : vector<1x16xf32> to vector<16xf32>
    %swap3A_1407 = vector.shape_cast %add3A_1401 : vector<16xf32> to vector<1x16xf32>
    tpu.vector_store %arg5[%swap3A_1403, %swap3A_1404], %swap3A_1407 {strides = array<i32>} : memref<4x640xf32, #tpu.memory_space<vmem>>, vector<1x16xf32>,
    %get3A_1408 = arith.constant 1 : i32
    %get3A_1409 = arith.index_cast %get3A_1408 : i32 to index
    %get3A_1410 = arith.constant 336 : index
    %get3A_1411 = tpu.vector_load %arg5[%get3A_1409, %get3A_1410] {strides = array<i32>} : memref<4x640xf32, #tpu.memory_space<vmem>>, vector<1x16xf32>,
    %get3A_1412 = vector.shape_cast %get3A_1411 : vector<1x16xf32> to vector<16xf32>
    %mul3A_1413 = arith.constant 0.875280559 : f32
    %mul3A_1414 = vector.broadcast %mul3A_1413 : f32 to vector<16xf32>
    %mul3A_1415 = arith.mulf %mul3A_1414, %get3A_1412 : vector<16xf32>
    %get3A_1416 = arith.constant 1 : i32
    %get3A_1417 = arith.index_cast %get3A_1416 : i32 to index
    %get3A_1418 = arith.constant 336 : index
    %get3A_1419 = tpu.vector_load %arg6[%get3A_1417, %get3A_1418] {strides = array<i32>} : memref<4x640xf32, #tpu.memory_space<vmem>>, vector<1x16xf32>,
    %get3A_1420 = vector.shape_cast %get3A_1419 : vector<1x16xf32> to vector<16xf32>
    %mul3A_1421 = arith.constant 0.124719448 : f32
    %mul3A_1422 = vector.broadcast %mul3A_1421 : f32 to vector<16xf32>
    %mul3A_1423 = arith.mulf %mul3A_1422, %get3A_1420 : vector<16xf32>
    %add3A_1424 = arith.addf %mul3A_1415, %mul3A_1423 : vector<16xf32>
    %swap3A_1425 = arith.constant 1 : i32
    %swap3A_1426 = arith.index_cast %swap3A_1425 : i32 to index
    %swap3A_1427 = arith.constant 336 : index
    %swap3A_1428 = tpu.vector_load %arg5[%swap3A_1426, %swap3A_1427] {strides = array<i32>} : memref<4x640xf32, #tpu.memory_space<vmem>>, vector<1x16xf32>,
    %swap3A_1429 = vector.shape_cast %swap3A_1428 : vector<1x16xf32> to vector<16xf32>
    %swap3A_1430 = vector.shape_cast %add3A_1424 : vector<16xf32> to vector<1x16xf32>
    tpu.vector_store %arg5[%swap3A_1426, %swap3A_1427], %swap3A_1430 {strides = array<i32>} : memref<4x640xf32, #tpu.memory_space<vmem>>, vector<1x16xf32>,
    %get3A_1431 = arith.constant 1 : i32
    %get3A_1432 = arith.index_cast %get3A_1431 : i32 to index
    %get3A_1433 = arith.constant 352 : index
    %get3A_1434 = tpu.vector_load %arg5[%get3A_1432, %get3A_1433] {strides = array<i32>} : memref<4x640xf32, #tpu.memory_space<vmem>>, vector<1x16xf32>,
    %get3A_1435 = vector.shape_cast %get3A_1434 : vector<1x16xf32> to vector<16xf32>
    %mul3A_1436 = arith.constant 0.875280559 : f32
    %mul3A_1437 = vector.broadcast %mul3A_1436 : f32 to vector<16xf32>
    %mul3A_1438 = arith.mulf %mul3A_1437, %get3A_1435 : vector<16xf32>
    %get3A_1439 = arith.constant 1 : i32
    %get3A_1440 = arith.index_cast %get3A_1439 : i32 to index
    %get3A_1441 = arith.constant 352 : index
    %get3A_1442 = tpu.vector_load %arg6[%get3A_1440, %get3A_1441] {strides = array<i32>} : memref<4x640xf32, #tpu.memory_space<vmem>>, vector<1x16xf32>,
    %get3A_1443 = vector.shape_cast %get3A_1442 : vector<1x16xf32> to vector<16xf32>
    %mul3A_1444 = arith.constant 0.124719448 : f32
    %mul3A_1445 = vector.broadcast %mul3A_1444 : f32 to vector<16xf32>
    %mul3A_1446 = arith.mulf %mul3A_1445, %get3A_1443 : vector<16xf32>
    %add3A_1447 = arith.addf %mul3A_1438, %mul3A_1446 : vector<16xf32>
    %swap3A_1448 = arith.constant 1 : i32
    %swap3A_1449 = arith.index_cast %swap3A_1448 : i32 to index
    %swap3A_1450 = arith.constant 352 : index
    %swap3A_1451 = tpu.vector_load %arg5[%swap3A_1449, %swap3A_1450] {strides = array<i32>} : memref<4x640xf32, #tpu.memory_space<vmem>>, vector<1x16xf32>,
    %swap3A_1452 = vector.shape_cast %swap3A_1451 : vector<1x16xf32> to vector<16xf32>
    %swap3A_1453 = vector.shape_cast %add3A_1447 : vector<16xf32> to vector<1x16xf32>
    tpu.vector_store %arg5[%swap3A_1449, %swap3A_1450], %swap3A_1453 {strides = array<i32>} : memref<4x640xf32, #tpu.memory_space<vmem>>, vector<1x16xf32>,
    %get3A_1454 = arith.constant 1 : i32
    %get3A_1455 = arith.index_cast %get3A_1454 : i32 to index
    %get3A_1456 = arith.constant 368 : index
    %get3A_1457 = tpu.vector_load %arg5[%get3A_1455, %get3A_1456] {strides = array<i32>} : memref<4x640xf32, #tpu.memory_space<vmem>>, vector<1x16xf32>,
    %get3A_1458 = vector.shape_cast %get3A_1457 : vector<1x16xf32> to vector<16xf32>
    %mul3A_1459 = arith.constant 0.875280559 : f32
    %mul3A_1460 = vector.broadcast %mul3A_1459 : f32 to vector<16xf32>
    %mul3A_1461 = arith.mulf %mul3A_1460, %get3A_1458 : vector<16xf32>
    %get3A_1462 = arith.constant 1 : i32
    %get3A_1463 = arith.index_cast %get3A_1462 : i32 to index
    %get3A_1464 = arith.constant 368 : index
    %get3A_1465 = tpu.vector_load %arg6[%get3A_1463, %get3A_1464] {strides = array<i32>} : memref<4x640xf32, #tpu.memory_space<vmem>>, vector<1x16xf32>,
    %get3A_1466 = vector.shape_cast %get3A_1465 : vector<1x16xf32> to vector<16xf32>
    %mul3A_1467 = arith.constant 0.124719448 : f32
    %mul3A_1468 = vector.broadcast %mul3A_1467 : f32 to vector<16xf32>
    %mul3A_1469 = arith.mulf %mul3A_1468, %get3A_1466 : vector<16xf32>
    %add3A_1470 = arith.addf %mul3A_1461, %mul3A_1469 : vector<16xf32>
    %swap3A_1471 = arith.constant 1 : i32
    %swap3A_1472 = arith.index_cast %swap3A_1471 : i32 to index
    %swap3A_1473 = arith.constant 368 : index
    %swap3A_1474 = tpu.vector_load %arg5[%swap3A_1472, %swap3A_1473] {strides = array<i32>} : memref<4x640xf32, #tpu.memory_space<vmem>>, vector<1x16xf32>,
    %swap3A_1475 = vector.shape_cast %swap3A_1474 : vector<1x16xf32> to vector<16xf32>
    %swap3A_1476 = vector.shape_cast %add3A_1470 : vector<16xf32> to vector<1x16xf32>
    tpu.vector_store %arg5[%swap3A_1472, %swap3A_1473], %swap3A_1476 {strides = array<i32>} : memref<4x640xf32, #tpu.memory_space<vmem>>, vector<1x16xf32>,
    %get3A_1477 = arith.constant 1 : i32
    %get3A_1478 = arith.index_cast %get3A_1477 : i32 to index
    %get3A_1479 = arith.constant 384 : index
    %get3A_1480 = tpu.vector_load %arg5[%get3A_1478, %get3A_1479] {strides = array<i32>} : memref<4x640xf32, #tpu.memory_space<vmem>>, vector<1x16xf32>,
    %get3A_1481 = vector.shape_cast %get3A_1480 : vector<1x16xf32> to vector<16xf32>
    %mul3A_1482 = arith.constant 0.875280559 : f32
    %mul3A_1483 = vector.broadcast %mul3A_1482 : f32 to vector<16xf32>
    %mul3A_1484 = arith.mulf %mul3A_1483, %get3A_1481 : vector<16xf32>
    %get3A_1485 = arith.constant 1 : i32
    %get3A_1486 = arith.index_cast %get3A_1485 : i32 to index
    %get3A_1487 = arith.constant 384 : index
    %get3A_1488 = tpu.vector_load %arg6[%get3A_1486, %get3A_1487] {strides = array<i32>} : memref<4x640xf32, #tpu.memory_space<vmem>>, vector<1x16xf32>,
    %get3A_1489 = vector.shape_cast %get3A_1488 : vector<1x16xf32> to vector<16xf32>
    %mul3A_1490 = arith.constant 0.124719448 : f32
    %mul3A_1491 = vector.broadcast %mul3A_1490 : f32 to vector<16xf32>
    %mul3A_1492 = arith.mulf %mul3A_1491, %get3A_1489 : vector<16xf32>
    %add3A_1493 = arith.addf %mul3A_1484, %mul3A_1492 : vector<16xf32>
    %swap3A_1494 = arith.constant 1 : i32
    %swap3A_1495 = arith.index_cast %swap3A_1494 : i32 to index
    %swap3A_1496 = arith.constant 384 : index
    %swap3A_1497 = tpu.vector_load %arg5[%swap3A_1495, %swap3A_1496] {strides = array<i32>} : memref<4x640xf32, #tpu.memory_space<vmem>>, vector<1x16xf32>,
    %swap3A_1498 = vector.shape_cast %swap3A_1497 : vector<1x16xf32> to vector<16xf32>
    %swap3A_1499 = vector.shape_cast %add3A_1493 : vector<16xf32> to vector<1x16xf32>
    tpu.vector_store %arg5[%swap3A_1495, %swap3A_1496], %swap3A_1499 {strides = array<i32>} : memref<4x640xf32, #tpu.memory_space<vmem>>, vector<1x16xf32>,
    %get3A_1500 = arith.constant 1 : i32
    %get3A_1501 = arith.index_cast %get3A_1500 : i32 to index
    %get3A_1502 = arith.constant 400 : index
    %get3A_1503 = tpu.vector_load %arg5[%get3A_1501, %get3A_1502] {strides = array<i32>} : memref<4x640xf32, #tpu.memory_space<vmem>>, vector<1x16xf32>,
    %get3A_1504 = vector.shape_cast %get3A_1503 : vector<1x16xf32> to vector<16xf32>
    %mul3A_1505 = arith.constant 0.875280559 : f32
    %mul3A_1506 = vector.broadcast %mul3A_1505 : f32 to vector<16xf32>
    %mul3A_1507 = arith.mulf %mul3A_1506, %get3A_1504 : vector<16xf32>
    %get3A_1508 = arith.constant 1 : i32
    %get3A_1509 = arith.index_cast %get3A_1508 : i32 to index
    %get3A_1510 = arith.constant 400 : index
    %get3A_1511 = tpu.vector_load %arg6[%get3A_1509, %get3A_1510] {strides = array<i32>} : memref<4x640xf32, #tpu.memory_space<vmem>>, vector<1x16xf32>,
    %get3A_1512 = vector.shape_cast %get3A_1511 : vector<1x16xf32> to vector<16xf32>
    %mul3A_1513 = arith.constant 0.124719448 : f32
    %mul3A_1514 = vector.broadcast %mul3A_1513 : f32 to vector<16xf32>
    %mul3A_1515 = arith.mulf %mul3A_1514, %get3A_1512 : vector<16xf32>
    %add3A_1516 = arith.addf %mul3A_1507, %mul3A_1515 : vector<16xf32>
    %swap3A_1517 = arith.constant 1 : i32
    %swap3A_1518 = arith.index_cast %swap3A_1517 : i32 to index
    %swap3A_1519 = arith.constant 400 : index
    %swap3A_1520 = tpu.vector_load %arg5[%swap3A_1518, %swap3A_1519] {strides = array<i32>} : memref<4x640xf32, #tpu.memory_space<vmem>>, vector<1x16xf32>,
    %swap3A_1521 = vector.shape_cast %swap3A_1520 : vector<1x16xf32> to vector<16xf32>
    %swap3A_1522 = vector.shape_cast %add3A_1516 : vector<16xf32> to vector<1x16xf32>
    tpu.vector_store %arg5[%swap3A_1518, %swap3A_1519], %swap3A_1522 {strides = array<i32>} : memref<4x640xf32, #tpu.memory_space<vmem>>, vector<1x16xf32>,
    %get3A_1523 = arith.constant 1 : i32
    %get3A_1524 = arith.index_cast %get3A_1523 : i32 to index
    %get3A_1525 = arith.constant 416 : index
    %get3A_1526 = tpu.vector_load %arg5[%get3A_1524, %get3A_1525] {strides = array<i32>} : memref<4x640xf32, #tpu.memory_space<vmem>>, vector<1x16xf32>,
    %get3A_1527 = vector.shape_cast %get3A_1526 : vector<1x16xf32> to vector<16xf32>
    %mul3A_1528 = arith.constant 0.875280559 : f32
    %mul3A_1529 = vector.broadcast %mul3A_1528 : f32 to vector<16xf32>
    %mul3A_1530 = arith.mulf %mul3A_1529, %get3A_1527 : vector<16xf32>
    %get3A_1531 = arith.constant 1 : i32
    %get3A_1532 = arith.index_cast %get3A_1531 : i32 to index
    %get3A_1533 = arith.constant 416 : index
    %get3A_1534 = tpu.vector_load %arg6[%get3A_1532, %get3A_1533] {strides = array<i32>} : memref<4x640xf32, #tpu.memory_space<vmem>>, vector<1x16xf32>,
    %get3A_1535 = vector.shape_cast %get3A_1534 : vector<1x16xf32> to vector<16xf32>
    %mul3A_1536 = arith.constant 0.124719448 : f32
    %mul3A_1537 = vector.broadcast %mul3A_1536 : f32 to vector<16xf32>
    %mul3A_1538 = arith.mulf %mul3A_1537, %get3A_1535 : vector<16xf32>
    %add3A_1539 = arith.addf %mul3A_1530, %mul3A_1538 : vector<16xf32>
    %swap3A_1540 = arith.constant 1 : i32
    %swap3A_1541 = arith.index_cast %swap3A_1540 : i32 to index
    %swap3A_1542 = arith.constant 416 : index
    %swap3A_1543 = tpu.vector_load %arg5[%swap3A_1541, %swap3A_1542] {strides = array<i32>} : memref<4x640xf32, #tpu.memory_space<vmem>>, vector<1x16xf32>,
    %swap3A_1544 = vector.shape_cast %swap3A_1543 : vector<1x16xf32> to vector<16xf32>
    %swap3A_1545 = vector.shape_cast %add3A_1539 : vector<16xf32> to vector<1x16xf32>
    tpu.vector_store %arg5[%swap3A_1541, %swap3A_1542], %swap3A_1545 {strides = array<i32>} : memref<4x640xf32, #tpu.memory_space<vmem>>, vector<1x16xf32>,
    %get3A_1546 = arith.constant 1 : i32
    %get3A_1547 = arith.index_cast %get3A_1546 : i32 to index
    %get3A_1548 = arith.constant 432 : index
    %get3A_1549 = tpu.vector_load %arg5[%get3A_1547, %get3A_1548] {strides = array<i32>} : memref<4x640xf32, #tpu.memory_space<vmem>>, vector<1x16xf32>,
    %get3A_1550 = vector.shape_cast %get3A_1549 : vector<1x16xf32> to vector<16xf32>
    %mul3A_1551 = arith.constant 0.875280559 : f32
    %mul3A_1552 = vector.broadcast %mul3A_1551 : f32 to vector<16xf32>
    %mul3A_1553 = arith.mulf %mul3A_1552, %get3A_1550 : vector<16xf32>
    %get3A_1554 = arith.constant 1 : i32
    %get3A_1555 = arith.index_cast %get3A_1554 : i32 to index
    %get3A_1556 = arith.constant 432 : index
    %get3A_1557 = tpu.vector_load %arg6[%get3A_1555, %get3A_1556] {strides = array<i32>} : memref<4x640xf32, #tpu.memory_space<vmem>>, vector<1x16xf32>,
    %get3A_1558 = vector.shape_cast %get3A_1557 : vector<1x16xf32> to vector<16xf32>
    %mul3A_1559 = arith.constant 0.124719448 : f32
    %mul3A_1560 = vector.broadcast %mul3A_1559 : f32 to vector<16xf32>
    %mul3A_1561 = arith.mulf %mul3A_1560, %get3A_1558 : vector<16xf32>
    %add3A_1562 = arith.addf %mul3A_1553, %mul3A_1561 : vector<16xf32>
    %swap3A_1563 = arith.constant 1 : i32
    %swap3A_1564 = arith.index_cast %swap3A_1563 : i32 to index
    %swap3A_1565 = arith.constant 432 : index
    %swap3A_1566 = tpu.vector_load %arg5[%swap3A_1564, %swap3A_1565] {strides = array<i32>} : memref<4x640xf32, #tpu.memory_space<vmem>>, vector<1x16xf32>,
    %swap3A_1567 = vector.shape_cast %swap3A_1566 : vector<1x16xf32> to vector<16xf32>
    %swap3A_1568 = vector.shape_cast %add3A_1562 : vector<16xf32> to vector<1x16xf32>
    tpu.vector_store %arg5[%swap3A_1564, %swap3A_1565], %swap3A_1568 {strides = array<i32>} : memref<4x640xf32, #tpu.memory_space<vmem>>, vector<1x16xf32>,
    %get3A_1569 = arith.constant 1 : i32
    %get3A_1570 = arith.index_cast %get3A_1569 : i32 to index
    %get3A_1571 = arith.constant 448 : index
    %get3A_1572 = tpu.vector_load %arg5[%get3A_1570, %get3A_1571] {strides = array<i32>} : memref<4x640xf32, #tpu.memory_space<vmem>>, vector<1x16xf32>,
    %get3A_1573 = vector.shape_cast %get3A_1572 : vector<1x16xf32> to vector<16xf32>
    %mul3A_1574 = arith.constant 0.875280559 : f32
    %mul3A_1575 = vector.broadcast %mul3A_1574 : f32 to vector<16xf32>
    %mul3A_1576 = arith.mulf %mul3A_1575, %get3A_1573 : vector<16xf32>
    %get3A_1577 = arith.constant 1 : i32
    %get3A_1578 = arith.index_cast %get3A_1577 : i32 to index
    %get3A_1579 = arith.constant 448 : index
    %get3A_1580 = tpu.vector_load %arg6[%get3A_1578, %get3A_1579] {strides = array<i32>} : memref<4x640xf32, #tpu.memory_space<vmem>>, vector<1x16xf32>,
    %get3A_1581 = vector.shape_cast %get3A_1580 : vector<1x16xf32> to vector<16xf32>
    %mul3A_1582 = arith.constant 0.124719448 : f32
    %mul3A_1583 = vector.broadcast %mul3A_1582 : f32 to vector<16xf32>
    %mul3A_1584 = arith.mulf %mul3A_1583, %get3A_1581 : vector<16xf32>
    %add3A_1585 = arith.addf %mul3A_1576, %mul3A_1584 : vector<16xf32>
    %swap3A_1586 = arith.constant 1 : i32
    %swap3A_1587 = arith.index_cast %swap3A_1586 : i32 to index
    %swap3A_1588 = arith.constant 448 : index
    %swap3A_1589 = tpu.vector_load %arg5[%swap3A_1587, %swap3A_1588] {strides = array<i32>} : memref<4x640xf32, #tpu.memory_space<vmem>>, vector<1x16xf32>,
    %swap3A_1590 = vector.shape_cast %swap3A_1589 : vector<1x16xf32> to vector<16xf32>
    %swap3A_1591 = vector.shape_cast %add3A_1585 : vector<16xf32> to vector<1x16xf32>
    tpu.vector_store %arg5[%swap3A_1587, %swap3A_1588], %swap3A_1591 {strides = array<i32>} : memref<4x640xf32, #tpu.memory_space<vmem>>, vector<1x16xf32>,
    %get3A_1592 = arith.constant 1 : i32
    %get3A_1593 = arith.index_cast %get3A_1592 : i32 to index
    %get3A_1594 = arith.constant 464 : index
    %get3A_1595 = tpu.vector_load %arg5[%get3A_1593, %get3A_1594] {strides = array<i32>} : memref<4x640xf32, #tpu.memory_space<vmem>>, vector<1x16xf32>,
    %get3A_1596 = vector.shape_cast %get3A_1595 : vector<1x16xf32> to vector<16xf32>
    %mul3A_1597 = arith.constant 0.875280559 : f32
    %mul3A_1598 = vector.broadcast %mul3A_1597 : f32 to vector<16xf32>
    %mul3A_1599 = arith.mulf %mul3A_1598, %get3A_1596 : vector<16xf32>
    %get3A_1600 = arith.constant 1 : i32
    %get3A_1601 = arith.index_cast %get3A_1600 : i32 to index
    %get3A_1602 = arith.constant 464 : index
    %get3A_1603 = tpu.vector_load %arg6[%get3A_1601, %get3A_1602] {strides = array<i32>} : memref<4x640xf32, #tpu.memory_space<vmem>>, vector<1x16xf32>,
    %get3A_1604 = vector.shape_cast %get3A_1603 : vector<1x16xf32> to vector<16xf32>
    %mul3A_1605 = arith.constant 0.124719448 : f32
    %mul3A_1606 = vector.broadcast %mul3A_1605 : f32 to vector<16xf32>
    %mul3A_1607 = arith.mulf %mul3A_1606, %get3A_1604 : vector<16xf32>
    %add3A_1608 = arith.addf %mul3A_1599, %mul3A_1607 : vector<16xf32>
    %swap3A_1609 = arith.constant 1 : i32
    %swap3A_1610 = arith.index_cast %swap3A_1609 : i32 to index
    %swap3A_1611 = arith.constant 464 : index
    %swap3A_1612 = tpu.vector_load %arg5[%swap3A_1610, %swap3A_1611] {strides = array<i32>} : memref<4x640xf32, #tpu.memory_space<vmem>>, vector<1x16xf32>,
    %swap3A_1613 = vector.shape_cast %swap3A_1612 : vector<1x16xf32> to vector<16xf32>
    %swap3A_1614 = vector.shape_cast %add3A_1608 : vector<16xf32> to vector<1x16xf32>
    tpu.vector_store %arg5[%swap3A_1610, %swap3A_1611], %swap3A_1614 {strides = array<i32>} : memref<4x640xf32, #tpu.memory_space<vmem>>, vector<1x16xf32>,
    %get3A_1615 = arith.constant 1 : i32
    %get3A_1616 = arith.index_cast %get3A_1615 : i32 to index
    %get3A_1617 = arith.constant 480 : index
    %get3A_1618 = tpu.vector_load %arg5[%get3A_1616, %get3A_1617] {strides = array<i32>} : memref<4x640xf32, #tpu.memory_space<vmem>>, vector<1x16xf32>,
    %get3A_1619 = vector.shape_cast %get3A_1618 : vector<1x16xf32> to vector<16xf32>
    %mul3A_1620 = arith.constant 0.875280559 : f32
    %mul3A_1621 = vector.broadcast %mul3A_1620 : f32 to vector<16xf32>
    %mul3A_1622 = arith.mulf %mul3A_1621, %get3A_1619 : vector<16xf32>
    %get3A_1623 = arith.constant 1 : i32
    %get3A_1624 = arith.index_cast %get3A_1623 : i32 to index
    %get3A_1625 = arith.constant 480 : index
    %get3A_1626 = tpu.vector_load %arg6[%get3A_1624, %get3A_1625] {strides = array<i32>} : memref<4x640xf32, #tpu.memory_space<vmem>>, vector<1x16xf32>,
    %get3A_1627 = vector.shape_cast %get3A_1626 : vector<1x16xf32> to vector<16xf32>
    %mul3A_1628 = arith.constant 0.124719448 : f32
    %mul3A_1629 = vector.broadcast %mul3A_1628 : f32 to vector<16xf32>
    %mul3A_1630 = arith.mulf %mul3A_1629, %get3A_1627 : vector<16xf32>
    %add3A_1631 = arith.addf %mul3A_1622, %mul3A_1630 : vector<16xf32>
    %swap3A_1632 = arith.constant 1 : i32
    %swap3A_1633 = arith.index_cast %swap3A_1632 : i32 to index
    %swap3A_1634 = arith.constant 480 : index
    %swap3A_1635 = tpu.vector_load %arg5[%swap3A_1633, %swap3A_1634] {strides = array<i32>} : memref<4x640xf32, #tpu.memory_space<vmem>>, vector<1x16xf32>,
    %swap3A_1636 = vector.shape_cast %swap3A_1635 : vector<1x16xf32> to vector<16xf32>
    %swap3A_1637 = vector.shape_cast %add3A_1631 : vector<16xf32> to vector<1x16xf32>
    tpu.vector_store %arg5[%swap3A_1633, %swap3A_1634], %swap3A_1637 {strides = array<i32>} : memref<4x640xf32, #tpu.memory_space<vmem>>, vector<1x16xf32>,
    %get3A_1638 = arith.constant 1 : i32
    %get3A_1639 = arith.index_cast %get3A_1638 : i32 to index
    %get3A_1640 = arith.constant 496 : index
    %get3A_1641 = tpu.vector_load %arg5[%get3A_1639, %get3A_1640] {strides = array<i32>} : memref<4x640xf32, #tpu.memory_space<vmem>>, vector<1x16xf32>,
    %get3A_1642 = vector.shape_cast %get3A_1641 : vector<1x16xf32> to vector<16xf32>
    %mul3A_1643 = arith.constant 0.875280559 : f32
    %mul3A_1644 = vector.broadcast %mul3A_1643 : f32 to vector<16xf32>
    %mul3A_1645 = arith.mulf %mul3A_1644, %get3A_1642 : vector<16xf32>
    %get3A_1646 = arith.constant 1 : i32
    %get3A_1647 = arith.index_cast %get3A_1646 : i32 to index
    %get3A_1648 = arith.constant 496 : index
    %get3A_1649 = tpu.vector_load %arg6[%get3A_1647, %get3A_1648] {strides = array<i32>} : memref<4x640xf32, #tpu.memory_space<vmem>>, vector<1x16xf32>,
    %get3A_1650 = vector.shape_cast %get3A_1649 : vector<1x16xf32> to vector<16xf32>
    %mul3A_1651 = arith.constant 0.124719448 : f32
    %mul3A_1652 = vector.broadcast %mul3A_1651 : f32 to vector<16xf32>
    %mul3A_1653 = arith.mulf %mul3A_1652, %get3A_1650 : vector<16xf32>
    %add3A_1654 = arith.addf %mul3A_1645, %mul3A_1653 : vector<16xf32>
    %swap3A_1655 = arith.constant 1 : i32
    %swap3A_1656 = arith.index_cast %swap3A_1655 : i32 to index
    %swap3A_1657 = arith.constant 496 : index
    %swap3A_1658 = tpu.vector_load %arg5[%swap3A_1656, %swap3A_1657] {strides = array<i32>} : memref<4x640xf32, #tpu.memory_space<vmem>>, vector<1x16xf32>,
    %swap3A_1659 = vector.shape_cast %swap3A_1658 : vector<1x16xf32> to vector<16xf32>
    %swap3A_1660 = vector.shape_cast %add3A_1654 : vector<16xf32> to vector<1x16xf32>
    tpu.vector_store %arg5[%swap3A_1656, %swap3A_1657], %swap3A_1660 {strides = array<i32>} : memref<4x640xf32, #tpu.memory_space<vmem>>, vector<1x16xf32>,
    %get3A_1661 = arith.constant 1 : i32
    %get3A_1662 = arith.index_cast %get3A_1661 : i32 to index
    %get3A_1663 = arith.constant 512 : index
    %get3A_1664 = tpu.vector_load %arg5[%get3A_1662, %get3A_1663] {strides = array<i32>} : memref<4x640xf32, #tpu.memory_space<vmem>>, vector<1x16xf32>,
    %get3A_1665 = vector.shape_cast %get3A_1664 : vector<1x16xf32> to vector<16xf32>
    %mul3A_1666 = arith.constant 0.875280559 : f32
    %mul3A_1667 = vector.broadcast %mul3A_1666 : f32 to vector<16xf32>
    %mul3A_1668 = arith.mulf %mul3A_1667, %get3A_1665 : vector<16xf32>
    %get3A_1669 = arith.constant 1 : i32
    %get3A_1670 = arith.index_cast %get3A_1669 : i32 to index
    %get3A_1671 = arith.constant 512 : index
    %get3A_1672 = tpu.vector_load %arg6[%get3A_1670, %get3A_1671] {strides = array<i32>} : memref<4x640xf32, #tpu.memory_space<vmem>>, vector<1x16xf32>,
    %get3A_1673 = vector.shape_cast %get3A_1672 : vector<1x16xf32> to vector<16xf32>
    %mul3A_1674 = arith.constant 0.124719448 : f32
    %mul3A_1675 = vector.broadcast %mul3A_1674 : f32 to vector<16xf32>
    %mul3A_1676 = arith.mulf %mul3A_1675, %get3A_1673 : vector<16xf32>
    %add3A_1677 = arith.addf %mul3A_1668, %mul3A_1676 : vector<16xf32>
    %swap3A_1678 = arith.constant 1 : i32
    %swap3A_1679 = arith.index_cast %swap3A_1678 : i32 to index
    %swap3A_1680 = arith.constant 512 : index
    %swap3A_1681 = tpu.vector_load %arg5[%swap3A_1679, %swap3A_1680] {strides = array<i32>} : memref<4x640xf32, #tpu.memory_space<vmem>>, vector<1x16xf32>,
    %swap3A_1682 = vector.shape_cast %swap3A_1681 : vector<1x16xf32> to vector<16xf32>
    %swap3A_1683 = vector.shape_cast %add3A_1677 : vector<16xf32> to vector<1x16xf32>
    tpu.vector_store %arg5[%swap3A_1679, %swap3A_1680], %swap3A_1683 {strides = array<i32>} : memref<4x640xf32, #tpu.memory_space<vmem>>, vector<1x16xf32>,
    %get3A_1684 = arith.constant 1 : i32
    %get3A_1685 = arith.index_cast %get3A_1684 : i32 to index
    %get3A_1686 = arith.constant 528 : index
    %get3A_1687 = tpu.vector_load %arg5[%get3A_1685, %get3A_1686] {strides = array<i32>} : memref<4x640xf32, #tpu.memory_space<vmem>>, vector<1x16xf32>,
    %get3A_1688 = vector.shape_cast %get3A_1687 : vector<1x16xf32> to vector<16xf32>
    %mul3A_1689 = arith.constant 0.875280559 : f32
    %mul3A_1690 = vector.broadcast %mul3A_1689 : f32 to vector<16xf32>
    %mul3A_1691 = arith.mulf %mul3A_1690, %get3A_1688 : vector<16xf32>
    %get3A_1692 = arith.constant 1 : i32
    %get3A_1693 = arith.index_cast %get3A_1692 : i32 to index
    %get3A_1694 = arith.constant 528 : index
    %get3A_1695 = tpu.vector_load %arg6[%get3A_1693, %get3A_1694] {strides = array<i32>} : memref<4x640xf32, #tpu.memory_space<vmem>>, vector<1x16xf32>,
    %get3A_1696 = vector.shape_cast %get3A_1695 : vector<1x16xf32> to vector<16xf32>
    %mul3A_1697 = arith.constant 0.124719448 : f32
    %mul3A_1698 = vector.broadcast %mul3A_1697 : f32 to vector<16xf32>
    %mul3A_1699 = arith.mulf %mul3A_1698, %get3A_1696 : vector<16xf32>
    %add3A_1700 = arith.addf %mul3A_1691, %mul3A_1699 : vector<16xf32>
    %swap3A_1701 = arith.constant 1 : i32
    %swap3A_1702 = arith.index_cast %swap3A_1701 : i32 to index
    %swap3A_1703 = arith.constant 528 : index
    %swap3A_1704 = tpu.vector_load %arg5[%swap3A_1702, %swap3A_1703] {strides = array<i32>} : memref<4x640xf32, #tpu.memory_space<vmem>>, vector<1x16xf32>,
    %swap3A_1705 = vector.shape_cast %swap3A_1704 : vector<1x16xf32> to vector<16xf32>
    %swap3A_1706 = vector.shape_cast %add3A_1700 : vector<16xf32> to vector<1x16xf32>
    tpu.vector_store %arg5[%swap3A_1702, %swap3A_1703], %swap3A_1706 {strides = array<i32>} : memref<4x640xf32, #tpu.memory_space<vmem>>, vector<1x16xf32>,
    %get3A_1707 = arith.constant 1 : i32
    %get3A_1708 = arith.index_cast %get3A_1707 : i32 to index
    %get3A_1709 = arith.constant 544 : index
    %get3A_1710 = tpu.vector_load %arg5[%get3A_1708, %get3A_1709] {strides = array<i32>} : memref<4x640xf32, #tpu.memory_space<vmem>>, vector<1x16xf32>,
    %get3A_1711 = vector.shape_cast %get3A_1710 : vector<1x16xf32> to vector<16xf32>
    %mul3A_1712 = arith.constant 0.875280559 : f32
    %mul3A_1713 = vector.broadcast %mul3A_1712 : f32 to vector<16xf32>
    %mul3A_1714 = arith.mulf %mul3A_1713, %get3A_1711 : vector<16xf32>
    %get3A_1715 = arith.constant 1 : i32
    %get3A_1716 = arith.index_cast %get3A_1715 : i32 to index
    %get3A_1717 = arith.constant 544 : index
    %get3A_1718 = tpu.vector_load %arg6[%get3A_1716, %get3A_1717] {strides = array<i32>} : memref<4x640xf32, #tpu.memory_space<vmem>>, vector<1x16xf32>,
    %get3A_1719 = vector.shape_cast %get3A_1718 : vector<1x16xf32> to vector<16xf32>
    %mul3A_1720 = arith.constant 0.124719448 : f32
    %mul3A_1721 = vector.broadcast %mul3A_1720 : f32 to vector<16xf32>
    %mul3A_1722 = arith.mulf %mul3A_1721, %get3A_1719 : vector<16xf32>
    %add3A_1723 = arith.addf %mul3A_1714, %mul3A_1722 : vector<16xf32>
    %swap3A_1724 = arith.constant 1 : i32
    %swap3A_1725 = arith.index_cast %swap3A_1724 : i32 to index
    %swap3A_1726 = arith.constant 544 : index
    %swap3A_1727 = tpu.vector_load %arg5[%swap3A_1725, %swap3A_1726] {strides = array<i32>} : memref<4x640xf32, #tpu.memory_space<vmem>>, vector<1x16xf32>,
    %swap3A_1728 = vector.shape_cast %swap3A_1727 : vector<1x16xf32> to vector<16xf32>
    %swap3A_1729 = vector.shape_cast %add3A_1723 : vector<16xf32> to vector<1x16xf32>
    tpu.vector_store %arg5[%swap3A_1725, %swap3A_1726], %swap3A_1729 {strides = array<i32>} : memref<4x640xf32, #tpu.memory_space<vmem>>, vector<1x16xf32>,
    %get3A_1730 = arith.constant 1 : i32
    %get3A_1731 = arith.index_cast %get3A_1730 : i32 to index
    %get3A_1732 = arith.constant 560 : index
    %get3A_1733 = tpu.vector_load %arg5[%get3A_1731, %get3A_1732] {strides = array<i32>} : memref<4x640xf32, #tpu.memory_space<vmem>>, vector<1x16xf32>,
    %get3A_1734 = vector.shape_cast %get3A_1733 : vector<1x16xf32> to vector<16xf32>
    %mul3A_1735 = arith.constant 0.875280559 : f32
    %mul3A_1736 = vector.broadcast %mul3A_1735 : f32 to vector<16xf32>
    %mul3A_1737 = arith.mulf %mul3A_1736, %get3A_1734 : vector<16xf32>
    %get3A_1738 = arith.constant 1 : i32
    %get3A_1739 = arith.index_cast %get3A_1738 : i32 to index
    %get3A_1740 = arith.constant 560 : index
    %get3A_1741 = tpu.vector_load %arg6[%get3A_1739, %get3A_1740] {strides = array<i32>} : memref<4x640xf32, #tpu.memory_space<vmem>>, vector<1x16xf32>,
    %get3A_1742 = vector.shape_cast %get3A_1741 : vector<1x16xf32> to vector<16xf32>
    %mul3A_1743 = arith.constant 0.124719448 : f32
    %mul3A_1744 = vector.broadcast %mul3A_1743 : f32 to vector<16xf32>
    %mul3A_1745 = arith.mulf %mul3A_1744, %get3A_1742 : vector<16xf32>
    %add3A_1746 = arith.addf %mul3A_1737, %mul3A_1745 : vector<16xf32>
    %swap3A_1747 = arith.constant 1 : i32
    %swap3A_1748 = arith.index_cast %swap3A_1747 : i32 to index
    %swap3A_1749 = arith.constant 560 : index
    %swap3A_1750 = tpu.vector_load %arg5[%swap3A_1748, %swap3A_1749] {strides = array<i32>} : memref<4x640xf32, #tpu.memory_space<vmem>>, vector<1x16xf32>,
    %swap3A_1751 = vector.shape_cast %swap3A_1750 : vector<1x16xf32> to vector<16xf32>
    %swap3A_1752 = vector.shape_cast %add3A_1746 : vector<16xf32> to vector<1x16xf32>
    tpu.vector_store %arg5[%swap3A_1748, %swap3A_1749], %swap3A_1752 {strides = array<i32>} : memref<4x640xf32, #tpu.memory_space<vmem>>, vector<1x16xf32>,
    %get3A_1753 = arith.constant 1 : i32
    %get3A_1754 = arith.index_cast %get3A_1753 : i32 to index
    %get3A_1755 = arith.constant 576 : index
    %get3A_1756 = tpu.vector_load %arg5[%get3A_1754, %get3A_1755] {strides = array<i32>} : memref<4x640xf32, #tpu.memory_space<vmem>>, vector<1x16xf32>,
    %get3A_1757 = vector.shape_cast %get3A_1756 : vector<1x16xf32> to vector<16xf32>
    %mul3A_1758 = arith.constant 0.875280559 : f32
    %mul3A_1759 = vector.broadcast %mul3A_1758 : f32 to vector<16xf32>
    %mul3A_1760 = arith.mulf %mul3A_1759, %get3A_1757 : vector<16xf32>
    %get3A_1761 = arith.constant 1 : i32
    %get3A_1762 = arith.index_cast %get3A_1761 : i32 to index
    %get3A_1763 = arith.constant 576 : index
    %get3A_1764 = tpu.vector_load %arg6[%get3A_1762, %get3A_1763] {strides = array<i32>} : memref<4x640xf32, #tpu.memory_space<vmem>>, vector<1x16xf32>,
    %get3A_1765 = vector.shape_cast %get3A_1764 : vector<1x16xf32> to vector<16xf32>
    %mul3A_1766 = arith.constant 0.124719448 : f32
    %mul3A_1767 = vector.broadcast %mul3A_1766 : f32 to vector<16xf32>
    %mul3A_1768 = arith.mulf %mul3A_1767, %get3A_1765 : vector<16xf32>
    %add3A_1769 = arith.addf %mul3A_1760, %mul3A_1768 : vector<16xf32>
    %swap3A_1770 = arith.constant 1 : i32
    %swap3A_1771 = arith.index_cast %swap3A_1770 : i32 to index
    %swap3A_1772 = arith.constant 576 : index
    %swap3A_1773 = tpu.vector_load %arg5[%swap3A_1771, %swap3A_1772] {strides = array<i32>} : memref<4x640xf32, #tpu.memory_space<vmem>>, vector<1x16xf32>,
    %swap3A_1774 = vector.shape_cast %swap3A_1773 : vector<1x16xf32> to vector<16xf32>
    %swap3A_1775 = vector.shape_cast %add3A_1769 : vector<16xf32> to vector<1x16xf32>
    tpu.vector_store %arg5[%swap3A_1771, %swap3A_1772], %swap3A_1775 {strides = array<i32>} : memref<4x640xf32, #tpu.memory_space<vmem>>, vector<1x16xf32>,
    %get3A_1776 = arith.constant 1 : i32
    %get3A_1777 = arith.index_cast %get3A_1776 : i32 to index
    %get3A_1778 = arith.constant 592 : index
    %get3A_1779 = tpu.vector_load %arg5[%get3A_1777, %get3A_1778] {strides = array<i32>} : memref<4x640xf32, #tpu.memory_space<vmem>>, vector<1x16xf32>,
    %get3A_1780 = vector.shape_cast %get3A_1779 : vector<1x16xf32> to vector<16xf32>
    %mul3A_1781 = arith.constant 0.875280559 : f32
    %mul3A_1782 = vector.broadcast %mul3A_1781 : f32 to vector<16xf32>
    %mul3A_1783 = arith.mulf %mul3A_1782, %get3A_1780 : vector<16xf32>
    %get3A_1784 = arith.constant 1 : i32
    %get3A_1785 = arith.index_cast %get3A_1784 : i32 to index
    %get3A_1786 = arith.constant 592 : index
    %get3A_1787 = tpu.vector_load %arg6[%get3A_1785, %get3A_1786] {strides = array<i32>} : memref<4x640xf32, #tpu.memory_space<vmem>>, vector<1x16xf32>,
    %get3A_1788 = vector.shape_cast %get3A_1787 : vector<1x16xf32> to vector<16xf32>
    %mul3A_1789 = arith.constant 0.124719448 : f32
    %mul3A_1790 = vector.broadcast %mul3A_1789 : f32 to vector<16xf32>
    %mul3A_1791 = arith.mulf %mul3A_1790, %get3A_1788 : vector<16xf32>
    %add3A_1792 = arith.addf %mul3A_1783, %mul3A_1791 : vector<16xf32>
    %swap3A_1793 = arith.constant 1 : i32
    %swap3A_1794 = arith.index_cast %swap3A_1793 : i32 to index
    %swap3A_1795 = arith.constant 592 : index
    %swap3A_1796 = tpu.vector_load %arg5[%swap3A_1794, %swap3A_1795] {strides = array<i32>} : memref<4x640xf32, #tpu.memory_space<vmem>>, vector<1x16xf32>,
    %swap3A_1797 = vector.shape_cast %swap3A_1796 : vector<1x16xf32> to vector<16xf32>
    %swap3A_1798 = vector.shape_cast %add3A_1792 : vector<16xf32> to vector<1x16xf32>
    tpu.vector_store %arg5[%swap3A_1794, %swap3A_1795], %swap3A_1798 {strides = array<i32>} : memref<4x640xf32, #tpu.memory_space<vmem>>, vector<1x16xf32>,
    %get3A_1799 = arith.constant 1 : i32
    %get3A_1800 = arith.index_cast %get3A_1799 : i32 to index
    %get3A_1801 = arith.constant 608 : index
    %get3A_1802 = tpu.vector_load %arg5[%get3A_1800, %get3A_1801] {strides = array<i32>} : memref<4x640xf32, #tpu.memory_space<vmem>>, vector<1x16xf32>,
    %get3A_1803 = vector.shape_cast %get3A_1802 : vector<1x16xf32> to vector<16xf32>
    %mul3A_1804 = arith.constant 0.875280559 : f32
    %mul3A_1805 = vector.broadcast %mul3A_1804 : f32 to vector<16xf32>
    %mul3A_1806 = arith.mulf %mul3A_1805, %get3A_1803 : vector<16xf32>
    %get3A_1807 = arith.constant 1 : i32
    %get3A_1808 = arith.index_cast %get3A_1807 : i32 to index
    %get3A_1809 = arith.constant 608 : index
    %get3A_1810 = tpu.vector_load %arg6[%get3A_1808, %get3A_1809] {strides = array<i32>} : memref<4x640xf32, #tpu.memory_space<vmem>>, vector<1x16xf32>,
    %get3A_1811 = vector.shape_cast %get3A_1810 : vector<1x16xf32> to vector<16xf32>
    %mul3A_1812 = arith.constant 0.124719448 : f32
    %mul3A_1813 = vector.broadcast %mul3A_1812 : f32 to vector<16xf32>
    %mul3A_1814 = arith.mulf %mul3A_1813, %get3A_1811 : vector<16xf32>
    %add3A_1815 = arith.addf %mul3A_1806, %mul3A_1814 : vector<16xf32>
    %swap3A_1816 = arith.constant 1 : i32
    %swap3A_1817 = arith.index_cast %swap3A_1816 : i32 to index
    %swap3A_1818 = arith.constant 608 : index
    %swap3A_1819 = tpu.vector_load %arg5[%swap3A_1817, %swap3A_1818] {strides = array<i32>} : memref<4x640xf32, #tpu.memory_space<vmem>>, vector<1x16xf32>,
    %swap3A_1820 = vector.shape_cast %swap3A_1819 : vector<1x16xf32> to vector<16xf32>
    %swap3A_1821 = vector.shape_cast %add3A_1815 : vector<16xf32> to vector<1x16xf32>
    tpu.vector_store %arg5[%swap3A_1817, %swap3A_1818], %swap3A_1821 {strides = array<i32>} : memref<4x640xf32, #tpu.memory_space<vmem>>, vector<1x16xf32>,
    %get3A_1822 = arith.constant 1 : i32
    %get3A_1823 = arith.index_cast %get3A_1822 : i32 to index
    %get3A_1824 = arith.constant 624 : index
    %get3A_1825 = tpu.vector_load %arg5[%get3A_1823, %get3A_1824] {strides = array<i32>} : memref<4x640xf32, #tpu.memory_space<vmem>>, vector<1x16xf32>,
    %get3A_1826 = vector.shape_cast %get3A_1825 : vector<1x16xf32> to vector<16xf32>
    %mul3A_1827 = arith.constant 0.875280559 : f32
    %mul3A_1828 = vector.broadcast %mul3A_1827 : f32 to vector<16xf32>
    %mul3A_1829 = arith.mulf %mul3A_1828, %get3A_1826 : vector<16xf32>
    %get3A_1830 = arith.constant 1 : i32
    %get3A_1831 = arith.index_cast %get3A_1830 : i32 to index
    %get3A_1832 = arith.constant 624 : index
    %get3A_1833 = tpu.vector_load %arg6[%get3A_1831, %get3A_1832] {strides = array<i32>} : memref<4x640xf32, #tpu.memory_space<vmem>>, vector<1x16xf32>,
    %get3A_1834 = vector.shape_cast %get3A_1833 : vector<1x16xf32> to vector<16xf32>
    %mul3A_1835 = arith.constant 0.124719448 : f32
    %mul3A_1836 = vector.broadcast %mul3A_1835 : f32 to vector<16xf32>
    %mul3A_1837 = arith.mulf %mul3A_1836, %get3A_1834 : vector<16xf32>
    %add3A_1838 = arith.addf %mul3A_1829, %mul3A_1837 : vector<16xf32>
    %swap3A_1839 = arith.constant 1 : i32
    %swap3A_1840 = arith.index_cast %swap3A_1839 : i32 to index
    %swap3A_1841 = arith.constant 624 : index
    %swap3A_1842 = tpu.vector_load %arg5[%swap3A_1840, %swap3A_1841] {strides = array<i32>} : memref<4x640xf32, #tpu.memory_space<vmem>>, vector<1x16xf32>,
    %swap3A_1843 = vector.shape_cast %swap3A_1842 : vector<1x16xf32> to vector<16xf32>
    %swap3A_1844 = vector.shape_cast %add3A_1838 : vector<16xf32> to vector<1x16xf32>
    tpu.vector_store %arg5[%swap3A_1840, %swap3A_1841], %swap3A_1844 {strides = array<i32>} : memref<4x640xf32, #tpu.memory_space<vmem>>, vector<1x16xf32>,
    %get3A_1845 = arith.constant 2 : i32
    %get3A_1846 = arith.index_cast %get3A_1845 : i32 to index
    %get3A_1847 = arith.constant 0 : index
    %get3A_1848 = tpu.vector_load %arg5[%get3A_1846, %get3A_1847] {strides = array<i32>} : memref<4x640xf32, #tpu.memory_space<vmem>>, vector<1x16xf32>,
    %get3A_1849 = vector.shape_cast %get3A_1848 : vector<1x16xf32> to vector<16xf32>
    %mul3A_1850 = arith.constant 0.875280559 : f32
    %mul3A_1851 = vector.broadcast %mul3A_1850 : f32 to vector<16xf32>
    %mul3A_1852 = arith.mulf %mul3A_1851, %get3A_1849 : vector<16xf32>
    %get3A_1853 = arith.constant 2 : i32
    %get3A_1854 = arith.index_cast %get3A_1853 : i32 to index
    %get3A_1855 = arith.constant 0 : index
    %get3A_1856 = tpu.vector_load %arg6[%get3A_1854, %get3A_1855] {strides = array<i32>} : memref<4x640xf32, #tpu.memory_space<vmem>>, vector<1x16xf32>,
    %get3A_1857 = vector.shape_cast %get3A_1856 : vector<1x16xf32> to vector<16xf32>
    %mul3A_1858 = arith.constant 0.124719448 : f32
    %mul3A_1859 = vector.broadcast %mul3A_1858 : f32 to vector<16xf32>
    %mul3A_1860 = arith.mulf %mul3A_1859, %get3A_1857 : vector<16xf32>
    %add3A_1861 = arith.addf %mul3A_1852, %mul3A_1860 : vector<16xf32>
    %swap3A_1862 = arith.constant 2 : i32
    %swap3A_1863 = arith.index_cast %swap3A_1862 : i32 to index
    %swap3A_1864 = arith.constant 0 : index
    %swap3A_1865 = tpu.vector_load %arg5[%swap3A_1863, %swap3A_1864] {strides = array<i32>} : memref<4x640xf32, #tpu.memory_space<vmem>>, vector<1x16xf32>,
    %swap3A_1866 = vector.shape_cast %swap3A_1865 : vector<1x16xf32> to vector<16xf32>
    %swap3A_1867 = vector.shape_cast %add3A_1861 : vector<16xf32> to vector<1x16xf32>
    tpu.vector_store %arg5[%swap3A_1863, %swap3A_1864], %swap3A_1867 {strides = array<i32>} : memref<4x640xf32, #tpu.memory_space<vmem>>, vector<1x16xf32>,
    %get3A_1868 = arith.constant 2 : i32
    %get3A_1869 = arith.index_cast %get3A_1868 : i32 to index
    %get3A_1870 = arith.constant 16 : index
    %get3A_1871 = tpu.vector_load %arg5[%get3A_1869, %get3A_1870] {strides = array<i32>} : memref<4x640xf32, #tpu.memory_space<vmem>>, vector<1x16xf32>,
    %get3A_1872 = vector.shape_cast %get3A_1871 : vector<1x16xf32> to vector<16xf32>
    %mul3A_1873 = arith.constant 0.875280559 : f32
    %mul3A_1874 = vector.broadcast %mul3A_1873 : f32 to vector<16xf32>
    %mul3A_1875 = arith.mulf %mul3A_1874, %get3A_1872 : vector<16xf32>
    %get3A_1876 = arith.constant 2 : i32
    %get3A_1877 = arith.index_cast %get3A_1876 : i32 to index
    %get3A_1878 = arith.constant 16 : index
    %get3A_1879 = tpu.vector_load %arg6[%get3A_1877, %get3A_1878] {strides = array<i32>} : memref<4x640xf32, #tpu.memory_space<vmem>>, vector<1x16xf32>,
    %get3A_1880 = vector.shape_cast %get3A_1879 : vector<1x16xf32> to vector<16xf32>
    %mul3A_1881 = arith.constant 0.124719448 : f32
    %mul3A_1882 = vector.broadcast %mul3A_1881 : f32 to vector<16xf32>
    %mul3A_1883 = arith.mulf %mul3A_1882, %get3A_1880 : vector<16xf32>
    %add3A_1884 = arith.addf %mul3A_1875, %mul3A_1883 : vector<16xf32>
    %swap3A_1885 = arith.constant 2 : i32
    %swap3A_1886 = arith.index_cast %swap3A_1885 : i32 to index
    %swap3A_1887 = arith.constant 16 : index
    %swap3A_1888 = tpu.vector_load %arg5[%swap3A_1886, %swap3A_1887] {strides = array<i32>} : memref<4x640xf32, #tpu.memory_space<vmem>>, vector<1x16xf32>,
    %swap3A_1889 = vector.shape_cast %swap3A_1888 : vector<1x16xf32> to vector<16xf32>
    %swap3A_1890 = vector.shape_cast %add3A_1884 : vector<16xf32> to vector<1x16xf32>
    tpu.vector_store %arg5[%swap3A_1886, %swap3A_1887], %swap3A_1890 {strides = array<i32>} : memref<4x640xf32, #tpu.memory_space<vmem>>, vector<1x16xf32>,
    %get3A_1891 = arith.constant 2 : i32
    %get3A_1892 = arith.index_cast %get3A_1891 : i32 to index
    %get3A_1893 = arith.constant 32 : index
    %get3A_1894 = tpu.vector_load %arg5[%get3A_1892, %get3A_1893] {strides = array<i32>} : memref<4x640xf32, #tpu.memory_space<vmem>>, vector<1x16xf32>,
    %get3A_1895 = vector.shape_cast %get3A_1894 : vector<1x16xf32> to vector<16xf32>
    %mul3A_1896 = arith.constant 0.875280559 : f32
    %mul3A_1897 = vector.broadcast %mul3A_1896 : f32 to vector<16xf32>
    %mul3A_1898 = arith.mulf %mul3A_1897, %get3A_1895 : vector<16xf32>
    %get3A_1899 = arith.constant 2 : i32
    %get3A_1900 = arith.index_cast %get3A_1899 : i32 to index
    %get3A_1901 = arith.constant 32 : index
    %get3A_1902 = tpu.vector_load %arg6[%get3A_1900, %get3A_1901] {strides = array<i32>} : memref<4x640xf32, #tpu.memory_space<vmem>>, vector<1x16xf32>,
    %get3A_1903 = vector.shape_cast %get3A_1902 : vector<1x16xf32> to vector<16xf32>
    %mul3A_1904 = arith.constant 0.124719448 : f32
    %mul3A_1905 = vector.broadcast %mul3A_1904 : f32 to vector<16xf32>
    %mul3A_1906 = arith.mulf %mul3A_1905, %get3A_1903 : vector<16xf32>
    %add3A_1907 = arith.addf %mul3A_1898, %mul3A_1906 : vector<16xf32>
    %swap3A_1908 = arith.constant 2 : i32
    %swap3A_1909 = arith.index_cast %swap3A_1908 : i32 to index
    %swap3A_1910 = arith.constant 32 : index
    %swap3A_1911 = tpu.vector_load %arg5[%swap3A_1909, %swap3A_1910] {strides = array<i32>} : memref<4x640xf32, #tpu.memory_space<vmem>>, vector<1x16xf32>,
    %swap3A_1912 = vector.shape_cast %swap3A_1911 : vector<1x16xf32> to vector<16xf32>
    %swap3A_1913 = vector.shape_cast %add3A_1907 : vector<16xf32> to vector<1x16xf32>
    tpu.vector_store %arg5[%swap3A_1909, %swap3A_1910], %swap3A_1913 {strides = array<i32>} : memref<4x640xf32, #tpu.memory_space<vmem>>, vector<1x16xf32>,
    %get3A_1914 = arith.constant 2 : i32
    %get3A_1915 = arith.index_cast %get3A_1914 : i32 to index
    %get3A_1916 = arith.constant 48 : index
    %get3A_1917 = tpu.vector_load %arg5[%get3A_1915, %get3A_1916] {strides = array<i32>} : memref<4x640xf32, #tpu.memory_space<vmem>>, vector<1x16xf32>,
    %get3A_1918 = vector.shape_cast %get3A_1917 : vector<1x16xf32> to vector<16xf32>
    %mul3A_1919 = arith.constant 0.875280559 : f32
    %mul3A_1920 = vector.broadcast %mul3A_1919 : f32 to vector<16xf32>
    %mul3A_1921 = arith.mulf %mul3A_1920, %get3A_1918 : vector<16xf32>
    %get3A_1922 = arith.constant 2 : i32
    %get3A_1923 = arith.index_cast %get3A_1922 : i32 to index
    %get3A_1924 = arith.constant 48 : index
    %get3A_1925 = tpu.vector_load %arg6[%get3A_1923, %get3A_1924] {strides = array<i32>} : memref<4x640xf32, #tpu.memory_space<vmem>>, vector<1x16xf32>,
    %get3A_1926 = vector.shape_cast %get3A_1925 : vector<1x16xf32> to vector<16xf32>
    %mul3A_1927 = arith.constant 0.124719448 : f32
    %mul3A_1928 = vector.broadcast %mul3A_1927 : f32 to vector<16xf32>
    %mul3A_1929 = arith.mulf %mul3A_1928, %get3A_1926 : vector<16xf32>
    %add3A_1930 = arith.addf %mul3A_1921, %mul3A_1929 : vector<16xf32>
    %swap3A_1931 = arith.constant 2 : i32
    %swap3A_1932 = arith.index_cast %swap3A_1931 : i32 to index
    %swap3A_1933 = arith.constant 48 : index
    %swap3A_1934 = tpu.vector_load %arg5[%swap3A_1932, %swap3A_1933] {strides = array<i32>} : memref<4x640xf32, #tpu.memory_space<vmem>>, vector<1x16xf32>,
    %swap3A_1935 = vector.shape_cast %swap3A_1934 : vector<1x16xf32> to vector<16xf32>
    %swap3A_1936 = vector.shape_cast %add3A_1930 : vector<16xf32> to vector<1x16xf32>
    tpu.vector_store %arg5[%swap3A_1932, %swap3A_1933], %swap3A_1936 {strides = array<i32>} : memref<4x640xf32, #tpu.memory_space<vmem>>, vector<1x16xf32>,
    %get3A_1937 = arith.constant 2 : i32
    %get3A_1938 = arith.index_cast %get3A_1937 : i32 to index
    %get3A_1939 = arith.constant 64 : index
    %get3A_1940 = tpu.vector_load %arg5[%get3A_1938, %get3A_1939] {strides = array<i32>} : memref<4x640xf32, #tpu.memory_space<vmem>>, vector<1x16xf32>,
    %get3A_1941 = vector.shape_cast %get3A_1940 : vector<1x16xf32> to vector<16xf32>
    %mul3A_1942 = arith.constant 0.875280559 : f32
    %mul3A_1943 = vector.broadcast %mul3A_1942 : f32 to vector<16xf32>
    %mul3A_1944 = arith.mulf %mul3A_1943, %get3A_1941 : vector<16xf32>
    %get3A_1945 = arith.constant 2 : i32
    %get3A_1946 = arith.index_cast %get3A_1945 : i32 to index
    %get3A_1947 = arith.constant 64 : index
    %get3A_1948 = tpu.vector_load %arg6[%get3A_1946, %get3A_1947] {strides = array<i32>} : memref<4x640xf32, #tpu.memory_space<vmem>>, vector<1x16xf32>,
    %get3A_1949 = vector.shape_cast %get3A_1948 : vector<1x16xf32> to vector<16xf32>
    %mul3A_1950 = arith.constant 0.124719448 : f32
    %mul3A_1951 = vector.broadcast %mul3A_1950 : f32 to vector<16xf32>
    %mul3A_1952 = arith.mulf %mul3A_1951, %get3A_1949 : vector<16xf32>
    %add3A_1953 = arith.addf %mul3A_1944, %mul3A_1952 : vector<16xf32>
    %swap3A_1954 = arith.constant 2 : i32
    %swap3A_1955 = arith.index_cast %swap3A_1954 : i32 to index
    %swap3A_1956 = arith.constant 64 : index
    %swap3A_1957 = tpu.vector_load %arg5[%swap3A_1955, %swap3A_1956] {strides = array<i32>} : memref<4x640xf32, #tpu.memory_space<vmem>>, vector<1x16xf32>,
    %swap3A_1958 = vector.shape_cast %swap3A_1957 : vector<1x16xf32> to vector<16xf32>
    %swap3A_1959 = vector.shape_cast %add3A_1953 : vector<16xf32> to vector<1x16xf32>
    tpu.vector_store %arg5[%swap3A_1955, %swap3A_1956], %swap3A_1959 {strides = array<i32>} : memref<4x640xf32, #tpu.memory_space<vmem>>, vector<1x16xf32>,
    %get3A_1960 = arith.constant 2 : i32
    %get3A_1961 = arith.index_cast %get3A_1960 : i32 to index
    %get3A_1962 = arith.constant 80 : index
    %get3A_1963 = tpu.vector_load %arg5[%get3A_1961, %get3A_1962] {strides = array<i32>} : memref<4x640xf32, #tpu.memory_space<vmem>>, vector<1x16xf32>,
    %get3A_1964 = vector.shape_cast %get3A_1963 : vector<1x16xf32> to vector<16xf32>
    %mul3A_1965 = arith.constant 0.875280559 : f32
    %mul3A_1966 = vector.broadcast %mul3A_1965 : f32 to vector<16xf32>
    %mul3A_1967 = arith.mulf %mul3A_1966, %get3A_1964 : vector<16xf32>
    %get3A_1968 = arith.constant 2 : i32
    %get3A_1969 = arith.index_cast %get3A_1968 : i32 to index
    %get3A_1970 = arith.constant 80 : index
    %get3A_1971 = tpu.vector_load %arg6[%get3A_1969, %get3A_1970] {strides = array<i32>} : memref<4x640xf32, #tpu.memory_space<vmem>>, vector<1x16xf32>,
    %get3A_1972 = vector.shape_cast %get3A_1971 : vector<1x16xf32> to vector<16xf32>
    %mul3A_1973 = arith.constant 0.124719448 : f32
    %mul3A_1974 = vector.broadcast %mul3A_1973 : f32 to vector<16xf32>
    %mul3A_1975 = arith.mulf %mul3A_1974, %get3A_1972 : vector<16xf32>
    %add3A_1976 = arith.addf %mul3A_1967, %mul3A_1975 : vector<16xf32>
    %swap3A_1977 = arith.constant 2 : i32
    %swap3A_1978 = arith.index_cast %swap3A_1977 : i32 to index
    %swap3A_1979 = arith.constant 80 : index
    %swap3A_1980 = tpu.vector_load %arg5[%swap3A_1978, %swap3A_1979] {strides = array<i32>} : memref<4x640xf32, #tpu.memory_space<vmem>>, vector<1x16xf32>,
    %swap3A_1981 = vector.shape_cast %swap3A_1980 : vector<1x16xf32> to vector<16xf32>
    %swap3A_1982 = vector.shape_cast %add3A_1976 : vector<16xf32> to vector<1x16xf32>
    tpu.vector_store %arg5[%swap3A_1978, %swap3A_1979], %swap3A_1982 {strides = array<i32>} : memref<4x640xf32, #tpu.memory_space<vmem>>, vector<1x16xf32>,
    %get3A_1983 = arith.constant 2 : i32
    %get3A_1984 = arith.index_cast %get3A_1983 : i32 to index
    %get3A_1985 = arith.constant 96 : index
    %get3A_1986 = tpu.vector_load %arg5[%get3A_1984, %get3A_1985] {strides = array<i32>} : memref<4x640xf32, #tpu.memory_space<vmem>>, vector<1x16xf32>,
    %get3A_1987 = vector.shape_cast %get3A_1986 : vector<1x16xf32> to vector<16xf32>
    %mul3A_1988 = arith.constant 0.875280559 : f32
    %mul3A_1989 = vector.broadcast %mul3A_1988 : f32 to vector<16xf32>
    %mul3A_1990 = arith.mulf %mul3A_1989, %get3A_1987 : vector<16xf32>
    %get3A_1991 = arith.constant 2 : i32
    %get3A_1992 = arith.index_cast %get3A_1991 : i32 to index
    %get3A_1993 = arith.constant 96 : index
    %get3A_1994 = tpu.vector_load %arg6[%get3A_1992, %get3A_1993] {strides = array<i32>} : memref<4x640xf32, #tpu.memory_space<vmem>>, vector<1x16xf32>,
    %get3A_1995 = vector.shape_cast %get3A_1994 : vector<1x16xf32> to vector<16xf32>
    %mul3A_1996 = arith.constant 0.124719448 : f32
    %mul3A_1997 = vector.broadcast %mul3A_1996 : f32 to vector<16xf32>
    %mul3A_1998 = arith.mulf %mul3A_1997, %get3A_1995 : vector<16xf32>
    %add3A_1999 = arith.addf %mul3A_1990, %mul3A_1998 : vector<16xf32>
    %swap3A_2000 = arith.constant 2 : i32
    %swap3A_2001 = arith.index_cast %swap3A_2000 : i32 to index
    %swap3A_2002 = arith.constant 96 : index
    %swap3A_2003 = tpu.vector_load %arg5[%swap3A_2001, %swap3A_2002] {strides = array<i32>} : memref<4x640xf32, #tpu.memory_space<vmem>>, vector<1x16xf32>,
    %swap3A_2004 = vector.shape_cast %swap3A_2003 : vector<1x16xf32> to vector<16xf32>
    %swap3A_2005 = vector.shape_cast %add3A_1999 : vector<16xf32> to vector<1x16xf32>
    tpu.vector_store %arg5[%swap3A_2001, %swap3A_2002], %swap3A_2005 {strides = array<i32>} : memref<4x640xf32, #tpu.memory_space<vmem>>, vector<1x16xf32>,
    %get3A_2006 = arith.constant 2 : i32
    %get3A_2007 = arith.index_cast %get3A_2006 : i32 to index
    %get3A_2008 = arith.constant 112 : index
    %get3A_2009 = tpu.vector_load %arg5[%get3A_2007, %get3A_2008] {strides = array<i32>} : memref<4x640xf32, #tpu.memory_space<vmem>>, vector<1x16xf32>,
    %get3A_2010 = vector.shape_cast %get3A_2009 : vector<1x16xf32> to vector<16xf32>
    %mul3A_2011 = arith.constant 0.875280559 : f32
    %mul3A_2012 = vector.broadcast %mul3A_2011 : f32 to vector<16xf32>
    %mul3A_2013 = arith.mulf %mul3A_2012, %get3A_2010 : vector<16xf32>
    %get3A_2014 = arith.constant 2 : i32
    %get3A_2015 = arith.index_cast %get3A_2014 : i32 to index
    %get3A_2016 = arith.constant 112 : index
    %get3A_2017 = tpu.vector_load %arg6[%get3A_2015, %get3A_2016] {strides = array<i32>} : memref<4x640xf32, #tpu.memory_space<vmem>>, vector<1x16xf32>,
    %get3A_2018 = vector.shape_cast %get3A_2017 : vector<1x16xf32> to vector<16xf32>
    %mul3A_2019 = arith.constant 0.124719448 : f32
    %mul3A_2020 = vector.broadcast %mul3A_2019 : f32 to vector<16xf32>
    %mul3A_2021 = arith.mulf %mul3A_2020, %get3A_2018 : vector<16xf32>
    %add3A_2022 = arith.addf %mul3A_2013, %mul3A_2021 : vector<16xf32>
    %swap3A_2023 = arith.constant 2 : i32
    %swap3A_2024 = arith.index_cast %swap3A_2023 : i32 to index
    %swap3A_2025 = arith.constant 112 : index
    %swap3A_2026 = tpu.vector_load %arg5[%swap3A_2024, %swap3A_2025] {strides = array<i32>} : memref<4x640xf32, #tpu.memory_space<vmem>>, vector<1x16xf32>,
    %swap3A_2027 = vector.shape_cast %swap3A_2026 : vector<1x16xf32> to vector<16xf32>
    %swap3A_2028 = vector.shape_cast %add3A_2022 : vector<16xf32> to vector<1x16xf32>
    tpu.vector_store %arg5[%swap3A_2024, %swap3A_2025], %swap3A_2028 {strides = array<i32>} : memref<4x640xf32, #tpu.memory_space<vmem>>, vector<1x16xf32>,
    %get3A_2029 = arith.constant 2 : i32
    %get3A_2030 = arith.index_cast %get3A_2029 : i32 to index
    %get3A_2031 = arith.constant 128 : index
    %get3A_2032 = tpu.vector_load %arg5[%get3A_2030, %get3A_2031] {strides = array<i32>} : memref<4x640xf32, #tpu.memory_space<vmem>>, vector<1x16xf32>,
    %get3A_2033 = vector.shape_cast %get3A_2032 : vector<1x16xf32> to vector<16xf32>
    %mul3A_2034 = arith.constant 0.875280559 : f32
    %mul3A_2035 = vector.broadcast %mul3A_2034 : f32 to vector<16xf32>
    %mul3A_2036 = arith.mulf %mul3A_2035, %get3A_2033 : vector<16xf32>
    %get3A_2037 = arith.constant 2 : i32
    %get3A_2038 = arith.index_cast %get3A_2037 : i32 to index
    %get3A_2039 = arith.constant 128 : index
    %get3A_2040 = tpu.vector_load %arg6[%get3A_2038, %get3A_2039] {strides = array<i32>} : memref<4x640xf32, #tpu.memory_space<vmem>>, vector<1x16xf32>,
    %get3A_2041 = vector.shape_cast %get3A_2040 : vector<1x16xf32> to vector<16xf32>
    %mul3A_2042 = arith.constant 0.124719448 : f32
    %mul3A_2043 = vector.broadcast %mul3A_2042 : f32 to vector<16xf32>
    %mul3A_2044 = arith.mulf %mul3A_2043, %get3A_2041 : vector<16xf32>
    %add3A_2045 = arith.addf %mul3A_2036, %mul3A_2044 : vector<16xf32>
    %swap3A_2046 = arith.constant 2 : i32
    %swap3A_2047 = arith.index_cast %swap3A_2046 : i32 to index
    %swap3A_2048 = arith.constant 128 : index
    %swap3A_2049 = tpu.vector_load %arg5[%swap3A_2047, %swap3A_2048] {strides = array<i32>} : memref<4x640xf32, #tpu.memory_space<vmem>>, vector<1x16xf32>,
    %swap3A_2050 = vector.shape_cast %swap3A_2049 : vector<1x16xf32> to vector<16xf32>
    %swap3A_2051 = vector.shape_cast %add3A_2045 : vector<16xf32> to vector<1x16xf32>
    tpu.vector_store %arg5[%swap3A_2047, %swap3A_2048], %swap3A_2051 {strides = array<i32>} : memref<4x640xf32, #tpu.memory_space<vmem>>, vector<1x16xf32>,
    %get3A_2052 = arith.constant 2 : i32
    %get3A_2053 = arith.index_cast %get3A_2052 : i32 to index
    %get3A_2054 = arith.constant 144 : index
    %get3A_2055 = tpu.vector_load %arg5[%get3A_2053, %get3A_2054] {strides = array<i32>} : memref<4x640xf32, #tpu.memory_space<vmem>>, vector<1x16xf32>,
    %get3A_2056 = vector.shape_cast %get3A_2055 : vector<1x16xf32> to vector<16xf32>
    %mul3A_2057 = arith.constant 0.875280559 : f32
    %mul3A_2058 = vector.broadcast %mul3A_2057 : f32 to vector<16xf32>
    %mul3A_2059 = arith.mulf %mul3A_2058, %get3A_2056 : vector<16xf32>
    %get3A_2060 = arith.constant 2 : i32
    %get3A_2061 = arith.index_cast %get3A_2060 : i32 to index
    %get3A_2062 = arith.constant 144 : index
    %get3A_2063 = tpu.vector_load %arg6[%get3A_2061, %get3A_2062] {strides = array<i32>} : memref<4x640xf32, #tpu.memory_space<vmem>>, vector<1x16xf32>,
    %get3A_2064 = vector.shape_cast %get3A_2063 : vector<1x16xf32> to vector<16xf32>
    %mul3A_2065 = arith.constant 0.124719448 : f32
    %mul3A_2066 = vector.broadcast %mul3A_2065 : f32 to vector<16xf32>
    %mul3A_2067 = arith.mulf %mul3A_2066, %get3A_2064 : vector<16xf32>
    %add3A_2068 = arith.addf %mul3A_2059, %mul3A_2067 : vector<16xf32>
    %swap3A_2069 = arith.constant 2 : i32
    %swap3A_2070 = arith.index_cast %swap3A_2069 : i32 to index
    %swap3A_2071 = arith.constant 144 : index
    %swap3A_2072 = tpu.vector_load %arg5[%swap3A_2070, %swap3A_2071] {strides = array<i32>} : memref<4x640xf32, #tpu.memory_space<vmem>>, vector<1x16xf32>,
    %swap3A_2073 = vector.shape_cast %swap3A_2072 : vector<1x16xf32> to vector<16xf32>
    %swap3A_2074 = vector.shape_cast %add3A_2068 : vector<16xf32> to vector<1x16xf32>
    tpu.vector_store %arg5[%swap3A_2070, %swap3A_2071], %swap3A_2074 {strides = array<i32>} : memref<4x640xf32, #tpu.memory_space<vmem>>, vector<1x16xf32>,
    %get3A_2075 = arith.constant 2 : i32
    %get3A_2076 = arith.index_cast %get3A_2075 : i32 to index
    %get3A_2077 = arith.constant 160 : index
    %get3A_2078 = tpu.vector_load %arg5[%get3A_2076, %get3A_2077] {strides = array<i32>} : memref<4x640xf32, #tpu.memory_space<vmem>>, vector<1x16xf32>,
    %get3A_2079 = vector.shape_cast %get3A_2078 : vector<1x16xf32> to vector<16xf32>
    %mul3A_2080 = arith.constant 0.875280559 : f32
    %mul3A_2081 = vector.broadcast %mul3A_2080 : f32 to vector<16xf32>
    %mul3A_2082 = arith.mulf %mul3A_2081, %get3A_2079 : vector<16xf32>
    %get3A_2083 = arith.constant 2 : i32
    %get3A_2084 = arith.index_cast %get3A_2083 : i32 to index
    %get3A_2085 = arith.constant 160 : index
    %get3A_2086 = tpu.vector_load %arg6[%get3A_2084, %get3A_2085] {strides = array<i32>} : memref<4x640xf32, #tpu.memory_space<vmem>>, vector<1x16xf32>,
    %get3A_2087 = vector.shape_cast %get3A_2086 : vector<1x16xf32> to vector<16xf32>
    %mul3A_2088 = arith.constant 0.124719448 : f32
    %mul3A_2089 = vector.broadcast %mul3A_2088 : f32 to vector<16xf32>
    %mul3A_2090 = arith.mulf %mul3A_2089, %get3A_2087 : vector<16xf32>
    %add3A_2091 = arith.addf %mul3A_2082, %mul3A_2090 : vector<16xf32>
    %swap3A_2092 = arith.constant 2 : i32
    %swap3A_2093 = arith.index_cast %swap3A_2092 : i32 to index
    %swap3A_2094 = arith.constant 160 : index
    %swap3A_2095 = tpu.vector_load %arg5[%swap3A_2093, %swap3A_2094] {strides = array<i32>} : memref<4x640xf32, #tpu.memory_space<vmem>>, vector<1x16xf32>,
    %swap3A_2096 = vector.shape_cast %swap3A_2095 : vector<1x16xf32> to vector<16xf32>
    %swap3A_2097 = vector.shape_cast %add3A_2091 : vector<16xf32> to vector<1x16xf32>
    tpu.vector_store %arg5[%swap3A_2093, %swap3A_2094], %swap3A_2097 {strides = array<i32>} : memref<4x640xf32, #tpu.memory_space<vmem>>, vector<1x16xf32>,
    %get3A_2098 = arith.constant 2 : i32
    %get3A_2099 = arith.index_cast %get3A_2098 : i32 to index
    %get3A_2100 = arith.constant 176 : index
    %get3A_2101 = tpu.vector_load %arg5[%get3A_2099, %get3A_2100] {strides = array<i32>} : memref<4x640xf32, #tpu.memory_space<vmem>>, vector<1x16xf32>,
    %get3A_2102 = vector.shape_cast %get3A_2101 : vector<1x16xf32> to vector<16xf32>
    %mul3A_2103 = arith.constant 0.875280559 : f32
    %mul3A_2104 = vector.broadcast %mul3A_2103 : f32 to vector<16xf32>
    %mul3A_2105 = arith.mulf %mul3A_2104, %get3A_2102 : vector<16xf32>
    %get3A_2106 = arith.constant 2 : i32
    %get3A_2107 = arith.index_cast %get3A_2106 : i32 to index
    %get3A_2108 = arith.constant 176 : index
    %get3A_2109 = tpu.vector_load %arg6[%get3A_2107, %get3A_2108] {strides = array<i32>} : memref<4x640xf32, #tpu.memory_space<vmem>>, vector<1x16xf32>,
    %get3A_2110 = vector.shape_cast %get3A_2109 : vector<1x16xf32> to vector<16xf32>
    %mul3A_2111 = arith.constant 0.124719448 : f32
    %mul3A_2112 = vector.broadcast %mul3A_2111 : f32 to vector<16xf32>
    %mul3A_2113 = arith.mulf %mul3A_2112, %get3A_2110 : vector<16xf32>
    %add3A_2114 = arith.addf %mul3A_2105, %mul3A_2113 : vector<16xf32>
    %swap3A_2115 = arith.constant 2 : i32
    %swap3A_2116 = arith.index_cast %swap3A_2115 : i32 to index
    %swap3A_2117 = arith.constant 176 : index
    %swap3A_2118 = tpu.vector_load %arg5[%swap3A_2116, %swap3A_2117] {strides = array<i32>} : memref<4x640xf32, #tpu.memory_space<vmem>>, vector<1x16xf32>,
    %swap3A_2119 = vector.shape_cast %swap3A_2118 : vector<1x16xf32> to vector<16xf32>
    %swap3A_2120 = vector.shape_cast %add3A_2114 : vector<16xf32> to vector<1x16xf32>
    tpu.vector_store %arg5[%swap3A_2116, %swap3A_2117], %swap3A_2120 {strides = array<i32>} : memref<4x640xf32, #tpu.memory_space<vmem>>, vector<1x16xf32>,
    %get3A_2121 = arith.constant 2 : i32
    %get3A_2122 = arith.index_cast %get3A_2121 : i32 to index
    %get3A_2123 = arith.constant 192 : index
    %get3A_2124 = tpu.vector_load %arg5[%get3A_2122, %get3A_2123] {strides = array<i32>} : memref<4x640xf32, #tpu.memory_space<vmem>>, vector<1x16xf32>,
    %get3A_2125 = vector.shape_cast %get3A_2124 : vector<1x16xf32> to vector<16xf32>
    %mul3A_2126 = arith.constant 0.875280559 : f32
    %mul3A_2127 = vector.broadcast %mul3A_2126 : f32 to vector<16xf32>
    %mul3A_2128 = arith.mulf %mul3A_2127, %get3A_2125 : vector<16xf32>
    %get3A_2129 = arith.constant 2 : i32
    %get3A_2130 = arith.index_cast %get3A_2129 : i32 to index
    %get3A_2131 = arith.constant 192 : index
    %get3A_2132 = tpu.vector_load %arg6[%get3A_2130, %get3A_2131] {strides = array<i32>} : memref<4x640xf32, #tpu.memory_space<vmem>>, vector<1x16xf32>,
    %get3A_2133 = vector.shape_cast %get3A_2132 : vector<1x16xf32> to vector<16xf32>
    %mul3A_2134 = arith.constant 0.124719448 : f32
    %mul3A_2135 = vector.broadcast %mul3A_2134 : f32 to vector<16xf32>
    %mul3A_2136 = arith.mulf %mul3A_2135, %get3A_2133 : vector<16xf32>
    %add3A_2137 = arith.addf %mul3A_2128, %mul3A_2136 : vector<16xf32>
    %swap3A_2138 = arith.constant 2 : i32
    %swap3A_2139 = arith.index_cast %swap3A_2138 : i32 to index
    %swap3A_2140 = arith.constant 192 : index
    %swap3A_2141 = tpu.vector_load %arg5[%swap3A_2139, %swap3A_2140] {strides = array<i32>} : memref<4x640xf32, #tpu.memory_space<vmem>>, vector<1x16xf32>,
    %swap3A_2142 = vector.shape_cast %swap3A_2141 : vector<1x16xf32> to vector<16xf32>
    %swap3A_2143 = vector.shape_cast %add3A_2137 : vector<16xf32> to vector<1x16xf32>
    tpu.vector_store %arg5[%swap3A_2139, %swap3A_2140], %swap3A_2143 {strides = array<i32>} : memref<4x640xf32, #tpu.memory_space<vmem>>, vector<1x16xf32>,
    %get3A_2144 = arith.constant 2 : i32
    %get3A_2145 = arith.index_cast %get3A_2144 : i32 to index
    %get3A_2146 = arith.constant 208 : index
    %get3A_2147 = tpu.vector_load %arg5[%get3A_2145, %get3A_2146] {strides = array<i32>} : memref<4x640xf32, #tpu.memory_space<vmem>>, vector<1x16xf32>,
    %get3A_2148 = vector.shape_cast %get3A_2147 : vector<1x16xf32> to vector<16xf32>
    %mul3A_2149 = arith.constant 0.875280559 : f32
    %mul3A_2150 = vector.broadcast %mul3A_2149 : f32 to vector<16xf32>
    %mul3A_2151 = arith.mulf %mul3A_2150, %get3A_2148 : vector<16xf32>
    %get3A_2152 = arith.constant 2 : i32
    %get3A_2153 = arith.index_cast %get3A_2152 : i32 to index
    %get3A_2154 = arith.constant 208 : index
    %get3A_2155 = tpu.vector_load %arg6[%get3A_2153, %get3A_2154] {strides = array<i32>} : memref<4x640xf32, #tpu.memory_space<vmem>>, vector<1x16xf32>,
    %get3A_2156 = vector.shape_cast %get3A_2155 : vector<1x16xf32> to vector<16xf32>
    %mul3A_2157 = arith.constant 0.124719448 : f32
    %mul3A_2158 = vector.broadcast %mul3A_2157 : f32 to vector<16xf32>
    %mul3A_2159 = arith.mulf %mul3A_2158, %get3A_2156 : vector<16xf32>
    %add3A_2160 = arith.addf %mul3A_2151, %mul3A_2159 : vector<16xf32>
    %swap3A_2161 = arith.constant 2 : i32
    %swap3A_2162 = arith.index_cast %swap3A_2161 : i32 to index
    %swap3A_2163 = arith.constant 208 : index
    %swap3A_2164 = tpu.vector_load %arg5[%swap3A_2162, %swap3A_2163] {strides = array<i32>} : memref<4x640xf32, #tpu.memory_space<vmem>>, vector<1x16xf32>,
    %swap3A_2165 = vector.shape_cast %swap3A_2164 : vector<1x16xf32> to vector<16xf32>
    %swap3A_2166 = vector.shape_cast %add3A_2160 : vector<16xf32> to vector<1x16xf32>
    tpu.vector_store %arg5[%swap3A_2162, %swap3A_2163], %swap3A_2166 {strides = array<i32>} : memref<4x640xf32, #tpu.memory_space<vmem>>, vector<1x16xf32>,
    %get3A_2167 = arith.constant 2 : i32
    %get3A_2168 = arith.index_cast %get3A_2167 : i32 to index
    %get3A_2169 = arith.constant 224 : index
    %get3A_2170 = tpu.vector_load %arg5[%get3A_2168, %get3A_2169] {strides = array<i32>} : memref<4x640xf32, #tpu.memory_space<vmem>>, vector<1x16xf32>,
    %get3A_2171 = vector.shape_cast %get3A_2170 : vector<1x16xf32> to vector<16xf32>
    %mul3A_2172 = arith.constant 0.875280559 : f32
    %mul3A_2173 = vector.broadcast %mul3A_2172 : f32 to vector<16xf32>
    %mul3A_2174 = arith.mulf %mul3A_2173, %get3A_2171 : vector<16xf32>
    %get3A_2175 = arith.constant 2 : i32
    %get3A_2176 = arith.index_cast %get3A_2175 : i32 to index
    %get3A_2177 = arith.constant 224 : index
    %get3A_2178 = tpu.vector_load %arg6[%get3A_2176, %get3A_2177] {strides = array<i32>} : memref<4x640xf32, #tpu.memory_space<vmem>>, vector<1x16xf32>,
    %get3A_2179 = vector.shape_cast %get3A_2178 : vector<1x16xf32> to vector<16xf32>
    %mul3A_2180 = arith.constant 0.124719448 : f32
    %mul3A_2181 = vector.broadcast %mul3A_2180 : f32 to vector<16xf32>
    %mul3A_2182 = arith.mulf %mul3A_2181, %get3A_2179 : vector<16xf32>
    %add3A_2183 = arith.addf %mul3A_2174, %mul3A_2182 : vector<16xf32>
    %swap3A_2184 = arith.constant 2 : i32
    %swap3A_2185 = arith.index_cast %swap3A_2184 : i32 to index
    %swap3A_2186 = arith.constant 224 : index
    %swap3A_2187 = tpu.vector_load %arg5[%swap3A_2185, %swap3A_2186] {strides = array<i32>} : memref<4x640xf32, #tpu.memory_space<vmem>>, vector<1x16xf32>,
    %swap3A_2188 = vector.shape_cast %swap3A_2187 : vector<1x16xf32> to vector<16xf32>
    %swap3A_2189 = vector.shape_cast %add3A_2183 : vector<16xf32> to vector<1x16xf32>
    tpu.vector_store %arg5[%swap3A_2185, %swap3A_2186], %swap3A_2189 {strides = array<i32>} : memref<4x640xf32, #tpu.memory_space<vmem>>, vector<1x16xf32>,
    %get3A_2190 = arith.constant 2 : i32
    %get3A_2191 = arith.index_cast %get3A_2190 : i32 to index
    %get3A_2192 = arith.constant 240 : index
    %get3A_2193 = tpu.vector_load %arg5[%get3A_2191, %get3A_2192] {strides = array<i32>} : memref<4x640xf32, #tpu.memory_space<vmem>>, vector<1x16xf32>,
    %get3A_2194 = vector.shape_cast %get3A_2193 : vector<1x16xf32> to vector<16xf32>
    %mul3A_2195 = arith.constant 0.875280559 : f32
    %mul3A_2196 = vector.broadcast %mul3A_2195 : f32 to vector<16xf32>
    %mul3A_2197 = arith.mulf %mul3A_2196, %get3A_2194 : vector<16xf32>
    %get3A_2198 = arith.constant 2 : i32
    %get3A_2199 = arith.index_cast %get3A_2198 : i32 to index
    %get3A_2200 = arith.constant 240 : index
    %get3A_2201 = tpu.vector_load %arg6[%get3A_2199, %get3A_2200] {strides = array<i32>} : memref<4x640xf32, #tpu.memory_space<vmem>>, vector<1x16xf32>,
    %get3A_2202 = vector.shape_cast %get3A_2201 : vector<1x16xf32> to vector<16xf32>
    %mul3A_2203 = arith.constant 0.124719448 : f32
    %mul3A_2204 = vector.broadcast %mul3A_2203 : f32 to vector<16xf32>
    %mul3A_2205 = arith.mulf %mul3A_2204, %get3A_2202 : vector<16xf32>
    %add3A_2206 = arith.addf %mul3A_2197, %mul3A_2205 : vector<16xf32>
    %swap3A_2207 = arith.constant 2 : i32
    %swap3A_2208 = arith.index_cast %swap3A_2207 : i32 to index
    %swap3A_2209 = arith.constant 240 : index
    %swap3A_2210 = tpu.vector_load %arg5[%swap3A_2208, %swap3A_2209] {strides = array<i32>} : memref<4x640xf32, #tpu.memory_space<vmem>>, vector<1x16xf32>,
    %swap3A_2211 = vector.shape_cast %swap3A_2210 : vector<1x16xf32> to vector<16xf32>
    %swap3A_2212 = vector.shape_cast %add3A_2206 : vector<16xf32> to vector<1x16xf32>
    tpu.vector_store %arg5[%swap3A_2208, %swap3A_2209], %swap3A_2212 {strides = array<i32>} : memref<4x640xf32, #tpu.memory_space<vmem>>, vector<1x16xf32>,
    %get3A_2213 = arith.constant 2 : i32
    %get3A_2214 = arith.index_cast %get3A_2213 : i32 to index
    %get3A_2215 = arith.constant 256 : index
    %get3A_2216 = tpu.vector_load %arg5[%get3A_2214, %get3A_2215] {strides = array<i32>} : memref<4x640xf32, #tpu.memory_space<vmem>>, vector<1x16xf32>,
    %get3A_2217 = vector.shape_cast %get3A_2216 : vector<1x16xf32> to vector<16xf32>
    %mul3A_2218 = arith.constant 0.875280559 : f32
    %mul3A_2219 = vector.broadcast %mul3A_2218 : f32 to vector<16xf32>
    %mul3A_2220 = arith.mulf %mul3A_2219, %get3A_2217 : vector<16xf32>
    %get3A_2221 = arith.constant 2 : i32
    %get3A_2222 = arith.index_cast %get3A_2221 : i32 to index
    %get3A_2223 = arith.constant 256 : index
    %get3A_2224 = tpu.vector_load %arg6[%get3A_2222, %get3A_2223] {strides = array<i32>} : memref<4x640xf32, #tpu.memory_space<vmem>>, vector<1x16xf32>,
    %get3A_2225 = vector.shape_cast %get3A_2224 : vector<1x16xf32> to vector<16xf32>
    %mul3A_2226 = arith.constant 0.124719448 : f32
    %mul3A_2227 = vector.broadcast %mul3A_2226 : f32 to vector<16xf32>
    %mul3A_2228 = arith.mulf %mul3A_2227, %get3A_2225 : vector<16xf32>
    %add3A_2229 = arith.addf %mul3A_2220, %mul3A_2228 : vector<16xf32>
    %swap3A_2230 = arith.constant 2 : i32
    %swap3A_2231 = arith.index_cast %swap3A_2230 : i32 to index
    %swap3A_2232 = arith.constant 256 : index
    %swap3A_2233 = tpu.vector_load %arg5[%swap3A_2231, %swap3A_2232] {strides = array<i32>} : memref<4x640xf32, #tpu.memory_space<vmem>>, vector<1x16xf32>,
    %swap3A_2234 = vector.shape_cast %swap3A_2233 : vector<1x16xf32> to vector<16xf32>
    %swap3A_2235 = vector.shape_cast %add3A_2229 : vector<16xf32> to vector<1x16xf32>
    tpu.vector_store %arg5[%swap3A_2231, %swap3A_2232], %swap3A_2235 {strides = array<i32>} : memref<4x640xf32, #tpu.memory_space<vmem>>, vector<1x16xf32>,
    %get3A_2236 = arith.constant 2 : i32
    %get3A_2237 = arith.index_cast %get3A_2236 : i32 to index
    %get3A_2238 = arith.constant 272 : index
    %get3A_2239 = tpu.vector_load %arg5[%get3A_2237, %get3A_2238] {strides = array<i32>} : memref<4x640xf32, #tpu.memory_space<vmem>>, vector<1x16xf32>,
    %get3A_2240 = vector.shape_cast %get3A_2239 : vector<1x16xf32> to vector<16xf32>
    %mul3A_2241 = arith.constant 0.875280559 : f32
    %mul3A_2242 = vector.broadcast %mul3A_2241 : f32 to vector<16xf32>
    %mul3A_2243 = arith.mulf %mul3A_2242, %get3A_2240 : vector<16xf32>
    %get3A_2244 = arith.constant 2 : i32
    %get3A_2245 = arith.index_cast %get3A_2244 : i32 to index
    %get3A_2246 = arith.constant 272 : index
    %get3A_2247 = tpu.vector_load %arg6[%get3A_2245, %get3A_2246] {strides = array<i32>} : memref<4x640xf32, #tpu.memory_space<vmem>>, vector<1x16xf32>,
    %get3A_2248 = vector.shape_cast %get3A_2247 : vector<1x16xf32> to vector<16xf32>
    %mul3A_2249 = arith.constant 0.124719448 : f32
    %mul3A_2250 = vector.broadcast %mul3A_2249 : f32 to vector<16xf32>
    %mul3A_2251 = arith.mulf %mul3A_2250, %get3A_2248 : vector<16xf32>
    %add3A_2252 = arith.addf %mul3A_2243, %mul3A_2251 : vector<16xf32>
    %swap3A_2253 = arith.constant 2 : i32
    %swap3A_2254 = arith.index_cast %swap3A_2253 : i32 to index
    %swap3A_2255 = arith.constant 272 : index
    %swap3A_2256 = tpu.vector_load %arg5[%swap3A_2254, %swap3A_2255] {strides = array<i32>} : memref<4x640xf32, #tpu.memory_space<vmem>>, vector<1x16xf32>,
    %swap3A_2257 = vector.shape_cast %swap3A_2256 : vector<1x16xf32> to vector<16xf32>
    %swap3A_2258 = vector.shape_cast %add3A_2252 : vector<16xf32> to vector<1x16xf32>
    tpu.vector_store %arg5[%swap3A_2254, %swap3A_2255], %swap3A_2258 {strides = array<i32>} : memref<4x640xf32, #tpu.memory_space<vmem>>, vector<1x16xf32>,
    %get3A_2259 = arith.constant 2 : i32
    %get3A_2260 = arith.index_cast %get3A_2259 : i32 to index
    %get3A_2261 = arith.constant 288 : index
    %get3A_2262 = tpu.vector_load %arg5[%get3A_2260, %get3A_2261] {strides = array<i32>} : memref<4x640xf32, #tpu.memory_space<vmem>>, vector<1x16xf32>,
    %get3A_2263 = vector.shape_cast %get3A_2262 : vector<1x16xf32> to vector<16xf32>
    %mul3A_2264 = arith.constant 0.875280559 : f32
    %mul3A_2265 = vector.broadcast %mul3A_2264 : f32 to vector<16xf32>
    %mul3A_2266 = arith.mulf %mul3A_2265, %get3A_2263 : vector<16xf32>
    %get3A_2267 = arith.constant 2 : i32
    %get3A_2268 = arith.index_cast %get3A_2267 : i32 to index
    %get3A_2269 = arith.constant 288 : index
    %get3A_2270 = tpu.vector_load %arg6[%get3A_2268, %get3A_2269] {strides = array<i32>} : memref<4x640xf32, #tpu.memory_space<vmem>>, vector<1x16xf32>,
    %get3A_2271 = vector.shape_cast %get3A_2270 : vector<1x16xf32> to vector<16xf32>
    %mul3A_2272 = arith.constant 0.124719448 : f32
    %mul3A_2273 = vector.broadcast %mul3A_2272 : f32 to vector<16xf32>
    %mul3A_2274 = arith.mulf %mul3A_2273, %get3A_2271 : vector<16xf32>
    %add3A_2275 = arith.addf %mul3A_2266, %mul3A_2274 : vector<16xf32>
    %swap3A_2276 = arith.constant 2 : i32
    %swap3A_2277 = arith.index_cast %swap3A_2276 : i32 to index
    %swap3A_2278 = arith.constant 288 : index
    %swap3A_2279 = tpu.vector_load %arg5[%swap3A_2277, %swap3A_2278] {strides = array<i32>} : memref<4x640xf32, #tpu.memory_space<vmem>>, vector<1x16xf32>,
    %swap3A_2280 = vector.shape_cast %swap3A_2279 : vector<1x16xf32> to vector<16xf32>
    %swap3A_2281 = vector.shape_cast %add3A_2275 : vector<16xf32> to vector<1x16xf32>
    tpu.vector_store %arg5[%swap3A_2277, %swap3A_2278], %swap3A_2281 {strides = array<i32>} : memref<4x640xf32, #tpu.memory_space<vmem>>, vector<1x16xf32>,
    %get3A_2282 = arith.constant 2 : i32
    %get3A_2283 = arith.index_cast %get3A_2282 : i32 to index
    %get3A_2284 = arith.constant 304 : index
    %get3A_2285 = tpu.vector_load %arg5[%get3A_2283, %get3A_2284] {strides = array<i32>} : memref<4x640xf32, #tpu.memory_space<vmem>>, vector<1x16xf32>,
    %get3A_2286 = vector.shape_cast %get3A_2285 : vector<1x16xf32> to vector<16xf32>
    %mul3A_2287 = arith.constant 0.875280559 : f32
    %mul3A_2288 = vector.broadcast %mul3A_2287 : f32 to vector<16xf32>
    %mul3A_2289 = arith.mulf %mul3A_2288, %get3A_2286 : vector<16xf32>
    %get3A_2290 = arith.constant 2 : i32
    %get3A_2291 = arith.index_cast %get3A_2290 : i32 to index
    %get3A_2292 = arith.constant 304 : index
    %get3A_2293 = tpu.vector_load %arg6[%get3A_2291, %get3A_2292] {strides = array<i32>} : memref<4x640xf32, #tpu.memory_space<vmem>>, vector<1x16xf32>,
    %get3A_2294 = vector.shape_cast %get3A_2293 : vector<1x16xf32> to vector<16xf32>
    %mul3A_2295 = arith.constant 0.124719448 : f32
    %mul3A_2296 = vector.broadcast %mul3A_2295 : f32 to vector<16xf32>
    %mul3A_2297 = arith.mulf %mul3A_2296, %get3A_2294 : vector<16xf32>
    %add3A_2298 = arith.addf %mul3A_2289, %mul3A_2297 : vector<16xf32>
    %swap3A_2299 = arith.constant 2 : i32
    %swap3A_2300 = arith.index_cast %swap3A_2299 : i32 to index
    %swap3A_2301 = arith.constant 304 : index
    %swap3A_2302 = tpu.vector_load %arg5[%swap3A_2300, %swap3A_2301] {strides = array<i32>} : memref<4x640xf32, #tpu.memory_space<vmem>>, vector<1x16xf32>,
    %swap3A_2303 = vector.shape_cast %swap3A_2302 : vector<1x16xf32> to vector<16xf32>
    %swap3A_2304 = vector.shape_cast %add3A_2298 : vector<16xf32> to vector<1x16xf32>
    tpu.vector_store %arg5[%swap3A_2300, %swap3A_2301], %swap3A_2304 {strides = array<i32>} : memref<4x640xf32, #tpu.memory_space<vmem>>, vector<1x16xf32>,
    %get3A_2305 = arith.constant 2 : i32
    %get3A_2306 = arith.index_cast %get3A_2305 : i32 to index
    %get3A_2307 = arith.constant 320 : index
    %get3A_2308 = tpu.vector_load %arg5[%get3A_2306, %get3A_2307] {strides = array<i32>} : memref<4x640xf32, #tpu.memory_space<vmem>>, vector<1x16xf32>,
    %get3A_2309 = vector.shape_cast %get3A_2308 : vector<1x16xf32> to vector<16xf32>
    %mul3A_2310 = arith.constant 0.875280559 : f32
    %mul3A_2311 = vector.broadcast %mul3A_2310 : f32 to vector<16xf32>
    %mul3A_2312 = arith.mulf %mul3A_2311, %get3A_2309 : vector<16xf32>
    %get3A_2313 = arith.constant 2 : i32
    %get3A_2314 = arith.index_cast %get3A_2313 : i32 to index
    %get3A_2315 = arith.constant 320 : index
    %get3A_2316 = tpu.vector_load %arg6[%get3A_2314, %get3A_2315] {strides = array<i32>} : memref<4x640xf32, #tpu.memory_space<vmem>>, vector<1x16xf32>,
    %get3A_2317 = vector.shape_cast %get3A_2316 : vector<1x16xf32> to vector<16xf32>
    %mul3A_2318 = arith.constant 0.124719448 : f32
    %mul3A_2319 = vector.broadcast %mul3A_2318 : f32 to vector<16xf32>
    %mul3A_2320 = arith.mulf %mul3A_2319, %get3A_2317 : vector<16xf32>
    %add3A_2321 = arith.addf %mul3A_2312, %mul3A_2320 : vector<16xf32>
    %swap3A_2322 = arith.constant 2 : i32
    %swap3A_2323 = arith.index_cast %swap3A_2322 : i32 to index
    %swap3A_2324 = arith.constant 320 : index
    %swap3A_2325 = tpu.vector_load %arg5[%swap3A_2323, %swap3A_2324] {strides = array<i32>} : memref<4x640xf32, #tpu.memory_space<vmem>>, vector<1x16xf32>,
    %swap3A_2326 = vector.shape_cast %swap3A_2325 : vector<1x16xf32> to vector<16xf32>
    %swap3A_2327 = vector.shape_cast %add3A_2321 : vector<16xf32> to vector<1x16xf32>
    tpu.vector_store %arg5[%swap3A_2323, %swap3A_2324], %swap3A_2327 {strides = array<i32>} : memref<4x640xf32, #tpu.memory_space<vmem>>, vector<1x16xf32>,
    %get3A_2328 = arith.constant 2 : i32
    %get3A_2329 = arith.index_cast %get3A_2328 : i32 to index
    %get3A_2330 = arith.constant 336 : index
    %get3A_2331 = tpu.vector_load %arg5[%get3A_2329, %get3A_2330] {strides = array<i32>} : memref<4x640xf32, #tpu.memory_space<vmem>>, vector<1x16xf32>,
    %get3A_2332 = vector.shape_cast %get3A_2331 : vector<1x16xf32> to vector<16xf32>
    %mul3A_2333 = arith.constant 0.875280559 : f32
    %mul3A_2334 = vector.broadcast %mul3A_2333 : f32 to vector<16xf32>
    %mul3A_2335 = arith.mulf %mul3A_2334, %get3A_2332 : vector<16xf32>
    %get3A_2336 = arith.constant 2 : i32
    %get3A_2337 = arith.index_cast %get3A_2336 : i32 to index
    %get3A_2338 = arith.constant 336 : index
    %get3A_2339 = tpu.vector_load %arg6[%get3A_2337, %get3A_2338] {strides = array<i32>} : memref<4x640xf32, #tpu.memory_space<vmem>>, vector<1x16xf32>,
    %get3A_2340 = vector.shape_cast %get3A_2339 : vector<1x16xf32> to vector<16xf32>
    %mul3A_2341 = arith.constant 0.124719448 : f32
    %mul3A_2342 = vector.broadcast %mul3A_2341 : f32 to vector<16xf32>
    %mul3A_2343 = arith.mulf %mul3A_2342, %get3A_2340 : vector<16xf32>
    %add3A_2344 = arith.addf %mul3A_2335, %mul3A_2343 : vector<16xf32>
    %swap3A_2345 = arith.constant 2 : i32
    %swap3A_2346 = arith.index_cast %swap3A_2345 : i32 to index
    %swap3A_2347 = arith.constant 336 : index
    %swap3A_2348 = tpu.vector_load %arg5[%swap3A_2346, %swap3A_2347] {strides = array<i32>} : memref<4x640xf32, #tpu.memory_space<vmem>>, vector<1x16xf32>,
    %swap3A_2349 = vector.shape_cast %swap3A_2348 : vector<1x16xf32> to vector<16xf32>
    %swap3A_2350 = vector.shape_cast %add3A_2344 : vector<16xf32> to vector<1x16xf32>
    tpu.vector_store %arg5[%swap3A_2346, %swap3A_2347], %swap3A_2350 {strides = array<i32>} : memref<4x640xf32, #tpu.memory_space<vmem>>, vector<1x16xf32>,
    %get3A_2351 = arith.constant 2 : i32
    %get3A_2352 = arith.index_cast %get3A_2351 : i32 to index
    %get3A_2353 = arith.constant 352 : index
    %get3A_2354 = tpu.vector_load %arg5[%get3A_2352, %get3A_2353] {strides = array<i32>} : memref<4x640xf32, #tpu.memory_space<vmem>>, vector<1x16xf32>,
    %get3A_2355 = vector.shape_cast %get3A_2354 : vector<1x16xf32> to vector<16xf32>
    %mul3A_2356 = arith.constant 0.875280559 : f32
    %mul3A_2357 = vector.broadcast %mul3A_2356 : f32 to vector<16xf32>
    %mul3A_2358 = arith.mulf %mul3A_2357, %get3A_2355 : vector<16xf32>
    %get3A_2359 = arith.constant 2 : i32
    %get3A_2360 = arith.index_cast %get3A_2359 : i32 to index
    %get3A_2361 = arith.constant 352 : index
    %get3A_2362 = tpu.vector_load %arg6[%get3A_2360, %get3A_2361] {strides = array<i32>} : memref<4x640xf32, #tpu.memory_space<vmem>>, vector<1x16xf32>,
    %get3A_2363 = vector.shape_cast %get3A_2362 : vector<1x16xf32> to vector<16xf32>
    %mul3A_2364 = arith.constant 0.124719448 : f32
    %mul3A_2365 = vector.broadcast %mul3A_2364 : f32 to vector<16xf32>
    %mul3A_2366 = arith.mulf %mul3A_2365, %get3A_2363 : vector<16xf32>
    %add3A_2367 = arith.addf %mul3A_2358, %mul3A_2366 : vector<16xf32>
    %swap3A_2368 = arith.constant 2 : i32
    %swap3A_2369 = arith.index_cast %swap3A_2368 : i32 to index
    %swap3A_2370 = arith.constant 352 : index
    %swap3A_2371 = tpu.vector_load %arg5[%swap3A_2369, %swap3A_2370] {strides = array<i32>} : memref<4x640xf32, #tpu.memory_space<vmem>>, vector<1x16xf32>,
    %swap3A_2372 = vector.shape_cast %swap3A_2371 : vector<1x16xf32> to vector<16xf32>
    %swap3A_2373 = vector.shape_cast %add3A_2367 : vector<16xf32> to vector<1x16xf32>
    tpu.vector_store %arg5[%swap3A_2369, %swap3A_2370], %swap3A_2373 {strides = array<i32>} : memref<4x640xf32, #tpu.memory_space<vmem>>, vector<1x16xf32>,
    %get3A_2374 = arith.constant 2 : i32
    %get3A_2375 = arith.index_cast %get3A_2374 : i32 to index
    %get3A_2376 = arith.constant 368 : index
    %get3A_2377 = tpu.vector_load %arg5[%get3A_2375, %get3A_2376] {strides = array<i32>} : memref<4x640xf32, #tpu.memory_space<vmem>>, vector<1x16xf32>,
    %get3A_2378 = vector.shape_cast %get3A_2377 : vector<1x16xf32> to vector<16xf32>
    %mul3A_2379 = arith.constant 0.875280559 : f32
    %mul3A_2380 = vector.broadcast %mul3A_2379 : f32 to vector<16xf32>
    %mul3A_2381 = arith.mulf %mul3A_2380, %get3A_2378 : vector<16xf32>
    %get3A_2382 = arith.constant 2 : i32
    %get3A_2383 = arith.index_cast %get3A_2382 : i32 to index
    %get3A_2384 = arith.constant 368 : index
    %get3A_2385 = tpu.vector_load %arg6[%get3A_2383, %get3A_2384] {strides = array<i32>} : memref<4x640xf32, #tpu.memory_space<vmem>>, vector<1x16xf32>,
    %get3A_2386 = vector.shape_cast %get3A_2385 : vector<1x16xf32> to vector<16xf32>
    %mul3A_2387 = arith.constant 0.124719448 : f32
    %mul3A_2388 = vector.broadcast %mul3A_2387 : f32 to vector<16xf32>
    %mul3A_2389 = arith.mulf %mul3A_2388, %get3A_2386 : vector<16xf32>
    %add3A_2390 = arith.addf %mul3A_2381, %mul3A_2389 : vector<16xf32>
    %swap3A_2391 = arith.constant 2 : i32
    %swap3A_2392 = arith.index_cast %swap3A_2391 : i32 to index
    %swap3A_2393 = arith.constant 368 : index
    %swap3A_2394 = tpu.vector_load %arg5[%swap3A_2392, %swap3A_2393] {strides = array<i32>} : memref<4x640xf32, #tpu.memory_space<vmem>>, vector<1x16xf32>,
    %swap3A_2395 = vector.shape_cast %swap3A_2394 : vector<1x16xf32> to vector<16xf32>
    %swap3A_2396 = vector.shape_cast %add3A_2390 : vector<16xf32> to vector<1x16xf32>
    tpu.vector_store %arg5[%swap3A_2392, %swap3A_2393], %swap3A_2396 {strides = array<i32>} : memref<4x640xf32, #tpu.memory_space<vmem>>, vector<1x16xf32>,
    %get3A_2397 = arith.constant 2 : i32
    %get3A_2398 = arith.index_cast %get3A_2397 : i32 to index
    %get3A_2399 = arith.constant 384 : index
    %get3A_2400 = tpu.vector_load %arg5[%get3A_2398, %get3A_2399] {strides = array<i32>} : memref<4x640xf32, #tpu.memory_space<vmem>>, vector<1x16xf32>,
    %get3A_2401 = vector.shape_cast %get3A_2400 : vector<1x16xf32> to vector<16xf32>
    %mul3A_2402 = arith.constant 0.875280559 : f32
    %mul3A_2403 = vector.broadcast %mul3A_2402 : f32 to vector<16xf32>
    %mul3A_2404 = arith.mulf %mul3A_2403, %get3A_2401 : vector<16xf32>
    %get3A_2405 = arith.constant 2 : i32
    %get3A_2406 = arith.index_cast %get3A_2405 : i32 to index
    %get3A_2407 = arith.constant 384 : index
    %get3A_2408 = tpu.vector_load %arg6[%get3A_2406, %get3A_2407] {strides = array<i32>} : memref<4x640xf32, #tpu.memory_space<vmem>>, vector<1x16xf32>,
    %get3A_2409 = vector.shape_cast %get3A_2408 : vector<1x16xf32> to vector<16xf32>
    %mul3A_2410 = arith.constant 0.124719448 : f32
    %mul3A_2411 = vector.broadcast %mul3A_2410 : f32 to vector<16xf32>
    %mul3A_2412 = arith.mulf %mul3A_2411, %get3A_2409 : vector<16xf32>
    %add3A_2413 = arith.addf %mul3A_2404, %mul3A_2412 : vector<16xf32>
    %swap3A_2414 = arith.constant 2 : i32
    %swap3A_2415 = arith.index_cast %swap3A_2414 : i32 to index
    %swap3A_2416 = arith.constant 384 : index
    %swap3A_2417 = tpu.vector_load %arg5[%swap3A_2415, %swap3A_2416] {strides = array<i32>} : memref<4x640xf32, #tpu.memory_space<vmem>>, vector<1x16xf32>,
    %swap3A_2418 = vector.shape_cast %swap3A_2417 : vector<1x16xf32> to vector<16xf32>
    %swap3A_2419 = vector.shape_cast %add3A_2413 : vector<16xf32> to vector<1x16xf32>
    tpu.vector_store %arg5[%swap3A_2415, %swap3A_2416], %swap3A_2419 {strides = array<i32>} : memref<4x640xf32, #tpu.memory_space<vmem>>, vector<1x16xf32>,
    %get3A_2420 = arith.constant 2 : i32
    %get3A_2421 = arith.index_cast %get3A_2420 : i32 to index
    %get3A_2422 = arith.constant 400 : index
    %get3A_2423 = tpu.vector_load %arg5[%get3A_2421, %get3A_2422] {strides = array<i32>} : memref<4x640xf32, #tpu.memory_space<vmem>>, vector<1x16xf32>,
    %get3A_2424 = vector.shape_cast %get3A_2423 : vector<1x16xf32> to vector<16xf32>
    %mul3A_2425 = arith.constant 0.875280559 : f32
    %mul3A_2426 = vector.broadcast %mul3A_2425 : f32 to vector<16xf32>
    %mul3A_2427 = arith.mulf %mul3A_2426, %get3A_2424 : vector<16xf32>
    %get3A_2428 = arith.constant 2 : i32
    %get3A_2429 = arith.index_cast %get3A_2428 : i32 to index
    %get3A_2430 = arith.constant 400 : index
    %get3A_2431 = tpu.vector_load %arg6[%get3A_2429, %get3A_2430] {strides = array<i32>} : memref<4x640xf32, #tpu.memory_space<vmem>>, vector<1x16xf32>,
    %get3A_2432 = vector.shape_cast %get3A_2431 : vector<1x16xf32> to vector<16xf32>
    %mul3A_2433 = arith.constant 0.124719448 : f32
    %mul3A_2434 = vector.broadcast %mul3A_2433 : f32 to vector<16xf32>
    %mul3A_2435 = arith.mulf %mul3A_2434, %get3A_2432 : vector<16xf32>
    %add3A_2436 = arith.addf %mul3A_2427, %mul3A_2435 : vector<16xf32>
    %swap3A_2437 = arith.constant 2 : i32
    %swap3A_2438 = arith.index_cast %swap3A_2437 : i32 to index
    %swap3A_2439 = arith.constant 400 : index
    %swap3A_2440 = tpu.vector_load %arg5[%swap3A_2438, %swap3A_2439] {strides = array<i32>} : memref<4x640xf32, #tpu.memory_space<vmem>>, vector<1x16xf32>,
    %swap3A_2441 = vector.shape_cast %swap3A_2440 : vector<1x16xf32> to vector<16xf32>
    %swap3A_2442 = vector.shape_cast %add3A_2436 : vector<16xf32> to vector<1x16xf32>
    tpu.vector_store %arg5[%swap3A_2438, %swap3A_2439], %swap3A_2442 {strides = array<i32>} : memref<4x640xf32, #tpu.memory_space<vmem>>, vector<1x16xf32>,
    %get3A_2443 = arith.constant 2 : i32
    %get3A_2444 = arith.index_cast %get3A_2443 : i32 to index
    %get3A_2445 = arith.constant 416 : index
    %get3A_2446 = tpu.vector_load %arg5[%get3A_2444, %get3A_2445] {strides = array<i32>} : memref<4x640xf32, #tpu.memory_space<vmem>>, vector<1x16xf32>,
    %get3A_2447 = vector.shape_cast %get3A_2446 : vector<1x16xf32> to vector<16xf32>
    %mul3A_2448 = arith.constant 0.875280559 : f32
    %mul3A_2449 = vector.broadcast %mul3A_2448 : f32 to vector<16xf32>
    %mul3A_2450 = arith.mulf %mul3A_2449, %get3A_2447 : vector<16xf32>
    %get3A_2451 = arith.constant 2 : i32
    %get3A_2452 = arith.index_cast %get3A_2451 : i32 to index
    %get3A_2453 = arith.constant 416 : index
    %get3A_2454 = tpu.vector_load %arg6[%get3A_2452, %get3A_2453] {strides = array<i32>} : memref<4x640xf32, #tpu.memory_space<vmem>>, vector<1x16xf32>,
    %get3A_2455 = vector.shape_cast %get3A_2454 : vector<1x16xf32> to vector<16xf32>
    %mul3A_2456 = arith.constant 0.124719448 : f32
    %mul3A_2457 = vector.broadcast %mul3A_2456 : f32 to vector<16xf32>
    %mul3A_2458 = arith.mulf %mul3A_2457, %get3A_2455 : vector<16xf32>
    %add3A_2459 = arith.addf %mul3A_2450, %mul3A_2458 : vector<16xf32>
    %swap3A_2460 = arith.constant 2 : i32
    %swap3A_2461 = arith.index_cast %swap3A_2460 : i32 to index
    %swap3A_2462 = arith.constant 416 : index
    %swap3A_2463 = tpu.vector_load %arg5[%swap3A_2461, %swap3A_2462] {strides = array<i32>} : memref<4x640xf32, #tpu.memory_space<vmem>>, vector<1x16xf32>,
    %swap3A_2464 = vector.shape_cast %swap3A_2463 : vector<1x16xf32> to vector<16xf32>
    %swap3A_2465 = vector.shape_cast %add3A_2459 : vector<16xf32> to vector<1x16xf32>
    tpu.vector_store %arg5[%swap3A_2461, %swap3A_2462], %swap3A_2465 {strides = array<i32>} : memref<4x640xf32, #tpu.memory_space<vmem>>, vector<1x16xf32>,
    %get3A_2466 = arith.constant 2 : i32
    %get3A_2467 = arith.index_cast %get3A_2466 : i32 to index
    %get3A_2468 = arith.constant 432 : index
    %get3A_2469 = tpu.vector_load %arg5[%get3A_2467, %get3A_2468] {strides = array<i32>} : memref<4x640xf32, #tpu.memory_space<vmem>>, vector<1x16xf32>,
    %get3A_2470 = vector.shape_cast %get3A_2469 : vector<1x16xf32> to vector<16xf32>
    %mul3A_2471 = arith.constant 0.875280559 : f32
    %mul3A_2472 = vector.broadcast %mul3A_2471 : f32 to vector<16xf32>
    %mul3A_2473 = arith.mulf %mul3A_2472, %get3A_2470 : vector<16xf32>
    %get3A_2474 = arith.constant 2 : i32
    %get3A_2475 = arith.index_cast %get3A_2474 : i32 to index
    %get3A_2476 = arith.constant 432 : index
    %get3A_2477 = tpu.vector_load %arg6[%get3A_2475, %get3A_2476] {strides = array<i32>} : memref<4x640xf32, #tpu.memory_space<vmem>>, vector<1x16xf32>,
    %get3A_2478 = vector.shape_cast %get3A_2477 : vector<1x16xf32> to vector<16xf32>
    %mul3A_2479 = arith.constant 0.124719448 : f32
    %mul3A_2480 = vector.broadcast %mul3A_2479 : f32 to vector<16xf32>
    %mul3A_2481 = arith.mulf %mul3A_2480, %get3A_2478 : vector<16xf32>
    %add3A_2482 = arith.addf %mul3A_2473, %mul3A_2481 : vector<16xf32>
    %swap3A_2483 = arith.constant 2 : i32
    %swap3A_2484 = arith.index_cast %swap3A_2483 : i32 to index
    %swap3A_2485 = arith.constant 432 : index
    %swap3A_2486 = tpu.vector_load %arg5[%swap3A_2484, %swap3A_2485] {strides = array<i32>} : memref<4x640xf32, #tpu.memory_space<vmem>>, vector<1x16xf32>,
    %swap3A_2487 = vector.shape_cast %swap3A_2486 : vector<1x16xf32> to vector<16xf32>
    %swap3A_2488 = vector.shape_cast %add3A_2482 : vector<16xf32> to vector<1x16xf32>
    tpu.vector_store %arg5[%swap3A_2484, %swap3A_2485], %swap3A_2488 {strides = array<i32>} : memref<4x640xf32, #tpu.memory_space<vmem>>, vector<1x16xf32>,
    %get3A_2489 = arith.constant 2 : i32
    %get3A_2490 = arith.index_cast %get3A_2489 : i32 to index
    %get3A_2491 = arith.constant 448 : index
    %get3A_2492 = tpu.vector_load %arg5[%get3A_2490, %get3A_2491] {strides = array<i32>} : memref<4x640xf32, #tpu.memory_space<vmem>>, vector<1x16xf32>,
    %get3A_2493 = vector.shape_cast %get3A_2492 : vector<1x16xf32> to vector<16xf32>
    %mul3A_2494 = arith.constant 0.875280559 : f32
    %mul3A_2495 = vector.broadcast %mul3A_2494 : f32 to vector<16xf32>
    %mul3A_2496 = arith.mulf %mul3A_2495, %get3A_2493 : vector<16xf32>
    %get3A_2497 = arith.constant 2 : i32
    %get3A_2498 = arith.index_cast %get3A_2497 : i32 to index
    %get3A_2499 = arith.constant 448 : index
    %get3A_2500 = tpu.vector_load %arg6[%get3A_2498, %get3A_2499] {strides = array<i32>} : memref<4x640xf32, #tpu.memory_space<vmem>>, vector<1x16xf32>,
    %get3A_2501 = vector.shape_cast %get3A_2500 : vector<1x16xf32> to vector<16xf32>
    %mul3A_2502 = arith.constant 0.124719448 : f32
    %mul3A_2503 = vector.broadcast %mul3A_2502 : f32 to vector<16xf32>
    %mul3A_2504 = arith.mulf %mul3A_2503, %get3A_2501 : vector<16xf32>
    %add3A_2505 = arith.addf %mul3A_2496, %mul3A_2504 : vector<16xf32>
    %swap3A_2506 = arith.constant 2 : i32
    %swap3A_2507 = arith.index_cast %swap3A_2506 : i32 to index
    %swap3A_2508 = arith.constant 448 : index
    %swap3A_2509 = tpu.vector_load %arg5[%swap3A_2507, %swap3A_2508] {strides = array<i32>} : memref<4x640xf32, #tpu.memory_space<vmem>>, vector<1x16xf32>,
    %swap3A_2510 = vector.shape_cast %swap3A_2509 : vector<1x16xf32> to vector<16xf32>
    %swap3A_2511 = vector.shape_cast %add3A_2505 : vector<16xf32> to vector<1x16xf32>
    tpu.vector_store %arg5[%swap3A_2507, %swap3A_2508], %swap3A_2511 {strides = array<i32>} : memref<4x640xf32, #tpu.memory_space<vmem>>, vector<1x16xf32>,
    %get3A_2512 = arith.constant 2 : i32
    %get3A_2513 = arith.index_cast %get3A_2512 : i32 to index
    %get3A_2514 = arith.constant 464 : index
    %get3A_2515 = tpu.vector_load %arg5[%get3A_2513, %get3A_2514] {strides = array<i32>} : memref<4x640xf32, #tpu.memory_space<vmem>>, vector<1x16xf32>,
    %get3A_2516 = vector.shape_cast %get3A_2515 : vector<1x16xf32> to vector<16xf32>
    %mul3A_2517 = arith.constant 0.875280559 : f32
    %mul3A_2518 = vector.broadcast %mul3A_2517 : f32 to vector<16xf32>
    %mul3A_2519 = arith.mulf %mul3A_2518, %get3A_2516 : vector<16xf32>
    %get3A_2520 = arith.constant 2 : i32
    %get3A_2521 = arith.index_cast %get3A_2520 : i32 to index
    %get3A_2522 = arith.constant 464 : index
    %get3A_2523 = tpu.vector_load %arg6[%get3A_2521, %get3A_2522] {strides = array<i32>} : memref<4x640xf32, #tpu.memory_space<vmem>>, vector<1x16xf32>,
    %get3A_2524 = vector.shape_cast %get3A_2523 : vector<1x16xf32> to vector<16xf32>
    %mul3A_2525 = arith.constant 0.124719448 : f32
    %mul3A_2526 = vector.broadcast %mul3A_2525 : f32 to vector<16xf32>
    %mul3A_2527 = arith.mulf %mul3A_2526, %get3A_2524 : vector<16xf32>
    %add3A_2528 = arith.addf %mul3A_2519, %mul3A_2527 : vector<16xf32>
    %swap3A_2529 = arith.constant 2 : i32
    %swap3A_2530 = arith.index_cast %swap3A_2529 : i32 to index
    %swap3A_2531 = arith.constant 464 : index
    %swap3A_2532 = tpu.vector_load %arg5[%swap3A_2530, %swap3A_2531] {strides = array<i32>} : memref<4x640xf32, #tpu.memory_space<vmem>>, vector<1x16xf32>,
    %swap3A_2533 = vector.shape_cast %swap3A_2532 : vector<1x16xf32> to vector<16xf32>
    %swap3A_2534 = vector.shape_cast %add3A_2528 : vector<16xf32> to vector<1x16xf32>
    tpu.vector_store %arg5[%swap3A_2530, %swap3A_2531], %swap3A_2534 {strides = array<i32>} : memref<4x640xf32, #tpu.memory_space<vmem>>, vector<1x16xf32>,
    %get3A_2535 = arith.constant 2 : i32
    %get3A_2536 = arith.index_cast %get3A_2535 : i32 to index
    %get3A_2537 = arith.constant 480 : index
    %get3A_2538 = tpu.vector_load %arg5[%get3A_2536, %get3A_2537] {strides = array<i32>} : memref<4x640xf32, #tpu.memory_space<vmem>>, vector<1x16xf32>,
    %get3A_2539 = vector.shape_cast %get3A_2538 : vector<1x16xf32> to vector<16xf32>
    %mul3A_2540 = arith.constant 0.875280559 : f32
    %mul3A_2541 = vector.broadcast %mul3A_2540 : f32 to vector<16xf32>
    %mul3A_2542 = arith.mulf %mul3A_2541, %get3A_2539 : vector<16xf32>
    %get3A_2543 = arith.constant 2 : i32
    %get3A_2544 = arith.index_cast %get3A_2543 : i32 to index
    %get3A_2545 = arith.constant 480 : index
    %get3A_2546 = tpu.vector_load %arg6[%get3A_2544, %get3A_2545] {strides = array<i32>} : memref<4x640xf32, #tpu.memory_space<vmem>>, vector<1x16xf32>,
    %get3A_2547 = vector.shape_cast %get3A_2546 : vector<1x16xf32> to vector<16xf32>
    %mul3A_2548 = arith.constant 0.124719448 : f32
    %mul3A_2549 = vector.broadcast %mul3A_2548 : f32 to vector<16xf32>
    %mul3A_2550 = arith.mulf %mul3A_2549, %get3A_2547 : vector<16xf32>
    %add3A_2551 = arith.addf %mul3A_2542, %mul3A_2550 : vector<16xf32>
    %swap3A_2552 = arith.constant 2 : i32
    %swap3A_2553 = arith.index_cast %swap3A_2552 : i32 to index
    %swap3A_2554 = arith.constant 480 : index
    %swap3A_2555 = tpu.vector_load %arg5[%swap3A_2553, %swap3A_2554] {strides = array<i32>} : memref<4x640xf32, #tpu.memory_space<vmem>>, vector<1x16xf32>,
    %swap3A_2556 = vector.shape_cast %swap3A_2555 : vector<1x16xf32> to vector<16xf32>
    %swap3A_2557 = vector.shape_cast %add3A_2551 : vector<16xf32> to vector<1x16xf32>
    tpu.vector_store %arg5[%swap3A_2553, %swap3A_2554], %swap3A_2557 {strides = array<i32>} : memref<4x640xf32, #tpu.memory_space<vmem>>, vector<1x16xf32>,
    %get3A_2558 = arith.constant 2 : i32
    %get3A_2559 = arith.index_cast %get3A_2558 : i32 to index
    %get3A_2560 = arith.constant 496 : index
    %get3A_2561 = tpu.vector_load %arg5[%get3A_2559, %get3A_2560] {strides = array<i32>} : memref<4x640xf32, #tpu.memory_space<vmem>>, vector<1x16xf32>,
    %get3A_2562 = vector.shape_cast %get3A_2561 : vector<1x16xf32> to vector<16xf32>
    %mul3A_2563 = arith.constant 0.875280559 : f32
    %mul3A_2564 = vector.broadcast %mul3A_2563 : f32 to vector<16xf32>
    %mul3A_2565 = arith.mulf %mul3A_2564, %get3A_2562 : vector<16xf32>
    %get3A_2566 = arith.constant 2 : i32
    %get3A_2567 = arith.index_cast %get3A_2566 : i32 to index
    %get3A_2568 = arith.constant 496 : index
    %get3A_2569 = tpu.vector_load %arg6[%get3A_2567, %get3A_2568] {strides = array<i32>} : memref<4x640xf32, #tpu.memory_space<vmem>>, vector<1x16xf32>,
    %get3A_2570 = vector.shape_cast %get3A_2569 : vector<1x16xf32> to vector<16xf32>
    %mul3A_2571 = arith.constant 0.124719448 : f32
    %mul3A_2572 = vector.broadcast %mul3A_2571 : f32 to vector<16xf32>
    %mul3A_2573 = arith.mulf %mul3A_2572, %get3A_2570 : vector<16xf32>
    %add3A_2574 = arith.addf %mul3A_2565, %mul3A_2573 : vector<16xf32>
    %swap3A_2575 = arith.constant 2 : i32
    %swap3A_2576 = arith.index_cast %swap3A_2575 : i32 to index
    %swap3A_2577 = arith.constant 496 : index
    %swap3A_2578 = tpu.vector_load %arg5[%swap3A_2576, %swap3A_2577] {strides = array<i32>} : memref<4x640xf32, #tpu.memory_space<vmem>>, vector<1x16xf32>,
    %swap3A_2579 = vector.shape_cast %swap3A_2578 : vector<1x16xf32> to vector<16xf32>
    %swap3A_2580 = vector.shape_cast %add3A_2574 : vector<16xf32> to vector<1x16xf32>
    tpu.vector_store %arg5[%swap3A_2576, %swap3A_2577], %swap3A_2580 {strides = array<i32>} : memref<4x640xf32, #tpu.memory_space<vmem>>, vector<1x16xf32>,
    %get3A_2581 = arith.constant 2 : i32
    %get3A_2582 = arith.index_cast %get3A_2581 : i32 to index
    %get3A_2583 = arith.constant 512 : index
    %get3A_2584 = tpu.vector_load %arg5[%get3A_2582, %get3A_2583] {strides = array<i32>} : memref<4x640xf32, #tpu.memory_space<vmem>>, vector<1x16xf32>,
    %get3A_2585 = vector.shape_cast %get3A_2584 : vector<1x16xf32> to vector<16xf32>
    %mul3A_2586 = arith.constant 0.875280559 : f32
    %mul3A_2587 = vector.broadcast %mul3A_2586 : f32 to vector<16xf32>
    %mul3A_2588 = arith.mulf %mul3A_2587, %get3A_2585 : vector<16xf32>
    %get3A_2589 = arith.constant 2 : i32
    %get3A_2590 = arith.index_cast %get3A_2589 : i32 to index
    %get3A_2591 = arith.constant 512 : index
    %get3A_2592 = tpu.vector_load %arg6[%get3A_2590, %get3A_2591] {strides = array<i32>} : memref<4x640xf32, #tpu.memory_space<vmem>>, vector<1x16xf32>,
    %get3A_2593 = vector.shape_cast %get3A_2592 : vector<1x16xf32> to vector<16xf32>
    %mul3A_2594 = arith.constant 0.124719448 : f32
    %mul3A_2595 = vector.broadcast %mul3A_2594 : f32 to vector<16xf32>
    %mul3A_2596 = arith.mulf %mul3A_2595, %get3A_2593 : vector<16xf32>
    %add3A_2597 = arith.addf %mul3A_2588, %mul3A_2596 : vector<16xf32>
    %swap3A_2598 = arith.constant 2 : i32
    %swap3A_2599 = arith.index_cast %swap3A_2598 : i32 to index
    %swap3A_2600 = arith.constant 512 : index
    %swap3A_2601 = tpu.vector_load %arg5[%swap3A_2599, %swap3A_2600] {strides = array<i32>} : memref<4x640xf32, #tpu.memory_space<vmem>>, vector<1x16xf32>,
    %swap3A_2602 = vector.shape_cast %swap3A_2601 : vector<1x16xf32> to vector<16xf32>
    %swap3A_2603 = vector.shape_cast %add3A_2597 : vector<16xf32> to vector<1x16xf32>
    tpu.vector_store %arg5[%swap3A_2599, %swap3A_2600], %swap3A_2603 {strides = array<i32>} : memref<4x640xf32, #tpu.memory_space<vmem>>, vector<1x16xf32>,
    %get3A_2604 = arith.constant 2 : i32
    %get3A_2605 = arith.index_cast %get3A_2604 : i32 to index
    %get3A_2606 = arith.constant 528 : index
    %get3A_2607 = tpu.vector_load %arg5[%get3A_2605, %get3A_2606] {strides = array<i32>} : memref<4x640xf32, #tpu.memory_space<vmem>>, vector<1x16xf32>,
    %get3A_2608 = vector.shape_cast %get3A_2607 : vector<1x16xf32> to vector<16xf32>
    %mul3A_2609 = arith.constant 0.875280559 : f32
    %mul3A_2610 = vector.broadcast %mul3A_2609 : f32 to vector<16xf32>
    %mul3A_2611 = arith.mulf %mul3A_2610, %get3A_2608 : vector<16xf32>
    %get3A_2612 = arith.constant 2 : i32
    %get3A_2613 = arith.index_cast %get3A_2612 : i32 to index
    %get3A_2614 = arith.constant 528 : index
    %get3A_2615 = tpu.vector_load %arg6[%get3A_2613, %get3A_2614] {strides = array<i32>} : memref<4x640xf32, #tpu.memory_space<vmem>>, vector<1x16xf32>,
    %get3A_2616 = vector.shape_cast %get3A_2615 : vector<1x16xf32> to vector<16xf32>
    %mul3A_2617 = arith.constant 0.124719448 : f32
    %mul3A_2618 = vector.broadcast %mul3A_2617 : f32 to vector<16xf32>
    %mul3A_2619 = arith.mulf %mul3A_2618, %get3A_2616 : vector<16xf32>
    %add3A_2620 = arith.addf %mul3A_2611, %mul3A_2619 : vector<16xf32>
    %swap3A_2621 = arith.constant 2 : i32
    %swap3A_2622 = arith.index_cast %swap3A_2621 : i32 to index
    %swap3A_2623 = arith.constant 528 : index
    %swap3A_2624 = tpu.vector_load %arg5[%swap3A_2622, %swap3A_2623] {strides = array<i32>} : memref<4x640xf32, #tpu.memory_space<vmem>>, vector<1x16xf32>,
    %swap3A_2625 = vector.shape_cast %swap3A_2624 : vector<1x16xf32> to vector<16xf32>
    %swap3A_2626 = vector.shape_cast %add3A_2620 : vector<16xf32> to vector<1x16xf32>
    tpu.vector_store %arg5[%swap3A_2622, %swap3A_2623], %swap3A_2626 {strides = array<i32>} : memref<4x640xf32, #tpu.memory_space<vmem>>, vector<1x16xf32>,
    %get3A_2627 = arith.constant 2 : i32
    %get3A_2628 = arith.index_cast %get3A_2627 : i32 to index
    %get3A_2629 = arith.constant 544 : index
    %get3A_2630 = tpu.vector_load %arg5[%get3A_2628, %get3A_2629] {strides = array<i32>} : memref<4x640xf32, #tpu.memory_space<vmem>>, vector<1x16xf32>,
    %get3A_2631 = vector.shape_cast %get3A_2630 : vector<1x16xf32> to vector<16xf32>
    %mul3A_2632 = arith.constant 0.875280559 : f32
    %mul3A_2633 = vector.broadcast %mul3A_2632 : f32 to vector<16xf32>
    %mul3A_2634 = arith.mulf %mul3A_2633, %get3A_2631 : vector<16xf32>
    %get3A_2635 = arith.constant 2 : i32
    %get3A_2636 = arith.index_cast %get3A_2635 : i32 to index
    %get3A_2637 = arith.constant 544 : index
    %get3A_2638 = tpu.vector_load %arg6[%get3A_2636, %get3A_2637] {strides = array<i32>} : memref<4x640xf32, #tpu.memory_space<vmem>>, vector<1x16xf32>,
    %get3A_2639 = vector.shape_cast %get3A_2638 : vector<1x16xf32> to vector<16xf32>
    %mul3A_2640 = arith.constant 0.124719448 : f32
    %mul3A_2641 = vector.broadcast %mul3A_2640 : f32 to vector<16xf32>
    %mul3A_2642 = arith.mulf %mul3A_2641, %get3A_2639 : vector<16xf32>
    %add3A_2643 = arith.addf %mul3A_2634, %mul3A_2642 : vector<16xf32>
    %swap3A_2644 = arith.constant 2 : i32
    %swap3A_2645 = arith.index_cast %swap3A_2644 : i32 to index
    %swap3A_2646 = arith.constant 544 : index
    %swap3A_2647 = tpu.vector_load %arg5[%swap3A_2645, %swap3A_2646] {strides = array<i32>} : memref<4x640xf32, #tpu.memory_space<vmem>>, vector<1x16xf32>,
    %swap3A_2648 = vector.shape_cast %swap3A_2647 : vector<1x16xf32> to vector<16xf32>
    %swap3A_2649 = vector.shape_cast %add3A_2643 : vector<16xf32> to vector<1x16xf32>
    tpu.vector_store %arg5[%swap3A_2645, %swap3A_2646], %swap3A_2649 {strides = array<i32>} : memref<4x640xf32, #tpu.memory_space<vmem>>, vector<1x16xf32>,
    %get3A_2650 = arith.constant 2 : i32
    %get3A_2651 = arith.index_cast %get3A_2650 : i32 to index
    %get3A_2652 = arith.constant 560 : index
    %get3A_2653 = tpu.vector_load %arg5[%get3A_2651, %get3A_2652] {strides = array<i32>} : memref<4x640xf32, #tpu.memory_space<vmem>>, vector<1x16xf32>,
    %get3A_2654 = vector.shape_cast %get3A_2653 : vector<1x16xf32> to vector<16xf32>
    %mul3A_2655 = arith.constant 0.875280559 : f32
    %mul3A_2656 = vector.broadcast %mul3A_2655 : f32 to vector<16xf32>
    %mul3A_2657 = arith.mulf %mul3A_2656, %get3A_2654 : vector<16xf32>
    %get3A_2658 = arith.constant 2 : i32
    %get3A_2659 = arith.index_cast %get3A_2658 : i32 to index
    %get3A_2660 = arith.constant 560 : index
    %get3A_2661 = tpu.vector_load %arg6[%get3A_2659, %get3A_2660] {strides = array<i32>} : memref<4x640xf32, #tpu.memory_space<vmem>>, vector<1x16xf32>,
    %get3A_2662 = vector.shape_cast %get3A_2661 : vector<1x16xf32> to vector<16xf32>
    %mul3A_2663 = arith.constant 0.124719448 : f32
    %mul3A_2664 = vector.broadcast %mul3A_2663 : f32 to vector<16xf32>
    %mul3A_2665 = arith.mulf %mul3A_2664, %get3A_2662 : vector<16xf32>
    %add3A_2666 = arith.addf %mul3A_2657, %mul3A_2665 : vector<16xf32>
    %swap3A_2667 = arith.constant 2 : i32
    %swap3A_2668 = arith.index_cast %swap3A_2667 : i32 to index
    %swap3A_2669 = arith.constant 560 : index
    %swap3A_2670 = tpu.vector_load %arg5[%swap3A_2668, %swap3A_2669] {strides = array<i32>} : memref<4x640xf32, #tpu.memory_space<vmem>>, vector<1x16xf32>,
    %swap3A_2671 = vector.shape_cast %swap3A_2670 : vector<1x16xf32> to vector<16xf32>
    %swap3A_2672 = vector.shape_cast %add3A_2666 : vector<16xf32> to vector<1x16xf32>
    tpu.vector_store %arg5[%swap3A_2668, %swap3A_2669], %swap3A_2672 {strides = array<i32>} : memref<4x640xf32, #tpu.memory_space<vmem>>, vector<1x16xf32>,
    %get3A_2673 = arith.constant 2 : i32
    %get3A_2674 = arith.index_cast %get3A_2673 : i32 to index
    %get3A_2675 = arith.constant 576 : index
    %get3A_2676 = tpu.vector_load %arg5[%get3A_2674, %get3A_2675] {strides = array<i32>} : memref<4x640xf32, #tpu.memory_space<vmem>>, vector<1x16xf32>,
    %get3A_2677 = vector.shape_cast %get3A_2676 : vector<1x16xf32> to vector<16xf32>
    %mul3A_2678 = arith.constant 0.875280559 : f32
    %mul3A_2679 = vector.broadcast %mul3A_2678 : f32 to vector<16xf32>
    %mul3A_2680 = arith.mulf %mul3A_2679, %get3A_2677 : vector<16xf32>
    %get3A_2681 = arith.constant 2 : i32
    %get3A_2682 = arith.index_cast %get3A_2681 : i32 to index
    %get3A_2683 = arith.constant 576 : index
    %get3A_2684 = tpu.vector_load %arg6[%get3A_2682, %get3A_2683] {strides = array<i32>} : memref<4x640xf32, #tpu.memory_space<vmem>>, vector<1x16xf32>,
    %get3A_2685 = vector.shape_cast %get3A_2684 : vector<1x16xf32> to vector<16xf32>
    %mul3A_2686 = arith.constant 0.124719448 : f32
    %mul3A_2687 = vector.broadcast %mul3A_2686 : f32 to vector<16xf32>
    %mul3A_2688 = arith.mulf %mul3A_2687, %get3A_2685 : vector<16xf32>
    %add3A_2689 = arith.addf %mul3A_2680, %mul3A_2688 : vector<16xf32>
    %swap3A_2690 = arith.constant 2 : i32
    %swap3A_2691 = arith.index_cast %swap3A_2690 : i32 to index
    %swap3A_2692 = arith.constant 576 : index
    %swap3A_2693 = tpu.vector_load %arg5[%swap3A_2691, %swap3A_2692] {strides = array<i32>} : memref<4x640xf32, #tpu.memory_space<vmem>>, vector<1x16xf32>,
    %swap3A_2694 = vector.shape_cast %swap3A_2693 : vector<1x16xf32> to vector<16xf32>
    %swap3A_2695 = vector.shape_cast %add3A_2689 : vector<16xf32> to vector<1x16xf32>
    tpu.vector_store %arg5[%swap3A_2691, %swap3A_2692], %swap3A_2695 {strides = array<i32>} : memref<4x640xf32, #tpu.memory_space<vmem>>, vector<1x16xf32>,
    %get3A_2696 = arith.constant 2 : i32
    %get3A_2697 = arith.index_cast %get3A_2696 : i32 to index
    %get3A_2698 = arith.constant 592 : index
    %get3A_2699 = tpu.vector_load %arg5[%get3A_2697, %get3A_2698] {strides = array<i32>} : memref<4x640xf32, #tpu.memory_space<vmem>>, vector<1x16xf32>,
    %get3A_2700 = vector.shape_cast %get3A_2699 : vector<1x16xf32> to vector<16xf32>
    %mul3A_2701 = arith.constant 0.875280559 : f32
    %mul3A_2702 = vector.broadcast %mul3A_2701 : f32 to vector<16xf32>
    %mul3A_2703 = arith.mulf %mul3A_2702, %get3A_2700 : vector<16xf32>
    %get3A_2704 = arith.constant 2 : i32
    %get3A_2705 = arith.index_cast %get3A_2704 : i32 to index
    %get3A_2706 = arith.constant 592 : index
    %get3A_2707 = tpu.vector_load %arg6[%get3A_2705, %get3A_2706] {strides = array<i32>} : memref<4x640xf32, #tpu.memory_space<vmem>>, vector<1x16xf32>,
    %get3A_2708 = vector.shape_cast %get3A_2707 : vector<1x16xf32> to vector<16xf32>
    %mul3A_2709 = arith.constant 0.124719448 : f32
    %mul3A_2710 = vector.broadcast %mul3A_2709 : f32 to vector<16xf32>
    %mul3A_2711 = arith.mulf %mul3A_2710, %get3A_2708 : vector<16xf32>
    %add3A_2712 = arith.addf %mul3A_2703, %mul3A_2711 : vector<16xf32>
    %swap3A_2713 = arith.constant 2 : i32
    %swap3A_2714 = arith.index_cast %swap3A_2713 : i32 to index
    %swap3A_2715 = arith.constant 592 : index
    %swap3A_2716 = tpu.vector_load %arg5[%swap3A_2714, %swap3A_2715] {strides = array<i32>} : memref<4x640xf32, #tpu.memory_space<vmem>>, vector<1x16xf32>,
    %swap3A_2717 = vector.shape_cast %swap3A_2716 : vector<1x16xf32> to vector<16xf32>
    %swap3A_2718 = vector.shape_cast %add3A_2712 : vector<16xf32> to vector<1x16xf32>
    tpu.vector_store %arg5[%swap3A_2714, %swap3A_2715], %swap3A_2718 {strides = array<i32>} : memref<4x640xf32, #tpu.memory_space<vmem>>, vector<1x16xf32>,
    %get3A_2719 = arith.constant 2 : i32
    %get3A_2720 = arith.index_cast %get3A_2719 : i32 to index
    %get3A_2721 = arith.constant 608 : index
    %get3A_2722 = tpu.vector_load %arg5[%get3A_2720, %get3A_2721] {strides = array<i32>} : memref<4x640xf32, #tpu.memory_space<vmem>>, vector<1x16xf32>,
    %get3A_2723 = vector.shape_cast %get3A_2722 : vector<1x16xf32> to vector<16xf32>
    %mul3A_2724 = arith.constant 0.875280559 : f32
    %mul3A_2725 = vector.broadcast %mul3A_2724 : f32 to vector<16xf32>
    %mul3A_2726 = arith.mulf %mul3A_2725, %get3A_2723 : vector<16xf32>
    %get3A_2727 = arith.constant 2 : i32
    %get3A_2728 = arith.index_cast %get3A_2727 : i32 to index
    %get3A_2729 = arith.constant 608 : index
    %get3A_2730 = tpu.vector_load %arg6[%get3A_2728, %get3A_2729] {strides = array<i32>} : memref<4x640xf32, #tpu.memory_space<vmem>>, vector<1x16xf32>,
    %get3A_2731 = vector.shape_cast %get3A_2730 : vector<1x16xf32> to vector<16xf32>
    %mul3A_2732 = arith.constant 0.124719448 : f32
    %mul3A_2733 = vector.broadcast %mul3A_2732 : f32 to vector<16xf32>
    %mul3A_2734 = arith.mulf %mul3A_2733, %get3A_2731 : vector<16xf32>
    %add3A_2735 = arith.addf %mul3A_2726, %mul3A_2734 : vector<16xf32>
    %swap3A_2736 = arith.constant 2 : i32
    %swap3A_2737 = arith.index_cast %swap3A_2736 : i32 to index
    %swap3A_2738 = arith.constant 608 : index
    %swap3A_2739 = tpu.vector_load %arg5[%swap3A_2737, %swap3A_2738] {strides = array<i32>} : memref<4x640xf32, #tpu.memory_space<vmem>>, vector<1x16xf32>,
    %swap3A_2740 = vector.shape_cast %swap3A_2739 : vector<1x16xf32> to vector<16xf32>
    %swap3A_2741 = vector.shape_cast %add3A_2735 : vector<16xf32> to vector<1x16xf32>
    tpu.vector_store %arg5[%swap3A_2737, %swap3A_2738], %swap3A_2741 {strides = array<i32>} : memref<4x640xf32, #tpu.memory_space<vmem>>, vector<1x16xf32>,
    %get3A_2742 = arith.constant 2 : i32
    %get3A_2743 = arith.index_cast %get3A_2742 : i32 to index
    %get3A_2744 = arith.constant 624 : index
    %get3A_2745 = tpu.vector_load %arg5[%get3A_2743, %get3A_2744] {strides = array<i32>} : memref<4x640xf32, #tpu.memory_space<vmem>>, vector<1x16xf32>,
    %get3A_2746 = vector.shape_cast %get3A_2745 : vector<1x16xf32> to vector<16xf32>
    %mul3A_2747 = arith.constant 0.875280559 : f32
    %mul3A_2748 = vector.broadcast %mul3A_2747 : f32 to vector<16xf32>
    %mul3A_2749 = arith.mulf %mul3A_2748, %get3A_2746 : vector<16xf32>
    %get3A_2750 = arith.constant 2 : i32
    %get3A_2751 = arith.index_cast %get3A_2750 : i32 to index
    %get3A_2752 = arith.constant 624 : index
    %get3A_2753 = tpu.vector_load %arg6[%get3A_2751, %get3A_2752] {strides = array<i32>} : memref<4x640xf32, #tpu.memory_space<vmem>>, vector<1x16xf32>,
    %get3A_2754 = vector.shape_cast %get3A_2753 : vector<1x16xf32> to vector<16xf32>
    %mul3A_2755 = arith.constant 0.124719448 : f32
    %mul3A_2756 = vector.broadcast %mul3A_2755 : f32 to vector<16xf32>
    %mul3A_2757 = arith.mulf %mul3A_2756, %get3A_2754 : vector<16xf32>
    %add3A_2758 = arith.addf %mul3A_2749, %mul3A_2757 : vector<16xf32>
    %swap3A_2759 = arith.constant 2 : i32
    %swap3A_2760 = arith.index_cast %swap3A_2759 : i32 to index
    %swap3A_2761 = arith.constant 624 : index
    %swap3A_2762 = tpu.vector_load %arg5[%swap3A_2760, %swap3A_2761] {strides = array<i32>} : memref<4x640xf32, #tpu.memory_space<vmem>>, vector<1x16xf32>,
    %swap3A_2763 = vector.shape_cast %swap3A_2762 : vector<1x16xf32> to vector<16xf32>
    %swap3A_2764 = vector.shape_cast %add3A_2758 : vector<16xf32> to vector<1x16xf32>
    tpu.vector_store %arg5[%swap3A_2760, %swap3A_2761], %swap3A_2764 {strides = array<i32>} : memref<4x640xf32, #tpu.memory_space<vmem>>, vector<1x16xf32>,
    %get3A_2765 = arith.constant 3 : i32
    %get3A_2766 = arith.index_cast %get3A_2765 : i32 to index
    %get3A_2767 = arith.constant 0 : index
    %get3A_2768 = tpu.vector_load %arg5[%get3A_2766, %get3A_2767] {strides = array<i32>} : memref<4x640xf32, #tpu.memory_space<vmem>>, vector<1x16xf32>,
    %get3A_2769 = vector.shape_cast %get3A_2768 : vector<1x16xf32> to vector<16xf32>
    %mul3A_2770 = arith.constant 0.875280559 : f32
    %mul3A_2771 = vector.broadcast %mul3A_2770 : f32 to vector<16xf32>
    %mul3A_2772 = arith.mulf %mul3A_2771, %get3A_2769 : vector<16xf32>
    %get3A_2773 = arith.constant 3 : i32
    %get3A_2774 = arith.index_cast %get3A_2773 : i32 to index
    %get3A_2775 = arith.constant 0 : index
    %get3A_2776 = tpu.vector_load %arg6[%get3A_2774, %get3A_2775] {strides = array<i32>} : memref<4x640xf32, #tpu.memory_space<vmem>>, vector<1x16xf32>,
    %get3A_2777 = vector.shape_cast %get3A_2776 : vector<1x16xf32> to vector<16xf32>
    %mul3A_2778 = arith.constant 0.124719448 : f32
    %mul3A_2779 = vector.broadcast %mul3A_2778 : f32 to vector<16xf32>
    %mul3A_2780 = arith.mulf %mul3A_2779, %get3A_2777 : vector<16xf32>
    %add3A_2781 = arith.addf %mul3A_2772, %mul3A_2780 : vector<16xf32>
    %swap3A_2782 = arith.constant 3 : i32
    %swap3A_2783 = arith.index_cast %swap3A_2782 : i32 to index
    %swap3A_2784 = arith.constant 0 : index
    %swap3A_2785 = tpu.vector_load %arg5[%swap3A_2783, %swap3A_2784] {strides = array<i32>} : memref<4x640xf32, #tpu.memory_space<vmem>>, vector<1x16xf32>,
    %swap3A_2786 = vector.shape_cast %swap3A_2785 : vector<1x16xf32> to vector<16xf32>
    %swap3A_2787 = vector.shape_cast %add3A_2781 : vector<16xf32> to vector<1x16xf32>
    tpu.vector_store %arg5[%swap3A_2783, %swap3A_2784], %swap3A_2787 {strides = array<i32>} : memref<4x640xf32, #tpu.memory_space<vmem>>, vector<1x16xf32>,
    %get3A_2788 = arith.constant 3 : i32
    %get3A_2789 = arith.index_cast %get3A_2788 : i32 to index
    %get3A_2790 = arith.constant 16 : index
    %get3A_2791 = tpu.vector_load %arg5[%get3A_2789, %get3A_2790] {strides = array<i32>} : memref<4x640xf32, #tpu.memory_space<vmem>>, vector<1x16xf32>,
    %get3A_2792 = vector.shape_cast %get3A_2791 : vector<1x16xf32> to vector<16xf32>
    %mul3A_2793 = arith.constant 0.875280559 : f32
    %mul3A_2794 = vector.broadcast %mul3A_2793 : f32 to vector<16xf32>
    %mul3A_2795 = arith.mulf %mul3A_2794, %get3A_2792 : vector<16xf32>
    %get3A_2796 = arith.constant 3 : i32
    %get3A_2797 = arith.index_cast %get3A_2796 : i32 to index
    %get3A_2798 = arith.constant 16 : index
    %get3A_2799 = tpu.vector_load %arg6[%get3A_2797, %get3A_2798] {strides = array<i32>} : memref<4x640xf32, #tpu.memory_space<vmem>>, vector<1x16xf32>,
    %get3A_2800 = vector.shape_cast %get3A_2799 : vector<1x16xf32> to vector<16xf32>
    %mul3A_2801 = arith.constant 0.124719448 : f32
    %mul3A_2802 = vector.broadcast %mul3A_2801 : f32 to vector<16xf32>
    %mul3A_2803 = arith.mulf %mul3A_2802, %get3A_2800 : vector<16xf32>
    %add3A_2804 = arith.addf %mul3A_2795, %mul3A_2803 : vector<16xf32>
    %swap3A_2805 = arith.constant 3 : i32
    %swap3A_2806 = arith.index_cast %swap3A_2805 : i32 to index
    %swap3A_2807 = arith.constant 16 : index
    %swap3A_2808 = tpu.vector_load %arg5[%swap3A_2806, %swap3A_2807] {strides = array<i32>} : memref<4x640xf32, #tpu.memory_space<vmem>>, vector<1x16xf32>,
    %swap3A_2809 = vector.shape_cast %swap3A_2808 : vector<1x16xf32> to vector<16xf32>
    %swap3A_2810 = vector.shape_cast %add3A_2804 : vector<16xf32> to vector<1x16xf32>
    tpu.vector_store %arg5[%swap3A_2806, %swap3A_2807], %swap3A_2810 {strides = array<i32>} : memref<4x640xf32, #tpu.memory_space<vmem>>, vector<1x16xf32>,
    %get3A_2811 = arith.constant 3 : i32
    %get3A_2812 = arith.index_cast %get3A_2811 : i32 to index
    %get3A_2813 = arith.constant 32 : index
    %get3A_2814 = tpu.vector_load %arg5[%get3A_2812, %get3A_2813] {strides = array<i32>} : memref<4x640xf32, #tpu.memory_space<vmem>>, vector<1x16xf32>,
    %get3A_2815 = vector.shape_cast %get3A_2814 : vector<1x16xf32> to vector<16xf32>
    %mul3A_2816 = arith.constant 0.875280559 : f32
    %mul3A_2817 = vector.broadcast %mul3A_2816 : f32 to vector<16xf32>
    %mul3A_2818 = arith.mulf %mul3A_2817, %get3A_2815 : vector<16xf32>
    %get3A_2819 = arith.constant 3 : i32
    %get3A_2820 = arith.index_cast %get3A_2819 : i32 to index
    %get3A_2821 = arith.constant 32 : index
    %get3A_2822 = tpu.vector_load %arg6[%get3A_2820, %get3A_2821] {strides = array<i32>} : memref<4x640xf32, #tpu.memory_space<vmem>>, vector<1x16xf32>,
    %get3A_2823 = vector.shape_cast %get3A_2822 : vector<1x16xf32> to vector<16xf32>
    %mul3A_2824 = arith.constant 0.124719448 : f32
    %mul3A_2825 = vector.broadcast %mul3A_2824 : f32 to vector<16xf32>
    %mul3A_2826 = arith.mulf %mul3A_2825, %get3A_2823 : vector<16xf32>
    %add3A_2827 = arith.addf %mul3A_2818, %mul3A_2826 : vector<16xf32>
    %swap3A_2828 = arith.constant 3 : i32
    %swap3A_2829 = arith.index_cast %swap3A_2828 : i32 to index
    %swap3A_2830 = arith.constant 32 : index
    %swap3A_2831 = tpu.vector_load %arg5[%swap3A_2829, %swap3A_2830] {strides = array<i32>} : memref<4x640xf32, #tpu.memory_space<vmem>>, vector<1x16xf32>,
    %swap3A_2832 = vector.shape_cast %swap3A_2831 : vector<1x16xf32> to vector<16xf32>
    %swap3A_2833 = vector.shape_cast %add3A_2827 : vector<16xf32> to vector<1x16xf32>
    tpu.vector_store %arg5[%swap3A_2829, %swap3A_2830], %swap3A_2833 {strides = array<i32>} : memref<4x640xf32, #tpu.memory_space<vmem>>, vector<1x16xf32>,
    %get3A_2834 = arith.constant 3 : i32
    %get3A_2835 = arith.index_cast %get3A_2834 : i32 to index
    %get3A_2836 = arith.constant 48 : index
    %get3A_2837 = tpu.vector_load %arg5[%get3A_2835, %get3A_2836] {strides = array<i32>} : memref<4x640xf32, #tpu.memory_space<vmem>>, vector<1x16xf32>,
    %get3A_2838 = vector.shape_cast %get3A_2837 : vector<1x16xf32> to vector<16xf32>
    %mul3A_2839 = arith.constant 0.875280559 : f32
    %mul3A_2840 = vector.broadcast %mul3A_2839 : f32 to vector<16xf32>
    %mul3A_2841 = arith.mulf %mul3A_2840, %get3A_2838 : vector<16xf32>
    %get3A_2842 = arith.constant 3 : i32
    %get3A_2843 = arith.index_cast %get3A_2842 : i32 to index
    %get3A_2844 = arith.constant 48 : index
    %get3A_2845 = tpu.vector_load %arg6[%get3A_2843, %get3A_2844] {strides = array<i32>} : memref<4x640xf32, #tpu.memory_space<vmem>>, vector<1x16xf32>,
    %get3A_2846 = vector.shape_cast %get3A_2845 : vector<1x16xf32> to vector<16xf32>
    %mul3A_2847 = arith.constant 0.124719448 : f32
    %mul3A_2848 = vector.broadcast %mul3A_2847 : f32 to vector<16xf32>
    %mul3A_2849 = arith.mulf %mul3A_2848, %get3A_2846 : vector<16xf32>
    %add3A_2850 = arith.addf %mul3A_2841, %mul3A_2849 : vector<16xf32>
    %swap3A_2851 = arith.constant 3 : i32
    %swap3A_2852 = arith.index_cast %swap3A_2851 : i32 to index
    %swap3A_2853 = arith.constant 48 : index
    %swap3A_2854 = tpu.vector_load %arg5[%swap3A_2852, %swap3A_2853] {strides = array<i32>} : memref<4x640xf32, #tpu.memory_space<vmem>>, vector<1x16xf32>,
    %swap3A_2855 = vector.shape_cast %swap3A_2854 : vector<1x16xf32> to vector<16xf32>
    %swap3A_2856 = vector.shape_cast %add3A_2850 : vector<16xf32> to vector<1x16xf32>
    tpu.vector_store %arg5[%swap3A_2852, %swap3A_2853], %swap3A_2856 {strides = array<i32>} : memref<4x640xf32, #tpu.memory_space<vmem>>, vector<1x16xf32>,
    %get3A_2857 = arith.constant 3 : i32
    %get3A_2858 = arith.index_cast %get3A_2857 : i32 to index
    %get3A_2859 = arith.constant 64 : index
    %get3A_2860 = tpu.vector_load %arg5[%get3A_2858, %get3A_2859] {strides = array<i32>} : memref<4x640xf32, #tpu.memory_space<vmem>>, vector<1x16xf32>,
    %get3A_2861 = vector.shape_cast %get3A_2860 : vector<1x16xf32> to vector<16xf32>
    %mul3A_2862 = arith.constant 0.875280559 : f32
    %mul3A_2863 = vector.broadcast %mul3A_2862 : f32 to vector<16xf32>
    %mul3A_2864 = arith.mulf %mul3A_2863, %get3A_2861 : vector<16xf32>
    %get3A_2865 = arith.constant 3 : i32
    %get3A_2866 = arith.index_cast %get3A_2865 : i32 to index
    %get3A_2867 = arith.constant 64 : index
    %get3A_2868 = tpu.vector_load %arg6[%get3A_2866, %get3A_2867] {strides = array<i32>} : memref<4x640xf32, #tpu.memory_space<vmem>>, vector<1x16xf32>,
    %get3A_2869 = vector.shape_cast %get3A_2868 : vector<1x16xf32> to vector<16xf32>
    %mul3A_2870 = arith.constant 0.124719448 : f32
    %mul3A_2871 = vector.broadcast %mul3A_2870 : f32 to vector<16xf32>
    %mul3A_2872 = arith.mulf %mul3A_2871, %get3A_2869 : vector<16xf32>
    %add3A_2873 = arith.addf %mul3A_2864, %mul3A_2872 : vector<16xf32>
    %swap3A_2874 = arith.constant 3 : i32
    %swap3A_2875 = arith.index_cast %swap3A_2874 : i32 to index
    %swap3A_2876 = arith.constant 64 : index
    %swap3A_2877 = tpu.vector_load %arg5[%swap3A_2875, %swap3A_2876] {strides = array<i32>} : memref<4x640xf32, #tpu.memory_space<vmem>>, vector<1x16xf32>,
    %swap3A_2878 = vector.shape_cast %swap3A_2877 : vector<1x16xf32> to vector<16xf32>
    %swap3A_2879 = vector.shape_cast %add3A_2873 : vector<16xf32> to vector<1x16xf32>
    tpu.vector_store %arg5[%swap3A_2875, %swap3A_2876], %swap3A_2879 {strides = array<i32>} : memref<4x640xf32, #tpu.memory_space<vmem>>, vector<1x16xf32>,
    %get3A_2880 = arith.constant 3 : i32
    %get3A_2881 = arith.index_cast %get3A_2880 : i32 to index
    %get3A_2882 = arith.constant 80 : index
    %get3A_2883 = tpu.vector_load %arg5[%get3A_2881, %get3A_2882] {strides = array<i32>} : memref<4x640xf32, #tpu.memory_space<vmem>>, vector<1x16xf32>,
    %get3A_2884 = vector.shape_cast %get3A_2883 : vector<1x16xf32> to vector<16xf32>
    %mul3A_2885 = arith.constant 0.875280559 : f32
    %mul3A_2886 = vector.broadcast %mul3A_2885 : f32 to vector<16xf32>
    %mul3A_2887 = arith.mulf %mul3A_2886, %get3A_2884 : vector<16xf32>
    %get3A_2888 = arith.constant 3 : i32
    %get3A_2889 = arith.index_cast %get3A_2888 : i32 to index
    %get3A_2890 = arith.constant 80 : index
    %get3A_2891 = tpu.vector_load %arg6[%get3A_2889, %get3A_2890] {strides = array<i32>} : memref<4x640xf32, #tpu.memory_space<vmem>>, vector<1x16xf32>,
    %get3A_2892 = vector.shape_cast %get3A_2891 : vector<1x16xf32> to vector<16xf32>
    %mul3A_2893 = arith.constant 0.124719448 : f32
    %mul3A_2894 = vector.broadcast %mul3A_2893 : f32 to vector<16xf32>
    %mul3A_2895 = arith.mulf %mul3A_2894, %get3A_2892 : vector<16xf32>
    %add3A_2896 = arith.addf %mul3A_2887, %mul3A_2895 : vector<16xf32>
    %swap3A_2897 = arith.constant 3 : i32
    %swap3A_2898 = arith.index_cast %swap3A_2897 : i32 to index
    %swap3A_2899 = arith.constant 80 : index
    %swap3A_2900 = tpu.vector_load %arg5[%swap3A_2898, %swap3A_2899] {strides = array<i32>} : memref<4x640xf32, #tpu.memory_space<vmem>>, vector<1x16xf32>,
    %swap3A_2901 = vector.shape_cast %swap3A_2900 : vector<1x16xf32> to vector<16xf32>
    %swap3A_2902 = vector.shape_cast %add3A_2896 : vector<16xf32> to vector<1x16xf32>
    tpu.vector_store %arg5[%swap3A_2898, %swap3A_2899], %swap3A_2902 {strides = array<i32>} : memref<4x640xf32, #tpu.memory_space<vmem>>, vector<1x16xf32>,
    %get3A_2903 = arith.constant 3 : i32
    %get3A_2904 = arith.index_cast %get3A_2903 : i32 to index
    %get3A_2905 = arith.constant 96 : index
    %get3A_2906 = tpu.vector_load %arg5[%get3A_2904, %get3A_2905] {strides = array<i32>} : memref<4x640xf32, #tpu.memory_space<vmem>>, vector<1x16xf32>,
    %get3A_2907 = vector.shape_cast %get3A_2906 : vector<1x16xf32> to vector<16xf32>
    %mul3A_2908 = arith.constant 0.875280559 : f32
    %mul3A_2909 = vector.broadcast %mul3A_2908 : f32 to vector<16xf32>
    %mul3A_2910 = arith.mulf %mul3A_2909, %get3A_2907 : vector<16xf32>
    %get3A_2911 = arith.constant 3 : i32
    %get3A_2912 = arith.index_cast %get3A_2911 : i32 to index
    %get3A_2913 = arith.constant 96 : index
    %get3A_2914 = tpu.vector_load %arg6[%get3A_2912, %get3A_2913] {strides = array<i32>} : memref<4x640xf32, #tpu.memory_space<vmem>>, vector<1x16xf32>,
    %get3A_2915 = vector.shape_cast %get3A_2914 : vector<1x16xf32> to vector<16xf32>
    %mul3A_2916 = arith.constant 0.124719448 : f32
    %mul3A_2917 = vector.broadcast %mul3A_2916 : f32 to vector<16xf32>
    %mul3A_2918 = arith.mulf %mul3A_2917, %get3A_2915 : vector<16xf32>
    %add3A_2919 = arith.addf %mul3A_2910, %mul3A_2918 : vector<16xf32>
    %swap3A_2920 = arith.constant 3 : i32
    %swap3A_2921 = arith.index_cast %swap3A_2920 : i32 to index
    %swap3A_2922 = arith.constant 96 : index
    %swap3A_2923 = tpu.vector_load %arg5[%swap3A_2921, %swap3A_2922] {strides = array<i32>} : memref<4x640xf32, #tpu.memory_space<vmem>>, vector<1x16xf32>,
    %swap3A_2924 = vector.shape_cast %swap3A_2923 : vector<1x16xf32> to vector<16xf32>
    %swap3A_2925 = vector.shape_cast %add3A_2919 : vector<16xf32> to vector<1x16xf32>
    tpu.vector_store %arg5[%swap3A_2921, %swap3A_2922], %swap3A_2925 {strides = array<i32>} : memref<4x640xf32, #tpu.memory_space<vmem>>, vector<1x16xf32>,
    %get3A_2926 = arith.constant 3 : i32
    %get3A_2927 = arith.index_cast %get3A_2926 : i32 to index
    %get3A_2928 = arith.constant 112 : index
    %get3A_2929 = tpu.vector_load %arg5[%get3A_2927, %get3A_2928] {strides = array<i32>} : memref<4x640xf32, #tpu.memory_space<vmem>>, vector<1x16xf32>,
    %get3A_2930 = vector.shape_cast %get3A_2929 : vector<1x16xf32> to vector<16xf32>
    %mul3A_2931 = arith.constant 0.875280559 : f32
    %mul3A_2932 = vector.broadcast %mul3A_2931 : f32 to vector<16xf32>
    %mul3A_2933 = arith.mulf %mul3A_2932, %get3A_2930 : vector<16xf32>
    %get3A_2934 = arith.constant 3 : i32
    %get3A_2935 = arith.index_cast %get3A_2934 : i32 to index
    %get3A_2936 = arith.constant 112 : index
    %get3A_2937 = tpu.vector_load %arg6[%get3A_2935, %get3A_2936] {strides = array<i32>} : memref<4x640xf32, #tpu.memory_space<vmem>>, vector<1x16xf32>,
    %get3A_2938 = vector.shape_cast %get3A_2937 : vector<1x16xf32> to vector<16xf32>
    %mul3A_2939 = arith.constant 0.124719448 : f32
    %mul3A_2940 = vector.broadcast %mul3A_2939 : f32 to vector<16xf32>
    %mul3A_2941 = arith.mulf %mul3A_2940, %get3A_2938 : vector<16xf32>
    %add3A_2942 = arith.addf %mul3A_2933, %mul3A_2941 : vector<16xf32>
    %swap3A_2943 = arith.constant 3 : i32
    %swap3A_2944 = arith.index_cast %swap3A_2943 : i32 to index
    %swap3A_2945 = arith.constant 112 : index
    %swap3A_2946 = tpu.vector_load %arg5[%swap3A_2944, %swap3A_2945] {strides = array<i32>} : memref<4x640xf32, #tpu.memory_space<vmem>>, vector<1x16xf32>,
    %swap3A_2947 = vector.shape_cast %swap3A_2946 : vector<1x16xf32> to vector<16xf32>
    %swap3A_2948 = vector.shape_cast %add3A_2942 : vector<16xf32> to vector<1x16xf32>
    tpu.vector_store %arg5[%swap3A_2944, %swap3A_2945], %swap3A_2948 {strides = array<i32>} : memref<4x640xf32, #tpu.memory_space<vmem>>, vector<1x16xf32>,
    %get3A_2949 = arith.constant 3 : i32
    %get3A_2950 = arith.index_cast %get3A_2949 : i32 to index
    %get3A_2951 = arith.constant 128 : index
    %get3A_2952 = tpu.vector_load %arg5[%get3A_2950, %get3A_2951] {strides = array<i32>} : memref<4x640xf32, #tpu.memory_space<vmem>>, vector<1x16xf32>,
    %get3A_2953 = vector.shape_cast %get3A_2952 : vector<1x16xf32> to vector<16xf32>
    %mul3A_2954 = arith.constant 0.875280559 : f32
    %mul3A_2955 = vector.broadcast %mul3A_2954 : f32 to vector<16xf32>
    %mul3A_2956 = arith.mulf %mul3A_2955, %get3A_2953 : vector<16xf32>
    %get3A_2957 = arith.constant 3 : i32
    %get3A_2958 = arith.index_cast %get3A_2957 : i32 to index
    %get3A_2959 = arith.constant 128 : index
    %get3A_2960 = tpu.vector_load %arg6[%get3A_2958, %get3A_2959] {strides = array<i32>} : memref<4x640xf32, #tpu.memory_space<vmem>>, vector<1x16xf32>,
    %get3A_2961 = vector.shape_cast %get3A_2960 : vector<1x16xf32> to vector<16xf32>
    %mul3A_2962 = arith.constant 0.124719448 : f32
    %mul3A_2963 = vector.broadcast %mul3A_2962 : f32 to vector<16xf32>
    %mul3A_2964 = arith.mulf %mul3A_2963, %get3A_2961 : vector<16xf32>
    %add3A_2965 = arith.addf %mul3A_2956, %mul3A_2964 : vector<16xf32>
    %swap3A_2966 = arith.constant 3 : i32
    %swap3A_2967 = arith.index_cast %swap3A_2966 : i32 to index
    %swap3A_2968 = arith.constant 128 : index
    %swap3A_2969 = tpu.vector_load %arg5[%swap3A_2967, %swap3A_2968] {strides = array<i32>} : memref<4x640xf32, #tpu.memory_space<vmem>>, vector<1x16xf32>,
    %swap3A_2970 = vector.shape_cast %swap3A_2969 : vector<1x16xf32> to vector<16xf32>
    %swap3A_2971 = vector.shape_cast %add3A_2965 : vector<16xf32> to vector<1x16xf32>
    tpu.vector_store %arg5[%swap3A_2967, %swap3A_2968], %swap3A_2971 {strides = array<i32>} : memref<4x640xf32, #tpu.memory_space<vmem>>, vector<1x16xf32>,
    %get3A_2972 = arith.constant 3 : i32
    %get3A_2973 = arith.index_cast %get3A_2972 : i32 to index
    %get3A_2974 = arith.constant 144 : index
    %get3A_2975 = tpu.vector_load %arg5[%get3A_2973, %get3A_2974] {strides = array<i32>} : memref<4x640xf32, #tpu.memory_space<vmem>>, vector<1x16xf32>,
    %get3A_2976 = vector.shape_cast %get3A_2975 : vector<1x16xf32> to vector<16xf32>
    %mul3A_2977 = arith.constant 0.875280559 : f32
    %mul3A_2978 = vector.broadcast %mul3A_2977 : f32 to vector<16xf32>
    %mul3A_2979 = arith.mulf %mul3A_2978, %get3A_2976 : vector<16xf32>
    %get3A_2980 = arith.constant 3 : i32
    %get3A_2981 = arith.index_cast %get3A_2980 : i32 to index
    %get3A_2982 = arith.constant 144 : index
    %get3A_2983 = tpu.vector_load %arg6[%get3A_2981, %get3A_2982] {strides = array<i32>} : memref<4x640xf32, #tpu.memory_space<vmem>>, vector<1x16xf32>,
    %get3A_2984 = vector.shape_cast %get3A_2983 : vector<1x16xf32> to vector<16xf32>
    %mul3A_2985 = arith.constant 0.124719448 : f32
    %mul3A_2986 = vector.broadcast %mul3A_2985 : f32 to vector<16xf32>
    %mul3A_2987 = arith.mulf %mul3A_2986, %get3A_2984 : vector<16xf32>
    %add3A_2988 = arith.addf %mul3A_2979, %mul3A_2987 : vector<16xf32>
    %swap3A_2989 = arith.constant 3 : i32
    %swap3A_2990 = arith.index_cast %swap3A_2989 : i32 to index
    %swap3A_2991 = arith.constant 144 : index
    %swap3A_2992 = tpu.vector_load %arg5[%swap3A_2990, %swap3A_2991] {strides = array<i32>} : memref<4x640xf32, #tpu.memory_space<vmem>>, vector<1x16xf32>,
    %swap3A_2993 = vector.shape_cast %swap3A_2992 : vector<1x16xf32> to vector<16xf32>
    %swap3A_2994 = vector.shape_cast %add3A_2988 : vector<16xf32> to vector<1x16xf32>
    tpu.vector_store %arg5[%swap3A_2990, %swap3A_2991], %swap3A_2994 {strides = array<i32>} : memref<4x640xf32, #tpu.memory_space<vmem>>, vector<1x16xf32>,
    %get3A_2995 = arith.constant 3 : i32
    %get3A_2996 = arith.index_cast %get3A_2995 : i32 to index
    %get3A_2997 = arith.constant 160 : index
    %get3A_2998 = tpu.vector_load %arg5[%get3A_2996, %get3A_2997] {strides = array<i32>} : memref<4x640xf32, #tpu.memory_space<vmem>>, vector<1x16xf32>,
    %get3A_2999 = vector.shape_cast %get3A_2998 : vector<1x16xf32> to vector<16xf32>
    %mul3A_3000 = arith.constant 0.875280559 : f32
    %mul3A_3001 = vector.broadcast %mul3A_3000 : f32 to vector<16xf32>
    %mul3A_3002 = arith.mulf %mul3A_3001, %get3A_2999 : vector<16xf32>
    %get3A_3003 = arith.constant 3 : i32
    %get3A_3004 = arith.index_cast %get3A_3003 : i32 to index
    %get3A_3005 = arith.constant 160 : index
    %get3A_3006 = tpu.vector_load %arg6[%get3A_3004, %get3A_3005] {strides = array<i32>} : memref<4x640xf32, #tpu.memory_space<vmem>>, vector<1x16xf32>,
    %get3A_3007 = vector.shape_cast %get3A_3006 : vector<1x16xf32> to vector<16xf32>
    %mul3A_3008 = arith.constant 0.124719448 : f32
    %mul3A_3009 = vector.broadcast %mul3A_3008 : f32 to vector<16xf32>
    %mul3A_3010 = arith.mulf %mul3A_3009, %get3A_3007 : vector<16xf32>
    %add3A_3011 = arith.addf %mul3A_3002, %mul3A_3010 : vector<16xf32>
    %swap3A_3012 = arith.constant 3 : i32
    %swap3A_3013 = arith.index_cast %swap3A_3012 : i32 to index
    %swap3A_3014 = arith.constant 160 : index
    %swap3A_3015 = tpu.vector_load %arg5[%swap3A_3013, %swap3A_3014] {strides = array<i32>} : memref<4x640xf32, #tpu.memory_space<vmem>>, vector<1x16xf32>,
    %swap3A_3016 = vector.shape_cast %swap3A_3015 : vector<1x16xf32> to vector<16xf32>
    %swap3A_3017 = vector.shape_cast %add3A_3011 : vector<16xf32> to vector<1x16xf32>
    tpu.vector_store %arg5[%swap3A_3013, %swap3A_3014], %swap3A_3017 {strides = array<i32>} : memref<4x640xf32, #tpu.memory_space<vmem>>, vector<1x16xf32>,
    %get3A_3018 = arith.constant 3 : i32
    %get3A_3019 = arith.index_cast %get3A_3018 : i32 to index
    %get3A_3020 = arith.constant 176 : index
    %get3A_3021 = tpu.vector_load %arg5[%get3A_3019, %get3A_3020] {strides = array<i32>} : memref<4x640xf32, #tpu.memory_space<vmem>>, vector<1x16xf32>,
    %get3A_3022 = vector.shape_cast %get3A_3021 : vector<1x16xf32> to vector<16xf32>
    %mul3A_3023 = arith.constant 0.875280559 : f32
    %mul3A_3024 = vector.broadcast %mul3A_3023 : f32 to vector<16xf32>
    %mul3A_3025 = arith.mulf %mul3A_3024, %get3A_3022 : vector<16xf32>
    %get3A_3026 = arith.constant 3 : i32
    %get3A_3027 = arith.index_cast %get3A_3026 : i32 to index
    %get3A_3028 = arith.constant 176 : index
    %get3A_3029 = tpu.vector_load %arg6[%get3A_3027, %get3A_3028] {strides = array<i32>} : memref<4x640xf32, #tpu.memory_space<vmem>>, vector<1x16xf32>,
    %get3A_3030 = vector.shape_cast %get3A_3029 : vector<1x16xf32> to vector<16xf32>
    %mul3A_3031 = arith.constant 0.124719448 : f32
    %mul3A_3032 = vector.broadcast %mul3A_3031 : f32 to vector<16xf32>
    %mul3A_3033 = arith.mulf %mul3A_3032, %get3A_3030 : vector<16xf32>
    %add3A_3034 = arith.addf %mul3A_3025, %mul3A_3033 : vector<16xf32>
    %swap3A_3035 = arith.constant 3 : i32
    %swap3A_3036 = arith.index_cast %swap3A_3035 : i32 to index
    %swap3A_3037 = arith.constant 176 : index
    %swap3A_3038 = tpu.vector_load %arg5[%swap3A_3036, %swap3A_3037] {strides = array<i32>} : memref<4x640xf32, #tpu.memory_space<vmem>>, vector<1x16xf32>,
    %swap3A_3039 = vector.shape_cast %swap3A_3038 : vector<1x16xf32> to vector<16xf32>
    %swap3A_3040 = vector.shape_cast %add3A_3034 : vector<16xf32> to vector<1x16xf32>
    tpu.vector_store %arg5[%swap3A_3036, %swap3A_3037], %swap3A_3040 {strides = array<i32>} : memref<4x640xf32, #tpu.memory_space<vmem>>, vector<1x16xf32>,
    %get3A_3041 = arith.constant 3 : i32
    %get3A_3042 = arith.index_cast %get3A_3041 : i32 to index
    %get3A_3043 = arith.constant 192 : index
    %get3A_3044 = tpu.vector_load %arg5[%get3A_3042, %get3A_3043] {strides = array<i32>} : memref<4x640xf32, #tpu.memory_space<vmem>>, vector<1x16xf32>,
    %get3A_3045 = vector.shape_cast %get3A_3044 : vector<1x16xf32> to vector<16xf32>
    %mul3A_3046 = arith.constant 0.875280559 : f32
    %mul3A_3047 = vector.broadcast %mul3A_3046 : f32 to vector<16xf32>
    %mul3A_3048 = arith.mulf %mul3A_3047, %get3A_3045 : vector<16xf32>
    %get3A_3049 = arith.constant 3 : i32
    %get3A_3050 = arith.index_cast %get3A_3049 : i32 to index
    %get3A_3051 = arith.constant 192 : index
    %get3A_3052 = tpu.vector_load %arg6[%get3A_3050, %get3A_3051] {strides = array<i32>} : memref<4x640xf32, #tpu.memory_space<vmem>>, vector<1x16xf32>,
    %get3A_3053 = vector.shape_cast %get3A_3052 : vector<1x16xf32> to vector<16xf32>
    %mul3A_3054 = arith.constant 0.124719448 : f32
    %mul3A_3055 = vector.broadcast %mul3A_3054 : f32 to vector<16xf32>
    %mul3A_3056 = arith.mulf %mul3A_3055, %get3A_3053 : vector<16xf32>
    %add3A_3057 = arith.addf %mul3A_3048, %mul3A_3056 : vector<16xf32>
    %swap3A_3058 = arith.constant 3 : i32
    %swap3A_3059 = arith.index_cast %swap3A_3058 : i32 to index
    %swap3A_3060 = arith.constant 192 : index
    %swap3A_3061 = tpu.vector_load %arg5[%swap3A_3059, %swap3A_3060] {strides = array<i32>} : memref<4x640xf32, #tpu.memory_space<vmem>>, vector<1x16xf32>,
    %swap3A_3062 = vector.shape_cast %swap3A_3061 : vector<1x16xf32> to vector<16xf32>
    %swap3A_3063 = vector.shape_cast %add3A_3057 : vector<16xf32> to vector<1x16xf32>
    tpu.vector_store %arg5[%swap3A_3059, %swap3A_3060], %swap3A_3063 {strides = array<i32>} : memref<4x640xf32, #tpu.memory_space<vmem>>, vector<1x16xf32>,
    %get3A_3064 = arith.constant 3 : i32
    %get3A_3065 = arith.index_cast %get3A_3064 : i32 to index
    %get3A_3066 = arith.constant 208 : index
    %get3A_3067 = tpu.vector_load %arg5[%get3A_3065, %get3A_3066] {strides = array<i32>} : memref<4x640xf32, #tpu.memory_space<vmem>>, vector<1x16xf32>,
    %get3A_3068 = vector.shape_cast %get3A_3067 : vector<1x16xf32> to vector<16xf32>
    %mul3A_3069 = arith.constant 0.875280559 : f32
    %mul3A_3070 = vector.broadcast %mul3A_3069 : f32 to vector<16xf32>
    %mul3A_3071 = arith.mulf %mul3A_3070, %get3A_3068 : vector<16xf32>
    %get3A_3072 = arith.constant 3 : i32
    %get3A_3073 = arith.index_cast %get3A_3072 : i32 to index
    %get3A_3074 = arith.constant 208 : index
    %get3A_3075 = tpu.vector_load %arg6[%get3A_3073, %get3A_3074] {strides = array<i32>} : memref<4x640xf32, #tpu.memory_space<vmem>>, vector<1x16xf32>,
    %get3A_3076 = vector.shape_cast %get3A_3075 : vector<1x16xf32> to vector<16xf32>
    %mul3A_3077 = arith.constant 0.124719448 : f32
    %mul3A_3078 = vector.broadcast %mul3A_3077 : f32 to vector<16xf32>
    %mul3A_3079 = arith.mulf %mul3A_3078, %get3A_3076 : vector<16xf32>
    %add3A_3080 = arith.addf %mul3A_3071, %mul3A_3079 : vector<16xf32>
    %swap3A_3081 = arith.constant 3 : i32
    %swap3A_3082 = arith.index_cast %swap3A_3081 : i32 to index
    %swap3A_3083 = arith.constant 208 : index
    %swap3A_3084 = tpu.vector_load %arg5[%swap3A_3082, %swap3A_3083] {strides = array<i32>} : memref<4x640xf32, #tpu.memory_space<vmem>>, vector<1x16xf32>,
    %swap3A_3085 = vector.shape_cast %swap3A_3084 : vector<1x16xf32> to vector<16xf32>
    %swap3A_3086 = vector.shape_cast %add3A_3080 : vector<16xf32> to vector<1x16xf32>
    tpu.vector_store %arg5[%swap3A_3082, %swap3A_3083], %swap3A_3086 {strides = array<i32>} : memref<4x640xf32, #tpu.memory_space<vmem>>, vector<1x16xf32>,
    %get3A_3087 = arith.constant 3 : i32
    %get3A_3088 = arith.index_cast %get3A_3087 : i32 to index
    %get3A_3089 = arith.constant 224 : index
    %get3A_3090 = tpu.vector_load %arg5[%get3A_3088, %get3A_3089] {strides = array<i32>} : memref<4x640xf32, #tpu.memory_space<vmem>>, vector<1x16xf32>,
    %get3A_3091 = vector.shape_cast %get3A_3090 : vector<1x16xf32> to vector<16xf32>
    %mul3A_3092 = arith.constant 0.875280559 : f32
    %mul3A_3093 = vector.broadcast %mul3A_3092 : f32 to vector<16xf32>
    %mul3A_3094 = arith.mulf %mul3A_3093, %get3A_3091 : vector<16xf32>
    %get3A_3095 = arith.constant 3 : i32
    %get3A_3096 = arith.index_cast %get3A_3095 : i32 to index
    %get3A_3097 = arith.constant 224 : index
    %get3A_3098 = tpu.vector_load %arg6[%get3A_3096, %get3A_3097] {strides = array<i32>} : memref<4x640xf32, #tpu.memory_space<vmem>>, vector<1x16xf32>,
    %get3A_3099 = vector.shape_cast %get3A_3098 : vector<1x16xf32> to vector<16xf32>
    %mul3A_3100 = arith.constant 0.124719448 : f32
    %mul3A_3101 = vector.broadcast %mul3A_3100 : f32 to vector<16xf32>
    %mul3A_3102 = arith.mulf %mul3A_3101, %get3A_3099 : vector<16xf32>
    %add3A_3103 = arith.addf %mul3A_3094, %mul3A_3102 : vector<16xf32>
    %swap3A_3104 = arith.constant 3 : i32
    %swap3A_3105 = arith.index_cast %swap3A_3104 : i32 to index
    %swap3A_3106 = arith.constant 224 : index
    %swap3A_3107 = tpu.vector_load %arg5[%swap3A_3105, %swap3A_3106] {strides = array<i32>} : memref<4x640xf32, #tpu.memory_space<vmem>>, vector<1x16xf32>,
    %swap3A_3108 = vector.shape_cast %swap3A_3107 : vector<1x16xf32> to vector<16xf32>
    %swap3A_3109 = vector.shape_cast %add3A_3103 : vector<16xf32> to vector<1x16xf32>
    tpu.vector_store %arg5[%swap3A_3105, %swap3A_3106], %swap3A_3109 {strides = array<i32>} : memref<4x640xf32, #tpu.memory_space<vmem>>, vector<1x16xf32>,
    %get3A_3110 = arith.constant 3 : i32
    %get3A_3111 = arith.index_cast %get3A_3110 : i32 to index
    %get3A_3112 = arith.constant 240 : index
    %get3A_3113 = tpu.vector_load %arg5[%get3A_3111, %get3A_3112] {strides = array<i32>} : memref<4x640xf32, #tpu.memory_space<vmem>>, vector<1x16xf32>,
    %get3A_3114 = vector.shape_cast %get3A_3113 : vector<1x16xf32> to vector<16xf32>
    %mul3A_3115 = arith.constant 0.875280559 : f32
    %mul3A_3116 = vector.broadcast %mul3A_3115 : f32 to vector<16xf32>
    %mul3A_3117 = arith.mulf %mul3A_3116, %get3A_3114 : vector<16xf32>
    %get3A_3118 = arith.constant 3 : i32
    %get3A_3119 = arith.index_cast %get3A_3118 : i32 to index
    %get3A_3120 = arith.constant 240 : index
    %get3A_3121 = tpu.vector_load %arg6[%get3A_3119, %get3A_3120] {strides = array<i32>} : memref<4x640xf32, #tpu.memory_space<vmem>>, vector<1x16xf32>,
    %get3A_3122 = vector.shape_cast %get3A_3121 : vector<1x16xf32> to vector<16xf32>
    %mul3A_3123 = arith.constant 0.124719448 : f32
    %mul3A_3124 = vector.broadcast %mul3A_3123 : f32 to vector<16xf32>
    %mul3A_3125 = arith.mulf %mul3A_3124, %get3A_3122 : vector<16xf32>
    %add3A_3126 = arith.addf %mul3A_3117, %mul3A_3125 : vector<16xf32>
    %swap3A_3127 = arith.constant 3 : i32
    %swap3A_3128 = arith.index_cast %swap3A_3127 : i32 to index
    %swap3A_3129 = arith.constant 240 : index
    %swap3A_3130 = tpu.vector_load %arg5[%swap3A_3128, %swap3A_3129] {strides = array<i32>} : memref<4x640xf32, #tpu.memory_space<vmem>>, vector<1x16xf32>,
    %swap3A_3131 = vector.shape_cast %swap3A_3130 : vector<1x16xf32> to vector<16xf32>
    %swap3A_3132 = vector.shape_cast %add3A_3126 : vector<16xf32> to vector<1x16xf32>
    tpu.vector_store %arg5[%swap3A_3128, %swap3A_3129], %swap3A_3132 {strides = array<i32>} : memref<4x640xf32, #tpu.memory_space<vmem>>, vector<1x16xf32>,
    %get3A_3133 = arith.constant 3 : i32
    %get3A_3134 = arith.index_cast %get3A_3133 : i32 to index
    %get3A_3135 = arith.constant 256 : index
    %get3A_3136 = tpu.vector_load %arg5[%get3A_3134, %get3A_3135] {strides = array<i32>} : memref<4x640xf32, #tpu.memory_space<vmem>>, vector<1x16xf32>,
    %get3A_3137 = vector.shape_cast %get3A_3136 : vector<1x16xf32> to vector<16xf32>
    %mul3A_3138 = arith.constant 0.875280559 : f32
    %mul3A_3139 = vector.broadcast %mul3A_3138 : f32 to vector<16xf32>
    %mul3A_3140 = arith.mulf %mul3A_3139, %get3A_3137 : vector<16xf32>
    %get3A_3141 = arith.constant 3 : i32
    %get3A_3142 = arith.index_cast %get3A_3141 : i32 to index
    %get3A_3143 = arith.constant 256 : index
    %get3A_3144 = tpu.vector_load %arg6[%get3A_3142, %get3A_3143] {strides = array<i32>} : memref<4x640xf32, #tpu.memory_space<vmem>>, vector<1x16xf32>,
    %get3A_3145 = vector.shape_cast %get3A_3144 : vector<1x16xf32> to vector<16xf32>
    %mul3A_3146 = arith.constant 0.124719448 : f32
    %mul3A_3147 = vector.broadcast %mul3A_3146 : f32 to vector<16xf32>
    %mul3A_3148 = arith.mulf %mul3A_3147, %get3A_3145 : vector<16xf32>
    %add3A_3149 = arith.addf %mul3A_3140, %mul3A_3148 : vector<16xf32>
    %swap3A_3150 = arith.constant 3 : i32
    %swap3A_3151 = arith.index_cast %swap3A_3150 : i32 to index
    %swap3A_3152 = arith.constant 256 : index
    %swap3A_3153 = tpu.vector_load %arg5[%swap3A_3151, %swap3A_3152] {strides = array<i32>} : memref<4x640xf32, #tpu.memory_space<vmem>>, vector<1x16xf32>,
    %swap3A_3154 = vector.shape_cast %swap3A_3153 : vector<1x16xf32> to vector<16xf32>
    %swap3A_3155 = vector.shape_cast %add3A_3149 : vector<16xf32> to vector<1x16xf32>
    tpu.vector_store %arg5[%swap3A_3151, %swap3A_3152], %swap3A_3155 {strides = array<i32>} : memref<4x640xf32, #tpu.memory_space<vmem>>, vector<1x16xf32>,
    %get3A_3156 = arith.constant 3 : i32
    %get3A_3157 = arith.index_cast %get3A_3156 : i32 to index
    %get3A_3158 = arith.constant 272 : index
    %get3A_3159 = tpu.vector_load %arg5[%get3A_3157, %get3A_3158] {strides = array<i32>} : memref<4x640xf32, #tpu.memory_space<vmem>>, vector<1x16xf32>,
    %get3A_3160 = vector.shape_cast %get3A_3159 : vector<1x16xf32> to vector<16xf32>
    %mul3A_3161 = arith.constant 0.875280559 : f32
    %mul3A_3162 = vector.broadcast %mul3A_3161 : f32 to vector<16xf32>
    %mul3A_3163 = arith.mulf %mul3A_3162, %get3A_3160 : vector<16xf32>
    %get3A_3164 = arith.constant 3 : i32
    %get3A_3165 = arith.index_cast %get3A_3164 : i32 to index
    %get3A_3166 = arith.constant 272 : index
    %get3A_3167 = tpu.vector_load %arg6[%get3A_3165, %get3A_3166] {strides = array<i32>} : memref<4x640xf32, #tpu.memory_space<vmem>>, vector<1x16xf32>,
    %get3A_3168 = vector.shape_cast %get3A_3167 : vector<1x16xf32> to vector<16xf32>
    %mul3A_3169 = arith.constant 0.124719448 : f32
    %mul3A_3170 = vector.broadcast %mul3A_3169 : f32 to vector<16xf32>
    %mul3A_3171 = arith.mulf %mul3A_3170, %get3A_3168 : vector<16xf32>
    %add3A_3172 = arith.addf %mul3A_3163, %mul3A_3171 : vector<16xf32>
    %swap3A_3173 = arith.constant 3 : i32
    %swap3A_3174 = arith.index_cast %swap3A_3173 : i32 to index
    %swap3A_3175 = arith.constant 272 : index
    %swap3A_3176 = tpu.vector_load %arg5[%swap3A_3174, %swap3A_3175] {strides = array<i32>} : memref<4x640xf32, #tpu.memory_space<vmem>>, vector<1x16xf32>,
    %swap3A_3177 = vector.shape_cast %swap3A_3176 : vector<1x16xf32> to vector<16xf32>
    %swap3A_3178 = vector.shape_cast %add3A_3172 : vector<16xf32> to vector<1x16xf32>
    tpu.vector_store %arg5[%swap3A_3174, %swap3A_3175], %swap3A_3178 {strides = array<i32>} : memref<4x640xf32, #tpu.memory_space<vmem>>, vector<1x16xf32>,
    %get3A_3179 = arith.constant 3 : i32
    %get3A_3180 = arith.index_cast %get3A_3179 : i32 to index
    %get3A_3181 = arith.constant 288 : index
    %get3A_3182 = tpu.vector_load %arg5[%get3A_3180, %get3A_3181] {strides = array<i32>} : memref<4x640xf32, #tpu.memory_space<vmem>>, vector<1x16xf32>,
    %get3A_3183 = vector.shape_cast %get3A_3182 : vector<1x16xf32> to vector<16xf32>
    %mul3A_3184 = arith.constant 0.875280559 : f32
    %mul3A_3185 = vector.broadcast %mul3A_3184 : f32 to vector<16xf32>
    %mul3A_3186 = arith.mulf %mul3A_3185, %get3A_3183 : vector<16xf32>
    %get3A_3187 = arith.constant 3 : i32
    %get3A_3188 = arith.index_cast %get3A_3187 : i32 to index
    %get3A_3189 = arith.constant 288 : index
    %get3A_3190 = tpu.vector_load %arg6[%get3A_3188, %get3A_3189] {strides = array<i32>} : memref<4x640xf32, #tpu.memory_space<vmem>>, vector<1x16xf32>,
    %get3A_3191 = vector.shape_cast %get3A_3190 : vector<1x16xf32> to vector<16xf32>
    %mul3A_3192 = arith.constant 0.124719448 : f32
    %mul3A_3193 = vector.broadcast %mul3A_3192 : f32 to vector<16xf32>
    %mul3A_3194 = arith.mulf %mul3A_3193, %get3A_3191 : vector<16xf32>
    %add3A_3195 = arith.addf %mul3A_3186, %mul3A_3194 : vector<16xf32>
    %swap3A_3196 = arith.constant 3 : i32
    %swap3A_3197 = arith.index_cast %swap3A_3196 : i32 to index
    %swap3A_3198 = arith.constant 288 : index
    %swap3A_3199 = tpu.vector_load %arg5[%swap3A_3197, %swap3A_3198] {strides = array<i32>} : memref<4x640xf32, #tpu.memory_space<vmem>>, vector<1x16xf32>,
    %swap3A_3200 = vector.shape_cast %swap3A_3199 : vector<1x16xf32> to vector<16xf32>
    %swap3A_3201 = vector.shape_cast %add3A_3195 : vector<16xf32> to vector<1x16xf32>
    tpu.vector_store %arg5[%swap3A_3197, %swap3A_3198], %swap3A_3201 {strides = array<i32>} : memref<4x640xf32, #tpu.memory_space<vmem>>, vector<1x16xf32>,
    %get3A_3202 = arith.constant 3 : i32
    %get3A_3203 = arith.index_cast %get3A_3202 : i32 to index
    %get3A_3204 = arith.constant 304 : index
    %get3A_3205 = tpu.vector_load %arg5[%get3A_3203, %get3A_3204] {strides = array<i32>} : memref<4x640xf32, #tpu.memory_space<vmem>>, vector<1x16xf32>,
    %get3A_3206 = vector.shape_cast %get3A_3205 : vector<1x16xf32> to vector<16xf32>
    %mul3A_3207 = arith.constant 0.875280559 : f32
    %mul3A_3208 = vector.broadcast %mul3A_3207 : f32 to vector<16xf32>
    %mul3A_3209 = arith.mulf %mul3A_3208, %get3A_3206 : vector<16xf32>
    %get3A_3210 = arith.constant 3 : i32
    %get3A_3211 = arith.index_cast %get3A_3210 : i32 to index
    %get3A_3212 = arith.constant 304 : index
    %get3A_3213 = tpu.vector_load %arg6[%get3A_3211, %get3A_3212] {strides = array<i32>} : memref<4x640xf32, #tpu.memory_space<vmem>>, vector<1x16xf32>,
    %get3A_3214 = vector.shape_cast %get3A_3213 : vector<1x16xf32> to vector<16xf32>
    %mul3A_3215 = arith.constant 0.124719448 : f32
    %mul3A_3216 = vector.broadcast %mul3A_3215 : f32 to vector<16xf32>
    %mul3A_3217 = arith.mulf %mul3A_3216, %get3A_3214 : vector<16xf32>
    %add3A_3218 = arith.addf %mul3A_3209, %mul3A_3217 : vector<16xf32>
    %swap3A_3219 = arith.constant 3 : i32
    %swap3A_3220 = arith.index_cast %swap3A_3219 : i32 to index
    %swap3A_3221 = arith.constant 304 : index
    %swap3A_3222 = tpu.vector_load %arg5[%swap3A_3220, %swap3A_3221] {strides = array<i32>} : memref<4x640xf32, #tpu.memory_space<vmem>>, vector<1x16xf32>,
    %swap3A_3223 = vector.shape_cast %swap3A_3222 : vector<1x16xf32> to vector<16xf32>
    %swap3A_3224 = vector.shape_cast %add3A_3218 : vector<16xf32> to vector<1x16xf32>
    tpu.vector_store %arg5[%swap3A_3220, %swap3A_3221], %swap3A_3224 {strides = array<i32>} : memref<4x640xf32, #tpu.memory_space<vmem>>, vector<1x16xf32>,
    %get3A_3225 = arith.constant 3 : i32
    %get3A_3226 = arith.index_cast %get3A_3225 : i32 to index
    %get3A_3227 = arith.constant 320 : index
    %get3A_3228 = tpu.vector_load %arg5[%get3A_3226, %get3A_3227] {strides = array<i32>} : memref<4x640xf32, #tpu.memory_space<vmem>>, vector<1x16xf32>,
    %get3A_3229 = vector.shape_cast %get3A_3228 : vector<1x16xf32> to vector<16xf32>
    %mul3A_3230 = arith.constant 0.875280559 : f32
    %mul3A_3231 = vector.broadcast %mul3A_3230 : f32 to vector<16xf32>
    %mul3A_3232 = arith.mulf %mul3A_3231, %get3A_3229 : vector<16xf32>
    %get3A_3233 = arith.constant 3 : i32
    %get3A_3234 = arith.index_cast %get3A_3233 : i32 to index
    %get3A_3235 = arith.constant 320 : index
    %get3A_3236 = tpu.vector_load %arg6[%get3A_3234, %get3A_3235] {strides = array<i32>} : memref<4x640xf32, #tpu.memory_space<vmem>>, vector<1x16xf32>,
    %get3A_3237 = vector.shape_cast %get3A_3236 : vector<1x16xf32> to vector<16xf32>
    %mul3A_3238 = arith.constant 0.124719448 : f32
    %mul3A_3239 = vector.broadcast %mul3A_3238 : f32 to vector<16xf32>
    %mul3A_3240 = arith.mulf %mul3A_3239, %get3A_3237 : vector<16xf32>
    %add3A_3241 = arith.addf %mul3A_3232, %mul3A_3240 : vector<16xf32>
    %swap3A_3242 = arith.constant 3 : i32
    %swap3A_3243 = arith.index_cast %swap3A_3242 : i32 to index
    %swap3A_3244 = arith.constant 320 : index
    %swap3A_3245 = tpu.vector_load %arg5[%swap3A_3243, %swap3A_3244] {strides = array<i32>} : memref<4x640xf32, #tpu.memory_space<vmem>>, vector<1x16xf32>,
    %swap3A_3246 = vector.shape_cast %swap3A_3245 : vector<1x16xf32> to vector<16xf32>
    %swap3A_3247 = vector.shape_cast %add3A_3241 : vector<16xf32> to vector<1x16xf32>
    tpu.vector_store %arg5[%swap3A_3243, %swap3A_3244], %swap3A_3247 {strides = array<i32>} : memref<4x640xf32, #tpu.memory_space<vmem>>, vector<1x16xf32>,
    %get3A_3248 = arith.constant 3 : i32
    %get3A_3249 = arith.index_cast %get3A_3248 : i32 to index
    %get3A_3250 = arith.constant 336 : index
    %get3A_3251 = tpu.vector_load %arg5[%get3A_3249, %get3A_3250] {strides = array<i32>} : memref<4x640xf32, #tpu.memory_space<vmem>>, vector<1x16xf32>,
    %get3A_3252 = vector.shape_cast %get3A_3251 : vector<1x16xf32> to vector<16xf32>
    %mul3A_3253 = arith.constant 0.875280559 : f32
    %mul3A_3254 = vector.broadcast %mul3A_3253 : f32 to vector<16xf32>
    %mul3A_3255 = arith.mulf %mul3A_3254, %get3A_3252 : vector<16xf32>
    %get3A_3256 = arith.constant 3 : i32
    %get3A_3257 = arith.index_cast %get3A_3256 : i32 to index
    %get3A_3258 = arith.constant 336 : index
    %get3A_3259 = tpu.vector_load %arg6[%get3A_3257, %get3A_3258] {strides = array<i32>} : memref<4x640xf32, #tpu.memory_space<vmem>>, vector<1x16xf32>,
    %get3A_3260 = vector.shape_cast %get3A_3259 : vector<1x16xf32> to vector<16xf32>
    %mul3A_3261 = arith.constant 0.124719448 : f32
    %mul3A_3262 = vector.broadcast %mul3A_3261 : f32 to vector<16xf32>
    %mul3A_3263 = arith.mulf %mul3A_3262, %get3A_3260 : vector<16xf32>
    %add3A_3264 = arith.addf %mul3A_3255, %mul3A_3263 : vector<16xf32>
    %swap3A_3265 = arith.constant 3 : i32
    %swap3A_3266 = arith.index_cast %swap3A_3265 : i32 to index
    %swap3A_3267 = arith.constant 336 : index
    %swap3A_3268 = tpu.vector_load %arg5[%swap3A_3266, %swap3A_3267] {strides = array<i32>} : memref<4x640xf32, #tpu.memory_space<vmem>>, vector<1x16xf32>,
    %swap3A_3269 = vector.shape_cast %swap3A_3268 : vector<1x16xf32> to vector<16xf32>
    %swap3A_3270 = vector.shape_cast %add3A_3264 : vector<16xf32> to vector<1x16xf32>
    tpu.vector_store %arg5[%swap3A_3266, %swap3A_3267], %swap3A_3270 {strides = array<i32>} : memref<4x640xf32, #tpu.memory_space<vmem>>, vector<1x16xf32>,
    %get3A_3271 = arith.constant 3 : i32
    %get3A_3272 = arith.index_cast %get3A_3271 : i32 to index
    %get3A_3273 = arith.constant 352 : index
    %get3A_3274 = tpu.vector_load %arg5[%get3A_3272, %get3A_3273] {strides = array<i32>} : memref<4x640xf32, #tpu.memory_space<vmem>>, vector<1x16xf32>,
    %get3A_3275 = vector.shape_cast %get3A_3274 : vector<1x16xf32> to vector<16xf32>
    %mul3A_3276 = arith.constant 0.875280559 : f32
    %mul3A_3277 = vector.broadcast %mul3A_3276 : f32 to vector<16xf32>
    %mul3A_3278 = arith.mulf %mul3A_3277, %get3A_3275 : vector<16xf32>
    %get3A_3279 = arith.constant 3 : i32
    %get3A_3280 = arith.index_cast %get3A_3279 : i32 to index
    %get3A_3281 = arith.constant 352 : index
    %get3A_3282 = tpu.vector_load %arg6[%get3A_3280, %get3A_3281] {strides = array<i32>} : memref<4x640xf32, #tpu.memory_space<vmem>>, vector<1x16xf32>,
    %get3A_3283 = vector.shape_cast %get3A_3282 : vector<1x16xf32> to vector<16xf32>
    %mul3A_3284 = arith.constant 0.124719448 : f32
    %mul3A_3285 = vector.broadcast %mul3A_3284 : f32 to vector<16xf32>
    %mul3A_3286 = arith.mulf %mul3A_3285, %get3A_3283 : vector<16xf32>
    %add3A_3287 = arith.addf %mul3A_3278, %mul3A_3286 : vector<16xf32>
    %swap3A_3288 = arith.constant 3 : i32
    %swap3A_3289 = arith.index_cast %swap3A_3288 : i32 to index
    %swap3A_3290 = arith.constant 352 : index
    %swap3A_3291 = tpu.vector_load %arg5[%swap3A_3289, %swap3A_3290] {strides = array<i32>} : memref<4x640xf32, #tpu.memory_space<vmem>>, vector<1x16xf32>,
    %swap3A_3292 = vector.shape_cast %swap3A_3291 : vector<1x16xf32> to vector<16xf32>
    %swap3A_3293 = vector.shape_cast %add3A_3287 : vector<16xf32> to vector<1x16xf32>
    tpu.vector_store %arg5[%swap3A_3289, %swap3A_3290], %swap3A_3293 {strides = array<i32>} : memref<4x640xf32, #tpu.memory_space<vmem>>, vector<1x16xf32>,
    %get3A_3294 = arith.constant 3 : i32
    %get3A_3295 = arith.index_cast %get3A_3294 : i32 to index
    %get3A_3296 = arith.constant 368 : index
    %get3A_3297 = tpu.vector_load %arg5[%get3A_3295, %get3A_3296] {strides = array<i32>} : memref<4x640xf32, #tpu.memory_space<vmem>>, vector<1x16xf32>,
    %get3A_3298 = vector.shape_cast %get3A_3297 : vector<1x16xf32> to vector<16xf32>
    %mul3A_3299 = arith.constant 0.875280559 : f32
    %mul3A_3300 = vector.broadcast %mul3A_3299 : f32 to vector<16xf32>
    %mul3A_3301 = arith.mulf %mul3A_3300, %get3A_3298 : vector<16xf32>
    %get3A_3302 = arith.constant 3 : i32
    %get3A_3303 = arith.index_cast %get3A_3302 : i32 to index
    %get3A_3304 = arith.constant 368 : index
    %get3A_3305 = tpu.vector_load %arg6[%get3A_3303, %get3A_3304] {strides = array<i32>} : memref<4x640xf32, #tpu.memory_space<vmem>>, vector<1x16xf32>,
    %get3A_3306 = vector.shape_cast %get3A_3305 : vector<1x16xf32> to vector<16xf32>
    %mul3A_3307 = arith.constant 0.124719448 : f32
    %mul3A_3308 = vector.broadcast %mul3A_3307 : f32 to vector<16xf32>
    %mul3A_3309 = arith.mulf %mul3A_3308, %get3A_3306 : vector<16xf32>
    %add3A_3310 = arith.addf %mul3A_3301, %mul3A_3309 : vector<16xf32>
    %swap3A_3311 = arith.constant 3 : i32
    %swap3A_3312 = arith.index_cast %swap3A_3311 : i32 to index
    %swap3A_3313 = arith.constant 368 : index
    %swap3A_3314 = tpu.vector_load %arg5[%swap3A_3312, %swap3A_3313] {strides = array<i32>} : memref<4x640xf32, #tpu.memory_space<vmem>>, vector<1x16xf32>,
    %swap3A_3315 = vector.shape_cast %swap3A_3314 : vector<1x16xf32> to vector<16xf32>
    %swap3A_3316 = vector.shape_cast %add3A_3310 : vector<16xf32> to vector<1x16xf32>
    tpu.vector_store %arg5[%swap3A_3312, %swap3A_3313], %swap3A_3316 {strides = array<i32>} : memref<4x640xf32, #tpu.memory_space<vmem>>, vector<1x16xf32>,
    %get3A_3317 = arith.constant 3 : i32
    %get3A_3318 = arith.index_cast %get3A_3317 : i32 to index
    %get3A_3319 = arith.constant 384 : index
    %get3A_3320 = tpu.vector_load %arg5[%get3A_3318, %get3A_3319] {strides = array<i32>} : memref<4x640xf32, #tpu.memory_space<vmem>>, vector<1x16xf32>,
    %get3A_3321 = vector.shape_cast %get3A_3320 : vector<1x16xf32> to vector<16xf32>
    %mul3A_3322 = arith.constant 0.875280559 : f32
    %mul3A_3323 = vector.broadcast %mul3A_3322 : f32 to vector<16xf32>
    %mul3A_3324 = arith.mulf %mul3A_3323, %get3A_3321 : vector<16xf32>
    %get3A_3325 = arith.constant 3 : i32
    %get3A_3326 = arith.index_cast %get3A_3325 : i32 to index
    %get3A_3327 = arith.constant 384 : index
    %get3A_3328 = tpu.vector_load %arg6[%get3A_3326, %get3A_3327] {strides = array<i32>} : memref<4x640xf32, #tpu.memory_space<vmem>>, vector<1x16xf32>,
    %get3A_3329 = vector.shape_cast %get3A_3328 : vector<1x16xf32> to vector<16xf32>
    %mul3A_3330 = arith.constant 0.124719448 : f32
    %mul3A_3331 = vector.broadcast %mul3A_3330 : f32 to vector<16xf32>
    %mul3A_3332 = arith.mulf %mul3A_3331, %get3A_3329 : vector<16xf32>
    %add3A_3333 = arith.addf %mul3A_3324, %mul3A_3332 : vector<16xf32>
    %swap3A_3334 = arith.constant 3 : i32
    %swap3A_3335 = arith.index_cast %swap3A_3334 : i32 to index
    %swap3A_3336 = arith.constant 384 : index
    %swap3A_3337 = tpu.vector_load %arg5[%swap3A_3335, %swap3A_3336] {strides = array<i32>} : memref<4x640xf32, #tpu.memory_space<vmem>>, vector<1x16xf32>,
    %swap3A_3338 = vector.shape_cast %swap3A_3337 : vector<1x16xf32> to vector<16xf32>
    %swap3A_3339 = vector.shape_cast %add3A_3333 : vector<16xf32> to vector<1x16xf32>
    tpu.vector_store %arg5[%swap3A_3335, %swap3A_3336], %swap3A_3339 {strides = array<i32>} : memref<4x640xf32, #tpu.memory_space<vmem>>, vector<1x16xf32>,
    %get3A_3340 = arith.constant 3 : i32
    %get3A_3341 = arith.index_cast %get3A_3340 : i32 to index
    %get3A_3342 = arith.constant 400 : index
    %get3A_3343 = tpu.vector_load %arg5[%get3A_3341, %get3A_3342] {strides = array<i32>} : memref<4x640xf32, #tpu.memory_space<vmem>>, vector<1x16xf32>,
    %get3A_3344 = vector.shape_cast %get3A_3343 : vector<1x16xf32> to vector<16xf32>
    %mul3A_3345 = arith.constant 0.875280559 : f32
    %mul3A_3346 = vector.broadcast %mul3A_3345 : f32 to vector<16xf32>
    %mul3A_3347 = arith.mulf %mul3A_3346, %get3A_3344 : vector<16xf32>
    %get3A_3348 = arith.constant 3 : i32
    %get3A_3349 = arith.index_cast %get3A_3348 : i32 to index
    %get3A_3350 = arith.constant 400 : index
    %get3A_3351 = tpu.vector_load %arg6[%get3A_3349, %get3A_3350] {strides = array<i32>} : memref<4x640xf32, #tpu.memory_space<vmem>>, vector<1x16xf32>,
    %get3A_3352 = vector.shape_cast %get3A_3351 : vector<1x16xf32> to vector<16xf32>
    %mul3A_3353 = arith.constant 0.124719448 : f32
    %mul3A_3354 = vector.broadcast %mul3A_3353 : f32 to vector<16xf32>
    %mul3A_3355 = arith.mulf %mul3A_3354, %get3A_3352 : vector<16xf32>
    %add3A_3356 = arith.addf %mul3A_3347, %mul3A_3355 : vector<16xf32>
    %swap3A_3357 = arith.constant 3 : i32
    %swap3A_3358 = arith.index_cast %swap3A_3357 : i32 to index
    %swap3A_3359 = arith.constant 400 : index
    %swap3A_3360 = tpu.vector_load %arg5[%swap3A_3358, %swap3A_3359] {strides = array<i32>} : memref<4x640xf32, #tpu.memory_space<vmem>>, vector<1x16xf32>,
    %swap3A_3361 = vector.shape_cast %swap3A_3360 : vector<1x16xf32> to vector<16xf32>
    %swap3A_3362 = vector.shape_cast %add3A_3356 : vector<16xf32> to vector<1x16xf32>
    tpu.vector_store %arg5[%swap3A_3358, %swap3A_3359], %swap3A_3362 {strides = array<i32>} : memref<4x640xf32, #tpu.memory_space<vmem>>, vector<1x16xf32>,
    %get3A_3363 = arith.constant 3 : i32
    %get3A_3364 = arith.index_cast %get3A_3363 : i32 to index
    %get3A_3365 = arith.constant 416 : index
    %get3A_3366 = tpu.vector_load %arg5[%get3A_3364, %get3A_3365] {strides = array<i32>} : memref<4x640xf32, #tpu.memory_space<vmem>>, vector<1x16xf32>,
    %get3A_3367 = vector.shape_cast %get3A_3366 : vector<1x16xf32> to vector<16xf32>
    %mul3A_3368 = arith.constant 0.875280559 : f32
    %mul3A_3369 = vector.broadcast %mul3A_3368 : f32 to vector<16xf32>
    %mul3A_3370 = arith.mulf %mul3A_3369, %get3A_3367 : vector<16xf32>
    %get3A_3371 = arith.constant 3 : i32
    %get3A_3372 = arith.index_cast %get3A_3371 : i32 to index
    %get3A_3373 = arith.constant 416 : index
    %get3A_3374 = tpu.vector_load %arg6[%get3A_3372, %get3A_3373] {strides = array<i32>} : memref<4x640xf32, #tpu.memory_space<vmem>>, vector<1x16xf32>,
    %get3A_3375 = vector.shape_cast %get3A_3374 : vector<1x16xf32> to vector<16xf32>
    %mul3A_3376 = arith.constant 0.124719448 : f32
    %mul3A_3377 = vector.broadcast %mul3A_3376 : f32 to vector<16xf32>
    %mul3A_3378 = arith.mulf %mul3A_3377, %get3A_3375 : vector<16xf32>
    %add3A_3379 = arith.addf %mul3A_3370, %mul3A_3378 : vector<16xf32>
    %swap3A_3380 = arith.constant 3 : i32
    %swap3A_3381 = arith.index_cast %swap3A_3380 : i32 to index
    %swap3A_3382 = arith.constant 416 : index
    %swap3A_3383 = tpu.vector_load %arg5[%swap3A_3381, %swap3A_3382] {strides = array<i32>} : memref<4x640xf32, #tpu.memory_space<vmem>>, vector<1x16xf32>,
    %swap3A_3384 = vector.shape_cast %swap3A_3383 : vector<1x16xf32> to vector<16xf32>
    %swap3A_3385 = vector.shape_cast %add3A_3379 : vector<16xf32> to vector<1x16xf32>
    tpu.vector_store %arg5[%swap3A_3381, %swap3A_3382], %swap3A_3385 {strides = array<i32>} : memref<4x640xf32, #tpu.memory_space<vmem>>, vector<1x16xf32>,
    %get3A_3386 = arith.constant 3 : i32
    %get3A_3387 = arith.index_cast %get3A_3386 : i32 to index
    %get3A_3388 = arith.constant 432 : index
    %get3A_3389 = tpu.vector_load %arg5[%get3A_3387, %get3A_3388] {strides = array<i32>} : memref<4x640xf32, #tpu.memory_space<vmem>>, vector<1x16xf32>,
    %get3A_3390 = vector.shape_cast %get3A_3389 : vector<1x16xf32> to vector<16xf32>
    %mul3A_3391 = arith.constant 0.875280559 : f32
    %mul3A_3392 = vector.broadcast %mul3A_3391 : f32 to vector<16xf32>
    %mul3A_3393 = arith.mulf %mul3A_3392, %get3A_3390 : vector<16xf32>
    %get3A_3394 = arith.constant 3 : i32
    %get3A_3395 = arith.index_cast %get3A_3394 : i32 to index
    %get3A_3396 = arith.constant 432 : index
    %get3A_3397 = tpu.vector_load %arg6[%get3A_3395, %get3A_3396] {strides = array<i32>} : memref<4x640xf32, #tpu.memory_space<vmem>>, vector<1x16xf32>,
    %get3A_3398 = vector.shape_cast %get3A_3397 : vector<1x16xf32> to vector<16xf32>
    %mul3A_3399 = arith.constant 0.124719448 : f32
    %mul3A_3400 = vector.broadcast %mul3A_3399 : f32 to vector<16xf32>
    %mul3A_3401 = arith.mulf %mul3A_3400, %get3A_3398 : vector<16xf32>
    %add3A_3402 = arith.addf %mul3A_3393, %mul3A_3401 : vector<16xf32>
    %swap3A_3403 = arith.constant 3 : i32
    %swap3A_3404 = arith.index_cast %swap3A_3403 : i32 to index
    %swap3A_3405 = arith.constant 432 : index
    %swap3A_3406 = tpu.vector_load %arg5[%swap3A_3404, %swap3A_3405] {strides = array<i32>} : memref<4x640xf32, #tpu.memory_space<vmem>>, vector<1x16xf32>,
    %swap3A_3407 = vector.shape_cast %swap3A_3406 : vector<1x16xf32> to vector<16xf32>
    %swap3A_3408 = vector.shape_cast %add3A_3402 : vector<16xf32> to vector<1x16xf32>
    tpu.vector_store %arg5[%swap3A_3404, %swap3A_3405], %swap3A_3408 {strides = array<i32>} : memref<4x640xf32, #tpu.memory_space<vmem>>, vector<1x16xf32>,
    %get3A_3409 = arith.constant 3 : i32
    %get3A_3410 = arith.index_cast %get3A_3409 : i32 to index
    %get3A_3411 = arith.constant 448 : index
    %get3A_3412 = tpu.vector_load %arg5[%get3A_3410, %get3A_3411] {strides = array<i32>} : memref<4x640xf32, #tpu.memory_space<vmem>>, vector<1x16xf32>,
    %get3A_3413 = vector.shape_cast %get3A_3412 : vector<1x16xf32> to vector<16xf32>
    %mul3A_3414 = arith.constant 0.875280559 : f32
    %mul3A_3415 = vector.broadcast %mul3A_3414 : f32 to vector<16xf32>
    %mul3A_3416 = arith.mulf %mul3A_3415, %get3A_3413 : vector<16xf32>
    %get3A_3417 = arith.constant 3 : i32
    %get3A_3418 = arith.index_cast %get3A_3417 : i32 to index
    %get3A_3419 = arith.constant 448 : index
    %get3A_3420 = tpu.vector_load %arg6[%get3A_3418, %get3A_3419] {strides = array<i32>} : memref<4x640xf32, #tpu.memory_space<vmem>>, vector<1x16xf32>,
    %get3A_3421 = vector.shape_cast %get3A_3420 : vector<1x16xf32> to vector<16xf32>
    %mul3A_3422 = arith.constant 0.124719448 : f32
    %mul3A_3423 = vector.broadcast %mul3A_3422 : f32 to vector<16xf32>
    %mul3A_3424 = arith.mulf %mul3A_3423, %get3A_3421 : vector<16xf32>
    %add3A_3425 = arith.addf %mul3A_3416, %mul3A_3424 : vector<16xf32>
    %swap3A_3426 = arith.constant 3 : i32
    %swap3A_3427 = arith.index_cast %swap3A_3426 : i32 to index
    %swap3A_3428 = arith.constant 448 : index
    %swap3A_3429 = tpu.vector_load %arg5[%swap3A_3427, %swap3A_3428] {strides = array<i32>} : memref<4x640xf32, #tpu.memory_space<vmem>>, vector<1x16xf32>,
    %swap3A_3430 = vector.shape_cast %swap3A_3429 : vector<1x16xf32> to vector<16xf32>
    %swap3A_3431 = vector.shape_cast %add3A_3425 : vector<16xf32> to vector<1x16xf32>
    tpu.vector_store %arg5[%swap3A_3427, %swap3A_3428], %swap3A_3431 {strides = array<i32>} : memref<4x640xf32, #tpu.memory_space<vmem>>, vector<1x16xf32>,
    %get3A_3432 = arith.constant 3 : i32
    %get3A_3433 = arith.index_cast %get3A_3432 : i32 to index
    %get3A_3434 = arith.constant 464 : index
    %get3A_3435 = tpu.vector_load %arg5[%get3A_3433, %get3A_3434] {strides = array<i32>} : memref<4x640xf32, #tpu.memory_space<vmem>>, vector<1x16xf32>,
    %get3A_3436 = vector.shape_cast %get3A_3435 : vector<1x16xf32> to vector<16xf32>
    %mul3A_3437 = arith.constant 0.875280559 : f32
    %mul3A_3438 = vector.broadcast %mul3A_3437 : f32 to vector<16xf32>
    %mul3A_3439 = arith.mulf %mul3A_3438, %get3A_3436 : vector<16xf32>
    %get3A_3440 = arith.constant 3 : i32
    %get3A_3441 = arith.index_cast %get3A_3440 : i32 to index
    %get3A_3442 = arith.constant 464 : index
    %get3A_3443 = tpu.vector_load %arg6[%get3A_3441, %get3A_3442] {strides = array<i32>} : memref<4x640xf32, #tpu.memory_space<vmem>>, vector<1x16xf32>,
    %get3A_3444 = vector.shape_cast %get3A_3443 : vector<1x16xf32> to vector<16xf32>
    %mul3A_3445 = arith.constant 0.124719448 : f32
    %mul3A_3446 = vector.broadcast %mul3A_3445 : f32 to vector<16xf32>
    %mul3A_3447 = arith.mulf %mul3A_3446, %get3A_3444 : vector<16xf32>
    %add3A_3448 = arith.addf %mul3A_3439, %mul3A_3447 : vector<16xf32>
    %swap3A_3449 = arith.constant 3 : i32
    %swap3A_3450 = arith.index_cast %swap3A_3449 : i32 to index
    %swap3A_3451 = arith.constant 464 : index
    %swap3A_3452 = tpu.vector_load %arg5[%swap3A_3450, %swap3A_3451] {strides = array<i32>} : memref<4x640xf32, #tpu.memory_space<vmem>>, vector<1x16xf32>,
    %swap3A_3453 = vector.shape_cast %swap3A_3452 : vector<1x16xf32> to vector<16xf32>
    %swap3A_3454 = vector.shape_cast %add3A_3448 : vector<16xf32> to vector<1x16xf32>
    tpu.vector_store %arg5[%swap3A_3450, %swap3A_3451], %swap3A_3454 {strides = array<i32>} : memref<4x640xf32, #tpu.memory_space<vmem>>, vector<1x16xf32>,
    %get3A_3455 = arith.constant 3 : i32
    %get3A_3456 = arith.index_cast %get3A_3455 : i32 to index
    %get3A_3457 = arith.constant 480 : index
    %get3A_3458 = tpu.vector_load %arg5[%get3A_3456, %get3A_3457] {strides = array<i32>} : memref<4x640xf32, #tpu.memory_space<vmem>>, vector<1x16xf32>,
    %get3A_3459 = vector.shape_cast %get3A_3458 : vector<1x16xf32> to vector<16xf32>
    %mul3A_3460 = arith.constant 0.875280559 : f32
    %mul3A_3461 = vector.broadcast %mul3A_3460 : f32 to vector<16xf32>
    %mul3A_3462 = arith.mulf %mul3A_3461, %get3A_3459 : vector<16xf32>
    %get3A_3463 = arith.constant 3 : i32
    %get3A_3464 = arith.index_cast %get3A_3463 : i32 to index
    %get3A_3465 = arith.constant 480 : index
    %get3A_3466 = tpu.vector_load %arg6[%get3A_3464, %get3A_3465] {strides = array<i32>} : memref<4x640xf32, #tpu.memory_space<vmem>>, vector<1x16xf32>,
    %get3A_3467 = vector.shape_cast %get3A_3466 : vector<1x16xf32> to vector<16xf32>
    %mul3A_3468 = arith.constant 0.124719448 : f32
    %mul3A_3469 = vector.broadcast %mul3A_3468 : f32 to vector<16xf32>
    %mul3A_3470 = arith.mulf %mul3A_3469, %get3A_3467 : vector<16xf32>
    %add3A_3471 = arith.addf %mul3A_3462, %mul3A_3470 : vector<16xf32>
    %swap3A_3472 = arith.constant 3 : i32
    %swap3A_3473 = arith.index_cast %swap3A_3472 : i32 to index
    %swap3A_3474 = arith.constant 480 : index
    %swap3A_3475 = tpu.vector_load %arg5[%swap3A_3473, %swap3A_3474] {strides = array<i32>} : memref<4x640xf32, #tpu.memory_space<vmem>>, vector<1x16xf32>,
    %swap3A_3476 = vector.shape_cast %swap3A_3475 : vector<1x16xf32> to vector<16xf32>
    %swap3A_3477 = vector.shape_cast %add3A_3471 : vector<16xf32> to vector<1x16xf32>
    tpu.vector_store %arg5[%swap3A_3473, %swap3A_3474], %swap3A_3477 {strides = array<i32>} : memref<4x640xf32, #tpu.memory_space<vmem>>, vector<1x16xf32>,
    %get3A_3478 = arith.constant 3 : i32
    %get3A_3479 = arith.index_cast %get3A_3478 : i32 to index
    %get3A_3480 = arith.constant 496 : index
    %get3A_3481 = tpu.vector_load %arg5[%get3A_3479, %get3A_3480] {strides = array<i32>} : memref<4x640xf32, #tpu.memory_space<vmem>>, vector<1x16xf32>,
    %get3A_3482 = vector.shape_cast %get3A_3481 : vector<1x16xf32> to vector<16xf32>
    %mul3A_3483 = arith.constant 0.875280559 : f32
    %mul3A_3484 = vector.broadcast %mul3A_3483 : f32 to vector<16xf32>
    %mul3A_3485 = arith.mulf %mul3A_3484, %get3A_3482 : vector<16xf32>
    %get3A_3486 = arith.constant 3 : i32
    %get3A_3487 = arith.index_cast %get3A_3486 : i32 to index
    %get3A_3488 = arith.constant 496 : index
    %get3A_3489 = tpu.vector_load %arg6[%get3A_3487, %get3A_3488] {strides = array<i32>} : memref<4x640xf32, #tpu.memory_space<vmem>>, vector<1x16xf32>,
    %get3A_3490 = vector.shape_cast %get3A_3489 : vector<1x16xf32> to vector<16xf32>
    %mul3A_3491 = arith.constant 0.124719448 : f32
    %mul3A_3492 = vector.broadcast %mul3A_3491 : f32 to vector<16xf32>
    %mul3A_3493 = arith.mulf %mul3A_3492, %get3A_3490 : vector<16xf32>
    %add3A_3494 = arith.addf %mul3A_3485, %mul3A_3493 : vector<16xf32>
    %swap3A_3495 = arith.constant 3 : i32
    %swap3A_3496 = arith.index_cast %swap3A_3495 : i32 to index
    %swap3A_3497 = arith.constant 496 : index
    %swap3A_3498 = tpu.vector_load %arg5[%swap3A_3496, %swap3A_3497] {strides = array<i32>} : memref<4x640xf32, #tpu.memory_space<vmem>>, vector<1x16xf32>,
    %swap3A_3499 = vector.shape_cast %swap3A_3498 : vector<1x16xf32> to vector<16xf32>
    %swap3A_3500 = vector.shape_cast %add3A_3494 : vector<16xf32> to vector<1x16xf32>
    tpu.vector_store %arg5[%swap3A_3496, %swap3A_3497], %swap3A_3500 {strides = array<i32>} : memref<4x640xf32, #tpu.memory_space<vmem>>, vector<1x16xf32>,
    %get3A_3501 = arith.constant 3 : i32
    %get3A_3502 = arith.index_cast %get3A_3501 : i32 to index
    %get3A_3503 = arith.constant 512 : index
    %get3A_3504 = tpu.vector_load %arg5[%get3A_3502, %get3A_3503] {strides = array<i32>} : memref<4x640xf32, #tpu.memory_space<vmem>>, vector<1x16xf32>,
    %get3A_3505 = vector.shape_cast %get3A_3504 : vector<1x16xf32> to vector<16xf32>
    %mul3A_3506 = arith.constant 0.875280559 : f32
    %mul3A_3507 = vector.broadcast %mul3A_3506 : f32 to vector<16xf32>
    %mul3A_3508 = arith.mulf %mul3A_3507, %get3A_3505 : vector<16xf32>
    %get3A_3509 = arith.constant 3 : i32
    %get3A_3510 = arith.index_cast %get3A_3509 : i32 to index
    %get3A_3511 = arith.constant 512 : index
    %get3A_3512 = tpu.vector_load %arg6[%get3A_3510, %get3A_3511] {strides = array<i32>} : memref<4x640xf32, #tpu.memory_space<vmem>>, vector<1x16xf32>,
    %get3A_3513 = vector.shape_cast %get3A_3512 : vector<1x16xf32> to vector<16xf32>
    %mul3A_3514 = arith.constant 0.124719448 : f32
    %mul3A_3515 = vector.broadcast %mul3A_3514 : f32 to vector<16xf32>
    %mul3A_3516 = arith.mulf %mul3A_3515, %get3A_3513 : vector<16xf32>
    %add3A_3517 = arith.addf %mul3A_3508, %mul3A_3516 : vector<16xf32>
    %swap3A_3518 = arith.constant 3 : i32
    %swap3A_3519 = arith.index_cast %swap3A_3518 : i32 to index
    %swap3A_3520 = arith.constant 512 : index
    %swap3A_3521 = tpu.vector_load %arg5[%swap3A_3519, %swap3A_3520] {strides = array<i32>} : memref<4x640xf32, #tpu.memory_space<vmem>>, vector<1x16xf32>,
    %swap3A_3522 = vector.shape_cast %swap3A_3521 : vector<1x16xf32> to vector<16xf32>
    %swap3A_3523 = vector.shape_cast %add3A_3517 : vector<16xf32> to vector<1x16xf32>
    tpu.vector_store %arg5[%swap3A_3519, %swap3A_3520], %swap3A_3523 {strides = array<i32>} : memref<4x640xf32, #tpu.memory_space<vmem>>, vector<1x16xf32>,
    %get3A_3524 = arith.constant 3 : i32
    %get3A_3525 = arith.index_cast %get3A_3524 : i32 to index
    %get3A_3526 = arith.constant 528 : index
    %get3A_3527 = tpu.vector_load %arg5[%get3A_3525, %get3A_3526] {strides = array<i32>} : memref<4x640xf32, #tpu.memory_space<vmem>>, vector<1x16xf32>,
    %get3A_3528 = vector.shape_cast %get3A_3527 : vector<1x16xf32> to vector<16xf32>
    %mul3A_3529 = arith.constant 0.875280559 : f32
    %mul3A_3530 = vector.broadcast %mul3A_3529 : f32 to vector<16xf32>
    %mul3A_3531 = arith.mulf %mul3A_3530, %get3A_3528 : vector<16xf32>
    %get3A_3532 = arith.constant 3 : i32
    %get3A_3533 = arith.index_cast %get3A_3532 : i32 to index
    %get3A_3534 = arith.constant 528 : index
    %get3A_3535 = tpu.vector_load %arg6[%get3A_3533, %get3A_3534] {strides = array<i32>} : memref<4x640xf32, #tpu.memory_space<vmem>>, vector<1x16xf32>,
    %get3A_3536 = vector.shape_cast %get3A_3535 : vector<1x16xf32> to vector<16xf32>
    %mul3A_3537 = arith.constant 0.124719448 : f32
    %mul3A_3538 = vector.broadcast %mul3A_3537 : f32 to vector<16xf32>
    %mul3A_3539 = arith.mulf %mul3A_3538, %get3A_3536 : vector<16xf32>
    %add3A_3540 = arith.addf %mul3A_3531, %mul3A_3539 : vector<16xf32>
    %swap3A_3541 = arith.constant 3 : i32
    %swap3A_3542 = arith.index_cast %swap3A_3541 : i32 to index
    %swap3A_3543 = arith.constant 528 : index
    %swap3A_3544 = tpu.vector_load %arg5[%swap3A_3542, %swap3A_3543] {strides = array<i32>} : memref<4x640xf32, #tpu.memory_space<vmem>>, vector<1x16xf32>,
    %swap3A_3545 = vector.shape_cast %swap3A_3544 : vector<1x16xf32> to vector<16xf32>
    %swap3A_3546 = vector.shape_cast %add3A_3540 : vector<16xf32> to vector<1x16xf32>
    tpu.vector_store %arg5[%swap3A_3542, %swap3A_3543], %swap3A_3546 {strides = array<i32>} : memref<4x640xf32, #tpu.memory_space<vmem>>, vector<1x16xf32>,
    %get3A_3547 = arith.constant 3 : i32
    %get3A_3548 = arith.index_cast %get3A_3547 : i32 to index
    %get3A_3549 = arith.constant 544 : index
    %get3A_3550 = tpu.vector_load %arg5[%get3A_3548, %get3A_3549] {strides = array<i32>} : memref<4x640xf32, #tpu.memory_space<vmem>>, vector<1x16xf32>,
    %get3A_3551 = vector.shape_cast %get3A_3550 : vector<1x16xf32> to vector<16xf32>
    %mul3A_3552 = arith.constant 0.875280559 : f32
    %mul3A_3553 = vector.broadcast %mul3A_3552 : f32 to vector<16xf32>
    %mul3A_3554 = arith.mulf %mul3A_3553, %get3A_3551 : vector<16xf32>
    %get3A_3555 = arith.constant 3 : i32
    %get3A_3556 = arith.index_cast %get3A_3555 : i32 to index
    %get3A_3557 = arith.constant 544 : index
    %get3A_3558 = tpu.vector_load %arg6[%get3A_3556, %get3A_3557] {strides = array<i32>} : memref<4x640xf32, #tpu.memory_space<vmem>>, vector<1x16xf32>,
    %get3A_3559 = vector.shape_cast %get3A_3558 : vector<1x16xf32> to vector<16xf32>
    %mul3A_3560 = arith.constant 0.124719448 : f32
    %mul3A_3561 = vector.broadcast %mul3A_3560 : f32 to vector<16xf32>
    %mul3A_3562 = arith.mulf %mul3A_3561, %get3A_3559 : vector<16xf32>
    %add3A_3563 = arith.addf %mul3A_3554, %mul3A_3562 : vector<16xf32>
    %swap3A_3564 = arith.constant 3 : i32
    %swap3A_3565 = arith.index_cast %swap3A_3564 : i32 to index
    %swap3A_3566 = arith.constant 544 : index
    %swap3A_3567 = tpu.vector_load %arg5[%swap3A_3565, %swap3A_3566] {strides = array<i32>} : memref<4x640xf32, #tpu.memory_space<vmem>>, vector<1x16xf32>,
    %swap3A_3568 = vector.shape_cast %swap3A_3567 : vector<1x16xf32> to vector<16xf32>
    %swap3A_3569 = vector.shape_cast %add3A_3563 : vector<16xf32> to vector<1x16xf32>
    tpu.vector_store %arg5[%swap3A_3565, %swap3A_3566], %swap3A_3569 {strides = array<i32>} : memref<4x640xf32, #tpu.memory_space<vmem>>, vector<1x16xf32>,
    %get3A_3570 = arith.constant 3 : i32
    %get3A_3571 = arith.index_cast %get3A_3570 : i32 to index
    %get3A_3572 = arith.constant 560 : index
    %get3A_3573 = tpu.vector_load %arg5[%get3A_3571, %get3A_3572] {strides = array<i32>} : memref<4x640xf32, #tpu.memory_space<vmem>>, vector<1x16xf32>,
    %get3A_3574 = vector.shape_cast %get3A_3573 : vector<1x16xf32> to vector<16xf32>
    %mul3A_3575 = arith.constant 0.875280559 : f32
    %mul3A_3576 = vector.broadcast %mul3A_3575 : f32 to vector<16xf32>
    %mul3A_3577 = arith.mulf %mul3A_3576, %get3A_3574 : vector<16xf32>
    %get3A_3578 = arith.constant 3 : i32
    %get3A_3579 = arith.index_cast %get3A_3578 : i32 to index
    %get3A_3580 = arith.constant 560 : index
    %get3A_3581 = tpu.vector_load %arg6[%get3A_3579, %get3A_3580] {strides = array<i32>} : memref<4x640xf32, #tpu.memory_space<vmem>>, vector<1x16xf32>,
    %get3A_3582 = vector.shape_cast %get3A_3581 : vector<1x16xf32> to vector<16xf32>
    %mul3A_3583 = arith.constant 0.124719448 : f32
    %mul3A_3584 = vector.broadcast %mul3A_3583 : f32 to vector<16xf32>
    %mul3A_3585 = arith.mulf %mul3A_3584, %get3A_3582 : vector<16xf32>
    %add3A_3586 = arith.addf %mul3A_3577, %mul3A_3585 : vector<16xf32>
    %swap3A_3587 = arith.constant 3 : i32
    %swap3A_3588 = arith.index_cast %swap3A_3587 : i32 to index
    %swap3A_3589 = arith.constant 560 : index
    %swap3A_3590 = tpu.vector_load %arg5[%swap3A_3588, %swap3A_3589] {strides = array<i32>} : memref<4x640xf32, #tpu.memory_space<vmem>>, vector<1x16xf32>,
    %swap3A_3591 = vector.shape_cast %swap3A_3590 : vector<1x16xf32> to vector<16xf32>
    %swap3A_3592 = vector.shape_cast %add3A_3586 : vector<16xf32> to vector<1x16xf32>
    tpu.vector_store %arg5[%swap3A_3588, %swap3A_3589], %swap3A_3592 {strides = array<i32>} : memref<4x640xf32, #tpu.memory_space<vmem>>, vector<1x16xf32>,
    %get3A_3593 = arith.constant 3 : i32
    %get3A_3594 = arith.index_cast %get3A_3593 : i32 to index
    %get3A_3595 = arith.constant 576 : index
    %get3A_3596 = tpu.vector_load %arg5[%get3A_3594, %get3A_3595] {strides = array<i32>} : memref<4x640xf32, #tpu.memory_space<vmem>>, vector<1x16xf32>,
    %get3A_3597 = vector.shape_cast %get3A_3596 : vector<1x16xf32> to vector<16xf32>
    %mul3A_3598 = arith.constant 0.875280559 : f32
    %mul3A_3599 = vector.broadcast %mul3A_3598 : f32 to vector<16xf32>
    %mul3A_3600 = arith.mulf %mul3A_3599, %get3A_3597 : vector<16xf32>
    %get3A_3601 = arith.constant 3 : i32
    %get3A_3602 = arith.index_cast %get3A_3601 : i32 to index
    %get3A_3603 = arith.constant 576 : index
    %get3A_3604 = tpu.vector_load %arg6[%get3A_3602, %get3A_3603] {strides = array<i32>} : memref<4x640xf32, #tpu.memory_space<vmem>>, vector<1x16xf32>,
    %get3A_3605 = vector.shape_cast %get3A_3604 : vector<1x16xf32> to vector<16xf32>
    %mul3A_3606 = arith.constant 0.124719448 : f32
    %mul3A_3607 = vector.broadcast %mul3A_3606 : f32 to vector<16xf32>
    %mul3A_3608 = arith.mulf %mul3A_3607, %get3A_3605 : vector<16xf32>
    %add3A_3609 = arith.addf %mul3A_3600, %mul3A_3608 : vector<16xf32>
    %swap3A_3610 = arith.constant 3 : i32
    %swap3A_3611 = arith.index_cast %swap3A_3610 : i32 to index
    %swap3A_3612 = arith.constant 576 : index
    %swap3A_3613 = tpu.vector_load %arg5[%swap3A_3611, %swap3A_3612] {strides = array<i32>} : memref<4x640xf32, #tpu.memory_space<vmem>>, vector<1x16xf32>,
    %swap3A_3614 = vector.shape_cast %swap3A_3613 : vector<1x16xf32> to vector<16xf32>
    %swap3A_3615 = vector.shape_cast %add3A_3609 : vector<16xf32> to vector<1x16xf32>
    tpu.vector_store %arg5[%swap3A_3611, %swap3A_3612], %swap3A_3615 {strides = array<i32>} : memref<4x640xf32, #tpu.memory_space<vmem>>, vector<1x16xf32>,
    %get3A_3616 = arith.constant 3 : i32
    %get3A_3617 = arith.index_cast %get3A_3616 : i32 to index
    %get3A_3618 = arith.constant 592 : index
    %get3A_3619 = tpu.vector_load %arg5[%get3A_3617, %get3A_3618] {strides = array<i32>} : memref<4x640xf32, #tpu.memory_space<vmem>>, vector<1x16xf32>,
    %get3A_3620 = vector.shape_cast %get3A_3619 : vector<1x16xf32> to vector<16xf32>
    %mul3A_3621 = arith.constant 0.875280559 : f32
    %mul3A_3622 = vector.broadcast %mul3A_3621 : f32 to vector<16xf32>
    %mul3A_3623 = arith.mulf %mul3A_3622, %get3A_3620 : vector<16xf32>
    %get3A_3624 = arith.constant 3 : i32
    %get3A_3625 = arith.index_cast %get3A_3624 : i32 to index
    %get3A_3626 = arith.constant 592 : index
    %get3A_3627 = tpu.vector_load %arg6[%get3A_3625, %get3A_3626] {strides = array<i32>} : memref<4x640xf32, #tpu.memory_space<vmem>>, vector<1x16xf32>,
    %get3A_3628 = vector.shape_cast %get3A_3627 : vector<1x16xf32> to vector<16xf32>
    %mul3A_3629 = arith.constant 0.124719448 : f32
    %mul3A_3630 = vector.broadcast %mul3A_3629 : f32 to vector<16xf32>
    %mul3A_3631 = arith.mulf %mul3A_3630, %get3A_3628 : vector<16xf32>
    %add3A_3632 = arith.addf %mul3A_3623, %mul3A_3631 : vector<16xf32>
    %swap3A_3633 = arith.constant 3 : i32
    %swap3A_3634 = arith.index_cast %swap3A_3633 : i32 to index
    %swap3A_3635 = arith.constant 592 : index
    %swap3A_3636 = tpu.vector_load %arg5[%swap3A_3634, %swap3A_3635] {strides = array<i32>} : memref<4x640xf32, #tpu.memory_space<vmem>>, vector<1x16xf32>,
    %swap3A_3637 = vector.shape_cast %swap3A_3636 : vector<1x16xf32> to vector<16xf32>
    %swap3A_3638 = vector.shape_cast %add3A_3632 : vector<16xf32> to vector<1x16xf32>
    tpu.vector_store %arg5[%swap3A_3634, %swap3A_3635], %swap3A_3638 {strides = array<i32>} : memref<4x640xf32, #tpu.memory_space<vmem>>, vector<1x16xf32>,
    %get3A_3639 = arith.constant 3 : i32
    %get3A_3640 = arith.index_cast %get3A_3639 : i32 to index
    %get3A_3641 = arith.constant 608 : index
    %get3A_3642 = tpu.vector_load %arg5[%get3A_3640, %get3A_3641] {strides = array<i32>} : memref<4x640xf32, #tpu.memory_space<vmem>>, vector<1x16xf32>,
    %get3A_3643 = vector.shape_cast %get3A_3642 : vector<1x16xf32> to vector<16xf32>
    %mul3A_3644 = arith.constant 0.875280559 : f32
    %mul3A_3645 = vector.broadcast %mul3A_3644 : f32 to vector<16xf32>
    %mul3A_3646 = arith.mulf %mul3A_3645, %get3A_3643 : vector<16xf32>
    %get3A_3647 = arith.constant 3 : i32
    %get3A_3648 = arith.index_cast %get3A_3647 : i32 to index
    %get3A_3649 = arith.constant 608 : index
    %get3A_3650 = tpu.vector_load %arg6[%get3A_3648, %get3A_3649] {strides = array<i32>} : memref<4x640xf32, #tpu.memory_space<vmem>>, vector<1x16xf32>,
    %get3A_3651 = vector.shape_cast %get3A_3650 : vector<1x16xf32> to vector<16xf32>
    %mul3A_3652 = arith.constant 0.124719448 : f32
    %mul3A_3653 = vector.broadcast %mul3A_3652 : f32 to vector<16xf32>
    %mul3A_3654 = arith.mulf %mul3A_3653, %get3A_3651 : vector<16xf32>
    %add3A_3655 = arith.addf %mul3A_3646, %mul3A_3654 : vector<16xf32>
    %swap3A_3656 = arith.constant 3 : i32
    %swap3A_3657 = arith.index_cast %swap3A_3656 : i32 to index
    %swap3A_3658 = arith.constant 608 : index
    %swap3A_3659 = tpu.vector_load %arg5[%swap3A_3657, %swap3A_3658] {strides = array<i32>} : memref<4x640xf32, #tpu.memory_space<vmem>>, vector<1x16xf32>,
    %swap3A_3660 = vector.shape_cast %swap3A_3659 : vector<1x16xf32> to vector<16xf32>
    %swap3A_3661 = vector.shape_cast %add3A_3655 : vector<16xf32> to vector<1x16xf32>
    tpu.vector_store %arg5[%swap3A_3657, %swap3A_3658], %swap3A_3661 {strides = array<i32>} : memref<4x640xf32, #tpu.memory_space<vmem>>, vector<1x16xf32>,
    %get3A_3662 = arith.constant 3 : i32
    %get3A_3663 = arith.index_cast %get3A_3662 : i32 to index
    %get3A_3664 = arith.constant 624 : index
    %get3A_3665 = tpu.vector_load %arg5[%get3A_3663, %get3A_3664] {strides = array<i32>} : memref<4x640xf32, #tpu.memory_space<vmem>>, vector<1x16xf32>,
    %get3A_3666 = vector.shape_cast %get3A_3665 : vector<1x16xf32> to vector<16xf32>
    %mul3A_3667 = arith.constant 0.875280559 : f32
    %mul3A_3668 = vector.broadcast %mul3A_3667 : f32 to vector<16xf32>
    %mul3A_3669 = arith.mulf %mul3A_3668, %get3A_3666 : vector<16xf32>
    %get3A_3670 = arith.constant 3 : i32
    %get3A_3671 = arith.index_cast %get3A_3670 : i32 to index
    %get3A_3672 = arith.constant 624 : index
    %get3A_3673 = tpu.vector_load %arg6[%get3A_3671, %get3A_3672] {strides = array<i32>} : memref<4x640xf32, #tpu.memory_space<vmem>>, vector<1x16xf32>,
    %get3A_3674 = vector.shape_cast %get3A_3673 : vector<1x16xf32> to vector<16xf32>
    %mul3A_3675 = arith.constant 0.124719448 : f32
    %mul3A_3676 = vector.broadcast %mul3A_3675 : f32 to vector<16xf32>
    %mul3A_3677 = arith.mulf %mul3A_3676, %get3A_3674 : vector<16xf32>
    %add3A_3678 = arith.addf %mul3A_3669, %mul3A_3677 : vector<16xf32>
    %swap3A_3679 = arith.constant 3 : i32
    %swap3A_3680 = arith.index_cast %swap3A_3679 : i32 to index
    %swap3A_3681 = arith.constant 624 : index
    %swap3A_3682 = tpu.vector_load %arg5[%swap3A_3680, %swap3A_3681] {strides = array<i32>} : memref<4x640xf32, #tpu.memory_space<vmem>>, vector<1x16xf32>,
    %swap3A_3683 = vector.shape_cast %swap3A_3682 : vector<1x16xf32> to vector<16xf32>
    %swap3A_3684 = vector.shape_cast %add3A_3678 : vector<16xf32> to vector<1x16xf32>
    tpu.vector_store %arg5[%swap3A_3680, %swap3A_3681], %swap3A_3684 {strides = array<i32>} : memref<4x640xf32, #tpu.memory_space<vmem>>, vector<1x16xf32>,
    %mul3A_3685 = arith.constant 4 : i32
    %mul3A_3686 = arith.muli %add3A, %mul3A_3685 : i32
    "tpu.region"() ({
      %run_scoped3A = tpu.sem_alloc : memref<!tpu.dma_semaphore, #tpu.memory_space<semaphore_mem>>
      %dma_start3A_3687 = arith.constant 0 : i32
      %dma_start3A_3688 = tpu.memref_slice %arg4[%mul3A_3686, %dma_start3A_3687] : memref<128x640xf32, #tpu.memory_space<hbm>> -> memref<4x640xf32, #tpu.memory_space<hbm>>
      %dma_start3A_3689 = arith.constant 0 : i32
      %dma_start3A_3690 = tpu.memref_slice %arg4[%mul3A_3686, %dma_start3A_3689] : memref<128x640xf32, #tpu.memory_space<hbm>> -> memref<4x640xf32, #tpu.memory_space<hbm>>
      tpu.enqueue_dma source(%arg5 : memref<4x640xf32, #tpu.memory_space<vmem>>) target(%dma_start3A_3690 : memref<4x640xf32, #tpu.memory_space<hbm>>) target_semaphore(%run_scoped3A : memref<!tpu.dma_semaphore, #tpu.memory_space<semaphore_mem>>)
      %dma_wait3A_3691 = arith.constant 0 : i32
      %dma_wait3A_3692 = tpu.memref_slice %arg4[%mul3A_3686, %dma_wait3A_3691] : memref<128x640xf32, #tpu.memory_space<hbm>> -> memref<4x640xf32, #tpu.memory_space<hbm>>
      %dma_wait3A_3693 = arith.constant 0 : i32
      %dma_wait3A_3694 = tpu.memref_slice %arg4[%mul3A_3686, %dma_wait3A_3693] : memref<128x640xf32, #tpu.memory_space<hbm>> -> memref<4x640xf32, #tpu.memory_space<hbm>>
      tpu.wait_dma2 semaphore(%run_scoped3A : memref<!tpu.dma_semaphore, #tpu.memory_space<semaphore_mem>>) src(%arg5 : memref<4x640xf32, #tpu.memory_space<vmem>>) dst(%dma_wait3A_3694 : memref<4x640xf32, #tpu.memory_space<hbm>>)
      tpu.yield
    }) : () -> ()
    return
  }
}

module attributes {stable_mosaic.version = 14 : i64} {
  func.func @_x_body(%arg0: i32, %arg1: memref<134xi32, #tpu.memory_space<smem>>, %arg2: memref<134xi32, #tpu.memory_space<smem>>, %arg3: memref<134xi32, #tpu.memory_space<smem>>, %arg4: memref<1x128x2048xf32, #tpu.memory_space<vmem>>, %arg5: memref<1x128x2048xf32, #tpu.memory_space<vmem>>, %arg6: memref<1x128x2048xf32, #tpu.memory_space<vmem>>) attributes {dimension_semantics = [#tpu.dimension_semantics<arbitrary>], iteration_bounds = array<i64: 134>, scalar_prefetch = 3 : i64, scratch_operands = 1 : i64, tpu.core_type = #tpu.core_type<tc>, window_params = [{transform_indices = @transform_0, window_bounds = array<i64: 1, 128, 2048>}, {transform_indices = @transform_1, window_bounds = array<i64: 1, 128, 2048>}]} {
    %get3A = arith.constant 0 : index
    %get3A_0 = arith.constant 0 : index
    %get3A_1 = arith.constant 0 : index
    %get3A_2 = vector.load %arg4[%get3A, %get3A_0, %get3A_1] : memref<1x128x2048xf32, #tpu.memory_space<vmem>>, vector<1x128x2048xf32>
    %get3A_3 = arith.index_cast %arg0 : i32 to index
    %get3A_4 = memref.load %arg3[%get3A_3] : memref<134xi32, #tpu.memory_space<smem>>
    %eq3A = arith.constant 1 : i32
    %eq3A_5 = arith.cmpi eq, %get3A_4, %eq3A : i32
    %convert_element_type3A = arith.extui %eq3A_5 : i1 to i32
    %cond3A = arith.constant 0 : i32
    %cond3A_6 = arith.cmpi ne, %convert_element_type3A, %cond3A : i32
    scf.if %cond3A_6 {
      %get3A_10 = arith.constant 0 : index
      %get3A_11 = arith.constant 0 : index
      %get3A_12 = arith.constant 0 : index
      %get3A_13 = vector.load %arg6[%get3A_10, %get3A_11, %get3A_12] : memref<1x128x2048xf32, #tpu.memory_space<vmem>>, vector<1x128x2048xf32>
      %mul3A = arith.constant 0.875280559 : f32
      %mul3A_14 = vector.broadcast %mul3A : f32 to vector<1x128x2048xf32>
      %mul3A_15 = arith.mulf %mul3A_14, %get3A_13 : vector<1x128x2048xf32>
      %mul3A_16 = arith.constant 0.124719448 : f32
      %mul3A_17 = vector.broadcast %mul3A_16 : f32 to vector<1x128x2048xf32>
      %mul3A_18 = arith.mulf %mul3A_17, %get3A_2 : vector<1x128x2048xf32>
      %add3A = arith.addf %mul3A_15, %mul3A_18 : vector<1x128x2048xf32>
      %swap3A_19 = arith.constant 0 : index
      %swap3A_20 = arith.constant 0 : index
      %swap3A_21 = arith.constant 0 : index
      %swap3A_22 = vector.load %arg5[%swap3A_19, %swap3A_20, %swap3A_21] : memref<1x128x2048xf32, #tpu.memory_space<vmem>>, vector<1x128x2048xf32>
      tpu.vector_store %arg5[%swap3A_19, %swap3A_20, %swap3A_21], %add3A {strides = array<i32>} : memref<1x128x2048xf32, #tpu.memory_space<vmem>>, vector<1x128x2048xf32>,
    } else {
    }
    %swap3A = arith.constant 0 : index
    %swap3A_7 = arith.constant 0 : index
    %swap3A_8 = arith.constant 0 : index
    %swap3A_9 = vector.load %arg6[%swap3A, %swap3A_7, %swap3A_8] : memref<1x128x2048xf32, #tpu.memory_space<vmem>>, vector<1x128x2048xf32>
    tpu.vector_store %arg6[%swap3A, %swap3A_7, %swap3A_8], %get3A_2 {strides = array<i32>} : memref<1x128x2048xf32, #tpu.memory_space<vmem>>, vector<1x128x2048xf32>,
    return
  }
  func.func @transform_0(%arg0: i32, %arg1: memref<134xi32, #tpu.memory_space<smem>>, %arg2: memref<134xi32, #tpu.memory_space<smem>>, %arg3: memref<134xi32, #tpu.memory_space<smem>>) -> (i32, i32, i32) {
    %get3A = arith.index_cast %arg0 : i32 to index
    %get3A_0 = memref.load %arg1[%get3A] : memref<134xi32, #tpu.memory_space<smem>>
    %c0_i32 = arith.constant 0 : i32
    %c0_i32_1 = arith.constant 0 : i32
    %c0_i32_2 = arith.constant 0 : i32
    return %get3A_0, %c0_i32, %c0_i32_1 : i32, i32, i32
  }
  func.func @transform_1(%arg0: i32, %arg1: memref<134xi32, #tpu.memory_space<smem>>, %arg2: memref<134xi32, #tpu.memory_space<smem>>, %arg3: memref<134xi32, #tpu.memory_space<smem>>) -> (i32, i32, i32) {
    %get3A = arith.index_cast %arg0 : i32 to index
    %get3A_0 = memref.load %arg2[%get3A] : memref<134xi32, #tpu.memory_space<smem>>
    %c0_i32 = arith.constant 0 : i32
    %c0_i32_1 = arith.constant 0 : i32
    %c0_i32_2 = arith.constant 0 : i32
    return %get3A_0, %c0_i32, %c0_i32_1 : i32, i32, i32
  }
}

</mosaic_0001>

<sc_bundles>
// kernel: kernel.4.cloned.1.call-start
scs
__scs_entry_jumppad:
0x0: {  	(pc) =	sbr.rel $0x88, $3  }
0x1: {  	(tag) =	ssettag $0x0;
	lr =	simm.s32 $0x1  }
0x2: {  	[smem:$0x3F9F] =	sst lr;
	_ =	strace $0xD0000000  }
0x3: {  	_ = 	snop  }
0x4: {  	_ = 	snop  }
0x5: {  	_ = 	snop  }
0x6: {  	_ = 	snop  }
0x7: {  	_ = 	snop  }
__scs_overlays_trampoline_lowered:
0x8: {  	[smem:$0x3FAE] =	sst s0  }
0x9: {  	[smem:$0x3FAF] =	sst s1  }
0xa: {  	[smem:$0x3FB0] =	sst s2  }
0xb: {  	[smem:$0x3FB1] =	sst s3  }
0xc: {  	[smem:$0x3FB2] =	sst s4  }
0xd: {  	[smem:$0x3FB3] =	sst s5  }
0xe: {  	[smem:$0x3FB4] =	sst s6  }
0xf: {  	[smem:$0x3FB5] =	sst s7  }
0x10: {  	[smem:$0x3FB6] =	sst s8  }
0x11: {  	[smem:$0x3FB7] =	sst s9;
	s0 =	simm.s32 @!p0 $0x0  }
0x12: {  	s1 =	sld [smem:$0x3F9D];
	s0 =	simm.s32 @p0 $0x1  }
0x13: {  	[smem:$0x3FB8] =	sst s0;
	s0 =	simm.s32 @!p1 $0x0  }
0x14: {  	s2 =	sld [smem:$0x3F9C];
	s0 =	simm.s32 @p1 $0x1  }
0x15: {  	[smem:$0x3FB9] =	sst s0;
	s0 =	simm.s32 @!p2 $0x0  }
0x16: {  	s3 =	sld [smem:$0x3FDB];
	s0 =	simm.s32 @p2 $0x1  }
0x17: {  	s4 =	simm.s32 $0x1BF5;
	[smem:$0x3FBB] =	sst s0  }
0x18: {  	s0 =	sld [smem:$0x3F9E];
	_ =	swait.ge [sflag:s4], $0x0  }
0x19: {  	s7 =	sld [smem:$0x3F9F]  }
0x1a: {  	s8 =	sadd.s32 $0xFFFFE003, lr  }
0x1b: {  	s9 =	sadd.s32 $0xFFFFFEF7, lr;
	s5 =	simm.s32 $0xFFFFFFFF;
	p2 =	slt.u32 s8, $0xFFFFF086  }
0x1c: {  	p1 =	slt.u32 s9, $0xF7A;
	s5 =	simm.s32 @!p2 $0x0  }
0x1d: {  	s5 =	simm.s32 @p1 $0x1;
	p0 =	seq.s32 s7, s2  }
0x1e: {  	s7 =	smul.u32 @!p0 $0xF7A, s2;
	p2 =	seq.s32 @!p0 s5, $0x0  }
0x1f: {  	s9 =	smul.u32 $0xF7A, s1;
	s8 =	simm.s32 @!p0 $0x1BF5;
	p2 =	por !p2, p0  }
0x20: {  	[sflag:s8] =	ssyncset.s32 @!p0 $0xFFFFF086;
	s6 =	sadd.s32 @!p0 s3, s7;
	s7 =	simm.s32 @!p0 $0x108  }
0x21: {  	s3 =	sadd.s32 s3, s9;
	s6 =	sadd.s32 @!p0 $0x88, s6;
	s7 =	simm.s32 @p2 $0x1082  }
0x22: {  	[simem:s7], [sflag:s8] =	dma.local @!p0 [hbm:s6], $0xF7A  }
0x23: {  	s9 =	sor.u32 $0xD0000000, s2;
	s6 =	simm.s32 $0x108;
	_ =	swait.ge @!p0 [sflag:s8], $0x0  }
0x24: {  	s3 =	sadd.s32 $0x88, s3;
	s6 =	simm.s32 @!p1 $0x1082;
	[sflag:s4] =	ssyncset.s32 $0xFFFFF086  }
0x25: {  	[simem:s6], [sflag:s4] =	dma.local [hbm:s3], $0xF7A  }
0x26: {  	[smem:$0x3F9F] =	sst s1;
	(tag) =	ssettag s2;
	_ =	strace s9  }
0x27: {  	s1 =	sld [smem:$0x3FAF]  }
0x28: {  	s2 =	sld [smem:$0x3FB0]  }
0x29: {  	s4 =	sld [smem:$0x3FB2]  }
0x2a: {  	p0 =	seq.s32 s5, $0x0;
	s5 =	sld [smem:$0x3FB3]  }
0x2b: {  	s6 =	sld [smem:$0x3FB4]  }
0x2c: {  	s7 =	sld [smem:$0x3FB5]  }
0x2d: {  	s3 =	simm.s32 $0x108;
	s8 =	sld [smem:$0x3FB6]  }
0x2e: {  	s3 =	simm.s32 @!p0 $0x1082;
	s9 =	sld [smem:$0x3FB7]  }
0x2f: {  	lr =	sadd.s32 s0, s3;
	s0 =	sld [smem:$0x3FAE]  }
0x30: {  	s3 =	sld [smem:$0x3FB1]  }
0x31: {  	[smem:$0x3FBA] =	sst s10  }
0x32: {  	s10 =	sld [smem:$0x3FB8];
	_ =	sdelay $0x3  }
0x33: {  	p0 =	seq.s32 s10, $0x1;
	s10 =	sld [smem:$0x3FBA];
	_ =	sdelay $0x3  }
0x34: {  	[smem:$0x3FBA] =	sst s10  }
0x35: {  	s10 =	sld [smem:$0x3FB9];
	_ =	sdelay $0x3  }
0x36: {  	p1 =	seq.s32 s10, $0x1;
	s10 =	sld [smem:$0x3FBA];
	_ =	sdelay $0x3  }
0x37: {  	[smem:$0x3FBA] =	sst s10  }
0x38: {  	s10 =	sld [smem:$0x3FBB]  }
0x39: {  	_ = 	snop;
	(pc) =	sbr.ind lr, $3  }
0x3a: {  	_ = 	snop  }
0x3b: {  	_ = 	snop  }
0x3c: {  	p2 =	seq.s32 s10, $0x1;
	s10 =	sld [smem:$0x3FBA]  }
0x3d: {  	_ =	shalt  }
0x3e: {  	_ =	shalt  }
0x3f: {  	_ =	shalt  }
0x40: {  	_ =	shalt  }
0x41: {  	_ =	shalt  }
0x42: {  	_ =	shalt  }
0x43: {  	_ =	shalt  }
0x44: {  	_ =	shalt  }
0x45: {  	_ =	shalt  }
0x46: {  	_ =	shalt  }
0x47: {  	_ =	shalt  }
0x48: {  	_ =	shalt  }
0x49: {  	_ =	shalt  }
0x4a: {  	_ =	shalt  }
0x4b: {  	_ =	shalt  }
0x4c: {  	_ =	shalt  }
0x4d: {  	_ =	shalt  }
0x4e: {  	_ =	shalt  }
0x4f: {  	_ =	shalt  }
0x50: {  	_ =	shalt  }
0x51: {  	_ =	shalt  }
0x52: {  	_ =	shalt  }
0x53: {  	_ =	shalt  }
0x54: {  	_ =	shalt  }
0x55: {  	_ =	shalt  }
0x56: {  	_ =	shalt  }
0x57: {  	_ =	shalt  }
0x58: {  	_ =	shalt  }
0x59: {  	_ =	shalt  }
0x5a: {  	_ =	shalt  }
0x5b: {  	_ =	shalt  }
0x5c: {  	_ =	shalt  }
0x5d: {  	_ =	shalt  }
0x5e: {  	_ =	shalt  }
0x5f: {  	_ =	shalt  }
0x60: {  	_ =	shalt  }
0x61: {  	_ =	shalt  }
0x62: {  	_ =	shalt  }
0x63: {  	_ =	shalt  }
0x64: {  	_ =	shalt  }
0x65: {  	_ =	shalt  }
0x66: {  	_ =	shalt  }
0x67: {  	_ =	shalt  }
0x68: {  	_ =	shalt  }
0x69: {  	_ =	shalt  }
0x6a: {  	_ =	shalt  }
0x6b: {  	_ =	shalt  }
0x6c: {  	_ =	shalt  }
0x6d: {  	_ =	shalt  }
0x6e: {  	_ =	shalt  }
0x6f: {  	_ =	shalt  }
0x70: {  	_ =	shalt  }
0x71: {  	_ =	shalt  }
0x72: {  	_ =	shalt  }
0x73: {  	_ =	shalt  }
0x74: {  	_ =	shalt  }
0x75: {  	_ =	shalt  }
0x76: {  	_ =	shalt  }
0x77: {  	_ =	shalt  }
0x78: {  	_ =	shalt  }
0x79: {  	_ =	shalt  }
0x7a: {  	_ =	shalt  }
0x7b: {  	_ =	shalt  }
0x7c: {  	_ =	shalt  }
0x7d: {  	_ =	shalt  }
0x7e: {  	_ =	shalt  }
0x7f: {  	_ =	shalt  }
0x80: {  	_ =	shalt  }
0x81: {  	_ =	shalt  }
0x82: {  	_ =	shalt  }
0x83: {  	_ =	shalt  }
0x84: {  	_ =	shalt  }
0x85: {  	_ =	shalt  }
0x86: {  	_ =	shalt  }
0x87: {  	_ =	shalt  }
.Lfunc_end0:
.L_simem_size_0:
called_computation_lowered:
.L_overlay_start_0:
0x88: {  	s2 =	sld [smem:$0x3FD9]  }
0x89: {  	s3 =	sld [smem:$0x3FFE];
	_ =	sdelay $0x1  }
0x8a: {  	s1 =	srdreg.scid  }
0x8b: {  	s0 =	sand.u32 $0x1, s1  }
0x8c: {  	s14 =	sshll.u32 s0, $0xA;
	s2 =	sadd.s32 s3, s2  }
0x8d: {  	s2 =	sadd.s32 s2, s14  }
0x8e: {  	[smem:$0x3FC6] =	sst s2  }
0x8f: {  	_ = 	snop  }
0x90: {  	s2 =	sld [smem:$0x3FD0];
	_ =	sdelay $0x2  }
0x91: {  	s15 =	simm.s32 $0xA;
	s4 =	simm.s32 $0x10  }
0x92: {  	[smem:s4], [sflag:s15] =	dma.local [hbm:s2], $0x1  }
0x93: {  	_ =	swait.eq [sflag:s15], $0x1  }
0x94: {  	[sflag:s15] =	ssyncset.done $0x0  }
0x95: {  	[sflag:s15] =	ssyncadd.s32 $0xFFFFFFFF  }
0x96: {  	s16 =	sld [smem:$0x11];
	(tm) =	ssettm $0x1  }
0x97: {  	s17 =	sld [smem:$0x3FFB];
	_ =	sdelay $0x3  }
0x98: {  	_ =	strace s17  }
0x99: {  	s3 =	sld [smem:$0x3FFC];
	_ =	sdelay $0x3  }
0x9a: {  	_ =	strace s3  }
0x9b: {  	s3 =	sld [smem:$0x3FFD];
	_ =	sdelay $0x3  }
0x9c: {  	_ =	strace s3  }
0x9d: {  	_ =	strace $0x8FFFFFFF  }
0x9e: {  	s18 =	sld [smem:$0x3FDB];
	_ =	sdelay $0x1  }
0x9f: {  	s19 =	simm.s32 $_scs_section_size  }
0xa0: {  	s5 =	simm.s32 $_size__tile_overlayer_lowered;
	s6 =	simm.s32 $_tile_overlayer_lowered  }
0xa1: {  	s22 =	simm.s32 $0x1BFF;
	s21 =	sshll.u32 s6, $0x1;
	s3 =	sadd.s32 s19, s18  }
0xa2: {  	s7 =	simm.s32 $0x0;
	s20 =	sshll.u32 s5, $0x1;
	s5 =	sadd.s32 s21, s3  }
0xa3: {  	[timem:s7], [sflag:s22] =	dma.local [hbm:s5], s20  }
0xa4: {  	_ =	swait.ge [sflag:s22], s20  }
0xa5: {  	s4 =	ssub.s32 $0x0, s20;
	[sflag:s22] =	ssyncset.done $0x0  }
0xa6: {  	[sflag:s22] =	ssyncadd.s32 s4;
	_ =	sdelay $0x1  }
0xa7: {  	s23 =	simm.s32 $0x1B8B  }
0xa8: {  	_ =	swait.ge [sflag:s23], $0x1  }
0xa9: {  	[sflag:s23] =	ssyncset.done $0x0  }
0xaa: {  	s25 =	simm.s32 $0x1B8E;
	s24 =	sld [smem:$0x3FFE];
	[sflag:s23] =	ssyncadd.s32 $0xFFFFFFFF  }
0xab: {  	s26 =	simm.s32 $execute0_lowered;
	[smem:$0x3FD2] =	sst s25  }
0xac: {  	s5 =	sshll.u32 s26, $0x1;
	_ =	strace $0x80000046;
	[dreg:$0x1] =	wrdreg $0xFFFFFFFF  }
0xad: {  	s28 =	simm.s32 $_size_execute0_lowered;
	s3 =	sadd.s32 s3, s5;
	[dreg:$0x0] =	wrdreg $0x0  }
0xae: {  	s5 =	sshll.u32 s28, $0x1;
	[dreg:$0x2] =	wrdreg s3  }
0xaf: {  	[dreg:$0x3] =	wrdreg s5  }
0xb0: {  	[dreg:$0x4] =	wrdreg $0xC0  }
0xb1: {  	_ =	task [dreg:s7], $0x5FFFF  }
0xb2: {  	[dreg:$0x1] =	wrdreg $0xFFFFFFFF  }
0xb3: {  	[dreg:$0x0] =	wrdreg $0x60  }
0xb4: {  	[dreg:$0x2] =	wrdreg s24  }
0xb5: {  	[dreg:$0x3] =	wrdreg s16  }
0xb6: {  	[dreg:$0x4] =	wrdreg $0x9  }
0xb7: {  	_ =	task.clear_ibuf [dreg:s7], $0x5FFFF;
	_ =	strace $0x90000046  }
0xb8: {  	s29 =	simm.s32 $0x9;
	_ =	strace $0x80000048  }
0xb9: {  	_ =	swait.ge [sflag:s29], $0x1  }
0xba: {  	[sflag:s29] =	ssyncadd.s32 $0xFFFFFFFF  }
0xbb: {  	_ =	strace $0x90000048  }
0xbc: {  	_ =	sfence  }
0xbd: {  	s30 =	sld [smem:$0x0];
	_ =	sdelay $0x2  }
0xbe: {  	s31 =	sshll.u32 s1, $0xD;
	s1 =	sshrl.u32 s1, $0x2  }
0xbf: {  	s3 =	sand.u32 $0x4000, s31;
	s1 =	sadd.s32 s1, s30  }
0xc0: {  	s0 =	sor.u32 s3, s0;
	s1 =	sshll.u32 s1, $0x11  }
0xc1: {  	s0 =	sor.u32 s1, s0  }
0xc2: {  	s0 =	sadd.s32 $0x8F2B, s0  }
0xc3: {  	[sflag:s0] =	ssyncadd.remote.s32 $0x1  }
0xc4: {  	_ =	sfence.sel $0xFFFF  }
0xc5: {  	[dreg:$0x0] =	wrdreg $0xFFFFFFFF;
	(pc) =	sbr.abs _section_cstart, $3  }
0xc6: {  	[dreg:$0x1] =	wrdreg $0xFFFFFFFF  }
0xc7: {  	_ =	task.clear_ibuf [dreg:s7], $0x2FFFF;
	_ =	strace $0x9FFFFFFF  }
0xc8: {  	(tm) =	ssettm $0x7FFFFFFF  }
0xc9: {  	_ =	shalt  }
tec
execute0_lowered:
.L_overlay_start_1:
0x0: {  	(tag) =	ssettag $0x1  }
0x1: {  	s5 =	rddreg [dreg:$0x0]  }
0x2: {  	s4 =	rddreg [dreg:$0x1]  }
0x3: {  	s0 =	rddreg [dreg:$0x2]  }
0x4: {  	s3 =	srdreg.scid;
	s1 =	stileid.u32;
	s2 =	simm.s32 $0x0  }
0x5: {  	s11 =	simm.s32 $0xA00;
	s12 =	simm.s32 $0x1200;
	s13 =	simm.s32 $0x200  }
0x6: {  	s14 =	simm.s32 $0x400;
	s15 =	simm.s32 $0x1;
	s6 =	sand.u32 $0x1, s3  }
0x7: {  	s30 =	smul.u32 $0x1400, s1;
	[smem:$0x7FF] =	sst s2;
	s3 =	sadd.s32 $0xA00, s5  }
0x8: {  	s31 =	sshll.u32 s1, $0x5;
	s7 =	sshll.u32 s6, $0x9;
	_ =	strace $0x80000047  }
0x9: {  	v0 =	vlaneseq.u32;
	s8 =	ssub.s32 $0x2, s6;
	s6 =	sshll.u32 s6, $0x4;
	s7 =	sor.u32 s7, s30  }
0xa: {  	v1 =	vshrl.u32 v0, $0x2;
	s10 =	sshrl.u32 s8, $0x1;
	s4 =	sadd.s32 s4, s6;
	s7 =	sshrl.u32 s7, $0x3  }
0xb: {  	v0 =	vand.u32 $0x3, v0;
	v63 =	vmul.u32 $0x8, v1;
	s8 =	ssub.s32 s8, s10;
	s4 =	sadd.s32 s31, s4;
	s10 =	simm.s32 $0x2  }
0xc: {  	[tilespmem:$0x1FFE0] =	vst v0;
	s9 =	sadd.s32 s7, s5;
	s5 =	sadd.s32 $0xC00, s5;
	s6 =	sadd.s32 s3, s7  }
0xd: {  	vm0 =	vmmov $0xf;
	vm1 =	vmmov $0xffff;
	[tilespmem:$0x1FFF0] =	vst v63;
	s8 =	smax.u32 s8, $0x1;
	s7 =	sadd.s32 $0x3200, s9;
	s9 =	simm.s32 $0x1400  }
.LBB2_1:
0xe: {  	[tilespmem:s9], [sflag:$0x2] =	stream.linear.gather [hbm4b:s4+s2], $0x80, $0x38;
	[tilespmem:$0x1480] =	vst v63  }
0xf: {  	_ =	swait.ge [sflag:s10], $0x80  }
0x10: {  	[sflag:s10] =	ssyncset.done $0x0  }
0x11: {  	[sflag:s10] =	ssyncadd.s32 $0xFFFFFF80  }
0x12: {  	v0 =	vld.msk [tilespmem:$0x1400], $0xf;
	_ =	sdelay $0x3  }
0x13: {  	v11 =	vld [tilespmem:$0x1FFE0]  }
0x14: {  	v1 =	vshrl.u32 v0, $0x3  }
0x15: {  	v12 =	vld [tilespmem:$0x1FFF0];
	v1 =	vmul.u32 $0x28, v1  }
0x16: {  	v0 =	vand.u32 $0x7, v0  }
0x17: {  	v0 =	vor.u32 v0, v1  }
0x18: {  	v0 =	vperm.xlane v0, v11;
	_ =	sdelay $0x1  }
0x19: {  	v0 =	vadd.s32 v12, v0;
	_ =	sdelay $0x4  }
0x1a: {  	[tilespmem:s11], [sflag:$0x1] =	stream.indirect_vreg.gather [hbm4b:s3+s2], $0x80, v0, vm1, $0xb8;
	[tilespmem:$0x1480] =	vst v63  }
0x1b: {  	_ = 	snop  }
0x1c: {  	[tilespmem:s12], [sflag:$0x1] =	stream.indirect_vreg.gather [hbm4b:s5+s2], $0x80, v0, vm0, $0xb8;
	[tilespmem:$0x1480] =	vst v63  }
0x1d: {  	_ = 	snop  }
0x1e: {  	[tilespmem:s2], [sflag:$0x2] =	stream.strided.gather [hbm4b:s6+s13], $0xA00, s14, s13, $0x38;
	[tilespmem:$0x1480] =	vst v63  }
0x1f: {  	_ =	swait.ge [sflag:s10], $0xA00  }
0x20: {  	[sflag:s10] =	ssyncset.done $0x0  }
0x21: {  	[sflag:s10] =	ssyncadd.s32 $0xFFFFF600  }
0x22: {  	_ =	swait.ge [sflag:s15], $0xA00  }
0x23: {  	[sflag:s15] =	ssyncset.done $0x0  }
0x24: {  	[sflag:s15] =	ssyncadd.s32 $0xFFFFF600  }
0x25: {  	v61 =	vld [tilespmem:$0x1070];
	_ =	sdelay $0x4  }
0x26: {  	[tilespmem:$0x1F770] =	vst v61;
	v61 =	vld [tilespmem:$0x800];
	_ =	sdelay $0x4  }
0x27: {  	[tilespmem:$0x1F780] =	vst v61;
	v61 =	vld [tilespmem:$0x1200];
	_ =	sdelay $0x4  }
0x28: {  	[tilespmem:$0x1F790] =	vst v61;
	v61 =	vld [tilespmem:$0x810];
	_ =	sdelay $0x4  }
0x29: {  	[tilespmem:$0x1F7A0] =	vst v61;
	v61 =	vld [tilespmem:$0x1210];
	_ =	sdelay $0x4  }
0x2a: {  	[tilespmem:$0x1F7B0] =	vst v61;
	v61 =	vld [tilespmem:$0x820];
	_ =	sdelay $0x4  }
0x2b: {  	[tilespmem:$0x1F7C0] =	vst v61;
	v61 =	vld [tilespmem:$0x1220];
	_ =	sdelay $0x4  }
0x2c: {  	[tilespmem:$0x1F7D0] =	vst v61;
	v61 =	vld [tilespmem:$0x830];
	_ =	sdelay $0x4  }
0x2d: {  	[tilespmem:$0x1F7E0] =	vst v61;
	v61 =	vld [tilespmem:$0x1230];
	_ =	sdelay $0x4  }
0x2e: {  	[tilespmem:$0x1F7F0] =	vst v61;
	v61 =	vld [tilespmem:$0x840];
	_ =	sdelay $0x4  }
0x2f: {  	[tilespmem:$0x1F800] =	vst v61;
	v61 =	vld [tilespmem:$0x1240];
	_ =	sdelay $0x4  }
0x30: {  	[tilespmem:$0x1F810] =	vst v61;
	v61 =	vld [tilespmem:$0x850];
	_ =	sdelay $0x4  }
0x31: {  	[tilespmem:$0x1F820] =	vst v61;
	v61 =	vld [tilespmem:$0x1250];
	_ =	sdelay $0x4  }
0x32: {  	[tilespmem:$0x1F830] =	vst v61;
	v61 =	vld [tilespmem:$0x860];
	_ =	sdelay $0x4  }
0x33: {  	[tilespmem:$0x1F840] =	vst v61;
	v61 =	vld [tilespmem:$0x1260];
	_ =	sdelay $0x4  }
0x34: {  	[tilespmem:$0x1F850] =	vst v61;
	v61 =	vld [tilespmem:$0x870];
	_ =	sdelay $0x4  }
0x35: {  	[tilespmem:$0x1F860] =	vst v61;
	v61 =	vld [tilespmem:$0x1270];
	_ =	sdelay $0x4  }
0x36: {  	[tilespmem:$0x1F870] =	vst v61;
	v61 =	vld [tilespmem:$0x80];
	_ =	sdelay $0x4  }
0x37: {  	[tilespmem:$0x1F880] =	vst v61;
	v61 =	vld [tilespmem:$0xA80];
	_ =	sdelay $0x4  }
0x38: {  	[tilespmem:$0x1F890] =	vst v61;
	v61 =	vld [tilespmem:$0x90];
	_ =	sdelay $0x4  }
0x39: {  	[tilespmem:$0x1F8A0] =	vst v61;
	v61 =	vld [tilespmem:$0xA90];
	_ =	sdelay $0x4  }
0x3a: {  	[tilespmem:$0x1F8B0] =	vst v61;
	v61 =	vld [tilespmem:$0xA0];
	_ =	sdelay $0x4  }
0x3b: {  	[tilespmem:$0x1F8C0] =	vst v61;
	v61 =	vld [tilespmem:$0xAA0];
	_ =	sdelay $0x4  }
0x3c: {  	[tilespmem:$0x1F8D0] =	vst v61;
	v61 =	vld [tilespmem:$0xB0];
	_ =	sdelay $0x4  }
0x3d: {  	[tilespmem:$0x1F8E0] =	vst v61;
	v61 =	vld [tilespmem:$0xAB0];
	_ =	sdelay $0x4  }
0x3e: {  	[tilespmem:$0x1F8F0] =	vst v61;
	v61 =	vld [tilespmem:$0xC0];
	_ =	sdelay $0x4  }
0x3f: {  	[tilespmem:$0x1F900] =	vst v61;
	v61 =	vld [tilespmem:$0xAC0];
	_ =	sdelay $0x4  }
0x40: {  	[tilespmem:$0x1F910] =	vst v61;
	v61 =	vld [tilespmem:$0xD0];
	_ =	sdelay $0x4  }
0x41: {  	[tilespmem:$0x1F920] =	vst v61;
	v61 =	vld [tilespmem:$0xAD0];
	_ =	sdelay $0x4  }
0x42: {  	[tilespmem:$0x1F930] =	vst v61;
	v61 =	vld [tilespmem:$0xE0];
	_ =	sdelay $0x4  }
0x43: {  	[tilespmem:$0x1F940] =	vst v61;
	v61 =	vld [tilespmem:$0xAE0];
	_ =	sdelay $0x4  }
0x44: {  	[tilespmem:$0x1F950] =	vst v61;
	v61 =	vld [tilespmem:$0xF0];
	_ =	sdelay $0x4  }
0x45: {  	[tilespmem:$0x1F960] =	vst v61;
	v61 =	vld [tilespmem:$0xAF0];
	_ =	sdelay $0x4  }
0x46: {  	[tilespmem:$0x1F970] =	vst v61;
	v61 =	vld [tilespmem:$0x280];
	_ =	sdelay $0x4  }
0x47: {  	[tilespmem:$0x1F980] =	vst v61;
	v61 =	vld [tilespmem:$0xC80];
	_ =	sdelay $0x4  }
0x48: {  	[tilespmem:$0x1F990] =	vst v61;
	v61 =	vld [tilespmem:$0x290];
	_ =	sdelay $0x4  }
0x49: {  	[tilespmem:$0x1F9A0] =	vst v61;
	v61 =	vld [tilespmem:$0xC90];
	_ =	sdelay $0x4  }
0x4a: {  	[tilespmem:$0x1F9B0] =	vst v61;
	v61 =	vld [tilespmem:$0x2A0];
	_ =	sdelay $0x4  }
0x4b: {  	[tilespmem:$0x1F9C0] =	vst v61;
	v61 =	vld [tilespmem:$0xCA0];
	_ =	sdelay $0x4  }
0x4c: {  	[tilespmem:$0x1F9D0] =	vst v61;
	v61 =	vld [tilespmem:$0x2B0];
	_ =	sdelay $0x4  }
0x4d: {  	[tilespmem:$0x1F9E0] =	vst v61;
	v61 =	vld [tilespmem:$0xCB0];
	_ =	sdelay $0x4  }
0x4e: {  	[tilespmem:$0x1F9F0] =	vst v61;
	v61 =	vld [tilespmem:$0x2C0];
	_ =	sdelay $0x4  }
0x4f: {  	[tilespmem:$0x1FA00] =	vst v61;
	v61 =	vld [tilespmem:$0xCC0];
	_ =	sdelay $0x4  }
0x50: {  	[tilespmem:$0x1FA10] =	vst v61;
	v61 =	vld [tilespmem:$0x2D0];
	_ =	sdelay $0x4  }
0x51: {  	[tilespmem:$0x1FA20] =	vst v61;
	v61 =	vld [tilespmem:$0xCD0];
	_ =	sdelay $0x4  }
0x52: {  	[tilespmem:$0x1FA30] =	vst v61;
	v61 =	vld [tilespmem:$0x2E0];
	_ =	sdelay $0x4  }
0x53: {  	[tilespmem:$0x1FA40] =	vst v61;
	v61 =	vld [tilespmem:$0xCE0];
	_ =	sdelay $0x4  }
0x54: {  	[tilespmem:$0x1FA50] =	vst v61;
	v61 =	vld [tilespmem:$0x2F0];
	_ =	sdelay $0x4  }
0x55: {  	[tilespmem:$0x1FA60] =	vst v61;
	v61 =	vld [tilespmem:$0xCF0];
	_ =	sdelay $0x4  }
0x56: {  	[tilespmem:$0x1FA70] =	vst v61;
	v61 =	vld [tilespmem:$0x480];
	_ =	sdelay $0x4  }
0x57: {  	[tilespmem:$0x1FA80] =	vst v61;
	v61 =	vld [tilespmem:$0xE80];
	_ =	sdelay $0x4  }
0x58: {  	[tilespmem:$0x1FA90] =	vst v61;
	v61 =	vld [tilespmem:$0x490];
	_ =	sdelay $0x4  }
0x59: {  	[tilespmem:$0x1FAA0] =	vst v61;
	v61 =	vld [tilespmem:$0xE90];
	_ =	sdelay $0x4  }
0x5a: {  	[tilespmem:$0x1FAB0] =	vst v61;
	v61 =	vld [tilespmem:$0x4A0];
	_ =	sdelay $0x4  }
0x5b: {  	[tilespmem:$0x1FAC0] =	vst v61;
	v61 =	vld [tilespmem:$0xEA0];
	_ =	sdelay $0x4  }
0x5c: {  	[tilespmem:$0x1FAD0] =	vst v61;
	v61 =	vld [tilespmem:$0x4B0];
	_ =	sdelay $0x4  }
0x5d: {  	[tilespmem:$0x1FAE0] =	vst v61;
	v61 =	vld [tilespmem:$0xEB0];
	_ =	sdelay $0x4  }
0x5e: {  	[tilespmem:$0x1FAF0] =	vst v61;
	v61 =	vld [tilespmem:$0x4C0];
	_ =	sdelay $0x4  }
0x5f: {  	[tilespmem:$0x1FB00] =	vst v61;
	v61 =	vld [tilespmem:$0xEC0];
	_ =	sdelay $0x4  }
0x60: {  	[tilespmem:$0x1FB10] =	vst v61;
	v61 =	vld [tilespmem:$0x4D0];
	_ =	sdelay $0x4  }
0x61: {  	[tilespmem:$0x1FB20] =	vst v61;
	v61 =	vld [tilespmem:$0xED0];
	_ =	sdelay $0x4  }
0x62: {  	[tilespmem:$0x1FB30] =	vst v61;
	v61 =	vld [tilespmem:$0x4E0];
	_ =	sdelay $0x4  }
0x63: {  	[tilespmem:$0x1FB40] =	vst v61;
	v61 =	vld [tilespmem:$0xEE0];
	_ =	sdelay $0x4  }
0x64: {  	[tilespmem:$0x1FB50] =	vst v61;
	v61 =	vld [tilespmem:$0x4F0];
	_ =	sdelay $0x4  }
0x65: {  	[tilespmem:$0x1FB60] =	vst v61;
	v61 =	vld [tilespmem:$0xEF0];
	_ =	sdelay $0x4  }
0x66: {  	[tilespmem:$0x1FB70] =	vst v61;
	v61 =	vld [tilespmem:$0x680];
	_ =	sdelay $0x4  }
0x67: {  	[tilespmem:$0x1FB80] =	vst v61;
	v61 =	vld [tilespmem:$0x1080];
	_ =	sdelay $0x4  }
0x68: {  	[tilespmem:$0x1FB90] =	vst v61;
	v61 =	vld [tilespmem:$0x690];
	_ =	sdelay $0x4  }
0x69: {  	[tilespmem:$0x1FBA0] =	vst v61;
	v61 =	vld [tilespmem:$0x1090];
	_ =	sdelay $0x4  }
0x6a: {  	[tilespmem:$0x1FBB0] =	vst v61;
	v61 =	vld [tilespmem:$0x6A0];
	_ =	sdelay $0x4  }
0x6b: {  	[tilespmem:$0x1FBC0] =	vst v61;
	v61 =	vld [tilespmem:$0x10A0];
	_ =	sdelay $0x4  }
0x6c: {  	[tilespmem:$0x1FBD0] =	vst v61;
	v61 =	vld [tilespmem:$0x6B0];
	_ =	sdelay $0x4  }
0x6d: {  	[tilespmem:$0x1FBE0] =	vst v61;
	v61 =	vld [tilespmem:$0x10B0];
	_ =	sdelay $0x4  }
0x6e: {  	[tilespmem:$0x1FBF0] =	vst v61;
	v61 =	vld [tilespmem:$0x6C0];
	_ =	sdelay $0x4  }
0x6f: {  	[tilespmem:$0x1FC00] =	vst v61;
	v61 =	vld [tilespmem:$0x10C0];
	_ =	sdelay $0x4  }
0x70: {  	[tilespmem:$0x1FC10] =	vst v61;
	v61 =	vld [tilespmem:$0x6D0];
	_ =	sdelay $0x4  }
0x71: {  	[tilespmem:$0x1FC20] =	vst v61;
	v61 =	vld [tilespmem:$0x10D0];
	_ =	sdelay $0x4  }
0x72: {  	[tilespmem:$0x1FC30] =	vst v61;
	v61 =	vld [tilespmem:$0x6E0];
	_ =	sdelay $0x4  }
0x73: {  	[tilespmem:$0x1FC40] =	vst v61;
	v61 =	vld [tilespmem:$0x10E0];
	_ =	sdelay $0x4  }
0x74: {  	[tilespmem:$0x1FC50] =	vst v61;
	v61 =	vld [tilespmem:$0x6F0];
	_ =	sdelay $0x2  }
0x75: {  	v0 =	vld [tilespmem:$0x0]  }
0x76: {  	v1 =	vld [tilespmem:$0xA00]  }
0x77: {  	[tilespmem:$0x1FC60] =	vst v61;
	v61 =	vld [tilespmem:$0x10F0]  }
0x78: {  	v2 =	vld [tilespmem:$0x10]  }
0x79: {  	v3 =	vld [tilespmem:$0xA10]  }
0x7a: {  	v4 =	vld [tilespmem:$0x20]  }
0x7b: {  	v5 =	vld [tilespmem:$0xA20]  }
0x7c: {  	[tilespmem:$0x1FC70] =	vst v61;
	v61 =	vld [tilespmem:$0x880]  }
0x7d: {  	v6 =	vld [tilespmem:$0x30]  }
0x7e: {  	v7 =	vld [tilespmem:$0xA30]  }
0x7f: {  	v8 =	vld [tilespmem:$0x40]  }
0x80: {  	v9 =	vld [tilespmem:$0xA40]  }
0x81: {  	[tilespmem:$0x1FC80] =	vst v61;
	v61 =	vld [tilespmem:$0x1280]  }
0x82: {  	v10 =	vld [tilespmem:$0x50]  }
0x83: {  	v11 =	vld [tilespmem:$0xA50]  }
0x84: {  	v12 =	vld [tilespmem:$0x60]  }
0x85: {  	v13 =	vld [tilespmem:$0xA60]  }
0x86: {  	[tilespmem:$0x1FC90] =	vst v61;
	v61 =	vld [tilespmem:$0x890]  }
0x87: {  	v14 =	vld [tilespmem:$0x70]  }
0x88: {  	v15 =	vld [tilespmem:$0xA70]  }
0x89: {  	v16 =	vld [tilespmem:$0x200]  }
0x8a: {  	v17 =	vld [tilespmem:$0xC00]  }
0x8b: {  	[tilespmem:$0x1FCA0] =	vst v61;
	v61 =	vld [tilespmem:$0x1290]  }
0x8c: {  	v18 =	vld [tilespmem:$0x210]  }
0x8d: {  	v19 =	vld [tilespmem:$0xC10]  }
0x8e: {  	v20 =	vld [tilespmem:$0x220]  }
0x8f: {  	v21 =	vld [tilespmem:$0xC20]  }
0x90: {  	[tilespmem:$0x1FCB0] =	vst v61;
	v61 =	vld [tilespmem:$0x8A0]  }
0x91: {  	v22 =	vld [tilespmem:$0x230]  }
0x92: {  	v23 =	vld [tilespmem:$0xC30]  }
0x93: {  	v24 =	vld [tilespmem:$0x240]  }
0x94: {  	v25 =	vld [tilespmem:$0xC40]  }
0x95: {  	[tilespmem:$0x1FCC0] =	vst v61;
	v61 =	vld [tilespmem:$0x12A0]  }
0x96: {  	v26 =	vld [tilespmem:$0x250]  }
0x97: {  	v27 =	vld [tilespmem:$0xC50]  }
0x98: {  	v28 =	vld [tilespmem:$0x260]  }
0x99: {  	v29 =	vld [tilespmem:$0xC60]  }
0x9a: {  	[tilespmem:$0x1FCD0] =	vst v61;
	v61 =	vld [tilespmem:$0x8B0]  }
0x9b: {  	v30 =	vld [tilespmem:$0x270]  }
0x9c: {  	v31 =	vld [tilespmem:$0xC70]  }
0x9d: {  	v32 =	vld [tilespmem:$0x400]  }
0x9e: {  	v33 =	vld [tilespmem:$0xE00]  }
0x9f: {  	[tilespmem:$0x1FCE0] =	vst v61;
	v61 =	vld [tilespmem:$0x12B0]  }
0xa0: {  	v34 =	vld [tilespmem:$0x410]  }
0xa1: {  	v35 =	vld [tilespmem:$0xE10]  }
0xa2: {  	v36 =	vld [tilespmem:$0x420]  }
0xa3: {  	v37 =	vld [tilespmem:$0xE20]  }
0xa4: {  	[tilespmem:$0x1FCF0] =	vst v61;
	v61 =	vld [tilespmem:$0x8C0]  }
0xa5: {  	v38 =	vld [tilespmem:$0x430]  }
0xa6: {  	v39 =	vld [tilespmem:$0xE30]  }
0xa7: {  	v40 =	vld [tilespmem:$0x440]  }
0xa8: {  	v41 =	vld [tilespmem:$0xE40]  }
0xa9: {  	[tilespmem:$0x1FD00] =	vst v61;
	v61 =	vld [tilespmem:$0x12C0]  }
0xaa: {  	v42 =	vld [tilespmem:$0x450]  }
0xab: {  	v43 =	vld [tilespmem:$0xE50]  }
0xac: {  	v44 =	vld [tilespmem:$0x460]  }
0xad: {  	v45 =	vld [tilespmem:$0xE60]  }
0xae: {  	[tilespmem:$0x1FD10] =	vst v61;
	v61 =	vld [tilespmem:$0x8D0]  }
0xaf: {  	v46 =	vld [tilespmem:$0x470]  }
0xb0: {  	v47 =	vld [tilespmem:$0xE70]  }
0xb1: {  	v48 =	vld [tilespmem:$0x600]  }
0xb2: {  	v49 =	vld [tilespmem:$0x1000]  }
0xb3: {  	[tilespmem:$0x1FD20] =	vst v61;
	v61 =	vld [tilespmem:$0x12D0]  }
0xb4: {  	v50 =	vld [tilespmem:$0x610]  }
0xb5: {  	v51 =	vld [tilespmem:$0x1010]  }
0xb6: {  	v52 =	vld [tilespmem:$0x620]  }
0xb7: {  	v53 =	vld [tilespmem:$0x1020]  }
0xb8: {  	[tilespmem:$0x1FD30] =	vst v61;
	v61 =	vld [tilespmem:$0x8E0]  }
0xb9: {  	v54 =	vld [tilespmem:$0x630]  }
0xba: {  	v55 =	vld [tilespmem:$0x1030]  }
0xbb: {  	v62 =	vld [tilespmem:$0x640]  }
0xbc: {  	v56 =	vld [tilespmem:$0x1040]  }
0xbd: {  	[tilespmem:$0x1FD40] =	vst v61;
	v61 =	vld [tilespmem:$0x12E0]  }
0xbe: {  	v59 =	vld [tilespmem:$0x650]  }
0xbf: {  	v57 =	vld [tilespmem:$0x1050]  }
0xc0: {  	v58 =	vld [tilespmem:$0x660];
	v0 =	vmul.f32 $8.752805590e-01, v0;
	v1 =	vmul.f32 $1.247194480e-01, v1  }
0xc1: {  	v60 =	vld [tilespmem:$0x1060]  }
0xc2: {  	v63 =	vld [tilespmem:$0x670];
	v0 =	vadd.f32 v1, v0;
	v1 =	vmul.f32 $8.752805590e-01, v4;
	v4 =	vmul.f32 $1.247194480e-01, v5;
	[tilespmem:$0x1FD50] =	vst v61  }
0xc3: {  	v2 =	vmul.f32 $8.752805590e-01, v2;
	v3 =	vmul.f32 $1.247194480e-01, v3;
	v61 =	vld [tilespmem:$0x8F0]  }
0xc4: {  	v5 =	vld [tilespmem:$0xB30];
	[tilespmem:$0x0] =	vst v0;
	v0 =	vadd.f32 v4, v1;
	v1 =	vmul.f32 $8.752805590e-01, v8;
	v4 =	vmul.f32 $1.247194480e-01, v9  }
0xc5: {  	v2 =	vadd.f32 v3, v2;
	v3 =	vmul.f32 $8.752805590e-01, v6;
	v6 =	vld [tilespmem:$0x140]  }
0xc6: {  	v8 =	vld [tilespmem:$0x150];
	[tilespmem:$0x20] =	vst v0;
	v0 =	vadd.f32 v4, v1;
	v1 =	vmul.f32 $8.752805590e-01, v12;
	v4 =	vmul.f32 $1.247194480e-01, v13  }
0xc7: {  	v13 =	vld [tilespmem:$0xB50]  }
0xc8: {  	[tilespmem:$0x40] =	vst v0;
	v0 =	vadd.f32 v4, v1;
	v1 =	vmul.f32 $8.752805590e-01, v16;
	v16 =	vld [tilespmem:$0x170]  }
0xc9: {  	[tilespmem:$0x1FD60] =	vst v61;
	v61 =	vld [tilespmem:$0x12F0]  }
0xca: {  	[tilespmem:$0x1FDE0] =	vst v5;
	v5 =	vmul.f32 $1.247194480e-01, v7;
	v7 =	vld [tilespmem:$0xB40]  }
0xcb: {  	[tilespmem:$0x1FDF0] =	vst v8;
	v8 =	vmul.f32 $1.247194480e-01, v17;
	v17 =	vld [tilespmem:$0xB70]  }
0xcc: {  	[tilespmem:$0x10] =	vst v2;
	v2 =	vadd.f32 v5, v3;
	v3 =	vmul.f32 $8.752805590e-01, v10;
	v10 =	vmul.f32 $8.752805590e-01, v14;
	v14 =	vld [tilespmem:$0x160]  }
0xcd: {  	[tilespmem:$0x60] =	vst v0;
	v5 =	vmul.f32 $1.247194480e-01, v11;
	v11 =	vmul.f32 $1.247194480e-01, v15;
	v15 =	vld [tilespmem:$0xB60];
	v12 =	vadd.f32 v8, v1  }
0xce: {  	[tilespmem:$0x1FE00] =	vst v13;
	v13 =	vmul.f32 $8.752805590e-01, v20;
	v8 =	vmul.f32 $1.247194480e-01, v21;
	v20 =	vld [tilespmem:$0xD00]  }
0xcf: {  	v9 =	vadd.f32 v5, v3;
	[tilespmem:$0x200] =	vst v12;
	v12 =	vmul.f32 $8.752805590e-01, v24;
	v24 =	vld [tilespmem:$0x310]  }
0xd0: {  	v0 =	vadd.f32 v8, v13;
	v13 =	vmul.f32 $1.247194480e-01, v25;
	v8 =	vld [tilespmem:$0x1140];
	[tilespmem:$0x1FD70] =	vst v61  }
0xd1: {  	v61 =	vld [tilespmem:$0x100];
	[tilespmem:$0x50] =	vst v9;
	v9 =	vadd.f32 v11, v10;
	v10 =	vmul.f32 $8.752805590e-01, v18;
	v11 =	vmul.f32 $1.247194480e-01, v19  }
0xd2: {  	v19 =	vld [tilespmem:$0x300];
	v25 =	vadd.f32 v13, v12  }
0xd3: {  	v12 =	vmul.f32 $1.247194480e-01, v31;
	v13 =	vld [tilespmem:$0x320];
	[tilespmem:$0x70] =	vst v9;
	v9 =	vadd.f32 v11, v10;
	v10 =	vmul.f32 $8.752805590e-01, v22  }
0xd4: {  	v31 =	vld [tilespmem:$0xD30];
	v11 =	vmul.f32 $1.247194480e-01, v23;
	v22 =	vmul.f32 $8.752805590e-01, v26  }
0xd5: {  	v23 =	vmul.f32 $1.247194480e-01, v27;
	v26 =	vmul.f32 $8.752805590e-01, v28;
	v28 =	vld [tilespmem:$0xD10]  }
0xd6: {  	[tilespmem:$0x240] =	vst v25;
	v25 =	vmul.f32 $8.752805590e-01, v34;
	v34 =	vmul.f32 $1.247194480e-01, v39;
	v39 =	vld [tilespmem:$0xD40]  }
0xd7: {  	v27 =	vmul.f32 $1.247194480e-01, v29;
	[tilespmem:$0x1FD80] =	vst v61;
	v61 =	vld [tilespmem:$0xB00]  }
0xd8: {  	v29 =	vadd.f32 v23, v22;
	v23 =	vld [tilespmem:$0xD20]  }
0xd9: {  	v18 =	vadd.f32 v27, v26;
	v22 =	vmul.f32 $1.247194480e-01, v33;
	v26 =	vmul.f32 $1.247194480e-01, v35;
	v27 =	vld [tilespmem:$0x330]  }
0xda: {  	v33 =	vmul.f32 $8.752805590e-01, v38;
	v35 =	vld [tilespmem:$0x340];
	v38 =	vmul.f32 $1.247194480e-01, v41  }
0xdb: {  	v41 =	vmul.f32 $8.752805590e-01, v42;
	v42 =	vmul.f32 $1.247194480e-01, v43;
	v43 =	vld [tilespmem:$0x350]  }
0xdc: {  	v30 =	vmul.f32 $8.752805590e-01, v30;
	v21 =	vadd.f32 v11, v10;
	v11 =	vld [tilespmem:$0x1F900]  }
0xdd: {  	[tilespmem:$0x1FE10] =	vst v24;
	v10 =	vld [tilespmem:$0x1130]  }
0xde: {  	v24 =	vadd.f32 v12, v30;
	v30 =	vmul.f32 $1.247194480e-01, v37;
	[tilespmem:$0x210] =	vst v9;
	v9 =	vld [tilespmem:$0x1150]  }
0xdf: {  	[tilespmem:$0x1FE30] =	vst v13;
	v13 =	vmul.f32 $8.752805590e-01, v44;
	v44 =	vmul.f32 $1.247194480e-01, v56;
	v56 =	vld [tilespmem:$0x1F770]  }
0xe0: {  	[tilespmem:$0x270] =	vst v24;
	v24 =	vmul.f32 $1.247194480e-01, v47;
	v47 =	vmul.f32 $8.752805590e-01, v59;
	v59 =	vld [tilespmem:$0x1F780]  }
0xe1: {  	v37 =	vmul.f32 $8.752805590e-01, v40;
	[tilespmem:$0x230] =	vst v21;
	v21 =	vmul.f32 $8.752805590e-01, v32;
	v32 =	vadd.f32 v26, v25;
	v25 =	vld [tilespmem:$0x360]  }
0xe2: {  	v40 =	vadd.f32 v34, v33;
	v33 =	vld [tilespmem:$0x370]  }
0xe3: {  	[tilespmem:$0x250] =	vst v29;
	v12 =	vadd.f32 v38, v37;
	v37 =	vld [tilespmem:$0xD70]  }
0xe4: {  	[tilespmem:$0x260] =	vst v18;
	v29 =	vmul.f32 $8.752805590e-01, v36;
	v18 =	vmul.f32 $1.247194480e-01, v45;
	v45 =	vld [tilespmem:$0xF00]  }
0xe5: {  	[tilespmem:$0x1FE20] =	vst v28;
	v28 =	vadd.f32 v22, v21;
	v21 =	vld [tilespmem:$0xD50]  }
0xe6: {  	[tilespmem:$0x1FE60] =	vst v31;
	v36 =	vadd.f32 v30, v29;
	v29 =	vld [tilespmem:$0xD60]  }
0xe7: {  	[tilespmem:$0x1FE80] =	vst v39;
	v22 =	vadd.f32 v42, v41;
	v41 =	vld [tilespmem:$0x500]  }
0xe8: {  	[tilespmem:$0x440] =	vst v12;
	v12 =	vld [tilespmem:$0x1F7A0]  }
0xe9: {  	[tilespmem:$0x410] =	vst v32;
	v26 =	vadd.f32 v18, v13;
	v13 =	vld [tilespmem:$0x1F7B0]  }
0xea: {  	[tilespmem:$0x430] =	vst v40;
	v18 =	vld [tilespmem:$0x530]  }
0xeb: {  	[tilespmem:$0x1FD90] =	vst v61;
	v61 =	vld [tilespmem:$0x110]  }
0xec: {  	[tilespmem:$0x1FE50] =	vst v27;
	v27 =	vmul.f32 $8.752805590e-01, v48;
	v48 =	vmul.f32 $1.247194480e-01, v57;
	v57 =	vld [tilespmem:$0x520]  }
0xed: {  	[tilespmem:$0x1FE70] =	vst v35;
	v35 =	vmul.f32 $8.752805590e-01, v52;
	v52 =	vmul.f32 $1.247194480e-01, v60;
	v60 =	vld [tilespmem:$0x1F790]  }
0xee: {  	[tilespmem:$0x1FE90] =	vst v43;
	v43 =	vmul.f32 $8.752805590e-01, v62;
	v62 =	vld [tilespmem:$0xF20]  }
0xef: {  	[tilespmem:$0x400] =	vst v28;
	v28 =	vmul.f32 $1.247194480e-01, v49;
	v49 =	vld [tilespmem:$0x510]  }
0xf0: {  	[tilespmem:$0x420] =	vst v36;
	v36 =	vmul.f32 $1.247194480e-01, v53;
	v53 =	vld [tilespmem:$0xF10]  }
0xf1: {  	v31 =	vmul.f32 $8.752805590e-01, v50;
	v32 =	vmul.f32 $1.247194480e-01, v51;
	[tilespmem:$0x450] =	vst v22;
	v22 =	vld [tilespmem:$0x1F7C0]  }
0xf2: {  	v39 =	vmul.f32 $8.752805590e-01, v54;
	v40 =	vmul.f32 $1.247194480e-01, v55;
	[tilespmem:$0x460] =	vst v26;
	v26 =	vld [tilespmem:$0x1F7E0]  }
0xf3: {  	v38 =	vadd.f32 v32, v31;
	v31 =	vld [tilespmem:$0x1F810]  }
0xf4: {  	[tilespmem:$0x1FE40] =	vst v23;
	v23 =	vmul.f32 $8.752805590e-01, v46;
	v46 =	vadd.f32 v40, v39;
	v40 =	vld [tilespmem:$0x1F860]  }
0xf5: {  	v5 =	vmul.f32 $1.247194480e-01, v56;
	v56 =	vld [tilespmem:$0x1F8D0]  }
0xf6: {  	v1 =	vmul.f32 $8.752805590e-01, v59;
	v59 =	vld [tilespmem:$0x1F8F0]  }
0xf7: {  	v30 =	vadd.f32 v24, v23;
	v23 =	vld [tilespmem:$0x1F7D0]  }
0xf8: {  	v24 =	vld [tilespmem:$0xF30]  }
0xf9: {  	[tilespmem:$0x1FED0] =	vst v33;
	v33 =	vld [tilespmem:$0x1F820]  }
0xfa: {  	[tilespmem:$0x1FEE0] =	vst v37;
	v37 =	vld [tilespmem:$0x1F840]  }
0xfb: {  	v51 =	vmul.f32 $8.752805590e-01, v58;
	v54 =	vadd.f32 v48, v47;
	v47 =	vld [tilespmem:$0x1F880]  }
0xfc: {  	v48 =	vld [tilespmem:$0x1F890]  }
0xfd: {  	v58 =	vadd.f32 v52, v51;
	v51 =	vld [tilespmem:$0x1F8B0]  }
0xfe: {  	v52 =	vld [tilespmem:$0x570]  }
0xff: {  	v50 =	vadd.f32 v44, v43;
	v44 =	vld [tilespmem:$0x1F9D0]  }
0x100: {  	v34 =	vadd.f32 v28, v27;
	v27 =	vld [tilespmem:$0x1F7F0]  }
0x101: {  	v28 =	vld [tilespmem:$0x540]  }
0x102: {  	v55 =	vmul.f32 $8.752805590e-01, v63;
	v42 =	vadd.f32 v36, v35;
	v35 =	vld [tilespmem:$0x550]  }
0x103: {  	[tilespmem:$0x610] =	vst v38;
	v38 =	vld [tilespmem:$0x1F850]  }
0x104: {  	v63 =	vadd.f32 v5, v55;
	v55 =	vld [tilespmem:$0x1F8C0]  }
0x105: {  	[tilespmem:$0x630] =	vst v46;
	v46 =	vld [tilespmem:$0x1F9E0]  }
0x106: {  	[tilespmem:$0x470] =	vst v30;
	v30 =	vld [tilespmem:$0x1F800]  }
0x107: {  	[tilespmem:$0x650] =	vst v54;
	v54 =	vld [tilespmem:$0xF50]  }
0x108: {  	[tilespmem:$0x1FEF0] =	vst v41;
	v41 =	vld [tilespmem:$0x1F870]  }
0x109: {  	[tilespmem:$0x640] =	vst v50;
	v50 =	vld [tilespmem:$0x1F8A0]  }
0x10a: {  	[tilespmem:$0x660] =	vst v58;
	v58 =	vld [tilespmem:$0x1F8E0]  }
0x10b: {  	v3 =	vmul.f32 $8.752805590e-01, v12;
	v12 =	vld [tilespmem:$0x1F910]  }
0x10c: {  	[tilespmem:$0x1FF50] =	vst v18;
	v18 =	vld [tilespmem:$0x1F920]  }
0x10d: {  	[tilespmem:$0x1FDA0] =	vst v61;
	v61 =	vld [tilespmem:$0xB10]  }
0x10e: {  	[tilespmem:$0x1FF40] =	vst v62;
	v62 =	vld [tilespmem:$0xF40]  }
0x10f: {  	[tilespmem:$0x600] =	vst v34;
	v34 =	vld [tilespmem:$0x1F830]  }
0x110: {  	v5 =	vmul.f32 $1.247194480e-01, v13;
	[tilespmem:$0x620] =	vst v42;
	v42 =	vld [tilespmem:$0x560]  }
0x111: {  	v4 =	vmul.f32 $1.247194480e-01, v60;
	v60 =	vld [tilespmem:$0x700]  }
0x112: {  	[tilespmem:$0x1FEB0] =	vst v25;
	v25 =	vadd.f32 v5, v3;
	v3 =	vmul.f32 $8.752805590e-01, v26;
	v26 =	vld [tilespmem:$0x1110]  }
0x113: {  	[tilespmem:$0x1FEA0] =	vst v21;
	v21 =	vadd.f32 v4, v1;
	v1 =	vmul.f32 $8.752805590e-01, v22;
	v22 =	vld [tilespmem:$0x710]  }
0x114: {  	[tilespmem:$0x1FFA0] =	vst v52;
	v52 =	vld [tilespmem:$0x740]  }
0x115: {  	[tilespmem:$0x1FF70] =	vst v28;
	v28 =	vld [tilespmem:$0x1F940]  }
0x116: {  	[tilespmem:$0x810] =	vst v25;
	v25 =	vld [tilespmem:$0x1FAA0]  }
0x117: {  	v4 =	vmul.f32 $1.247194480e-01, v23;
	v5 =	vmul.f32 $1.247194480e-01, v27;
	v27 =	vld [tilespmem:$0x1FAB0]  }
0x118: {  	[tilespmem:$0x800] =	vst v21;
	v21 =	vld [tilespmem:$0x1F930]  }
0x119: {  	[tilespmem:$0x1FEC0] =	vst v29;
	v29 =	vadd.f32 v4, v1;
	v4 =	vmul.f32 $1.247194480e-01, v31;
	v31 =	vld [tilespmem:$0x1F960]  }
0x11a: {  	[tilespmem:$0x1FDB0] =	vst v61;
	v61 =	vld [tilespmem:$0x120]  }
0x11b: {  	v32 =	vadd.f32 v5, v3;
	v3 =	vmul.f32 $8.752805590e-01, v33;
	v33 =	vld [tilespmem:$0x1F970]  }
0x11c: {  	v5 =	vmul.f32 $1.247194480e-01, v34;
	v34 =	vld [tilespmem:$0x720]  }
0x11d: {  	v1 =	vmul.f32 $8.752805590e-01, v30;
	[tilespmem:$0x1FFB0] =	vst v60;
	v60 =	vld [tilespmem:$0x1FA50]  }
0x11e: {  	[tilespmem:$0x820] =	vst v29;
	v29 =	vld [tilespmem:$0x1F950]  }
0x11f: {  	v36 =	vadd.f32 v4, v1;
	v1 =	vmul.f32 $8.752805590e-01, v37;
	v37 =	vld [tilespmem:$0x1F990]  }
0x120: {  	v39 =	vadd.f32 v5, v3;
	v3 =	vmul.f32 $8.752805590e-01, v40;
	v40 =	vld [tilespmem:$0xF70]  }
0x121: {  	[tilespmem:$0x830] =	vst v32;
	v32 =	vld [tilespmem:$0x1100]  }
0x122: {  	v4 =	vmul.f32 $1.247194480e-01, v38;
	v5 =	vmul.f32 $1.247194480e-01, v41;
	v41 =	vld [tilespmem:$0x1F9B0]  }
0x123: {  	[tilespmem:$0x1FFC0] =	vst v22;
	v22 =	vld [tilespmem:$0x1FA80]  }
0x124: {  	v43 =	vadd.f32 v4, v1;
	v1 =	vmul.f32 $8.752805590e-01, v47;
	v47 =	vld [tilespmem:$0xF60]  }
0x125: {  	[tilespmem:$0x840] =	vst v36;
	v36 =	vld [tilespmem:$0x1F980]  }
0x126: {  	v4 =	vmul.f32 $1.247194480e-01, v48;
	v48 =	vld [tilespmem:$0x1F9F0]  }
0x127: {  	[tilespmem:$0x850] =	vst v39;
	v39 =	vld [tilespmem:$0x1F9A0]  }
0x128: {  	[tilespmem:$0x1FF10] =	vst v49;
	v49 =	vadd.f32 v5, v3;
	v3 =	vmul.f32 $8.752805590e-01, v50;
	v50 =	vld [tilespmem:$0x1FA00]  }
0x129: {  	v5 =	vmul.f32 $1.247194480e-01, v51;
	v51 =	vld [tilespmem:$0x1FA10]  }
0x12a: {  	[tilespmem:$0x1FDC0] =	vst v61;
	v61 =	vld [tilespmem:$0xB20]  }
0x12b: {  	[tilespmem:$0x860] =	vst v43;
	v43 =	vld [tilespmem:$0x1F9C0]  }
0x12c: {  	[tilespmem:$0x1FF20] =	vst v53;
	v53 =	vadd.f32 v4, v1;
	v1 =	vmul.f32 $8.752805590e-01, v55;
	v55 =	vld [tilespmem:$0x1FA20]  }
0x12d: {  	v4 =	vmul.f32 $1.247194480e-01, v56;
	v56 =	vld [tilespmem:$0x1FA30]  }
0x12e: {  	[tilespmem:$0x1FFD0] =	vst v34;
	v34 =	vld [tilespmem:$0x1FAE0]  }
0x12f: {  	[tilespmem:$0x1FF30] =	vst v57;
	v57 =	vadd.f32 v5, v3;
	v5 =	vmul.f32 $1.247194480e-01, v59;
	v59 =	vld [tilespmem:$0x730]  }
0x130: {  	v3 =	vmul.f32 $8.752805590e-01, v58;
	v58 =	vld [tilespmem:$0x1FA40]  }
0x131: {  	[tilespmem:$0x670] =	vst v63;
	v63 =	vadd.f32 v4, v1;
	v4 =	vmul.f32 $1.247194480e-01, v12;
	v12 =	vld [tilespmem:$0x1FA60]  }
0x132: {  	v1 =	vmul.f32 $8.752805590e-01, v11;
	v11 =	vld [tilespmem:$0x1160]  }
0x133: {  	v13 =	vadd.f32 v5, v3;
	v3 =	vmul.f32 $8.752805590e-01, v18;
	v18 =	vld [tilespmem:$0x1120]  }
0x134: {  	v23 =	vadd.f32 v4, v1;
	v4 =	vmul.f32 $1.247194480e-01, v29;
	v29 =	vld [tilespmem:$0x1FAC0]  }
0x135: {  	v5 =	vmul.f32 $1.247194480e-01, v21;
	[tilespmem:$0x1FDD0] =	vst v61;
	v61 =	vld [tilespmem:$0x130]  }
0x136: {  	[tilespmem:$0xB0] =	vst v13;
	v13 =	vld [tilespmem:$0x1FA70]  }
0x137: {  	v1 =	vmul.f32 $8.752805590e-01, v28;
	v30 =	vadd.f32 v5, v3;
	v3 =	vmul.f32 $8.752805590e-01, v31;
	v31 =	vld [tilespmem:$0x1FAD0]  }
0x138: {  	[tilespmem:$0xC0] =	vst v23;
	v23 =	vld [tilespmem:$0x1FA90]  }
0x139: {  	[tilespmem:$0x1FF80] =	vst v35;
	v5 =	vmul.f32 $1.247194480e-01, v33;
	v35 =	vadd.f32 v4, v1;
	v4 =	vmul.f32 $1.247194480e-01, v37;
	v37 =	vld [tilespmem:$0x1FB00]  }
0x13a: {  	v1 =	vmul.f32 $8.752805590e-01, v36;
	[tilespmem:$0xD0] =	vst v30;
	v30 =	vld [tilespmem:$0x770]  }
0x13b: {  	v38 =	vadd.f32 v5, v3;
	v3 =	vmul.f32 $8.752805590e-01, v39;
	v39 =	vld [tilespmem:$0x1FB10]  }
0x13c: {  	[tilespmem:$0x1FF90] =	vst v42;
	v42 =	vadd.f32 v4, v1;
	v4 =	vmul.f32 $1.247194480e-01, v44;
	v44 =	vld [tilespmem:$0x750]  }
0x13d: {  	[tilespmem:$0xE0] =	vst v35;
	v35 =	vld [tilespmem:$0x1FAF0]  }
0x13e: {  	v5 =	vmul.f32 $1.247194480e-01, v41;
	v1 =	vmul.f32 $8.752805590e-01, v43;
	v43 =	vld [tilespmem:$0x1FB30]  }
0x13f: {  	[tilespmem:$0xF0] =	vst v38;
	v38 =	vld [tilespmem:$0x760]  }
0x140: {  	[tilespmem:$0x1FF00] =	vst v45;
	v45 =	vadd.f32 v5, v3;
	v3 =	vmul.f32 $8.752805590e-01, v46;
	v46 =	vld [tilespmem:$0x1FB40]  }
0x141: {  	v5 =	vmul.f32 $1.247194480e-01, v48;
	v48 =	vld [tilespmem:$0x1FB50]  }
0x142: {  	[tilespmem:$0x280] =	vst v42;
	v42 =	vld [tilespmem:$0x1FB20]  }
0x143: {  	[tilespmem:$0x870] =	vst v49;
	v49 =	vadd.f32 v4, v1;
	v1 =	vmul.f32 $8.752805590e-01, v50;
	v50 =	vld [tilespmem:$0x1FB60]  }
0x144: {  	v4 =	vmul.f32 $1.247194480e-01, v51;
	v51 =	vld [tilespmem:$0x1FB70]  }
0x145: {  	[tilespmem:$0x80] =	vst v53;
	v53 =	vadd.f32 v5, v3;
	v3 =	vmul.f32 $8.752805590e-01, v55;
	v55 =	vld [tilespmem:$0x1FB80]  }
0x146: {  	v5 =	vmul.f32 $1.247194480e-01, v56;
	v56 =	vld [tilespmem:$0x1FB90]  }
0x147: {  	[tilespmem:$0x90] =	vst v57;
	v57 =	vadd.f32 v4, v1;
	v1 =	vmul.f32 $8.752805590e-01, v58;
	v58 =	vld [tilespmem:$0x1FBA0]  }
0x148: {  	v4 =	vmul.f32 $1.247194480e-01, v60;
	v60 =	vld [tilespmem:$0x1FBB0]  }
0x149: {  	[tilespmem:$0xA0] =	vst v63;
	v63 =	vadd.f32 v5, v3;
	v3 =	vmul.f32 $8.752805590e-01, v12;
	v12 =	vld [tilespmem:$0x1170]  }
0x14a: {  	v5 =	vmul.f32 $1.247194480e-01, v13;
	v13 =	vld [tilespmem:$0x1300]  }
0x14b: {  	v21 =	vadd.f32 v4, v1;
	v1 =	vmul.f32 $8.752805590e-01, v22;
	v22 =	vld [tilespmem:$0x900]  }
0x14c: {  	v4 =	vmul.f32 $1.247194480e-01, v23;
	v23 =	vld [tilespmem:$0x1310]  }
0x14d: {  	[tilespmem:$0x1FF60] =	vst v24;
	v24 =	vadd.f32 v5, v3;
	v3 =	vmul.f32 $8.752805590e-01, v25;
	v25 =	vld [tilespmem:$0x1320]  }
0x14e: {  	v5 =	vmul.f32 $1.247194480e-01, v27;
	v27 =	vld [tilespmem:$0x930]  }
0x14f: {  	[tilespmem:$0x2E0] =	vst v21;
	v21 =	vld [tilespmem:$0x910]  }
0x150: {  	v28 =	vadd.f32 v4, v1;
	v1 =	vmul.f32 $8.752805590e-01, v29;
	v29 =	vld [tilespmem:$0x1FBC0]  }
0x151: {  	v4 =	vmul.f32 $1.247194480e-01, v31;
	v31 =	vld [tilespmem:$0x1FBD0]  }
0x152: {  	[tilespmem:$0x2F0] =	vst v24;
	v24 =	vld [tilespmem:$0x920]  }
0x153: {  	v33 =	vadd.f32 v5, v3;
	v3 =	vmul.f32 $8.752805590e-01, v34;
	v34 =	vld [tilespmem:$0x1FBE0]  }
0x154: {  	v5 =	vmul.f32 $1.247194480e-01, v35;
	v35 =	vld [tilespmem:$0x1FBF0]  }
0x155: {  	[tilespmem:$0x480] =	vst v28;
	v28 =	vld [tilespmem:$0x1330]  }
0x156: {  	v36 =	vadd.f32 v4, v1;
	v1 =	vmul.f32 $8.752805590e-01, v37;
	v37 =	vld [tilespmem:$0x1FC00]  }
0x157: {  	v4 =	vmul.f32 $1.247194480e-01, v39;
	v39 =	vld [tilespmem:$0x1FC10]  }
0x158: {  	v41 =	vadd.f32 v5, v3;
	v3 =	vmul.f32 $8.752805590e-01, v42;
	v42 =	vld [tilespmem:$0x1FC20]  }
0x159: {  	v5 =	vmul.f32 $1.247194480e-01, v43;
	v43 =	vld [tilespmem:$0x1FC30]  }
0x15a: {  	[tilespmem:$0x290] =	vst v45;
	v45 =	vadd.f32 v4, v1;
	v1 =	vmul.f32 $8.752805590e-01, v46;
	v46 =	vld [tilespmem:$0x1FC40]  }
0x15b: {  	v4 =	vmul.f32 $1.247194480e-01, v48;
	v48 =	vld [tilespmem:$0x1FC50]  }
0x15c: {  	[tilespmem:$0x2A0] =	vst v49;
	v49 =	vadd.f32 v5, v3;
	v3 =	vmul.f32 $8.752805590e-01, v50;
	v50 =	vld [tilespmem:$0x1FC60]  }
0x15d: {  	v5 =	vmul.f32 $1.247194480e-01, v51;
	v51 =	vld [tilespmem:$0x1FC70]  }
0x15e: {  	[tilespmem:$0x2B0] =	vst v53;
	v53 =	vadd.f32 v4, v1;
	v1 =	vmul.f32 $8.752805590e-01, v55;
	v4 =	vmul.f32 $1.247194480e-01, v56;
	v55 =	vld [tilespmem:$0x1FC80]  }
0x15f: {  	[tilespmem:$0x2C0] =	vst v57;
	v56 =	vld [tilespmem:$0x1FC90];
	v57 =	vadd.f32 v5, v3;
	v3 =	vmul.f32 $8.752805590e-01, v58;
	v5 =	vmul.f32 $1.247194480e-01, v60  }
0x160: {  	[tilespmem:$0x2D0] =	vst v63;
	v58 =	vld [tilespmem:$0x1FCA0];
	v63 =	vadd.f32 v4, v1;
	v1 =	vmul.f32 $8.752805590e-01, v29;
	v4 =	vmul.f32 $1.247194480e-01, v31  }
0x161: {  	[tilespmem:$0x490] =	vst v33;
	v60 =	vld [tilespmem:$0x1FCB0];
	v33 =	vadd.f32 v5, v3;
	v3 =	vmul.f32 $8.752805590e-01, v34;
	v5 =	vmul.f32 $1.247194480e-01, v35  }
0x162: {  	[tilespmem:$0x4A0] =	vst v36;
	v29 =	vld [tilespmem:$0x940];
	v36 =	vadd.f32 v4, v1;
	v1 =	vmul.f32 $8.752805590e-01, v37  }
0x163: {  	[tilespmem:$0x4B0] =	vst v41;
	v4 =	vmul.f32 $1.247194480e-01, v39;
	v41 =	vadd.f32 v5, v3;
	v3 =	vmul.f32 $8.752805590e-01, v42;
	v42 =	vld [tilespmem:$0x1FCC0]  }
0x164: {  	v5 =	vmul.f32 $1.247194480e-01, v43;
	v43 =	vld [tilespmem:$0x1FCD0]  }
0x165: {  	[tilespmem:$0x4C0] =	vst v45;
	v45 =	vadd.f32 v4, v1;
	v1 =	vmul.f32 $8.752805590e-01, v46;
	v46 =	vld [tilespmem:$0x1FCE0]  }
0x166: {  	v4 =	vmul.f32 $1.247194480e-01, v48;
	v48 =	vld [tilespmem:$0x1FCF0]  }
0x167: {  	[tilespmem:$0x4D0] =	vst v49;
	v49 =	vadd.f32 v5, v3;
	v3 =	vmul.f32 $8.752805590e-01, v50;
	v50 =	vld [tilespmem:$0x1FD00]  }
0x168: {  	v5 =	vmul.f32 $1.247194480e-01, v51;
	v51 =	vld [tilespmem:$0x1FD10]  }
0x169: {  	[tilespmem:$0x4E0] =	vst v53;
	v53 =	vadd.f32 v4, v1;
	v1 =	vmul.f32 $8.752805590e-01, v55;
	v4 =	vmul.f32 $1.247194480e-01, v56;
	v55 =	vld [tilespmem:$0x1FD20]  }
0x16a: {  	[tilespmem:$0x4F0] =	vst v57;
	v57 =	vadd.f32 v5, v3;
	v3 =	vmul.f32 $8.752805590e-01, v58;
	v5 =	vmul.f32 $1.247194480e-01, v60;
	v58 =	vld [tilespmem:$0x1FD40]  }
0x16b: {  	[tilespmem:$0x680] =	vst v63;
	v60 =	vld [tilespmem:$0x1FD50];
	v63 =	vadd.f32 v4, v1;
	v1 =	vmul.f32 $8.752805590e-01, v42;
	v4 =	vmul.f32 $1.247194480e-01, v43  }
0x16c: {  	[tilespmem:$0x6C0] =	vst v45;
	v56 =	vld [tilespmem:$0x1FD30];
	v45 =	vadd.f32 v5, v3;
	v3 =	vmul.f32 $8.752805590e-01, v46  }
0x16d: {  	[tilespmem:$0x6D0] =	vst v49;
	v5 =	vmul.f32 $1.247194480e-01, v48;
	v49 =	vadd.f32 v4, v1;
	v1 =	vmul.f32 $8.752805590e-01, v50;
	v50 =	vld [tilespmem:$0x1FD60]  }
0x16e: {  	v4 =	vmul.f32 $1.247194480e-01, v51;
	v51 =	vld [tilespmem:$0x1FD70]  }
0x16f: {  	v31 =	vld [tilespmem:$0x1340];
	[tilespmem:$0x6E0] =	vst v53;
	v53 =	vadd.f32 v5, v3  }
0x170: {  	[tilespmem:$0x6F0] =	vst v57;
	v57 =	vadd.f32 v4, v1;
	v1 =	vmul.f32 $8.752805590e-01, v58;
	v4 =	vmul.f32 $1.247194480e-01, v60;
	v58 =	vld [tilespmem:$0x1FDA0]  }
0x171: {  	v3 =	vmul.f32 $8.752805590e-01, v55;
	v5 =	vmul.f32 $1.247194480e-01, v56;
	v55 =	vld [tilespmem:$0x1FD80]  }
0x172: {  	v56 =	vld [tilespmem:$0x1FD90];
	[tilespmem:$0x8B0] =	vst v53;
	v53 =	vadd.f32 v4, v1  }
0x173: {  	[tilespmem:$0x880] =	vst v63;
	v60 =	vld [tilespmem:$0x1FDB0];
	v63 =	vadd.f32 v5, v3;
	v3 =	vmul.f32 $8.752805590e-01, v50;
	v5 =	vmul.f32 $1.247194480e-01, v51  }
0x174: {  	[tilespmem:$0x8E0] =	vst v53;
	v53 =	vld [tilespmem:$0x1FDC0]  }
0x175: {  	[tilespmem:$0x8C0] =	vst v57;
	v57 =	vadd.f32 v5, v3;
	v3 =	vmul.f32 $8.752805590e-01, v58;
	v58 =	vld [tilespmem:$0x1FDE0]  }
0x176: {  	v1 =	vmul.f32 $8.752805590e-01, v55;
	v55 =	vld [tilespmem:$0x1FDD0]  }
0x177: {  	v34 =	vld [tilespmem:$0x1350];
	v4 =	vmul.f32 $1.247194480e-01, v56  }
0x178: {  	[tilespmem:$0x220] =	vst v0;
	v35 =	vld [tilespmem:$0x960];
	v5 =	vmul.f32 $1.247194480e-01, v60  }
0x179: {  	v37 =	vld [tilespmem:$0x970];
	[tilespmem:$0x8D0] =	vst v63;
	v63 =	vadd.f32 v4, v1  }
0x17a: {  	v39 =	vld [tilespmem:$0x1370];
	[tilespmem:$0x8F0] =	vst v57;
	v56 =	vadd.f32 v5, v3;
	v57 =	vmul.f32 $8.752805590e-01, v61;
	v5 =	vmul.f32 $1.247194480e-01, v58  }
0x17b: {  	[tilespmem:$0x690] =	vst v33;
	v1 =	vmul.f32 $8.752805590e-01, v53;
	v4 =	vmul.f32 $1.247194480e-01, v55;
	v58 =	vld [tilespmem:$0x1FE00]  }
0x17c: {  	[tilespmem:$0x100] =	vst v63;
	v63 =	vadd.f32 v5, v57;
	v57 =	vld [tilespmem:$0x1FDF0]  }
0x17d: {  	v33 =	vld [tilespmem:$0x950];
	[tilespmem:$0x6A0] =	vst v36;
	v60 =	vmul.f32 $8.752805590e-01, v6;
	v61 =	vmul.f32 $1.247194480e-01, v7;
	v0 =	vadd.f32 v4, v1  }
0x17e: {  	v36 =	vld [tilespmem:$0x1360];
	[tilespmem:$0x6B0] =	vst v41  }
0x17f: {  	v41 =	vld [tilespmem:$0x180];
	[tilespmem:$0x120] =	vst v0;
	v0 =	vadd.f32 v61, v60;
	v60 =	vmul.f32 $8.752805590e-01, v14;
	v61 =	vmul.f32 $1.247194480e-01, v15  }
0x180: {  	v42 =	vld [tilespmem:$0xB80];
	v14 =	vmul.f32 $8.752805590e-01, v16;
	v15 =	vmul.f32 $1.247194480e-01, v17  }
0x181: {  	v43 =	vld [tilespmem:$0x190];
	v5 =	vmul.f32 $1.247194480e-01, v58;
	v3 =	vmul.f32 $8.752805590e-01, v57  }
0x182: {  	v46 =	vld [tilespmem:$0x1A0];
	v17 =	vmul.f32 $8.752805590e-01, v19;
	v16 =	vadd.f32 v61, v60  }
0x183: {  	v19 =	vmul.f32 $1.247194480e-01, v20;
	[tilespmem:$0x130] =	vst v63;
	v20 =	vadd.f32 v15, v14;
	v15 =	vld [tilespmem:$0x1FE30];
	v63 =	vadd.f32 v5, v3  }
0x184: {  	[tilespmem:$0x160] =	vst v16;
	v16 =	vld [tilespmem:$0x1FE40]  }
0x185: {  	v14 =	vadd.f32 v19, v17;
	[tilespmem:$0x150] =	vst v63;
	v63 =	vld [tilespmem:$0x1FE20]  }
0x186: {  	v7 =	vld [tilespmem:$0x1FE70]  }
0x187: {  	[tilespmem:$0x300] =	vst v14;
	v14 =	vld [tilespmem:$0x1FE80]  }
0x188: {  	v61 =	vld [tilespmem:$0x1FE10]  }
0x189: {  	[tilespmem:$0x170] =	vst v20;
	v20 =	vld [tilespmem:$0x1FE50];
	v1 =	vmul.f32 $8.752805590e-01, v15  }
0x18a: {  	v4 =	vmul.f32 $1.247194480e-01, v16;
	v5 =	vmul.f32 $1.247194480e-01, v63;
	v63 =	vld [tilespmem:$0x1FE60]  }
0x18b: {  	v48 =	vld [tilespmem:$0xBA0]  }
0x18c: {  	[tilespmem:$0x890] =	vst v45;
	v45 =	vld [tilespmem:$0xB90];
	v15 =	vmul.f32 $1.247194480e-01, v14;
	v6 =	vadd.f32 v4, v1;
	v1 =	vmul.f32 $8.752805590e-01, v7  }
0x18d: {  	v3 =	vmul.f32 $8.752805590e-01, v61;
	v7 =	vld [tilespmem:$0x1FEB0]  }
0x18e: {  	v4 =	vadd.f32 v15, v1;
	v15 =	vld [tilespmem:$0x1FEC0]  }
0x18f: {  	[tilespmem:$0x8A0] =	vst v49;
	v49 =	vld [tilespmem:$0x1B0];
	v17 =	vadd.f32 v5, v3;
	v3 =	vmul.f32 $8.752805590e-01, v20;
	v5 =	vmul.f32 $1.247194480e-01, v63  }
0x190: {  	v19 =	vld [tilespmem:$0x1FE90]  }
0x191: {  	[tilespmem:$0x30] =	vst v2;
	v2 =	vadd.f32 v5, v3;
	v5 =	vld [tilespmem:$0x1FEA0]  }
0x192: {  	v50 =	vld [tilespmem:$0xBB0]  }
0x193: {  	v14 =	vmul.f32 $8.752805590e-01, v7;
	v7 =	vld [tilespmem:$0x1FEE0];
	v1 =	vmul.f32 $1.247194480e-01, v15  }
0x194: {  	v15 =	vld [tilespmem:$0x1FF00]  }
0x195: {  	[tilespmem:$0x340] =	vst v4;
	v4 =	vadd.f32 v1, v14;
	v14 =	vld [tilespmem:$0x1FEF0]  }
0x196: {  	v51 =	vld [tilespmem:$0x1C0];
	[tilespmem:$0x140] =	vst v0;
	v3 =	vmul.f32 $8.752805590e-01, v19;
	v0 =	vmul.f32 $1.247194480e-01, v5  }
0x197: {  	v53 =	vld [tilespmem:$0xBC0]  }
0x198: {  	v5 =	vadd.f32 v0, v3;
	v3 =	vmul.f32 $1.247194480e-01, v7;
	v7 =	vld [tilespmem:$0x1FF10]  }
0x199: {  	v16 =	vld [tilespmem:$0x1FED0]  }
0x19a: {  	v55 =	vld [tilespmem:$0x1D0];
	[tilespmem:$0x320] =	vst v6;
	v6 =	vmul.f32 $8.752805590e-01, v14;
	v0 =	vmul.f32 $1.247194480e-01, v15  }
0x19b: {  	[tilespmem:$0x110] =	vst v56;
	v14 =	vld [tilespmem:$0x1FF20]  }
0x19c: {  	[tilespmem:$0x360] =	vst v4;
	v4 =	vadd.f32 v0, v6;
	v6 =	vld [tilespmem:$0x1FF30]  }
0x19d: {  	[tilespmem:$0x350] =	vst v5;
	v5 =	vmul.f32 $8.752805590e-01, v7;
	v7 =	vld [tilespmem:$0x1FF40]  }
0x19e: {  	v56 =	vld [tilespmem:$0xBD0];
	[tilespmem:$0x330] =	vst v2;
	v2 =	vmul.f32 $8.752805590e-01, v16  }
0x19f: {  	[tilespmem:$0x500] =	vst v4;
	v4 =	vld [tilespmem:$0x1FF70]  }
0x1a0: {  	v58 =	vld [tilespmem:$0xBE0];
	v3 =	vadd.f32 v3, v2;
	v1 =	vmul.f32 $1.247194480e-01, v14  }
0x1a1: {  	v60 =	vld [tilespmem:$0x1F0]  }
0x1a2: {  	[tilespmem:$0x370] =	vst v3;
	v2 =	vmul.f32 $8.752805590e-01, v6;
	v3 =	vadd.f32 v1, v5;
	v5 =	vld [tilespmem:$0x1FF50];
	v0 =	vmul.f32 $1.247194480e-01, v7  }
0x1a3: {  	v6 =	vld [tilespmem:$0x1FF60]  }
0x1a4: {  	v57 =	vld [tilespmem:$0x1E0];
	v0 =	vadd.f32 v0, v2;
	v2 =	vmul.f32 $8.752805590e-01, v4;
	v4 =	vmul.f32 $1.247194480e-01, v62  }
0x1a5: {  	[tilespmem:$0x510] =	vst v3;
	v3 =	vld [tilespmem:$0x1FF80]  }
0x1a6: {  	[tilespmem:$0x520] =	vst v0;
	v0 =	vadd.f32 v4, v2;
	v4 =	vld [tilespmem:$0x1FF90]  }
0x1a7: {  	v61 =	vld [tilespmem:$0xBF0]  }
0x1a8: {  	v20 =	vld [tilespmem:$0xD80];
	v5 =	vmul.f32 $8.752805590e-01, v5;
	v1 =	vmul.f32 $1.247194480e-01, v6  }
0x1a9: {  	[tilespmem:$0x310] =	vst v17;
	v17 =	vld [tilespmem:$0xD90]  }
0x1aa: {  	v63 =	vld [tilespmem:$0x380];
	v1 =	vadd.f32 v1, v5;
	v3 =	vmul.f32 $8.752805590e-01, v3;
	v5 =	vmul.f32 $1.247194480e-01, v54  }
0x1ab: {  	v19 =	vld [tilespmem:$0x390];
	v2 =	vmul.f32 $8.752805590e-01, v4;
	v4 =	vmul.f32 $1.247194480e-01, v47  }
0x1ac: {  	[tilespmem:$0x530] =	vst v1;
	v1 =	vadd.f32 v5, v3;
	v3 =	vld [tilespmem:$0x1FFA0]  }
0x1ad: {  	[tilespmem:$0x540] =	vst v0;
	v0 =	vadd.f32 v4, v2;
	v4 =	vld [tilespmem:$0x1FFB0]  }
0x1ae: {  	v16 =	vld [tilespmem:$0x3A0]  }
0x1af: {  	v15 =	vld [tilespmem:$0xDA0]  }
0x1b0: {  	v14 =	vld [tilespmem:$0x3B0]  }
0x1b1: {  	v7 =	vld [tilespmem:$0xDB0];
	v5 =	vmul.f32 $1.247194480e-01, v40;
	v3 =	vmul.f32 $8.752805590e-01, v3  }
0x1b2: {  	v6 =	vld [tilespmem:$0x3C0];
	v2 =	vmul.f32 $8.752805590e-01, v4;
	v4 =	vmul.f32 $1.247194480e-01, v32  }
0x1b3: {  	[tilespmem:$0x550] =	vst v1;
	v1 =	vadd.f32 v5, v3;
	v3 =	vld [tilespmem:$0x1FFC0]  }
0x1b4: {  	[tilespmem:$0x560] =	vst v0;
	v0 =	vadd.f32 v4, v2;
	v4 =	vld [tilespmem:$0x1FFD0]  }
0x1b5: {  	v62 =	vld [tilespmem:$0xDC0]  }
0x1b6: {  	v54 =	vld [tilespmem:$0x3D0]  }
0x1b7: {  	v40 =	vld [tilespmem:$0x3E0]  }
0x1b8: {  	v47 =	vld [tilespmem:$0xDD0];
	v5 =	vmul.f32 $1.247194480e-01, v26;
	v3 =	vmul.f32 $8.752805590e-01, v3  }
0x1b9: {  	v26 =	vld [tilespmem:$0x3F0];
	v2 =	vmul.f32 $8.752805590e-01, v4;
	v4 =	vmul.f32 $1.247194480e-01, v18  }
0x1ba: {  	[tilespmem:$0x570] =	vst v1;
	v32 =	vld [tilespmem:$0xDE0];
	v1 =	vadd.f32 v5, v3;
	v3 =	vmul.f32 $8.752805590e-01, v59;
	v59 =	vmul.f32 $1.247194480e-01, v10  }
0x1bb: {  	v10 =	vld [tilespmem:$0x580];
	[tilespmem:$0x700] =	vst v0;
	v0 =	vadd.f32 v4, v2;
	v2 =	vmul.f32 $8.752805590e-01, v52;
	v4 =	vmul.f32 $1.247194480e-01, v8  }
0x1bc: {  	[tilespmem:$0x710] =	vst v1;
	v1 =	vadd.f32 v59, v3;
	v59 =	vmul.f32 $1.247194480e-01, v9;
	v9 =	vld [tilespmem:$0x590];
	v52 =	vmul.f32 $8.752805590e-01, v44  }
0x1bd: {  	v18 =	vld [tilespmem:$0xDF0];
	[tilespmem:$0x720] =	vst v0;
	v0 =	vadd.f32 v4, v2;
	v2 =	vmul.f32 $8.752805590e-01, v38;
	v38 =	vmul.f32 $1.247194480e-01, v11  }
0x1be: {  	v8 =	vld [tilespmem:$0xF80];
	v44 =	vadd.f32 v59, v52;
	v52 =	vmul.f32 $8.752805590e-01, v30;
	v59 =	vmul.f32 $1.247194480e-01, v12  }
0x1bf: {  	v11 =	vld [tilespmem:$0xF90];
	v30 =	vmul.f32 $8.752805590e-01, v22;
	[tilespmem:$0x740] =	vst v0;
	v0 =	vadd.f32 v38, v2;
	v38 =	vmul.f32 $1.247194480e-01, v13  }
0x1c0: {  	v12 =	vld [tilespmem:$0x5A0];
	[tilespmem:$0x750] =	vst v44;
	v44 =	vadd.f32 v59, v52;
	v52 =	vmul.f32 $8.752805590e-01, v21;
	v59 =	vmul.f32 $1.247194480e-01, v23  }
0x1c1: {  	v31 =	vmul.f32 $1.247194480e-01, v31;
	v43 =	vmul.f32 $8.752805590e-01, v43;
	v22 =	vld [tilespmem:$0xFB0];
	[tilespmem:$0x760] =	vst v0;
	v0 =	vadd.f32 v38, v30  }
0x1c2: {  	v13 =	vld [tilespmem:$0xFA0];
	v30 =	vmul.f32 $8.752805590e-01, v24;
	v38 =	vmul.f32 $1.247194480e-01, v25;
	[tilespmem:$0x770] =	vst v44;
	v44 =	vadd.f32 v59, v52  }
0x1c3: {  	v21 =	vld [tilespmem:$0x5B0];
	v52 =	vmul.f32 $8.752805590e-01, v27;
	v59 =	vmul.f32 $1.247194480e-01, v28  }
0x1c4: {  	v23 =	vld [tilespmem:$0x5C0];
	v28 =	vadd.f32 v38, v30;
	v30 =	vmul.f32 $8.752805590e-01, v29;
	[tilespmem:$0x910] =	vst v44;
	v44 =	vmul.f32 $8.752805590e-01, v33  }
0x1c5: {  	[tilespmem:$0x730] =	vst v1;
	v24 =	vld [tilespmem:$0xFC0];
	v38 =	vadd.f32 v59, v52;
	v52 =	vmul.f32 $1.247194480e-01, v34;
	v33 =	vmul.f32 $8.752805590e-01, v35  }
0x1c6: {  	v25 =	vld [tilespmem:$0x5D0];
	[tilespmem:$0x900] =	vst v0;
	v34 =	vmul.f32 $1.247194480e-01, v36;
	v36 =	vmul.f32 $8.752805590e-01, v37  }
0x1c7: {  	v27 =	vld [tilespmem:$0xFD0];
	v37 =	vmul.f32 $1.247194480e-01, v39;
	v39 =	vmul.f32 $8.752805590e-01, v41;
	[tilespmem:$0x920] =	vst v28;
	v59 =	vadd.f32 v31, v30  }
0x1c8: {  	v41 =	vmul.f32 $1.247194480e-01, v42;
	v29 =	vld [tilespmem:$0xFE0];
	[tilespmem:$0x930] =	vst v38;
	v35 =	vadd.f32 v52, v44;
	v38 =	vadd.f32 v34, v33  }
0x1c9: {  	v28 =	vld [tilespmem:$0x5E0];
	v42 =	vadd.f32 v37, v36;
	v44 =	vmul.f32 $1.247194480e-01, v45;
	v52 =	vmul.f32 $8.752805590e-01, v46;
	[tilespmem:$0x940] =	vst v59  }
0x1ca: {  	v30 =	vld [tilespmem:$0x5F0];
	v45 =	vadd.f32 v41, v39;
	v37 =	vmul.f32 $8.752805590e-01, v49;
	v41 =	vmul.f32 $8.752805590e-01, v51;
	[tilespmem:$0x950] =	vst v35  }
0x1cb: {  	v31 =	vld [tilespmem:$0xFF0];
	v49 =	vmul.f32 $1.247194480e-01, v58;
	[tilespmem:$0x960] =	vst v38;
	v59 =	vmul.f32 $1.247194480e-01, v48  }
0x1cc: {  	v33 =	vld [tilespmem:$0x780];
	v51 =	vmul.f32 $8.752805590e-01, v60;
	[tilespmem:$0x970] =	vst v42;
	v36 =	vadd.f32 v44, v43;
	v38 =	vmul.f32 $1.247194480e-01, v50  }
0x1cd: {  	v34 =	vld [tilespmem:$0x1180];
	v58 =	vmul.f32 $8.752805590e-01, v19;
	[tilespmem:$0x180] =	vst v45;
	v42 =	vmul.f32 $1.247194480e-01, v53;
	v39 =	vadd.f32 v59, v52  }
0x1ce: {  	v44 =	vmul.f32 $8.752805590e-01, v55;
	v45 =	vmul.f32 $1.247194480e-01, v56;
	v35 =	vld [tilespmem:$0x790];
	[tilespmem:$0x190] =	vst v36;
	v43 =	vadd.f32 v38, v37  }
0x1cf: {  	v48 =	vmul.f32 $8.752805590e-01, v57;
	v56 =	vmul.f32 $1.247194480e-01, v20;
	v20 =	vld [tilespmem:$0x11A0];
	v46 =	vadd.f32 v42, v41;
	[tilespmem:$0x1A0] =	vst v39  }
0x1d0: {  	v55 =	vmul.f32 $8.752805590e-01, v63;
	v63 =	vmul.f32 $1.247194480e-01, v15;
	v15 =	vld [tilespmem:$0x11B0];
	v50 =	vadd.f32 v45, v44;
	[tilespmem:$0x1B0] =	vst v43  }
0x1d1: {  	v36 =	vld [tilespmem:$0x1190];
	v52 =	vmul.f32 $1.247194480e-01, v61;
	v53 =	vadd.f32 v49, v48;
	v59 =	vmul.f32 $1.247194480e-01, v17;
	[tilespmem:$0x1C0] =	vst v46  }
0x1d2: {  	v37 =	vld [tilespmem:$0x7A0];
	v60 =	vadd.f32 v56, v55;
	v61 =	vmul.f32 $8.752805590e-01, v16;
	v38 =	vmul.f32 $8.752805590e-01, v14;
	[tilespmem:$0x1D0] =	vst v50  }
0x1d3: {  	v17 =	vld [tilespmem:$0x7B0];
	v42 =	vmul.f32 $8.752805590e-01, v6;
	v45 =	vmul.f32 $8.752805590e-01, v54;
	v57 =	vadd.f32 v52, v51;
	[tilespmem:$0x1E0] =	vst v53  }
0x1d4: {  	v6 =	vld [tilespmem:$0x11C0];
	v48 =	vmul.f32 $8.752805590e-01, v40;
	v49 =	vmul.f32 $1.247194480e-01, v32;
	v19 =	vadd.f32 v59, v58;
	[tilespmem:$0x380] =	vst v60  }
0x1d5: {  	v14 =	vld [tilespmem:$0x7D0];
	v54 =	vmul.f32 $8.752805590e-01, v10;
	v55 =	vmul.f32 $1.247194480e-01, v8;
	v41 =	vadd.f32 v63, v61;
	[tilespmem:$0x1F0] =	vst v57  }
0x1d6: {  	v16 =	vld [tilespmem:$0x11D0];
	v39 =	vmul.f32 $1.247194480e-01, v7;
	v53 =	vadd.f32 v49, v48;
	[tilespmem:$0x390] =	vst v19  }
0x1d7: {  	v8 =	vld [tilespmem:$0x11E0];
	v43 =	vmul.f32 $1.247194480e-01, v62;
	v59 =	vadd.f32 v55, v54;
	[tilespmem:$0x3A0] =	vst v41  }
0x1d8: {  	v10 =	vld [tilespmem:$0x11F0];
	v32 =	vmul.f32 $1.247194480e-01, v27;
	v46 =	vmul.f32 $1.247194480e-01, v47;
	v44 =	vadd.f32 v39, v38;
	[tilespmem:$0x3E0] =	vst v53  }
0x1d9: {  	v7 =	vld [tilespmem:$0x7C0];
	v51 =	vmul.f32 $8.752805590e-01, v26;
	v52 =	vmul.f32 $1.247194480e-01, v18;
	v47 =	vadd.f32 v43, v42;
	[tilespmem:$0x580] =	vst v59  }
0x1da: {  	v18 =	vld [tilespmem:$0x7E0];
	v60 =	vmul.f32 $8.752805590e-01, v12;
	v61 =	vmul.f32 $1.247194480e-01, v13;
	v50 =	vadd.f32 v46, v45;
	[tilespmem:$0x3B0] =	vst v44  }
0x1db: {  	v58 =	vmul.f32 $1.247194480e-01, v11;
	v11 =	vld [tilespmem:$0x980];
	v26 =	vmul.f32 $8.752805590e-01, v25;
	v56 =	vadd.f32 v52, v51;
	[tilespmem:$0x3C0] =	vst v47  }
0x1dc: {  	v63 =	vmul.f32 $8.752805590e-01, v21;
	v12 =	vld [tilespmem:$0x1380];
	v57 =	vmul.f32 $8.752805590e-01, v9;
	v21 =	vadd.f32 v61, v60;
	[tilespmem:$0x3D0] =	vst v50  }
0x1dd: {  	v40 =	vmul.f32 $1.247194480e-01, v29;
	v13 =	vld [tilespmem:$0x990];
	v19 =	vmul.f32 $1.247194480e-01, v22;
	v41 =	vadd.f32 v32, v26;
	[tilespmem:$0x3F0] =	vst v56  }
0x1de: {  	v55 =	vld [tilespmem:$0x13B0];
	v22 =	vmul.f32 $8.752805590e-01, v23;
	v23 =	vmul.f32 $1.247194480e-01, v24;
	v62 =	vadd.f32 v58, v57;
	[tilespmem:$0x5A0] =	vst v21  }
0x1df: {  	v49 =	vmul.f32 $8.752805590e-01, v35;
	v9 =	vld [tilespmem:$0x7F0];
	v39 =	vmul.f32 $8.752805590e-01, v28;
	v24 =	vadd.f32 v19, v63;
	[tilespmem:$0x5D0] =	vst v41  }
0x1e0: {  	v42 =	vmul.f32 $8.752805590e-01, v30;
	v43 =	vmul.f32 $1.247194480e-01, v31;
	v51 =	vld [tilespmem:$0x9B0];
	v38 =	vadd.f32 v23, v22;
	[tilespmem:$0x590] =	vst v62  }
0x1e1: {  	v45 =	vmul.f32 $8.752805590e-01, v33;
	v46 =	vmul.f32 $1.247194480e-01, v34;
	v59 =	vld [tilespmem:$0x9C0];
	v44 =	vadd.f32 v40, v39;
	[tilespmem:$0x5B0] =	vst v24  }
0x1e2: {  	v54 =	vmul.f32 $1.247194480e-01, v20;
	v26 =	vld [tilespmem:$0x9D0];
	v53 =	vmul.f32 $8.752805590e-01, v37;
	v48 =	vadd.f32 v43, v42;
	[tilespmem:$0x5C0] =	vst v38  }
0x1e3: {  	v30 =	vld [tilespmem:$0x13D0];
	v25 =	vmul.f32 $1.247194480e-01, v16;
	v50 =	vmul.f32 $1.247194480e-01, v36;
	v52 =	vadd.f32 v46, v45;
	[tilespmem:$0x5E0] =	vst v44  }
0x1e4: {  	v34 =	vld [tilespmem:$0x9E0];
	v57 =	vmul.f32 $8.752805590e-01, v17;
	v58 =	vmul.f32 $1.247194480e-01, v15;
	v60 =	vadd.f32 v54, v53;
	[tilespmem:$0x5F0] =	vst v48  }
0x1e5: {  	v29 =	vmul.f32 $1.247194480e-01, v8;
	v19 =	vld [tilespmem:$0x1390];
	v28 =	vmul.f32 $8.752805590e-01, v18;
	v56 =	vadd.f32 v50, v49;
	[tilespmem:$0x780] =	vst v52  }
0x1e6: {  	v21 =	vld [tilespmem:$0x9A0];
	v36 =	vmul.f32 $8.752805590e-01, v11;
	v37 =	vmul.f32 $1.247194480e-01, v12;
	v17 =	vadd.f32 v58, v57;
	[tilespmem:$0x7A0] =	vst v60  }
0x1e7: {  	v47 =	vld [tilespmem:$0x13A0];
	v61 =	vmul.f32 $8.752805590e-01, v7;
	v62 =	vmul.f32 $1.247194480e-01, v6;
	v35 =	vadd.f32 v29, v28;
	[tilespmem:$0x790] =	vst v56  }
0x1e8: {  	v33 =	vmul.f32 $1.247194480e-01, v10;
	v63 =	vld [tilespmem:$0x13C0];
	v24 =	vmul.f32 $8.752805590e-01, v14;
	v43 =	vadd.f32 v37, v36;
	[tilespmem:$0x7B0] =	vst v17  }
0x1e9: {  	v42 =	vld [tilespmem:$0x9F0];
	v40 =	vmul.f32 $8.752805590e-01, v13;
	v32 =	vmul.f32 $8.752805590e-01, v9;
	v27 =	vadd.f32 v62, v61;
	[tilespmem:$0x7E0] =	vst v35  }
0x1ea: {  	v46 =	vld [tilespmem:$0x13F0];
	v49 =	vmul.f32 $1.247194480e-01, v55;
	v48 =	vmul.f32 $8.752805590e-01, v51;
	v31 =	vadd.f32 v25, v24;
	[tilespmem:$0x980] =	vst v43  }
0x1eb: {  	v38 =	vld [tilespmem:$0x13E0];
	v54 =	vmul.f32 $8.752805590e-01, v26;
	v55 =	vmul.f32 $1.247194480e-01, v30;
	v39 =	vadd.f32 v33, v32;
	[tilespmem:$0x7C0] =	vst v27  }
0x1ec: {  	v51 =	vmul.f32 $8.752805590e-01, v59;
	v41 =	vmul.f32 $1.247194480e-01, v19;
	v53 =	vadd.f32 v49, v48;
	[tilespmem:$0x7D0] =	vst v31  }
0x1ed: {  	v44 =	vmul.f32 $8.752805590e-01, v21;
	v45 =	vmul.f32 $1.247194480e-01, v47;
	v59 =	vadd.f32 v55, v54;
	[tilespmem:$0x7F0] =	vst v39  }
0x1ee: {  	v52 =	vmul.f32 $1.247194480e-01, v63;
	v47 =	vadd.f32 v41, v40;
	[tilespmem:$0x9B0] =	vst v53  }
0x1ef: {  	v60 =	vmul.f32 $8.752805590e-01, v42;
	v61 =	vmul.f32 $1.247194480e-01, v46;
	v50 =	vadd.f32 v45, v44;
	[tilespmem:$0x9D0] =	vst v59  }
0x1f0: {  	v57 =	vmul.f32 $8.752805590e-01, v34;
	v56 =	vadd.f32 v52, v51;
	v58 =	vmul.f32 $1.247194480e-01, v38;
	[tilespmem:$0x990] =	vst v47  }
0x1f1: {  	v63 =	vadd.f32 v61, v60;
	[tilespmem:$0x9A0] =	vst v50  }
0x1f2: {  	[tilespmem:$0x9C0] =	vst v56;
	v62 =	vadd.f32 v58, v57  }
0x1f3: {  	p0 =	sne.s32 s8, $0x1;
	[tilespmem:$0x9F0] =	vst v63  }
.Ltmp0:
0x1f4: {  	[tilespmem:$0x9E0] =	vst v62;
	(pc) =	sbr.rel @p0 .LBB2_1-.Ltmp0, $4  }
0x1f5: {  	[hbm4b:s7+s13] =	stream.strided.scatter [tilespmem:s2], [sflag:$0x2], $0xA00, s14, s13, $0x38;
	[tilespmem:$0x1480] =	vst v63  }
0x1f6: {  	_ =	swait.ge [sflag:s10], $0xA00  }
0x1f7: {  	[sflag:s10] =	ssyncset.done $0x0  }
0x1f8: {  	s8 =	sadd.s32 $0xFFFFFFFF, s8;
	[sflag:s10] =	ssyncadd.s32 $0xFFFFF600  }
0x1f9: {  	_ =	sfence.sel $0x180000  }
0x1fa: {  	[bflag:$0x0] =	sbarrier.arrive $0xFFFF  }
0x1fb: {  	p0 =	sne.s32 s1, $0x0;
	_ =	strace $0x90000047  }
0x1fc: {  	s0 =	sadd.s32 @!p0 $0x100000, s0;
	[bflag:$0x2] =	sbarrier.arrive $0xFFFF  }
0x1fd: {  	[sflag:s0] =	ssyncadd.tile.s32 @!p0 $0x1;
	_ =	shalt  }
.Lfunc_end2:
_tile_overlayer_lowered:
.L_overlay_start_2:
0x1fe: {  	(tag) =	ssettag $0x2  }
0x1ff: {  	s0 =	rddreg [dreg:$0x0];
	s2 =	stileid.u32  }
0x200: {  	s1 =	rddreg [dreg:$0x1];
	p0 =	sne.s32 s2, $0x0  }
0x201: {  	s3 =	rddreg [dreg:$0x2];
	[bflag:$0x3] =	sbarrier.arrive $0xFFFF;
	s2 =	simm.s32 @!p0 $0x1C02  }
0x202: {  	[timem:s3], [sflag:s2] =	dma.local @!p0 [hbm:s0], s1  }
0x203: {  	s0 =	simm.s32 @!p0 $0x2  }
0x204: {  	_ =	swait.ge @!p0 [sflag:s0], s1  }
0x205: {  	s1 =	ssub.s32 @!p0 $0x0, s1;
	[sflag:s0] =	ssyncset.done @!p0 $0x0  }
0x206: {  	[sflag:s0] =	ssyncadd.s32 @!p0 s1  }
0x207: {  	[bflag:$0x3] =	sbarrier.arrive $0xFFFF  }
0x208: {  	_ =	shalt  }

</sc_bundles>
